<compile_context>
chip_gen: v7x
topology: tpu7x:2x2x1
jax: 0.10.2.dev20260603
libtpu: 0.0.44.dev20260713+nightly
codegen_flags: <defaults>
</compile_context>

<pallas_src>
import functools

import jax
import jax.numpy as jnp
from jax import lax
from jax.experimental import pallas as pl
from jax.experimental.pallas import tpu as pltpu
from jax.experimental.pallas import tpu_sc as plsc

N = 50000
E = 400000
IN_DIM = 64
H = 4
D = 16
HD = H * D

NT = 16
CHB = 800
CHC = 160
NCHB = E // CHB
NCHC = 2 * E // CHC
ROWB = 200
BA = 2000

f32 = jnp.float32
i32 = jnp.int32

_SC_PARAMS = pltpu.CompilerParams(
    needs_layout_passes=False, use_tc_tiling_on_sc=False
)


def _tc_body(x_ref, w_ref, a_ref, lo_ref, hi_ref, elr_ref):
    feat = jnp.dot(x_ref[...], w_ref[0], preferred_element_type=f32)
    lo_ref[...] = feat[:, :32]
    hi_ref[...] = feat[:, 32:]
    elr_ref[...] = jnp.dot(feat, a_ref[0], preferred_element_type=f32)


def _stage_a(x, Ws, As):
    nb = N // BA
    return pl.pallas_call(
        _tc_body,
        grid=(2, nb),
        in_specs=[
            pl.BlockSpec((BA, IN_DIM), lambda t, j: (j, 0)),
            pl.BlockSpec((1, IN_DIM, HD), lambda t, j: (t, 0, 0)),
            pl.BlockSpec((1, HD, 2 * H), lambda t, j: (t, 0, 0)),
        ],
        out_specs=[
            pl.BlockSpec((BA, 32), lambda t, j: (t * nb + j, 0)),
            pl.BlockSpec((BA, 32), lambda t, j: (t * nb + j, 0)),
            pl.BlockSpec((BA, 2 * H), lambda t, j: (t * nb + j, 0)),
        ],
        out_shape=[
            jax.ShapeDtypeStruct((2 * N, 32), f32),
            jax.ShapeDtypeStruct((2 * N, 32), f32),
            jax.ShapeDtypeStruct((2 * N, 2 * H), f32),
        ],
    )(x, Ws, As)


def _stage_b(elr, src_adj, dst_adj):
    mesh = plsc.VectorSubcoreMesh(core_axis_name="c", subcore_axis_name="s")

    @functools.partial(
        pl.kernel,
        out_type=(
            jax.ShapeDtypeStruct((2 * E, 8), f32),
            jax.ShapeDtypeStruct((2 * N, 8), f32),
        ),
        mesh=mesh,
        compiler_params=_SC_PARAMS,
        scratch_types=[
            pltpu.VMEM((CHB,), i32), pltpu.VMEM((CHB,), i32),
            pltpu.VMEM((CHB,), i32), pltpu.VMEM((CHB,), i32),
            pltpu.VMEM((CHB, 8), f32), pltpu.VMEM((CHB, 8), f32),
            pltpu.VMEM((CHB, 8), f32), pltpu.VMEM((CHB, 8), f32),
            pltpu.VMEM((CHB, 8), f32), pltpu.VMEM((CHB, 8), f32),
            pltpu.VMEM((ROWB, 8), f32),
            pltpu.VMEM_SHARED((2 * N, 8), f32),
            pltpu.SemaphoreType.DMA, pltpu.SemaphoreType.DMA,
            pltpu.SemaphoreType.DMA, pltpu.SemaphoreType.DMA,
        ],
    )
    def kb(elr_h, srca_h, dsta_h, ee_h, rec_h,
           srcvA, srcvB, dstvA, dstvB,
           srowsA, srowsB, drowsA, drowsB, eevA, eevB, dbuf, denom_sp,
           isemA, isemB, gsemA, gsemB):
        t = lax.axis_index("c")
        s = lax.axis_index("s")
        iot = lax.iota(i32, 16)
        rowp8 = iot // 8
        colp8 = iot % 8
        zero16 = jnp.zeros((16,), f32)
        srcv = (srcvA, srcvB)
        dstv = (dstvA, dstvB)
        srows = (srowsA, srowsB)
        drows = (drowsA, drowsB)
        eev = (eevA, eevB)
        isem = (isemA, isemB)
        gsem = (gsemA, gsemB)

        def zp(j, c):
            plsc.store_scatter(eevA, [j * 4 + iot // 4, 4 + iot % 4], zero16)
            plsc.store_scatter(eevB, [j * 4 + iot // 4, 4 + iot % 4], zero16)
            return c
        lax.fori_loop(0, CHB // 4, zp, 0)

        def zf(j, c):
            plsc.store_scatter(dbuf, [rowp8 + j * 2, colp8], zero16)
            return c
        lax.fori_loop(0, ROWB * 8 // 16, zf, 0)
        nrb = N // ROWB
        def zb(i, c):
            k = s + NT * i
            @pl.when(k < nrb)
            def _():
                pltpu.sync_copy(dbuf, denom_sp.at[pl.ds(t * N + k * ROWB, ROWB)])
            return c
        lax.fori_loop(0, (nrb + NT - 1) // NT, zb, 0)
        plsc.subcore_barrier()

        def off(i):
            return t * E + (s + NT * i) * CHB

        def valid(i):
            return s + NT * i < NCHB

        def issue_idx(i, p):
            pltpu.async_copy(srca_h.at[pl.ds(off(i), CHB)], srcv[p], isem[p])
            pltpu.async_copy(dsta_h.at[pl.ds(off(i), CHB)], dstv[p], isem[p])

        def wait_idx(i, p):
            pltpu.make_async_copy(srca_h.at[pl.ds(off(i), CHB)], srcv[p], isem[p]).wait()
            pltpu.make_async_copy(dsta_h.at[pl.ds(off(i), CHB)], dstv[p], isem[p]).wait()

        def issue_gather(p):
            pltpu.async_copy(elr_h.at[srcv[p]], srows[p], gsem[p])
            pltpu.async_copy(elr_h.at[dstv[p]], drows[p], gsem[p])

        def wait_gather(p):
            pltpu.make_async_copy(elr_h.at[srcv[p]], srows[p], gsem[p]).wait()
            pltpu.make_async_copy(elr_h.at[dstv[p]], drows[p], gsem[p]).wait()

        def compute(i, p):
            sr, dr, ev = srows[p], drows[p], eev[p]
            def grp(g, c2_):
                rb = iot + g * 16
                for h in range(4):
                    ch = jnp.full((16,), h, i32)
                    el = plsc.load_gather(sr, [rb, ch])
                    er = plsc.load_gather(dr, [rb, jnp.full((16,), 4 + h, i32)])
                    e = el + er
                    e = jnp.where(e >= 0.0, e, 0.2 * e)
                    ee = jnp.exp(jnp.minimum(e, 60.0))
                    plsc.store_scatter(ev, [rb, ch], ee)
                return c2_
            lax.fori_loop(0, CHB // 16, grp, 0)
            pltpu.sync_copy(ev, denom_sp.at[dstv[p]], add=True)
            pltpu.sync_copy(ev, ee_h.at[pl.ds(off(i), CHB)])

        issue_idx(0, 0)
        issue_idx(1, 1)
        wait_idx(0, 0)
        issue_gather(0)

        def section(i, p):
            q = 1 - p
            @pl.when(valid(i + 1))
            def _():
                wait_idx(i + 1, q)
            @pl.when(valid(i + 1))
            def _():
                issue_gather(q)
            @pl.when(valid(i))
            def _():
                wait_gather(p)
                compute(i, p)
            @pl.when(valid(i + 2))
            def _():
                issue_idx(i + 2, p)

        def body(jj, c):
            section(2 * jj, 0)
            section(2 * jj + 1, 1)
            return c
        lax.fori_loop(0, (NCHB // NT + 4) // 2, body, 0)
        plsc.subcore_barrier()

        def rb_(i, c):
            k = s + NT * i
            @pl.when(k < nrb)
            def _():
                r0 = t * N + k * ROWB
                pltpu.sync_copy(denom_sp.at[pl.ds(r0, ROWB)], dbuf)
                def rc(j, c2_):
                    v = plsc.load_gather(dbuf, [rowp8 + j * 2, colp8])
                    plsc.store_scatter(dbuf, [rowp8 + j * 2, colp8],
                                       1.0 / (v + 1e-9))
                    return c2_
                lax.fori_loop(0, ROWB * 8 // 16, rc, 0)
                pltpu.sync_copy(dbuf, rec_h.at[pl.ds(r0, ROWB)])
            return c
        lax.fori_loop(0, (nrb + NT - 1) // NT, rb_, 0)

    return kb(elr, src_adj, dst_adj)


def _stage_c(flo, fhi, ee, rec, src_adj, dst_adj, dst_raw, bias):
    mesh = plsc.VectorSubcoreMesh(core_axis_name="c", subcore_axis_name="s")

    @functools.partial(
        pl.kernel,
        out_type=(
            jax.ShapeDtypeStruct((N, 32), f32),
            jax.ShapeDtypeStruct((N, 32), f32),
        ),
        mesh=mesh,
        compiler_params=_SC_PARAMS,
        scratch_types=[
            pltpu.VMEM((CHC,), i32), pltpu.VMEM((CHC,), i32),
            pltpu.VMEM((CHC,), i32), pltpu.VMEM((CHC,), i32),
            pltpu.VMEM((CHC,), i32), pltpu.VMEM((CHC,), i32),
            pltpu.VMEM((CHC, 32), f32), pltpu.VMEM((CHC, 32), f32),
            pltpu.VMEM((CHC, 8), f32), pltpu.VMEM((CHC, 8), f32),
            pltpu.VMEM((CHC, 8), f32), pltpu.VMEM((CHC, 8), f32),
            pltpu.VMEM((ROWB, 32), f32),
            pltpu.VMEM((HD,), f32),
            pltpu.VMEM_SHARED((N, 32), f32),
            pltpu.SemaphoreType.DMA, pltpu.SemaphoreType.DMA,
            pltpu.SemaphoreType.DMA, pltpu.SemaphoreType.DMA,
        ],
    )
    def kc(flo_h, fhi_h, ee_h, rec_h, srca_h, dsta_h, dstr_h, bias_h,
           olo_h, ohi_h,
           srcvA, srcvB, davA, davB, drvA, drvB,
           rowsA, rowsB, eevA, eevB, recrA, recrB, obuf, bbuf, out_sp,
           isemA, isemB, gsemA, gsemB):
        q_ax = lax.axis_index("c")
        s = lax.axis_index("s")
        iot = lax.iota(i32, 16)
        pltpu.sync_copy(bias_h, bbuf)
        srcv = (srcvA, srcvB)
        dav = (davA, davB)
        drv = (drvA, drvB)
        rows = (rowsA, rowsB)
        eev = (eevA, eevB)
        recr = (recrA, recrB)
        isem = (isemA, isemB)
        gsem = (gsemA, gsemB)

        def off(i):
            return (s + NT * i) * CHC

        def valid(i):
            return s + NT * i < NCHC

        def issue_idx(i, p):
            pltpu.async_copy(srca_h.at[pl.ds(off(i), CHC)], srcv[p], isem[p])
            pltpu.async_copy(dsta_h.at[pl.ds(off(i), CHC)], dav[p], isem[p])
            pltpu.async_copy(dstr_h.at[pl.ds(off(i), CHC)], drv[p], isem[p])

        def wait_idx(i, p):
            pltpu.make_async_copy(srca_h.at[pl.ds(off(i), CHC)], srcv[p], isem[p]).wait()
            pltpu.make_async_copy(dsta_h.at[pl.ds(off(i), CHC)], dav[p], isem[p]).wait()
            pltpu.make_async_copy(dstr_h.at[pl.ds(off(i), CHC)], drv[p], isem[p]).wait()

        def half(feat_h, out_h, h0):
            bv0 = bbuf[pl.ds(h0 * 16, 16)]
            bv1 = bbuf[pl.ds(h0 * 16 + 16, 16)]

            def fb(r, c):
                rr = jnp.full((16,), r, i32)
                plsc.store_scatter(obuf, [rr, iot], bv0)
                plsc.store_scatter(obuf, [rr, iot + 16], bv1)
                return c
            lax.fori_loop(0, ROWB, fb, 0)

            nrb = N // ROWB
            def ib(i, c):
                k = s + NT * i
                @pl.when(k < nrb)
                def _():
                    pltpu.sync_copy(obuf, out_sp.at[pl.ds(k * ROWB, ROWB)])
                return c
            lax.fori_loop(0, (nrb + NT - 1) // NT, ib, 0)
            plsc.subcore_barrier()

            def issue_gather(i, p):
                pltpu.async_copy(feat_h.at[srcv[p]], rows[p], gsem[p])
                pltpu.async_copy(rec_h.at[dav[p]], recr[p], gsem[p])
                pltpu.async_copy(ee_h.at[pl.ds(off(i), CHC)], eev[p], gsem[p])

            def wait_gather(i, p):
                pltpu.make_async_copy(feat_h.at[srcv[p]], rows[p], gsem[p]).wait()
                pltpu.make_async_copy(rec_h.at[dav[p]], recr[p], gsem[p]).wait()
                pltpu.make_async_copy(ee_h.at[pl.ds(off(i), CHC)], eev[p], gsem[p]).wait()

            def compute(i, p):
                rw, ev, rc = rows[p], eev[p], recr[p]
                c0 = jnp.full((16,), h0, i32)
                c1 = jnp.full((16,), h0 + 1, i32)
                def grp(g, c2_):
                    rb = iot + g * 16
                    a0 = plsc.load_gather(ev, [rb, c0]) * plsc.load_gather(rc, [rb, c0])
                    a1 = plsc.load_gather(ev, [rb, c1]) * plsc.load_gather(rc, [rb, c1])
                    for j in range(32):
                        av = a0 if j < 16 else a1
                        cj = jnp.full((16,), j, i32)
                        v = plsc.load_gather(rw, [rb, cj]) * av
                        plsc.store_scatter(rw, [rb, cj], v)
                    return c2_
                lax.fori_loop(0, CHC // 16, grp, 0)
                pltpu.sync_copy(rw, out_sp.at[drv[p]], add=True)

            issue_idx(0, 0)
            issue_idx(1, 1)
            wait_idx(0, 0)
            issue_gather(0, 0)

            def section(i, p):
                q = 1 - p
                @pl.when(valid(i + 1))
                def _():
                    wait_idx(i + 1, q)
                @pl.when(valid(i + 1))
                def _():
                    issue_gather(i + 1, q)
                @pl.when(valid(i))
                def _():
                    wait_gather(i, p)
                    compute(i, p)
                @pl.when(valid(i + 2))
                def _():
                    issue_idx(i + 2, p)

            def body(jj, c):
                section(2 * jj, 0)
                section(2 * jj + 1, 1)
                return c
            lax.fori_loop(0, (NCHC // NT + 4) // 2, body, 0)
            plsc.subcore_barrier()

            def wb(i, c):
                k = s + NT * i
                @pl.when(k < nrb)
                def _():
                    pltpu.sync_copy(out_sp.at[pl.ds(k * ROWB, ROWB)], obuf)
                    pltpu.sync_copy(obuf, out_h.at[pl.ds(k * ROWB, ROWB)])
                return c
            lax.fori_loop(0, (nrb + NT - 1) // NT, wb, 0)

        pl.when(q_ax == 0)(lambda: half(flo_h, olo_h, 0))
        pl.when(q_ax == 1)(lambda: half(fhi_h, ohi_h, 2))

    return kc(flo, fhi, ee, rec, src_adj, dst_adj, dst_raw, bias)


def _mk_att_mat(al, ar):
    eye = jnp.eye(H, dtype=f32)
    a_el = (eye[:, None, :] * al[:, :, None]).reshape(HD, H)
    a_er = (eye[:, None, :] * ar[:, :, None]).reshape(HD, H)
    return jnp.concatenate([a_el, a_er], axis=1)


def kernel(x, edge_index_e0, edge_index_e1, W0, al0, ar0, b0, W1, al1, ar1, b1):
    s0 = edge_index_e0[0].astype(i32)
    d0 = edge_index_e0[1].astype(i32)
    s1 = edge_index_e1[0].astype(i32)
    d1 = edge_index_e1[1].astype(i32)
    src_adj = jnp.concatenate([s0, s1 + N])
    dst_adj = jnp.concatenate([d0, d1 + N])
    dst_raw = jnp.concatenate([d0, d1])
    Ws = jnp.stack([W0, W1])
    As = jnp.stack([_mk_att_mat(al0, ar0), _mk_att_mat(al1, ar1)])
    bias = (b0 + b1).astype(f32)

    flo, fhi, elr = _stage_a(x, Ws, As)
    ee, rec = _stage_b(elr, src_adj, dst_adj)
    olo, ohi = _stage_c(flo, fhi, ee, rec, src_adj, dst_adj, dst_raw, bias)
    return jnp.concatenate([olo, ohi], axis=1)

# --- scband reference (transcript-rebuilt; emitter-appended) ---
"""Pipeline reference for scband-node-attention-layer-31628139167800 (READ-ONLY COPY).

The authoritative reference and input builder live on the scoring server;
editing this copy changes nothing except your own understanding.
"""

import jax, jax.numpy as jnp
import numpy as np

N = 50000
E = 400000
IN_DIM = 64
H = 4
D = 16


def setup_inputs(seed: int = 0) -> dict:
    key = jax.random.key(seed)
    ks = jax.random.split(key, 16)
    x = jax.random.normal(ks[0], (N, IN_DIM), dtype=jnp.float32)
    edge_index_e0 = jax.random.randint(ks[1], (2, E), 0, N).astype(jnp.int64)
    edge_index_e1 = jax.random.randint(ks[2], (2, E), 0, N).astype(jnp.int64)
    s = 1.0 / np.sqrt(IN_DIM)
    W0 = jax.random.normal(ks[3], (IN_DIM, H * D), dtype=jnp.float32) * s
    al0 = jax.random.normal(ks[4], (H, D), dtype=jnp.float32) * s
    ar0 = jax.random.normal(ks[5], (H, D), dtype=jnp.float32) * s
    b0 = jnp.zeros((H * D,), dtype=jnp.float32)
    W1 = jax.random.normal(ks[6], (IN_DIM, H * D), dtype=jnp.float32) * s
    al1 = jax.random.normal(ks[7], (H, D), dtype=jnp.float32) * s
    ar1 = jax.random.normal(ks[8], (H, D), dtype=jnp.float32) * s
    b1 = jnp.zeros((H * D,), dtype=jnp.float32)
    return {"x": x, "edge_index_e0": edge_index_e0, "edge_index_e1": edge_index_e1,
            "W0": W0, "al0": al0, "ar0": ar0, "b0": b0,
            "W1": W1, "al1": al1, "ar1": ar1, "b1": b1}


def _gat_conv(x, src, dst, W, al, ar, b):
    # DGL GATConv: shared fc, per-head additive attention, edge softmax over dst, bias
    feat = (x @ W).reshape(N, H, D)                       # [N, H, D]
    el = jnp.sum(feat * al[None, :, :], axis=-1)          # [N, H]
    er = jnp.sum(feat * ar[None, :, :], axis=-1)          # [N, H]
    e = jax.nn.leaky_relu(el[src] + er[dst], negative_slope=0.2)  # [E, H]
    m = jax.ops.segment_max(e, dst, num_segments=N)       # [N, H]
    m = jnp.where(jnp.isfinite(m), m, 0.0)                # zero-in-degree safety
    ee = jnp.exp(e - m[dst])                              # [E, H]
    denom = jax.ops.segment_sum(ee, dst, num_segments=N)  # [N, H]
    alpha = ee / (denom[dst] + 1e-9)                      # [E, H]
    msg = alpha[:, :, None] * feat[src]                   # [E, H, D]
    out = jax.ops.segment_sum(msg, dst, num_segments=N)   # [N, H, D]
    out = out + b.reshape(1, H, D)
    return out.reshape(N, H * D)                          # flatten(1)


def reference(x, edge_index_e0, edge_index_e1, W0, al0, ar0, b0, W1, al1, ar1, b1):
    # per-etype GATConv, then sum over edge types for the single node type
    out0 = _gat_conv(x, edge_index_e0[0], edge_index_e0[1], W0, al0, ar0, b0)
    out1 = _gat_conv(x, edge_index_e1[0], edge_index_e1[1], W1, al1, ar1, b1)
    return out0 + out1

if __name__ == "__main__":
    import jax
    _d = setup_inputs()
    print(jax.jit(kernel)(*tuple(_d.values())))

</pallas_src>

<mosaic_0001>
#map = affine_map<(d0, d1) -> (0, 0)>
#map1 = affine_map<(d0, d1) -> (0)>
module attributes {stable_mosaic.version = 14 : i64} {
  func.func @kc(%arg0: i32, %arg1: i32, %arg2: memref<100000x32xf32, #tpu.memory_space<hbm>>, %arg3: memref<100000x32xf32, #tpu.memory_space<hbm>>, %arg4: memref<800000x8xf32, #tpu.memory_space<hbm>>, %arg5: memref<100000x8xf32, #tpu.memory_space<hbm>>, %arg6: memref<800000xi32, #tpu.memory_space<hbm>>, %arg7: memref<800000xi32, #tpu.memory_space<hbm>>, %arg8: memref<800000xi32, #tpu.memory_space<hbm>>, %arg9: memref<64xf32, #tpu.memory_space<hbm>>, %arg10: memref<50000x32xf32, #tpu.memory_space<hbm>>, %arg11: memref<50000x32xf32, #tpu.memory_space<hbm>>, %arg12: memref<160xi32, #tpu.memory_space<vmem>>, %arg13: memref<160xi32, #tpu.memory_space<vmem>>, %arg14: memref<160xi32, #tpu.memory_space<vmem>>, %arg15: memref<160xi32, #tpu.memory_space<vmem>>, %arg16: memref<160xi32, #tpu.memory_space<vmem>>, %arg17: memref<160xi32, #tpu.memory_space<vmem>>, %arg18: memref<160x32xf32, #tpu.memory_space<vmem>>, %arg19: memref<160x32xf32, #tpu.memory_space<vmem>>, %arg20: memref<160x8xf32, #tpu.memory_space<vmem>>, %arg21: memref<160x8xf32, #tpu.memory_space<vmem>>, %arg22: memref<160x8xf32, #tpu.memory_space<vmem>>, %arg23: memref<160x8xf32, #tpu.memory_space<vmem>>, %arg24: memref<200x32xf32, #tpu.memory_space<vmem>>, %arg25: memref<64xf32, #tpu.memory_space<vmem>>, %arg26: memref<50000x32xf32, #tpu.memory_space<vmem_shared>>, %arg27: memref<!tpu.dma_semaphore, #tpu.memory_space<semaphore_mem>>, %arg28: memref<!tpu.dma_semaphore, #tpu.memory_space<semaphore_mem>>, %arg29: memref<!tpu.dma_semaphore, #tpu.memory_space<semaphore_mem>>, %arg30: memref<!tpu.dma_semaphore, #tpu.memory_space<semaphore_mem>>) attributes {dimension_semantics = [#tpu.dimension_semantics<core_parallel>, #tpu.dimension_semantics<subcore_parallel>], iteration_bounds = array<i64: 2, 16>, scalar_prefetch = 0 : i64, scratch_operands = 19 : i64, tpu.core_type = #tpu.core_type<sc_vector_subcore>, window_params = [{transform_indices = #map}, {transform_indices = #map}, {transform_indices = #map}, {transform_indices = #map}, {transform_indices = #map1}, {transform_indices = #map1}, {transform_indices = #map1}, {transform_indices = #map1}, {transform_indices = #map}, {transform_indices = #map}]} {
    %iota3A = tpu.iota {dimensions = array<i32: 0>} : vector<16xi32>
    "tpu.region"() ({
      %run_scoped3A = tpu.sem_alloc : memref<!tpu.dma_semaphore, #tpu.memory_space<semaphore_mem>>
      tpu.enqueue_dma source(%arg9 : memref<64xf32, #tpu.memory_space<hbm>>) target(%arg25 : memref<64xf32, #tpu.memory_space<vmem>>) target_semaphore(%run_scoped3A : memref<!tpu.dma_semaphore, #tpu.memory_space<semaphore_mem>>)
      tpu.wait_dma2 semaphore(%run_scoped3A : memref<!tpu.dma_semaphore, #tpu.memory_space<semaphore_mem>>) src(%arg9 : memref<64xf32, #tpu.memory_space<hbm>>) dst(%arg25 : memref<64xf32, #tpu.memory_space<vmem>>)
      tpu.yield
    }) : () -> ()
    %eq3A = arith.constant 0 : i32
    %eq3A_0 = arith.cmpi eq, %arg0, %eq3A : i32
    %convert_element_type3A = arith.extui %eq3A_0 : i1 to i32
    %cond3A = arith.constant 0 : i32
    %cond3A_1 = arith.cmpi ne, %convert_element_type3A, %cond3A : i32
    scf.if %cond3A_1 {
      %get3A = arith.constant 0 : index
      %get3A_7 = tpu.vector_load %arg25[%get3A] {strides = array<i32>} : memref<64xf32, #tpu.memory_space<vmem>>, vector<16xf32>,
      %get3A_8 = arith.constant 16 : index
      %get3A_9 = tpu.vector_load %arg25[%get3A_8] {strides = array<i32>} : memref<64xf32, #tpu.memory_space<vmem>>, vector<16xf32>,
      %scan3A = arith.constant 0 : i32
      %scan3A_10 = arith.constant 0 : i32
      %scan3A_11 = arith.constant 200 : i32
      %scan3A_12 = arith.addi %scan3A_10, %scan3A_11 : i32
      %scan3A_13 = arith.constant 1 : i32
      scf.for %scan3A_98 = %scan3A_10 to %scan3A_12 step %scan3A_13  : i32 {
        %broadcast_in_dim3A = vector.broadcast %scan3A_98 : i32 to vector<16xi32>
        tpu.vector_store_idx %arg24[%broadcast_in_dim3A, %iota3A], %get3A_7 : memref<200x32xf32, #tpu.memory_space<vmem>>[vector<16xi32>, vector<16xi32>], vector<16xf32>,
        %add3A_99 = arith.constant 16 : i32
        %add3A_100 = vector.broadcast %add3A_99 : i32 to vector<16xi32>
        %add3A_101 = arith.addi %iota3A, %add3A_100 : vector<16xi32>
        tpu.vector_store_idx %arg24[%broadcast_in_dim3A, %add3A_101], %get3A_9 : memref<200x32xf32, #tpu.memory_space<vmem>>[vector<16xi32>, vector<16xi32>], vector<16xf32>,
      }
      %scan3A_14 = arith.constant 200 : i32
      %scan3A_15 = arith.constant 0 : i32
      %scan3A_16 = arith.constant 0 : i32
      %scan3A_17 = arith.constant 16 : i32
      %scan3A_18 = arith.addi %scan3A_16, %scan3A_17 : i32
      %scan3A_19 = arith.constant 1 : i32
      scf.for %scan3A_98 = %scan3A_16 to %scan3A_18 step %scan3A_19  : i32 {
        %mul3A_99 = arith.constant 16 : i32
        %mul3A_100 = arith.muli %mul3A_99, %scan3A_98 : i32
        %add3A_101 = arith.addi %arg1, %mul3A_100 : i32
        %lt3A = arith.constant 250 : i32
        %lt3A_102 = arith.cmpi slt, %add3A_101, %lt3A : i32
        %convert_element_type3A_103 = arith.extui %lt3A_102 : i1 to i32
        %cond3A_104 = arith.constant 0 : i32
        %cond3A_105 = arith.cmpi ne, %convert_element_type3A_103, %cond3A_104 : i32
        scf.if %cond3A_105 {
          %mul3A_106 = arith.constant 200 : i32
          %mul3A_107 = arith.muli %add3A_101, %mul3A_106 : i32
          "tpu.region"() ({
            %run_scoped3A = tpu.sem_alloc : memref<!tpu.dma_semaphore, #tpu.memory_space<semaphore_mem>>
            %dma_start3A_108 = arith.constant 0 : i32
            %dma_start3A_109 = tpu.memref_slice %arg26[%mul3A_107, %dma_start3A_108] : memref<50000x32xf32, #tpu.memory_space<vmem_shared>> -> memref<200x32xf32, #tpu.memory_space<vmem_shared>>
            %dma_start3A_110 = arith.constant 0 : i32
            %dma_start3A_111 = tpu.memref_slice %arg26[%mul3A_107, %dma_start3A_110] : memref<50000x32xf32, #tpu.memory_space<vmem_shared>> -> memref<200x32xf32, #tpu.memory_space<vmem_shared>>
            tpu.enqueue_dma source(%arg24 : memref<200x32xf32, #tpu.memory_space<vmem>>) target(%dma_start3A_111 : memref<200x32xf32, #tpu.memory_space<vmem_shared>>) target_semaphore(%run_scoped3A : memref<!tpu.dma_semaphore, #tpu.memory_space<semaphore_mem>>)
            %dma_wait3A_112 = arith.constant 0 : i32
            %dma_wait3A_113 = tpu.memref_slice %arg26[%mul3A_107, %dma_wait3A_112] : memref<50000x32xf32, #tpu.memory_space<vmem_shared>> -> memref<200x32xf32, #tpu.memory_space<vmem_shared>>
            %dma_wait3A_114 = arith.constant 0 : i32
            %dma_wait3A_115 = tpu.memref_slice %arg26[%mul3A_107, %dma_wait3A_114] : memref<50000x32xf32, #tpu.memory_space<vmem_shared>> -> memref<200x32xf32, #tpu.memory_space<vmem_shared>>
            tpu.wait_dma2 semaphore(%run_scoped3A : memref<!tpu.dma_semaphore, #tpu.memory_space<semaphore_mem>>) src(%arg24 : memref<200x32xf32, #tpu.memory_space<vmem>>) dst(%dma_wait3A_115 : memref<200x32xf32, #tpu.memory_space<vmem_shared>>)
            tpu.yield
          }) : () -> ()
        } else {
        }
      }
      %scan3A_20 = arith.constant 16 : i32
      %barrier3A = arith.constant 0 : index
      tpu.barrier barrier_id(%barrier3A)
      %add3A = arith.constant 0 : i32
      %add3A_21 = arith.addi %arg1, %add3A : i32
      %mul3A = arith.constant 160 : i32
      %mul3A_22 = arith.muli %add3A_21, %mul3A : i32
      %dma_start3A = tpu.memref_slice %arg6[%mul3A_22] : memref<800000xi32, #tpu.memory_space<hbm>> -> memref<160xi32, #tpu.memory_space<hbm>>
      %dma_start3A_23 = tpu.memref_slice %arg6[%mul3A_22] : memref<800000xi32, #tpu.memory_space<hbm>> -> memref<160xi32, #tpu.memory_space<hbm>>
      tpu.enqueue_dma source(%dma_start3A_23 : memref<160xi32, #tpu.memory_space<hbm>>) target(%arg12 : memref<160xi32, #tpu.memory_space<vmem>>) target_semaphore(%arg27 : memref<!tpu.dma_semaphore, #tpu.memory_space<semaphore_mem>>)
      %add3A_24 = arith.constant 0 : i32
      %add3A_25 = arith.addi %arg1, %add3A_24 : i32
      %mul3A_26 = arith.constant 160 : i32
      %mul3A_27 = arith.muli %add3A_25, %mul3A_26 : i32
      %dma_start3A_28 = tpu.memref_slice %arg7[%mul3A_27] : memref<800000xi32, #tpu.memory_space<hbm>> -> memref<160xi32, #tpu.memory_space<hbm>>
      %dma_start3A_29 = tpu.memref_slice %arg7[%mul3A_27] : memref<800000xi32, #tpu.memory_space<hbm>> -> memref<160xi32, #tpu.memory_space<hbm>>
      tpu.enqueue_dma source(%dma_start3A_29 : memref<160xi32, #tpu.memory_space<hbm>>) target(%arg14 : memref<160xi32, #tpu.memory_space<vmem>>) target_semaphore(%arg27 : memref<!tpu.dma_semaphore, #tpu.memory_space<semaphore_mem>>)
      %add3A_30 = arith.constant 0 : i32
      %add3A_31 = arith.addi %arg1, %add3A_30 : i32
      %mul3A_32 = arith.constant 160 : i32
      %mul3A_33 = arith.muli %add3A_31, %mul3A_32 : i32
      %dma_start3A_34 = tpu.memref_slice %arg8[%mul3A_33] : memref<800000xi32, #tpu.memory_space<hbm>> -> memref<160xi32, #tpu.memory_space<hbm>>
      %dma_start3A_35 = tpu.memref_slice %arg8[%mul3A_33] : memref<800000xi32, #tpu.memory_space<hbm>> -> memref<160xi32, #tpu.memory_space<hbm>>
      tpu.enqueue_dma source(%dma_start3A_35 : memref<160xi32, #tpu.memory_space<hbm>>) target(%arg16 : memref<160xi32, #tpu.memory_space<vmem>>) target_semaphore(%arg27 : memref<!tpu.dma_semaphore, #tpu.memory_space<semaphore_mem>>)
      %add3A_36 = arith.constant 16 : i32
      %add3A_37 = arith.addi %arg1, %add3A_36 : i32
      %mul3A_38 = arith.constant 160 : i32
      %mul3A_39 = arith.muli %add3A_37, %mul3A_38 : i32
      %dma_start3A_40 = tpu.memref_slice %arg6[%mul3A_39] : memref<800000xi32, #tpu.memory_space<hbm>> -> memref<160xi32, #tpu.memory_space<hbm>>
      %dma_start3A_41 = tpu.memref_slice %arg6[%mul3A_39] : memref<800000xi32, #tpu.memory_space<hbm>> -> memref<160xi32, #tpu.memory_space<hbm>>
      tpu.enqueue_dma source(%dma_start3A_41 : memref<160xi32, #tpu.memory_space<hbm>>) target(%arg13 : memref<160xi32, #tpu.memory_space<vmem>>) target_semaphore(%arg28 : memref<!tpu.dma_semaphore, #tpu.memory_space<semaphore_mem>>)
      %add3A_42 = arith.constant 16 : i32
      %add3A_43 = arith.addi %arg1, %add3A_42 : i32
      %mul3A_44 = arith.constant 160 : i32
      %mul3A_45 = arith.muli %add3A_43, %mul3A_44 : i32
      %dma_start3A_46 = tpu.memref_slice %arg7[%mul3A_45] : memref<800000xi32, #tpu.memory_space<hbm>> -> memref<160xi32, #tpu.memory_space<hbm>>
      %dma_start3A_47 = tpu.memref_slice %arg7[%mul3A_45] : memref<800000xi32, #tpu.memory_space<hbm>> -> memref<160xi32, #tpu.memory_space<hbm>>
      tpu.enqueue_dma source(%dma_start3A_47 : memref<160xi32, #tpu.memory_space<hbm>>) target(%arg15 : memref<160xi32, #tpu.memory_space<vmem>>) target_semaphore(%arg28 : memref<!tpu.dma_semaphore, #tpu.memory_space<semaphore_mem>>)
      %add3A_48 = arith.constant 16 : i32
      %add3A_49 = arith.addi %arg1, %add3A_48 : i32
      %mul3A_50 = arith.constant 160 : i32
      %mul3A_51 = arith.muli %add3A_49, %mul3A_50 : i32
      %dma_start3A_52 = tpu.memref_slice %arg8[%mul3A_51] : memref<800000xi32, #tpu.memory_space<hbm>> -> memref<160xi32, #tpu.memory_space<hbm>>
      %dma_start3A_53 = tpu.memref_slice %arg8[%mul3A_51] : memref<800000xi32, #tpu.memory_space<hbm>> -> memref<160xi32, #tpu.memory_space<hbm>>
      tpu.enqueue_dma source(%dma_start3A_53 : memref<160xi32, #tpu.memory_space<hbm>>) target(%arg17 : memref<160xi32, #tpu.memory_space<vmem>>) target_semaphore(%arg28 : memref<!tpu.dma_semaphore, #tpu.memory_space<semaphore_mem>>)
      %add3A_54 = arith.constant 0 : i32
      %add3A_55 = arith.addi %arg1, %add3A_54 : i32
      %mul3A_56 = arith.constant 160 : i32
      %mul3A_57 = arith.muli %add3A_55, %mul3A_56 : i32
      %dma_wait3A = tpu.memref_slice %arg6[%mul3A_57] : memref<800000xi32, #tpu.memory_space<hbm>> -> memref<160xi32, #tpu.memory_space<hbm>>
      %dma_wait3A_58 = tpu.memref_slice %arg6[%mul3A_57] : memref<800000xi32, #tpu.memory_space<hbm>> -> memref<160xi32, #tpu.memory_space<hbm>>
      tpu.wait_dma2 semaphore(%arg27 : memref<!tpu.dma_semaphore, #tpu.memory_space<semaphore_mem>>) src(%dma_wait3A_58 : memref<160xi32, #tpu.memory_space<hbm>>) dst(%arg12 : memref<160xi32, #tpu.memory_space<vmem>>)
      %add3A_59 = arith.constant 0 : i32
      %add3A_60 = arith.addi %arg1, %add3A_59 : i32
      %mul3A_61 = arith.constant 160 : i32
      %mul3A_62 = arith.muli %add3A_60, %mul3A_61 : i32
      %dma_wait3A_63 = tpu.memref_slice %arg7[%mul3A_62] : memref<800000xi32, #tpu.memory_space<hbm>> -> memref<160xi32, #tpu.memory_space<hbm>>
      %dma_wait3A_64 = tpu.memref_slice %arg7[%mul3A_62] : memref<800000xi32, #tpu.memory_space<hbm>> -> memref<160xi32, #tpu.memory_space<hbm>>
      tpu.wait_dma2 semaphore(%arg27 : memref<!tpu.dma_semaphore, #tpu.memory_space<semaphore_mem>>) src(%dma_wait3A_64 : memref<160xi32, #tpu.memory_space<hbm>>) dst(%arg14 : memref<160xi32, #tpu.memory_space<vmem>>)
      %add3A_65 = arith.constant 0 : i32
      %add3A_66 = arith.addi %arg1, %add3A_65 : i32
      %mul3A_67 = arith.constant 160 : i32
      %mul3A_68 = arith.muli %add3A_66, %mul3A_67 : i32
      %dma_wait3A_69 = tpu.memref_slice %arg8[%mul3A_68] : memref<800000xi32, #tpu.memory_space<hbm>> -> memref<160xi32, #tpu.memory_space<hbm>>
      %dma_wait3A_70 = tpu.memref_slice %arg8[%mul3A_68] : memref<800000xi32, #tpu.memory_space<hbm>> -> memref<160xi32, #tpu.memory_space<hbm>>
      tpu.wait_dma2 semaphore(%arg27 : memref<!tpu.dma_semaphore, #tpu.memory_space<semaphore_mem>>) src(%dma_wait3A_70 : memref<160xi32, #tpu.memory_space<hbm>>) dst(%arg16 : memref<160xi32, #tpu.memory_space<vmem>>)
      %dma_start3A_71 = arith.constant 0 : i32
      %dma_start3A_72 = arith.constant 0 : i32
      %dma_start3A_73 = tpu.memref_slice %arg2[%dma_start3A_71, %dma_start3A_72] : memref<100000x32xf32, #tpu.memory_space<hbm>> -> memref<100000x32xf32, #tpu.memory_space<hbm>>
      tpu.enqueue_indirect_dma source(%dma_start3A_73 : memref<100000x32xf32, #tpu.memory_space<hbm>>) target(%arg18 : memref<160x32xf32, #tpu.memory_space<vmem>>) offsets(%arg12 : memref<160xi32, #tpu.memory_space<vmem>>) semaphore(%arg29 : memref<!tpu.dma_semaphore, #tpu.memory_space<semaphore_mem>>)
      %dma_start3A_74 = arith.constant 0 : i32
      %dma_start3A_75 = arith.constant 0 : i32
      %dma_start3A_76 = tpu.memref_slice %arg5[%dma_start3A_74, %dma_start3A_75] : memref<100000x8xf32, #tpu.memory_space<hbm>> -> memref<100000x8xf32, #tpu.memory_space<hbm>>
      tpu.enqueue_indirect_dma source(%dma_start3A_76 : memref<100000x8xf32, #tpu.memory_space<hbm>>) target(%arg22 : memref<160x8xf32, #tpu.memory_space<vmem>>) offsets(%arg14 : memref<160xi32, #tpu.memory_space<vmem>>) semaphore(%arg29 : memref<!tpu.dma_semaphore, #tpu.memory_space<semaphore_mem>>)
      %add3A_77 = arith.constant 0 : i32
      %add3A_78 = arith.addi %arg1, %add3A_77 : i32
      %mul3A_79 = arith.constant 160 : i32
      %mul3A_80 = arith.muli %add3A_78, %mul3A_79 : i32
      %dma_start3A_81 = arith.constant 0 : i32
      %dma_start3A_82 = tpu.memref_slice %arg4[%mul3A_80, %dma_start3A_81] : memref<800000x8xf32, #tpu.memory_space<hbm>> -> memref<160x8xf32, #tpu.memory_space<hbm>>
      %dma_start3A_83 = arith.constant 0 : i32
      %dma_start3A_84 = tpu.memref_slice %arg4[%mul3A_80, %dma_start3A_83] : memref<800000x8xf32, #tpu.memory_space<hbm>> -> memref<160x8xf32, #tpu.memory_space<hbm>>
      tpu.enqueue_dma source(%dma_start3A_84 : memref<160x8xf32, #tpu.memory_space<hbm>>) target(%arg20 : memref<160x8xf32, #tpu.memory_space<vmem>>) target_semaphore(%arg29 : memref<!tpu.dma_semaphore, #tpu.memory_space<semaphore_mem>>)
      %scan3A_85 = arith.constant 0 : i32
      %scan3A_86 = arith.constant 0 : i32
      %scan3A_87 = arith.constant 158 : i32
      %scan3A_88 = arith.addi %scan3A_86, %scan3A_87 : i32
      %scan3A_89 = arith.constant 1 : i32
      scf.for %scan3A_98 = %scan3A_86 to %scan3A_88 step %scan3A_89  : i32 {
        %mul3A_99 = arith.constant 2 : i32
        %mul3A_100 = arith.muli %mul3A_99, %scan3A_98 : i32
        %add3A_101 = arith.constant 1 : i32
        %add3A_102 = arith.addi %mul3A_100, %add3A_101 : i32
        %mul3A_103 = arith.constant 16 : i32
        %mul3A_104 = arith.muli %mul3A_103, %add3A_102 : i32
        %add3A_105 = arith.addi %arg1, %mul3A_104 : i32
        %lt3A = arith.constant 5000 : i32
        %lt3A_106 = arith.cmpi slt, %add3A_105, %lt3A : i32
        %convert_element_type3A_107 = arith.extui %lt3A_106 : i1 to i32
        %cond3A_108 = arith.constant 0 : i32
        %cond3A_109 = arith.cmpi ne, %convert_element_type3A_107, %cond3A_108 : i32
        scf.if %cond3A_109 {
          %add3A_180 = arith.constant 1 : i32
          %add3A_181 = arith.addi %mul3A_100, %add3A_180 : i32
          %mul3A_182 = arith.constant 16 : i32
          %mul3A_183 = arith.muli %mul3A_182, %add3A_181 : i32
          %add3A_184 = arith.addi %arg1, %mul3A_183 : i32
          %mul3A_185 = arith.constant 160 : i32
          %mul3A_186 = arith.muli %add3A_184, %mul3A_185 : i32
          %dma_wait3A_187 = tpu.memref_slice %arg6[%mul3A_186] : memref<800000xi32, #tpu.memory_space<hbm>> -> memref<160xi32, #tpu.memory_space<hbm>>
          %dma_wait3A_188 = tpu.memref_slice %arg6[%mul3A_186] : memref<800000xi32, #tpu.memory_space<hbm>> -> memref<160xi32, #tpu.memory_space<hbm>>
          tpu.wait_dma2 semaphore(%arg28 : memref<!tpu.dma_semaphore, #tpu.memory_space<semaphore_mem>>) src(%dma_wait3A_188 : memref<160xi32, #tpu.memory_space<hbm>>) dst(%arg13 : memref<160xi32, #tpu.memory_space<vmem>>)
          %mul3A_189 = arith.constant 16 : i32
          %mul3A_190 = arith.muli %mul3A_189, %add3A_181 : i32
          %add3A_191 = arith.addi %arg1, %mul3A_190 : i32
          %mul3A_192 = arith.constant 160 : i32
          %mul3A_193 = arith.muli %add3A_191, %mul3A_192 : i32
          %dma_wait3A_194 = tpu.memref_slice %arg7[%mul3A_193] : memref<800000xi32, #tpu.memory_space<hbm>> -> memref<160xi32, #tpu.memory_space<hbm>>
          %dma_wait3A_195 = tpu.memref_slice %arg7[%mul3A_193] : memref<800000xi32, #tpu.memory_space<hbm>> -> memref<160xi32, #tpu.memory_space<hbm>>
          tpu.wait_dma2 semaphore(%arg28 : memref<!tpu.dma_semaphore, #tpu.memory_space<semaphore_mem>>) src(%dma_wait3A_195 : memref<160xi32, #tpu.memory_space<hbm>>) dst(%arg15 : memref<160xi32, #tpu.memory_space<vmem>>)
          %mul3A_196 = arith.constant 16 : i32
          %mul3A_197 = arith.muli %mul3A_196, %add3A_181 : i32
          %add3A_198 = arith.addi %arg1, %mul3A_197 : i32
          %mul3A_199 = arith.constant 160 : i32
          %mul3A_200 = arith.muli %add3A_198, %mul3A_199 : i32
          %dma_wait3A_201 = tpu.memref_slice %arg8[%mul3A_200] : memref<800000xi32, #tpu.memory_space<hbm>> -> memref<160xi32, #tpu.memory_space<hbm>>
          %dma_wait3A_202 = tpu.memref_slice %arg8[%mul3A_200] : memref<800000xi32, #tpu.memory_space<hbm>> -> memref<160xi32, #tpu.memory_space<hbm>>
          tpu.wait_dma2 semaphore(%arg28 : memref<!tpu.dma_semaphore, #tpu.memory_space<semaphore_mem>>) src(%dma_wait3A_202 : memref<160xi32, #tpu.memory_space<hbm>>) dst(%arg17 : memref<160xi32, #tpu.memory_space<vmem>>)
        } else {
        }
        %add3A_110 = arith.constant 1 : i32
        %add3A_111 = arith.addi %mul3A_100, %add3A_110 : i32
        %mul3A_112 = arith.constant 16 : i32
        %mul3A_113 = arith.muli %mul3A_112, %add3A_111 : i32
        %add3A_114 = arith.addi %arg1, %mul3A_113 : i32
        %lt3A_115 = arith.constant 5000 : i32
        %lt3A_116 = arith.cmpi slt, %add3A_114, %lt3A_115 : i32
        %convert_element_type3A_117 = arith.extui %lt3A_116 : i1 to i32
        %cond3A_118 = arith.constant 0 : i32
        %cond3A_119 = arith.cmpi ne, %convert_element_type3A_117, %cond3A_118 : i32
        scf.if %cond3A_119 {
          %add3A_180 = arith.constant 1 : i32
          %add3A_181 = arith.addi %mul3A_100, %add3A_180 : i32
          %dma_start3A_182 = arith.constant 0 : i32
          %dma_start3A_183 = arith.constant 0 : i32
          %dma_start3A_184 = tpu.memref_slice %arg2[%dma_start3A_182, %dma_start3A_183] : memref<100000x32xf32, #tpu.memory_space<hbm>> -> memref<100000x32xf32, #tpu.memory_space<hbm>>
          tpu.enqueue_indirect_dma source(%dma_start3A_184 : memref<100000x32xf32, #tpu.memory_space<hbm>>) target(%arg19 : memref<160x32xf32, #tpu.memory_space<vmem>>) offsets(%arg13 : memref<160xi32, #tpu.memory_space<vmem>>) semaphore(%arg30 : memref<!tpu.dma_semaphore, #tpu.memory_space<semaphore_mem>>)
          %dma_start3A_185 = arith.constant 0 : i32
          %dma_start3A_186 = arith.constant 0 : i32
          %dma_start3A_187 = tpu.memref_slice %arg5[%dma_start3A_185, %dma_start3A_186] : memref<100000x8xf32, #tpu.memory_space<hbm>> -> memref<100000x8xf32, #tpu.memory_space<hbm>>
          tpu.enqueue_indirect_dma source(%dma_start3A_187 : memref<100000x8xf32, #tpu.memory_space<hbm>>) target(%arg23 : memref<160x8xf32, #tpu.memory_space<vmem>>) offsets(%arg15 : memref<160xi32, #tpu.memory_space<vmem>>) semaphore(%arg30 : memref<!tpu.dma_semaphore, #tpu.memory_space<semaphore_mem>>)
          %mul3A_188 = arith.constant 16 : i32
          %mul3A_189 = arith.muli %mul3A_188, %add3A_181 : i32
          %add3A_190 = arith.addi %arg1, %mul3A_189 : i32
          %mul3A_191 = arith.constant 160 : i32
          %mul3A_192 = arith.muli %add3A_190, %mul3A_191 : i32
          %dma_start3A_193 = arith.constant 0 : i32
          %dma_start3A_194 = tpu.memref_slice %arg4[%mul3A_192, %dma_start3A_193] : memref<800000x8xf32, #tpu.memory_space<hbm>> -> memref<160x8xf32, #tpu.memory_space<hbm>>
          %dma_start3A_195 = arith.constant 0 : i32
          %dma_start3A_196 = tpu.memref_slice %arg4[%mul3A_192, %dma_start3A_195] : memref<800000x8xf32, #tpu.memory_space<hbm>> -> memref<160x8xf32, #tpu.memory_space<hbm>>
          tpu.enqueue_dma source(%dma_start3A_196 : memref<160x8xf32, #tpu.memory_space<hbm>>) target(%arg21 : memref<160x8xf32, #tpu.memory_space<vmem>>) target_semaphore(%arg30 : memref<!tpu.dma_semaphore, #tpu.memory_space<semaphore_mem>>)
        } else {
        }
        %mul3A_120 = arith.constant 16 : i32
        %mul3A_121 = arith.muli %mul3A_120, %mul3A_100 : i32
        %add3A_122 = arith.addi %arg1, %mul3A_121 : i32
        %lt3A_123 = arith.constant 5000 : i32
        %lt3A_124 = arith.cmpi slt, %add3A_122, %lt3A_123 : i32
        %convert_element_type3A_125 = arith.extui %lt3A_124 : i1 to i32
        %cond3A_126 = arith.constant 0 : i32
        %cond3A_127 = arith.cmpi ne, %convert_element_type3A_125, %cond3A_126 : i32
        scf.if %cond3A_127 {
          %dma_wait3A_180 = arith.constant 0 : i32
          %dma_wait3A_181 = arith.constant 0 : i32
          %dma_wait3A_182 = tpu.memref_slice %arg2[%dma_wait3A_180, %dma_wait3A_181] : memref<100000x32xf32, #tpu.memory_space<hbm>> -> memref<100000x32xf32, #tpu.memory_space<hbm>>
          tpu.wait_indirect_dma semaphore(%arg29 : memref<!tpu.dma_semaphore, #tpu.memory_space<semaphore_mem>>) src(%dma_wait3A_182 : memref<100000x32xf32, #tpu.memory_space<hbm>>) dst(%arg18 : memref<160x32xf32, #tpu.memory_space<vmem>>)
          %dma_wait3A_183 = arith.constant 0 : i32
          %dma_wait3A_184 = arith.constant 0 : i32
          %dma_wait3A_185 = tpu.memref_slice %arg5[%dma_wait3A_183, %dma_wait3A_184] : memref<100000x8xf32, #tpu.memory_space<hbm>> -> memref<100000x8xf32, #tpu.memory_space<hbm>>
          tpu.wait_indirect_dma semaphore(%arg29 : memref<!tpu.dma_semaphore, #tpu.memory_space<semaphore_mem>>) src(%dma_wait3A_185 : memref<100000x8xf32, #tpu.memory_space<hbm>>) dst(%arg22 : memref<160x8xf32, #tpu.memory_space<vmem>>)
          %mul3A_186 = arith.constant 16 : i32
          %mul3A_187 = arith.muli %mul3A_186, %mul3A_100 : i32
          %add3A_188 = arith.addi %arg1, %mul3A_187 : i32
          %mul3A_189 = arith.constant 160 : i32
          %mul3A_190 = arith.muli %add3A_188, %mul3A_189 : i32
          %dma_wait3A_191 = arith.constant 0 : i32
          %dma_wait3A_192 = tpu.memref_slice %arg4[%mul3A_190, %dma_wait3A_191] : memref<800000x8xf32, #tpu.memory_space<hbm>> -> memref<160x8xf32, #tpu.memory_space<hbm>>
          %dma_wait3A_193 = arith.constant 0 : i32
          %dma_wait3A_194 = tpu.memref_slice %arg4[%mul3A_190, %dma_wait3A_193] : memref<800000x8xf32, #tpu.memory_space<hbm>> -> memref<160x8xf32, #tpu.memory_space<hbm>>
          tpu.wait_dma2 semaphore(%arg29 : memref<!tpu.dma_semaphore, #tpu.memory_space<semaphore_mem>>) src(%dma_wait3A_194 : memref<160x8xf32, #tpu.memory_space<hbm>>) dst(%arg20 : memref<160x8xf32, #tpu.memory_space<vmem>>)
          %broadcast_in_dim3A = arith.constant 0 : i32
          %broadcast_in_dim3A_195 = vector.broadcast %broadcast_in_dim3A : i32 to vector<16xi32>
          %broadcast_in_dim3A_196 = arith.constant 1 : i32
          %broadcast_in_dim3A_197 = vector.broadcast %broadcast_in_dim3A_196 : i32 to vector<16xi32>
          %scan3A_198 = arith.constant 0 : i32
          %scan3A_199 = arith.constant 0 : i32
          %scan3A_200 = arith.constant 10 : i32
          %scan3A_201 = arith.addi %scan3A_199, %scan3A_200 : i32
          %scan3A_202 = arith.constant 1 : i32
          scf.for %scan3A_204 = %scan3A_199 to %scan3A_201 step %scan3A_202  : i32 {
            %mul3A_205 = arith.constant 16 : i32
            %mul3A_206 = arith.muli %scan3A_204, %mul3A_205 : i32
            %add3A_207 = vector.broadcast %mul3A_206 : i32 to vector<16xi32>
            %add3A_208 = arith.addi %iota3A, %add3A_207 : vector<16xi32>
            %gather3A = tpu.vector_load_idx %arg20[%add3A_208, %broadcast_in_dim3A_195] : memref<160x8xf32, #tpu.memory_space<vmem>>[vector<16xi32>, vector<16xi32>], vector<16xf32>,
            %gather3A_209 = tpu.vector_load_idx %arg22[%add3A_208, %broadcast_in_dim3A_195] : memref<160x8xf32, #tpu.memory_space<vmem>>[vector<16xi32>, vector<16xi32>], vector<16xf32>,
            %mul3A_210 = arith.mulf %gather3A, %gather3A_209 : vector<16xf32>
            %gather3A_211 = tpu.vector_load_idx %arg20[%add3A_208, %broadcast_in_dim3A_197] : memref<160x8xf32, #tpu.memory_space<vmem>>[vector<16xi32>, vector<16xi32>], vector<16xf32>,
            %gather3A_212 = tpu.vector_load_idx %arg22[%add3A_208, %broadcast_in_dim3A_197] : memref<160x8xf32, #tpu.memory_space<vmem>>[vector<16xi32>, vector<16xi32>], vector<16xf32>,
            %mul3A_213 = arith.mulf %gather3A_211, %gather3A_212 : vector<16xf32>
            %broadcast_in_dim3A_214 = arith.constant 0 : i32
            %broadcast_in_dim3A_215 = vector.broadcast %broadcast_in_dim3A_214 : i32 to vector<16xi32>
            %gather3A_216 = tpu.vector_load_idx %arg18[%add3A_208, %broadcast_in_dim3A_215] : memref<160x32xf32, #tpu.memory_space<vmem>>[vector<16xi32>, vector<16xi32>], vector<16xf32>,
            %mul3A_217 = arith.mulf %gather3A_216, %mul3A_210 : vector<16xf32>
            tpu.vector_store_idx %arg18[%add3A_208, %broadcast_in_dim3A_215], %mul3A_217 : memref<160x32xf32, #tpu.memory_space<vmem>>[vector<16xi32>, vector<16xi32>], vector<16xf32>,
            %broadcast_in_dim3A_218 = arith.constant 1 : i32
            %broadcast_in_dim3A_219 = vector.broadcast %broadcast_in_dim3A_218 : i32 to vector<16xi32>
            %gather3A_220 = tpu.vector_load_idx %arg18[%add3A_208, %broadcast_in_dim3A_219] : memref<160x32xf32, #tpu.memory_space<vmem>>[vector<16xi32>, vector<16xi32>], vector<16xf32>,
            %mul3A_221 = arith.mulf %gather3A_220, %mul3A_210 : vector<16xf32>
            tpu.vector_store_idx %arg18[%add3A_208, %broadcast_in_dim3A_219], %mul3A_221 : memref<160x32xf32, #tpu.memory_space<vmem>>[vector<16xi32>, vector<16xi32>], vector<16xf32>,
            %broadcast_in_dim3A_222 = arith.constant 2 : i32
            %broadcast_in_dim3A_223 = vector.broadcast %broadcast_in_dim3A_222 : i32 to vector<16xi32>
            %gather3A_224 = tpu.vector_load_idx %arg18[%add3A_208, %broadcast_in_dim3A_223] : memref<160x32xf32, #tpu.memory_space<vmem>>[vector<16xi32>, vector<16xi32>], vector<16xf32>,
            %mul3A_225 = arith.mulf %gather3A_224, %mul3A_210 : vector<16xf32>
            tpu.vector_store_idx %arg18[%add3A_208, %broadcast_in_dim3A_223], %mul3A_225 : memref<160x32xf32, #tpu.memory_space<vmem>>[vector<16xi32>, vector<16xi32>], vector<16xf32>,
            %broadcast_in_dim3A_226 = arith.constant 3 : i32
            %broadcast_in_dim3A_227 = vector.broadcast %broadcast_in_dim3A_226 : i32 to vector<16xi32>
            %gather3A_228 = tpu.vector_load_idx %arg18[%add3A_208, %broadcast_in_dim3A_227] : memref<160x32xf32, #tpu.memory_space<vmem>>[vector<16xi32>, vector<16xi32>], vector<16xf32>,
            %mul3A_229 = arith.mulf %gather3A_228, %mul3A_210 : vector<16xf32>
            tpu.vector_store_idx %arg18[%add3A_208, %broadcast_in_dim3A_227], %mul3A_229 : memref<160x32xf32, #tpu.memory_space<vmem>>[vector<16xi32>, vector<16xi32>], vector<16xf32>,
            %broadcast_in_dim3A_230 = arith.constant 4 : i32
            %broadcast_in_dim3A_231 = vector.broadcast %broadcast_in_dim3A_230 : i32 to vector<16xi32>
            %gather3A_232 = tpu.vector_load_idx %arg18[%add3A_208, %broadcast_in_dim3A_231] : memref<160x32xf32, #tpu.memory_space<vmem>>[vector<16xi32>, vector<16xi32>], vector<16xf32>,
            %mul3A_233 = arith.mulf %gather3A_232, %mul3A_210 : vector<16xf32>
            tpu.vector_store_idx %arg18[%add3A_208, %broadcast_in_dim3A_231], %mul3A_233 : memref<160x32xf32, #tpu.memory_space<vmem>>[vector<16xi32>, vector<16xi32>], vector<16xf32>,
            %broadcast_in_dim3A_234 = arith.constant 5 : i32
            %broadcast_in_dim3A_235 = vector.broadcast %broadcast_in_dim3A_234 : i32 to vector<16xi32>
            %gather3A_236 = tpu.vector_load_idx %arg18[%add3A_208, %broadcast_in_dim3A_235] : memref<160x32xf32, #tpu.memory_space<vmem>>[vector<16xi32>, vector<16xi32>], vector<16xf32>,
            %mul3A_237 = arith.mulf %gather3A_236, %mul3A_210 : vector<16xf32>
            tpu.vector_store_idx %arg18[%add3A_208, %broadcast_in_dim3A_235], %mul3A_237 : memref<160x32xf32, #tpu.memory_space<vmem>>[vector<16xi32>, vector<16xi32>], vector<16xf32>,
            %broadcast_in_dim3A_238 = arith.constant 6 : i32
            %broadcast_in_dim3A_239 = vector.broadcast %broadcast_in_dim3A_238 : i32 to vector<16xi32>
            %gather3A_240 = tpu.vector_load_idx %arg18[%add3A_208, %broadcast_in_dim3A_239] : memref<160x32xf32, #tpu.memory_space<vmem>>[vector<16xi32>, vector<16xi32>], vector<16xf32>,
            %mul3A_241 = arith.mulf %gather3A_240, %mul3A_210 : vector<16xf32>
            tpu.vector_store_idx %arg18[%add3A_208, %broadcast_in_dim3A_239], %mul3A_241 : memref<160x32xf32, #tpu.memory_space<vmem>>[vector<16xi32>, vector<16xi32>], vector<16xf32>,
            %broadcast_in_dim3A_242 = arith.constant 7 : i32
            %broadcast_in_dim3A_243 = vector.broadcast %broadcast_in_dim3A_242 : i32 to vector<16xi32>
            %gather3A_244 = tpu.vector_load_idx %arg18[%add3A_208, %broadcast_in_dim3A_243] : memref<160x32xf32, #tpu.memory_space<vmem>>[vector<16xi32>, vector<16xi32>], vector<16xf32>,
            %mul3A_245 = arith.mulf %gather3A_244, %mul3A_210 : vector<16xf32>
            tpu.vector_store_idx %arg18[%add3A_208, %broadcast_in_dim3A_243], %mul3A_245 : memref<160x32xf32, #tpu.memory_space<vmem>>[vector<16xi32>, vector<16xi32>], vector<16xf32>,
            %broadcast_in_dim3A_246 = arith.constant 8 : i32
            %broadcast_in_dim3A_247 = vector.broadcast %broadcast_in_dim3A_246 : i32 to vector<16xi32>
            %gather3A_248 = tpu.vector_load_idx %arg18[%add3A_208, %broadcast_in_dim3A_247] : memref<160x32xf32, #tpu.memory_space<vmem>>[vector<16xi32>, vector<16xi32>], vector<16xf32>,
            %mul3A_249 = arith.mulf %gather3A_248, %mul3A_210 : vector<16xf32>
            tpu.vector_store_idx %arg18[%add3A_208, %broadcast_in_dim3A_247], %mul3A_249 : memref<160x32xf32, #tpu.memory_space<vmem>>[vector<16xi32>, vector<16xi32>], vector<16xf32>,
            %broadcast_in_dim3A_250 = arith.constant 9 : i32
            %broadcast_in_dim3A_251 = vector.broadcast %broadcast_in_dim3A_250 : i32 to vector<16xi32>
            %gather3A_252 = tpu.vector_load_idx %arg18[%add3A_208, %broadcast_in_dim3A_251] : memref<160x32xf32, #tpu.memory_space<vmem>>[vector<16xi32>, vector<16xi32>], vector<16xf32>,
            %mul3A_253 = arith.mulf %gather3A_252, %mul3A_210 : vector<16xf32>
            tpu.vector_store_idx %arg18[%add3A_208, %broadcast_in_dim3A_251], %mul3A_253 : memref<160x32xf32, #tpu.memory_space<vmem>>[vector<16xi32>, vector<16xi32>], vector<16xf32>,
            %broadcast_in_dim3A_254 = arith.constant 10 : i32
            %broadcast_in_dim3A_255 = vector.broadcast %broadcast_in_dim3A_254 : i32 to vector<16xi32>
            %gather3A_256 = tpu.vector_load_idx %arg18[%add3A_208, %broadcast_in_dim3A_255] : memref<160x32xf32, #tpu.memory_space<vmem>>[vector<16xi32>, vector<16xi32>], vector<16xf32>,
            %mul3A_257 = arith.mulf %gather3A_256, %mul3A_210 : vector<16xf32>
            tpu.vector_store_idx %arg18[%add3A_208, %broadcast_in_dim3A_255], %mul3A_257 : memref<160x32xf32, #tpu.memory_space<vmem>>[vector<16xi32>, vector<16xi32>], vector<16xf32>,
            %broadcast_in_dim3A_258 = arith.constant 11 : i32
            %broadcast_in_dim3A_259 = vector.broadcast %broadcast_in_dim3A_258 : i32 to vector<16xi32>
            %gather3A_260 = tpu.vector_load_idx %arg18[%add3A_208, %broadcast_in_dim3A_259] : memref<160x32xf32, #tpu.memory_space<vmem>>[vector<16xi32>, vector<16xi32>], vector<16xf32>,
            %mul3A_261 = arith.mulf %gather3A_260, %mul3A_210 : vector<16xf32>
            tpu.vector_store_idx %arg18[%add3A_208, %broadcast_in_dim3A_259], %mul3A_261 : memref<160x32xf32, #tpu.memory_space<vmem>>[vector<16xi32>, vector<16xi32>], vector<16xf32>,
            %broadcast_in_dim3A_262 = arith.constant 12 : i32
            %broadcast_in_dim3A_263 = vector.broadcast %broadcast_in_dim3A_262 : i32 to vector<16xi32>
            %gather3A_264 = tpu.vector_load_idx %arg18[%add3A_208, %broadcast_in_dim3A_263] : memref<160x32xf32, #tpu.memory_space<vmem>>[vector<16xi32>, vector<16xi32>], vector<16xf32>,
            %mul3A_265 = arith.mulf %gather3A_264, %mul3A_210 : vector<16xf32>
            tpu.vector_store_idx %arg18[%add3A_208, %broadcast_in_dim3A_263], %mul3A_265 : memref<160x32xf32, #tpu.memory_space<vmem>>[vector<16xi32>, vector<16xi32>], vector<16xf32>,
            %broadcast_in_dim3A_266 = arith.constant 13 : i32
            %broadcast_in_dim3A_267 = vector.broadcast %broadcast_in_dim3A_266 : i32 to vector<16xi32>
            %gather3A_268 = tpu.vector_load_idx %arg18[%add3A_208, %broadcast_in_dim3A_267] : memref<160x32xf32, #tpu.memory_space<vmem>>[vector<16xi32>, vector<16xi32>], vector<16xf32>,
            %mul3A_269 = arith.mulf %gather3A_268, %mul3A_210 : vector<16xf32>
            tpu.vector_store_idx %arg18[%add3A_208, %broadcast_in_dim3A_267], %mul3A_269 : memref<160x32xf32, #tpu.memory_space<vmem>>[vector<16xi32>, vector<16xi32>], vector<16xf32>,
            %broadcast_in_dim3A_270 = arith.constant 14 : i32
            %broadcast_in_dim3A_271 = vector.broadcast %broadcast_in_dim3A_270 : i32 to vector<16xi32>
            %gather3A_272 = tpu.vector_load_idx %arg18[%add3A_208, %broadcast_in_dim3A_271] : memref<160x32xf32, #tpu.memory_space<vmem>>[vector<16xi32>, vector<16xi32>], vector<16xf32>,
            %mul3A_273 = arith.mulf %gather3A_272, %mul3A_210 : vector<16xf32>
            tpu.vector_store_idx %arg18[%add3A_208, %broadcast_in_dim3A_271], %mul3A_273 : memref<160x32xf32, #tpu.memory_space<vmem>>[vector<16xi32>, vector<16xi32>], vector<16xf32>,
            %broadcast_in_dim3A_274 = arith.constant 15 : i32
            %broadcast_in_dim3A_275 = vector.broadcast %broadcast_in_dim3A_274 : i32 to vector<16xi32>
            %gather3A_276 = tpu.vector_load_idx %arg18[%add3A_208, %broadcast_in_dim3A_275] : memref<160x32xf32, #tpu.memory_space<vmem>>[vector<16xi32>, vector<16xi32>], vector<16xf32>,
            %mul3A_277 = arith.mulf %gather3A_276, %mul3A_210 : vector<16xf32>
            tpu.vector_store_idx %arg18[%add3A_208, %broadcast_in_dim3A_275], %mul3A_277 : memref<160x32xf32, #tpu.memory_space<vmem>>[vector<16xi32>, vector<16xi32>], vector<16xf32>,
            %broadcast_in_dim3A_278 = arith.constant 16 : i32
            %broadcast_in_dim3A_279 = vector.broadcast %broadcast_in_dim3A_278 : i32 to vector<16xi32>
            %gather3A_280 = tpu.vector_load_idx %arg18[%add3A_208, %broadcast_in_dim3A_279] : memref<160x32xf32, #tpu.memory_space<vmem>>[vector<16xi32>, vector<16xi32>], vector<16xf32>,
            %mul3A_281 = arith.mulf %gather3A_280, %mul3A_213 : vector<16xf32>
            tpu.vector_store_idx %arg18[%add3A_208, %broadcast_in_dim3A_279], %mul3A_281 : memref<160x32xf32, #tpu.memory_space<vmem>>[vector<16xi32>, vector<16xi32>], vector<16xf32>,
            %broadcast_in_dim3A_282 = arith.constant 17 : i32
            %broadcast_in_dim3A_283 = vector.broadcast %broadcast_in_dim3A_282 : i32 to vector<16xi32>
            %gather3A_284 = tpu.vector_load_idx %arg18[%add3A_208, %broadcast_in_dim3A_283] : memref<160x32xf32, #tpu.memory_space<vmem>>[vector<16xi32>, vector<16xi32>], vector<16xf32>,
            %mul3A_285 = arith.mulf %gather3A_284, %mul3A_213 : vector<16xf32>
            tpu.vector_store_idx %arg18[%add3A_208, %broadcast_in_dim3A_283], %mul3A_285 : memref<160x32xf32, #tpu.memory_space<vmem>>[vector<16xi32>, vector<16xi32>], vector<16xf32>,
            %broadcast_in_dim3A_286 = arith.constant 18 : i32
            %broadcast_in_dim3A_287 = vector.broadcast %broadcast_in_dim3A_286 : i32 to vector<16xi32>
            %gather3A_288 = tpu.vector_load_idx %arg18[%add3A_208, %broadcast_in_dim3A_287] : memref<160x32xf32, #tpu.memory_space<vmem>>[vector<16xi32>, vector<16xi32>], vector<16xf32>,
            %mul3A_289 = arith.mulf %gather3A_288, %mul3A_213 : vector<16xf32>
            tpu.vector_store_idx %arg18[%add3A_208, %broadcast_in_dim3A_287], %mul3A_289 : memref<160x32xf32, #tpu.memory_space<vmem>>[vector<16xi32>, vector<16xi32>], vector<16xf32>,
            %broadcast_in_dim3A_290 = arith.constant 19 : i32
            %broadcast_in_dim3A_291 = vector.broadcast %broadcast_in_dim3A_290 : i32 to vector<16xi32>
            %gather3A_292 = tpu.vector_load_idx %arg18[%add3A_208, %broadcast_in_dim3A_291] : memref<160x32xf32, #tpu.memory_space<vmem>>[vector<16xi32>, vector<16xi32>], vector<16xf32>,
            %mul3A_293 = arith.mulf %gather3A_292, %mul3A_213 : vector<16xf32>
            tpu.vector_store_idx %arg18[%add3A_208, %broadcast_in_dim3A_291], %mul3A_293 : memref<160x32xf32, #tpu.memory_space<vmem>>[vector<16xi32>, vector<16xi32>], vector<16xf32>,
            %broadcast_in_dim3A_294 = arith.constant 20 : i32
            %broadcast_in_dim3A_295 = vector.broadcast %broadcast_in_dim3A_294 : i32 to vector<16xi32>
            %gather3A_296 = tpu.vector_load_idx %arg18[%add3A_208, %broadcast_in_dim3A_295] : memref<160x32xf32, #tpu.memory_space<vmem>>[vector<16xi32>, vector<16xi32>], vector<16xf32>,
            %mul3A_297 = arith.mulf %gather3A_296, %mul3A_213 : vector<16xf32>
            tpu.vector_store_idx %arg18[%add3A_208, %broadcast_in_dim3A_295], %mul3A_297 : memref<160x32xf32, #tpu.memory_space<vmem>>[vector<16xi32>, vector<16xi32>], vector<16xf32>,
            %broadcast_in_dim3A_298 = arith.constant 21 : i32
            %broadcast_in_dim3A_299 = vector.broadcast %broadcast_in_dim3A_298 : i32 to vector<16xi32>
            %gather3A_300 = tpu.vector_load_idx %arg18[%add3A_208, %broadcast_in_dim3A_299] : memref<160x32xf32, #tpu.memory_space<vmem>>[vector<16xi32>, vector<16xi32>], vector<16xf32>,
            %mul3A_301 = arith.mulf %gather3A_300, %mul3A_213 : vector<16xf32>
            tpu.vector_store_idx %arg18[%add3A_208, %broadcast_in_dim3A_299], %mul3A_301 : memref<160x32xf32, #tpu.memory_space<vmem>>[vector<16xi32>, vector<16xi32>], vector<16xf32>,
            %broadcast_in_dim3A_302 = arith.constant 22 : i32
            %broadcast_in_dim3A_303 = vector.broadcast %broadcast_in_dim3A_302 : i32 to vector<16xi32>
            %gather3A_304 = tpu.vector_load_idx %arg18[%add3A_208, %broadcast_in_dim3A_303] : memref<160x32xf32, #tpu.memory_space<vmem>>[vector<16xi32>, vector<16xi32>], vector<16xf32>,
            %mul3A_305 = arith.mulf %gather3A_304, %mul3A_213 : vector<16xf32>
            tpu.vector_store_idx %arg18[%add3A_208, %broadcast_in_dim3A_303], %mul3A_305 : memref<160x32xf32, #tpu.memory_space<vmem>>[vector<16xi32>, vector<16xi32>], vector<16xf32>,
            %broadcast_in_dim3A_306 = arith.constant 23 : i32
            %broadcast_in_dim3A_307 = vector.broadcast %broadcast_in_dim3A_306 : i32 to vector<16xi32>
            %gather3A_308 = tpu.vector_load_idx %arg18[%add3A_208, %broadcast_in_dim3A_307] : memref<160x32xf32, #tpu.memory_space<vmem>>[vector<16xi32>, vector<16xi32>], vector<16xf32>,
            %mul3A_309 = arith.mulf %gather3A_308, %mul3A_213 : vector<16xf32>
            tpu.vector_store_idx %arg18[%add3A_208, %broadcast_in_dim3A_307], %mul3A_309 : memref<160x32xf32, #tpu.memory_space<vmem>>[vector<16xi32>, vector<16xi32>], vector<16xf32>,
            %broadcast_in_dim3A_310 = arith.constant 24 : i32
            %broadcast_in_dim3A_311 = vector.broadcast %broadcast_in_dim3A_310 : i32 to vector<16xi32>
            %gather3A_312 = tpu.vector_load_idx %arg18[%add3A_208, %broadcast_in_dim3A_311] : memref<160x32xf32, #tpu.memory_space<vmem>>[vector<16xi32>, vector<16xi32>], vector<16xf32>,
            %mul3A_313 = arith.mulf %gather3A_312, %mul3A_213 : vector<16xf32>
            tpu.vector_store_idx %arg18[%add3A_208, %broadcast_in_dim3A_311], %mul3A_313 : memref<160x32xf32, #tpu.memory_space<vmem>>[vector<16xi32>, vector<16xi32>], vector<16xf32>,
            %broadcast_in_dim3A_314 = arith.constant 25 : i32
            %broadcast_in_dim3A_315 = vector.broadcast %broadcast_in_dim3A_314 : i32 to vector<16xi32>
            %gather3A_316 = tpu.vector_load_idx %arg18[%add3A_208, %broadcast_in_dim3A_315] : memref<160x32xf32, #tpu.memory_space<vmem>>[vector<16xi32>, vector<16xi32>], vector<16xf32>,
            %mul3A_317 = arith.mulf %gather3A_316, %mul3A_213 : vector<16xf32>
            tpu.vector_store_idx %arg18[%add3A_208, %broadcast_in_dim3A_315], %mul3A_317 : memref<160x32xf32, #tpu.memory_space<vmem>>[vector<16xi32>, vector<16xi32>], vector<16xf32>,
            %broadcast_in_dim3A_318 = arith.constant 26 : i32
            %broadcast_in_dim3A_319 = vector.broadcast %broadcast_in_dim3A_318 : i32 to vector<16xi32>
            %gather3A_320 = tpu.vector_load_idx %arg18[%add3A_208, %broadcast_in_dim3A_319] : memref<160x32xf32, #tpu.memory_space<vmem>>[vector<16xi32>, vector<16xi32>], vector<16xf32>,
            %mul3A_321 = arith.mulf %gather3A_320, %mul3A_213 : vector<16xf32>
            tpu.vector_store_idx %arg18[%add3A_208, %broadcast_in_dim3A_319], %mul3A_321 : memref<160x32xf32, #tpu.memory_space<vmem>>[vector<16xi32>, vector<16xi32>], vector<16xf32>,
            %broadcast_in_dim3A_322 = arith.constant 27 : i32
            %broadcast_in_dim3A_323 = vector.broadcast %broadcast_in_dim3A_322 : i32 to vector<16xi32>
            %gather3A_324 = tpu.vector_load_idx %arg18[%add3A_208, %broadcast_in_dim3A_323] : memref<160x32xf32, #tpu.memory_space<vmem>>[vector<16xi32>, vector<16xi32>], vector<16xf32>,
            %mul3A_325 = arith.mulf %gather3A_324, %mul3A_213 : vector<16xf32>
            tpu.vector_store_idx %arg18[%add3A_208, %broadcast_in_dim3A_323], %mul3A_325 : memref<160x32xf32, #tpu.memory_space<vmem>>[vector<16xi32>, vector<16xi32>], vector<16xf32>,
            %broadcast_in_dim3A_326 = arith.constant 28 : i32
            %broadcast_in_dim3A_327 = vector.broadcast %broadcast_in_dim3A_326 : i32 to vector<16xi32>
            %gather3A_328 = tpu.vector_load_idx %arg18[%add3A_208, %broadcast_in_dim3A_327] : memref<160x32xf32, #tpu.memory_space<vmem>>[vector<16xi32>, vector<16xi32>], vector<16xf32>,
            %mul3A_329 = arith.mulf %gather3A_328, %mul3A_213 : vector<16xf32>
            tpu.vector_store_idx %arg18[%add3A_208, %broadcast_in_dim3A_327], %mul3A_329 : memref<160x32xf32, #tpu.memory_space<vmem>>[vector<16xi32>, vector<16xi32>], vector<16xf32>,
            %broadcast_in_dim3A_330 = arith.constant 29 : i32
            %broadcast_in_dim3A_331 = vector.broadcast %broadcast_in_dim3A_330 : i32 to vector<16xi32>
            %gather3A_332 = tpu.vector_load_idx %arg18[%add3A_208, %broadcast_in_dim3A_331] : memref<160x32xf32, #tpu.memory_space<vmem>>[vector<16xi32>, vector<16xi32>], vector<16xf32>,
            %mul3A_333 = arith.mulf %gather3A_332, %mul3A_213 : vector<16xf32>
            tpu.vector_store_idx %arg18[%add3A_208, %broadcast_in_dim3A_331], %mul3A_333 : memref<160x32xf32, #tpu.memory_space<vmem>>[vector<16xi32>, vector<16xi32>], vector<16xf32>,
            %broadcast_in_dim3A_334 = arith.constant 30 : i32
            %broadcast_in_dim3A_335 = vector.broadcast %broadcast_in_dim3A_334 : i32 to vector<16xi32>
            %gather3A_336 = tpu.vector_load_idx %arg18[%add3A_208, %broadcast_in_dim3A_335] : memref<160x32xf32, #tpu.memory_space<vmem>>[vector<16xi32>, vector<16xi32>], vector<16xf32>,
            %mul3A_337 = arith.mulf %gather3A_336, %mul3A_213 : vector<16xf32>
            tpu.vector_store_idx %arg18[%add3A_208, %broadcast_in_dim3A_335], %mul3A_337 : memref<160x32xf32, #tpu.memory_space<vmem>>[vector<16xi32>, vector<16xi32>], vector<16xf32>,
            %broadcast_in_dim3A_338 = arith.constant 31 : i32
            %broadcast_in_dim3A_339 = vector.broadcast %broadcast_in_dim3A_338 : i32 to vector<16xi32>
            %gather3A_340 = tpu.vector_load_idx %arg18[%add3A_208, %broadcast_in_dim3A_339] : memref<160x32xf32, #tpu.memory_space<vmem>>[vector<16xi32>, vector<16xi32>], vector<16xf32>,
            %mul3A_341 = arith.mulf %gather3A_340, %mul3A_213 : vector<16xf32>
            tpu.vector_store_idx %arg18[%add3A_208, %broadcast_in_dim3A_339], %mul3A_341 : memref<160x32xf32, #tpu.memory_space<vmem>>[vector<16xi32>, vector<16xi32>], vector<16xf32>,
          }
          %scan3A_203 = arith.constant 10 : i32
          "tpu.region"() ({
            %run_scoped3A = tpu.sem_alloc : memref<!tpu.dma_semaphore, #tpu.memory_space<semaphore_mem>>
            %dma_start3A_204 = arith.constant 0 : i32
            %dma_start3A_205 = arith.constant 0 : i32
            %dma_start3A_206 = tpu.memref_slice %arg26[%dma_start3A_204, %dma_start3A_205] : memref<50000x32xf32, #tpu.memory_space<vmem_shared>> -> memref<50000x32xf32, #tpu.memory_space<vmem_shared>>
            tpu.enqueue_indirect_dma source(%arg18 : memref<160x32xf32, #tpu.memory_space<vmem>>) target(%dma_start3A_206 : memref<50000x32xf32, #tpu.memory_space<vmem_shared>>) offsets(%arg16 : memref<160xi32, #tpu.memory_space<vmem>>) semaphore(%run_scoped3A : memref<!tpu.dma_semaphore, #tpu.memory_space<semaphore_mem>>) {add = true}
            %dma_wait3A_207 = arith.constant 0 : i32
            %dma_wait3A_208 = arith.constant 0 : i32
            %dma_wait3A_209 = tpu.memref_slice %arg26[%dma_wait3A_207, %dma_wait3A_208] : memref<50000x32xf32, #tpu.memory_space<vmem_shared>> -> memref<50000x32xf32, #tpu.memory_space<vmem_shared>>
            tpu.wait_indirect_dma semaphore(%run_scoped3A : memref<!tpu.dma_semaphore, #tpu.memory_space<semaphore_mem>>) src(%arg18 : memref<160x32xf32, #tpu.memory_space<vmem>>) dst(%dma_wait3A_209 : memref<50000x32xf32, #tpu.memory_space<vmem_shared>>)
            tpu.yield
          }) : () -> ()
        } else {
        }
        %add3A_128 = arith.constant 2 : i32
        %add3A_129 = arith.addi %mul3A_100, %add3A_128 : i32
        %mul3A_130 = arith.constant 16 : i32
        %mul3A_131 = arith.muli %mul3A_130, %add3A_129 : i32
        %add3A_132 = arith.addi %arg1, %mul3A_131 : i32
        %lt3A_133 = arith.constant 5000 : i32
        %lt3A_134 = arith.cmpi slt, %add3A_132, %lt3A_133 : i32
        %convert_element_type3A_135 = arith.extui %lt3A_134 : i1 to i32
        %cond3A_136 = arith.constant 0 : i32
        %cond3A_137 = arith.cmpi ne, %convert_element_type3A_135, %cond3A_136 : i32
        scf.if %cond3A_137 {
          %add3A_180 = arith.constant 2 : i32
          %add3A_181 = arith.addi %mul3A_100, %add3A_180 : i32
          %mul3A_182 = arith.constant 16 : i32
          %mul3A_183 = arith.muli %mul3A_182, %add3A_181 : i32
          %add3A_184 = arith.addi %arg1, %mul3A_183 : i32
          %mul3A_185 = arith.constant 160 : i32
          %mul3A_186 = arith.muli %add3A_184, %mul3A_185 : i32
          %dma_start3A_187 = tpu.memref_slice %arg6[%mul3A_186] : memref<800000xi32, #tpu.memory_space<hbm>> -> memref<160xi32, #tpu.memory_space<hbm>>
          %dma_start3A_188 = tpu.memref_slice %arg6[%mul3A_186] : memref<800000xi32, #tpu.memory_space<hbm>> -> memref<160xi32, #tpu.memory_space<hbm>>
          tpu.enqueue_dma source(%dma_start3A_188 : memref<160xi32, #tpu.memory_space<hbm>>) target(%arg12 : memref<160xi32, #tpu.memory_space<vmem>>) target_semaphore(%arg27 : memref<!tpu.dma_semaphore, #tpu.memory_space<semaphore_mem>>)
          %mul3A_189 = arith.constant 16 : i32
          %mul3A_190 = arith.muli %mul3A_189, %add3A_181 : i32
          %add3A_191 = arith.addi %arg1, %mul3A_190 : i32
          %mul3A_192 = arith.constant 160 : i32
          %mul3A_193 = arith.muli %add3A_191, %mul3A_192 : i32
          %dma_start3A_194 = tpu.memref_slice %arg7[%mul3A_193] : memref<800000xi32, #tpu.memory_space<hbm>> -> memref<160xi32, #tpu.memory_space<hbm>>
          %dma_start3A_195 = tpu.memref_slice %arg7[%mul3A_193] : memref<800000xi32, #tpu.memory_space<hbm>> -> memref<160xi32, #tpu.memory_space<hbm>>
          tpu.enqueue_dma source(%dma_start3A_195 : memref<160xi32, #tpu.memory_space<hbm>>) target(%arg14 : memref<160xi32, #tpu.memory_space<vmem>>) target_semaphore(%arg27 : memref<!tpu.dma_semaphore, #tpu.memory_space<semaphore_mem>>)
          %mul3A_196 = arith.constant 16 : i32
          %mul3A_197 = arith.muli %mul3A_196, %add3A_181 : i32
          %add3A_198 = arith.addi %arg1, %mul3A_197 : i32
          %mul3A_199 = arith.constant 160 : i32
          %mul3A_200 = arith.muli %add3A_198, %mul3A_199 : i32
          %dma_start3A_201 = tpu.memref_slice %arg8[%mul3A_200] : memref<800000xi32, #tpu.memory_space<hbm>> -> memref<160xi32, #tpu.memory_space<hbm>>
          %dma_start3A_202 = tpu.memref_slice %arg8[%mul3A_200] : memref<800000xi32, #tpu.memory_space<hbm>> -> memref<160xi32, #tpu.memory_space<hbm>>
          tpu.enqueue_dma source(%dma_start3A_202 : memref<160xi32, #tpu.memory_space<hbm>>) target(%arg16 : memref<160xi32, #tpu.memory_space<vmem>>) target_semaphore(%arg27 : memref<!tpu.dma_semaphore, #tpu.memory_space<semaphore_mem>>)
        } else {
        }
        %mul3A_138 = arith.constant 2 : i32
        %mul3A_139 = arith.muli %mul3A_138, %scan3A_98 : i32
        %add3A_140 = arith.constant 1 : i32
        %add3A_141 = arith.addi %mul3A_139, %add3A_140 : i32
        %add3A_142 = arith.constant 1 : i32
        %add3A_143 = arith.addi %add3A_141, %add3A_142 : i32
        %mul3A_144 = arith.constant 16 : i32
        %mul3A_145 = arith.muli %mul3A_144, %add3A_143 : i32
        %add3A_146 = arith.addi %arg1, %mul3A_145 : i32
        %lt3A_147 = arith.constant 5000 : i32
        %lt3A_148 = arith.cmpi slt, %add3A_146, %lt3A_147 : i32
        %convert_element_type3A_149 = arith.extui %lt3A_148 : i1 to i32
        %cond3A_150 = arith.constant 0 : i32
        %cond3A_151 = arith.cmpi ne, %convert_element_type3A_149, %cond3A_150 : i32
        scf.if %cond3A_151 {
          %add3A_180 = arith.constant 1 : i32
          %add3A_181 = arith.addi %add3A_141, %add3A_180 : i32
          %mul3A_182 = arith.constant 16 : i32
          %mul3A_183 = arith.muli %mul3A_182, %add3A_181 : i32
          %add3A_184 = arith.addi %arg1, %mul3A_183 : i32
          %mul3A_185 = arith.constant 160 : i32
          %mul3A_186 = arith.muli %add3A_184, %mul3A_185 : i32
          %dma_wait3A_187 = tpu.memref_slice %arg6[%mul3A_186] : memref<800000xi32, #tpu.memory_space<hbm>> -> memref<160xi32, #tpu.memory_space<hbm>>
          %dma_wait3A_188 = tpu.memref_slice %arg6[%mul3A_186] : memref<800000xi32, #tpu.memory_space<hbm>> -> memref<160xi32, #tpu.memory_space<hbm>>
          tpu.wait_dma2 semaphore(%arg27 : memref<!tpu.dma_semaphore, #tpu.memory_space<semaphore_mem>>) src(%dma_wait3A_188 : memref<160xi32, #tpu.memory_space<hbm>>) dst(%arg12 : memref<160xi32, #tpu.memory_space<vmem>>)
          %mul3A_189 = arith.constant 16 : i32
          %mul3A_190 = arith.muli %mul3A_189, %add3A_181 : i32
          %add3A_191 = arith.addi %arg1, %mul3A_190 : i32
          %mul3A_192 = arith.constant 160 : i32
          %mul3A_193 = arith.muli %add3A_191, %mul3A_192 : i32
          %dma_wait3A_194 = tpu.memref_slice %arg7[%mul3A_193] : memref<800000xi32, #tpu.memory_space<hbm>> -> memref<160xi32, #tpu.memory_space<hbm>>
          %dma_wait3A_195 = tpu.memref_slice %arg7[%mul3A_193] : memref<800000xi32, #tpu.memory_space<hbm>> -> memref<160xi32, #tpu.memory_space<hbm>>
          tpu.wait_dma2 semaphore(%arg27 : memref<!tpu.dma_semaphore, #tpu.memory_space<semaphore_mem>>) src(%dma_wait3A_195 : memref<160xi32, #tpu.memory_space<hbm>>) dst(%arg14 : memref<160xi32, #tpu.memory_space<vmem>>)
          %mul3A_196 = arith.constant 16 : i32
          %mul3A_197 = arith.muli %mul3A_196, %add3A_181 : i32
          %add3A_198 = arith.addi %arg1, %mul3A_197 : i32
          %mul3A_199 = arith.constant 160 : i32
          %mul3A_200 = arith.muli %add3A_198, %mul3A_199 : i32
          %dma_wait3A_201 = tpu.memref_slice %arg8[%mul3A_200] : memref<800000xi32, #tpu.memory_space<hbm>> -> memref<160xi32, #tpu.memory_space<hbm>>
          %dma_wait3A_202 = tpu.memref_slice %arg8[%mul3A_200] : memref<800000xi32, #tpu.memory_space<hbm>> -> memref<160xi32, #tpu.memory_space<hbm>>
          tpu.wait_dma2 semaphore(%arg27 : memref<!tpu.dma_semaphore, #tpu.memory_space<semaphore_mem>>) src(%dma_wait3A_202 : memref<160xi32, #tpu.memory_space<hbm>>) dst(%arg16 : memref<160xi32, #tpu.memory_space<vmem>>)
        } else {
        }
        %add3A_152 = arith.constant 1 : i32
        %add3A_153 = arith.addi %add3A_141, %add3A_152 : i32
        %mul3A_154 = arith.constant 16 : i32
        %mul3A_155 = arith.muli %mul3A_154, %add3A_153 : i32
        %add3A_156 = arith.addi %arg1, %mul3A_155 : i32
        %lt3A_157 = arith.constant 5000 : i32
        %lt3A_158 = arith.cmpi slt, %add3A_156, %lt3A_157 : i32
        %convert_element_type3A_159 = arith.extui %lt3A_158 : i1 to i32
        %cond3A_160 = arith.constant 0 : i32
        %cond3A_161 = arith.cmpi ne, %convert_element_type3A_159, %cond3A_160 : i32
        scf.if %cond3A_161 {
          %add3A_180 = arith.constant 1 : i32
          %add3A_181 = arith.addi %add3A_141, %add3A_180 : i32
          %dma_start3A_182 = arith.constant 0 : i32
          %dma_start3A_183 = arith.constant 0 : i32
          %dma_start3A_184 = tpu.memref_slice %arg2[%dma_start3A_182, %dma_start3A_183] : memref<100000x32xf32, #tpu.memory_space<hbm>> -> memref<100000x32xf32, #tpu.memory_space<hbm>>
          tpu.enqueue_indirect_dma source(%dma_start3A_184 : memref<100000x32xf32, #tpu.memory_space<hbm>>) target(%arg18 : memref<160x32xf32, #tpu.memory_space<vmem>>) offsets(%arg12 : memref<160xi32, #tpu.memory_space<vmem>>) semaphore(%arg29 : memref<!tpu.dma_semaphore, #tpu.memory_space<semaphore_mem>>)
          %dma_start3A_185 = arith.constant 0 : i32
          %dma_start3A_186 = arith.constant 0 : i32
          %dma_start3A_187 = tpu.memref_slice %arg5[%dma_start3A_185, %dma_start3A_186] : memref<100000x8xf32, #tpu.memory_space<hbm>> -> memref<100000x8xf32, #tpu.memory_space<hbm>>
          tpu.enqueue_indirect_dma source(%dma_start3A_187 : memref<100000x8xf32, #tpu.memory_space<hbm>>) target(%arg22 : memref<160x8xf32, #tpu.memory_space<vmem>>) offsets(%arg14 : memref<160xi32, #tpu.memory_space<vmem>>) semaphore(%arg29 : memref<!tpu.dma_semaphore, #tpu.memory_space<semaphore_mem>>)
          %mul3A_188 = arith.constant 16 : i32
          %mul3A_189 = arith.muli %mul3A_188, %add3A_181 : i32
          %add3A_190 = arith.addi %arg1, %mul3A_189 : i32
          %mul3A_191 = arith.constant 160 : i32
          %mul3A_192 = arith.muli %add3A_190, %mul3A_191 : i32
          %dma_start3A_193 = arith.constant 0 : i32
          %dma_start3A_194 = tpu.memref_slice %arg4[%mul3A_192, %dma_start3A_193] : memref<800000x8xf32, #tpu.memory_space<hbm>> -> memref<160x8xf32, #tpu.memory_space<hbm>>
          %dma_start3A_195 = arith.constant 0 : i32
          %dma_start3A_196 = tpu.memref_slice %arg4[%mul3A_192, %dma_start3A_195] : memref<800000x8xf32, #tpu.memory_space<hbm>> -> memref<160x8xf32, #tpu.memory_space<hbm>>
          tpu.enqueue_dma source(%dma_start3A_196 : memref<160x8xf32, #tpu.memory_space<hbm>>) target(%arg20 : memref<160x8xf32, #tpu.memory_space<vmem>>) target_semaphore(%arg29 : memref<!tpu.dma_semaphore, #tpu.memory_space<semaphore_mem>>)
        } else {
        }
        %mul3A_162 = arith.constant 16 : i32
        %mul3A_163 = arith.muli %mul3A_162, %add3A_141 : i32
        %add3A_164 = arith.addi %arg1, %mul3A_163 : i32
        %lt3A_165 = arith.constant 5000 : i32
        %lt3A_166 = arith.cmpi slt, %add3A_164, %lt3A_165 : i32
        %convert_element_type3A_167 = arith.extui %lt3A_166 : i1 to i32
        %cond3A_168 = arith.constant 0 : i32
        %cond3A_169 = arith.cmpi ne, %convert_element_type3A_167, %cond3A_168 : i32
        scf.if %cond3A_169 {
          %dma_wait3A_180 = arith.constant 0 : i32
          %dma_wait3A_181 = arith.constant 0 : i32
          %dma_wait3A_182 = tpu.memref_slice %arg2[%dma_wait3A_180, %dma_wait3A_181] : memref<100000x32xf32, #tpu.memory_space<hbm>> -> memref<100000x32xf32, #tpu.memory_space<hbm>>
          tpu.wait_indirect_dma semaphore(%arg30 : memref<!tpu.dma_semaphore, #tpu.memory_space<semaphore_mem>>) src(%dma_wait3A_182 : memref<100000x32xf32, #tpu.memory_space<hbm>>) dst(%arg19 : memref<160x32xf32, #tpu.memory_space<vmem>>)
          %dma_wait3A_183 = arith.constant 0 : i32
          %dma_wait3A_184 = arith.constant 0 : i32
          %dma_wait3A_185 = tpu.memref_slice %arg5[%dma_wait3A_183, %dma_wait3A_184] : memref<100000x8xf32, #tpu.memory_space<hbm>> -> memref<100000x8xf32, #tpu.memory_space<hbm>>
          tpu.wait_indirect_dma semaphore(%arg30 : memref<!tpu.dma_semaphore, #tpu.memory_space<semaphore_mem>>) src(%dma_wait3A_185 : memref<100000x8xf32, #tpu.memory_space<hbm>>) dst(%arg23 : memref<160x8xf32, #tpu.memory_space<vmem>>)
          %mul3A_186 = arith.constant 16 : i32
          %mul3A_187 = arith.muli %mul3A_186, %add3A_141 : i32
          %add3A_188 = arith.addi %arg1, %mul3A_187 : i32
          %mul3A_189 = arith.constant 160 : i32
          %mul3A_190 = arith.muli %add3A_188, %mul3A_189 : i32
          %dma_wait3A_191 = arith.constant 0 : i32
          %dma_wait3A_192 = tpu.memref_slice %arg4[%mul3A_190, %dma_wait3A_191] : memref<800000x8xf32, #tpu.memory_space<hbm>> -> memref<160x8xf32, #tpu.memory_space<hbm>>
          %dma_wait3A_193 = arith.constant 0 : i32
          %dma_wait3A_194 = tpu.memref_slice %arg4[%mul3A_190, %dma_wait3A_193] : memref<800000x8xf32, #tpu.memory_space<hbm>> -> memref<160x8xf32, #tpu.memory_space<hbm>>
          tpu.wait_dma2 semaphore(%arg30 : memref<!tpu.dma_semaphore, #tpu.memory_space<semaphore_mem>>) src(%dma_wait3A_194 : memref<160x8xf32, #tpu.memory_space<hbm>>) dst(%arg21 : memref<160x8xf32, #tpu.memory_space<vmem>>)
          %broadcast_in_dim3A = arith.constant 0 : i32
          %broadcast_in_dim3A_195 = vector.broadcast %broadcast_in_dim3A : i32 to vector<16xi32>
          %broadcast_in_dim3A_196 = arith.constant 1 : i32
          %broadcast_in_dim3A_197 = vector.broadcast %broadcast_in_dim3A_196 : i32 to vector<16xi32>
          %scan3A_198 = arith.constant 0 : i32
          %scan3A_199 = arith.constant 0 : i32
          %scan3A_200 = arith.constant 10 : i32
          %scan3A_201 = arith.addi %scan3A_199, %scan3A_200 : i32
          %scan3A_202 = arith.constant 1 : i32
          scf.for %scan3A_204 = %scan3A_199 to %scan3A_201 step %scan3A_202  : i32 {
            %mul3A_205 = arith.constant 16 : i32
            %mul3A_206 = arith.muli %scan3A_204, %mul3A_205 : i32
            %add3A_207 = vector.broadcast %mul3A_206 : i32 to vector<16xi32>
            %add3A_208 = arith.addi %iota3A, %add3A_207 : vector<16xi32>
            %gather3A = tpu.vector_load_idx %arg21[%add3A_208, %broadcast_in_dim3A_195] : memref<160x8xf32, #tpu.memory_space<vmem>>[vector<16xi32>, vector<16xi32>], vector<16xf32>,
            %gather3A_209 = tpu.vector_load_idx %arg23[%add3A_208, %broadcast_in_dim3A_195] : memref<160x8xf32, #tpu.memory_space<vmem>>[vector<16xi32>, vector<16xi32>], vector<16xf32>,
            %mul3A_210 = arith.mulf %gather3A, %gather3A_209 : vector<16xf32>
            %gather3A_211 = tpu.vector_load_idx %arg21[%add3A_208, %broadcast_in_dim3A_197] : memref<160x8xf32, #tpu.memory_space<vmem>>[vector<16xi32>, vector<16xi32>], vector<16xf32>,
            %gather3A_212 = tpu.vector_load_idx %arg23[%add3A_208, %broadcast_in_dim3A_197] : memref<160x8xf32, #tpu.memory_space<vmem>>[vector<16xi32>, vector<16xi32>], vector<16xf32>,
            %mul3A_213 = arith.mulf %gather3A_211, %gather3A_212 : vector<16xf32>
            %broadcast_in_dim3A_214 = arith.constant 0 : i32
            %broadcast_in_dim3A_215 = vector.broadcast %broadcast_in_dim3A_214 : i32 to vector<16xi32>
            %gather3A_216 = tpu.vector_load_idx %arg19[%add3A_208, %broadcast_in_dim3A_215] : memref<160x32xf32, #tpu.memory_space<vmem>>[vector<16xi32>, vector<16xi32>], vector<16xf32>,
            %mul3A_217 = arith.mulf %gather3A_216, %mul3A_210 : vector<16xf32>
            tpu.vector_store_idx %arg19[%add3A_208, %broadcast_in_dim3A_215], %mul3A_217 : memref<160x32xf32, #tpu.memory_space<vmem>>[vector<16xi32>, vector<16xi32>], vector<16xf32>,
            %broadcast_in_dim3A_218 = arith.constant 1 : i32
            %broadcast_in_dim3A_219 = vector.broadcast %broadcast_in_dim3A_218 : i32 to vector<16xi32>
            %gather3A_220 = tpu.vector_load_idx %arg19[%add3A_208, %broadcast_in_dim3A_219] : memref<160x32xf32, #tpu.memory_space<vmem>>[vector<16xi32>, vector<16xi32>], vector<16xf32>,
            %mul3A_221 = arith.mulf %gather3A_220, %mul3A_210 : vector<16xf32>
            tpu.vector_store_idx %arg19[%add3A_208, %broadcast_in_dim3A_219], %mul3A_221 : memref<160x32xf32, #tpu.memory_space<vmem>>[vector<16xi32>, vector<16xi32>], vector<16xf32>,
            %broadcast_in_dim3A_222 = arith.constant 2 : i32
            %broadcast_in_dim3A_223 = vector.broadcast %broadcast_in_dim3A_222 : i32 to vector<16xi32>
            %gather3A_224 = tpu.vector_load_idx %arg19[%add3A_208, %broadcast_in_dim3A_223] : memref<160x32xf32, #tpu.memory_space<vmem>>[vector<16xi32>, vector<16xi32>], vector<16xf32>,
            %mul3A_225 = arith.mulf %gather3A_224, %mul3A_210 : vector<16xf32>
            tpu.vector_store_idx %arg19[%add3A_208, %broadcast_in_dim3A_223], %mul3A_225 : memref<160x32xf32, #tpu.memory_space<vmem>>[vector<16xi32>, vector<16xi32>], vector<16xf32>,
            %broadcast_in_dim3A_226 = arith.constant 3 : i32
            %broadcast_in_dim3A_227 = vector.broadcast %broadcast_in_dim3A_226 : i32 to vector<16xi32>
            %gather3A_228 = tpu.vector_load_idx %arg19[%add3A_208, %broadcast_in_dim3A_227] : memref<160x32xf32, #tpu.memory_space<vmem>>[vector<16xi32>, vector<16xi32>], vector<16xf32>,
            %mul3A_229 = arith.mulf %gather3A_228, %mul3A_210 : vector<16xf32>
            tpu.vector_store_idx %arg19[%add3A_208, %broadcast_in_dim3A_227], %mul3A_229 : memref<160x32xf32, #tpu.memory_space<vmem>>[vector<16xi32>, vector<16xi32>], vector<16xf32>,
            %broadcast_in_dim3A_230 = arith.constant 4 : i32
            %broadcast_in_dim3A_231 = vector.broadcast %broadcast_in_dim3A_230 : i32 to vector<16xi32>
            %gather3A_232 = tpu.vector_load_idx %arg19[%add3A_208, %broadcast_in_dim3A_231] : memref<160x32xf32, #tpu.memory_space<vmem>>[vector<16xi32>, vector<16xi32>], vector<16xf32>,
            %mul3A_233 = arith.mulf %gather3A_232, %mul3A_210 : vector<16xf32>
            tpu.vector_store_idx %arg19[%add3A_208, %broadcast_in_dim3A_231], %mul3A_233 : memref<160x32xf32, #tpu.memory_space<vmem>>[vector<16xi32>, vector<16xi32>], vector<16xf32>,
            %broadcast_in_dim3A_234 = arith.constant 5 : i32
            %broadcast_in_dim3A_235 = vector.broadcast %broadcast_in_dim3A_234 : i32 to vector<16xi32>
            %gather3A_236 = tpu.vector_load_idx %arg19[%add3A_208, %broadcast_in_dim3A_235] : memref<160x32xf32, #tpu.memory_space<vmem>>[vector<16xi32>, vector<16xi32>], vector<16xf32>,
            %mul3A_237 = arith.mulf %gather3A_236, %mul3A_210 : vector<16xf32>
            tpu.vector_store_idx %arg19[%add3A_208, %broadcast_in_dim3A_235], %mul3A_237 : memref<160x32xf32, #tpu.memory_space<vmem>>[vector<16xi32>, vector<16xi32>], vector<16xf32>,
            %broadcast_in_dim3A_238 = arith.constant 6 : i32
            %broadcast_in_dim3A_239 = vector.broadcast %broadcast_in_dim3A_238 : i32 to vector<16xi32>
            %gather3A_240 = tpu.vector_load_idx %arg19[%add3A_208, %broadcast_in_dim3A_239] : memref<160x32xf32, #tpu.memory_space<vmem>>[vector<16xi32>, vector<16xi32>], vector<16xf32>,
            %mul3A_241 = arith.mulf %gather3A_240, %mul3A_210 : vector<16xf32>
            tpu.vector_store_idx %arg19[%add3A_208, %broadcast_in_dim3A_239], %mul3A_241 : memref<160x32xf32, #tpu.memory_space<vmem>>[vector<16xi32>, vector<16xi32>], vector<16xf32>,
            %broadcast_in_dim3A_242 = arith.constant 7 : i32
            %broadcast_in_dim3A_243 = vector.broadcast %broadcast_in_dim3A_242 : i32 to vector<16xi32>
            %gather3A_244 = tpu.vector_load_idx %arg19[%add3A_208, %broadcast_in_dim3A_243] : memref<160x32xf32, #tpu.memory_space<vmem>>[vector<16xi32>, vector<16xi32>], vector<16xf32>,
            %mul3A_245 = arith.mulf %gather3A_244, %mul3A_210 : vector<16xf32>
            tpu.vector_store_idx %arg19[%add3A_208, %broadcast_in_dim3A_243], %mul3A_245 : memref<160x32xf32, #tpu.memory_space<vmem>>[vector<16xi32>, vector<16xi32>], vector<16xf32>,
            %broadcast_in_dim3A_246 = arith.constant 8 : i32
            %broadcast_in_dim3A_247 = vector.broadcast %broadcast_in_dim3A_246 : i32 to vector<16xi32>
            %gather3A_248 = tpu.vector_load_idx %arg19[%add3A_208, %broadcast_in_dim3A_247] : memref<160x32xf32, #tpu.memory_space<vmem>>[vector<16xi32>, vector<16xi32>], vector<16xf32>,
            %mul3A_249 = arith.mulf %gather3A_248, %mul3A_210 : vector<16xf32>
            tpu.vector_store_idx %arg19[%add3A_208, %broadcast_in_dim3A_247], %mul3A_249 : memref<160x32xf32, #tpu.memory_space<vmem>>[vector<16xi32>, vector<16xi32>], vector<16xf32>,
            %broadcast_in_dim3A_250 = arith.constant 9 : i32
            %broadcast_in_dim3A_251 = vector.broadcast %broadcast_in_dim3A_250 : i32 to vector<16xi32>
            %gather3A_252 = tpu.vector_load_idx %arg19[%add3A_208, %broadcast_in_dim3A_251] : memref<160x32xf32, #tpu.memory_space<vmem>>[vector<16xi32>, vector<16xi32>], vector<16xf32>,
            %mul3A_253 = arith.mulf %gather3A_252, %mul3A_210 : vector<16xf32>
            tpu.vector_store_idx %arg19[%add3A_208, %broadcast_in_dim3A_251], %mul3A_253 : memref<160x32xf32, #tpu.memory_space<vmem>>[vector<16xi32>, vector<16xi32>], vector<16xf32>,
            %broadcast_in_dim3A_254 = arith.constant 10 : i32
            %broadcast_in_dim3A_255 = vector.broadcast %broadcast_in_dim3A_254 : i32 to vector<16xi32>
            %gather3A_256 = tpu.vector_load_idx %arg19[%add3A_208, %broadcast_in_dim3A_255] : memref<160x32xf32, #tpu.memory_space<vmem>>[vector<16xi32>, vector<16xi32>], vector<16xf32>,
            %mul3A_257 = arith.mulf %gather3A_256, %mul3A_210 : vector<16xf32>
            tpu.vector_store_idx %arg19[%add3A_208, %broadcast_in_dim3A_255], %mul3A_257 : memref<160x32xf32, #tpu.memory_space<vmem>>[vector<16xi32>, vector<16xi32>], vector<16xf32>,
            %broadcast_in_dim3A_258 = arith.constant 11 : i32
            %broadcast_in_dim3A_259 = vector.broadcast %broadcast_in_dim3A_258 : i32 to vector<16xi32>
            %gather3A_260 = tpu.vector_load_idx %arg19[%add3A_208, %broadcast_in_dim3A_259] : memref<160x32xf32, #tpu.memory_space<vmem>>[vector<16xi32>, vector<16xi32>], vector<16xf32>,
            %mul3A_261 = arith.mulf %gather3A_260, %mul3A_210 : vector<16xf32>
            tpu.vector_store_idx %arg19[%add3A_208, %broadcast_in_dim3A_259], %mul3A_261 : memref<160x32xf32, #tpu.memory_space<vmem>>[vector<16xi32>, vector<16xi32>], vector<16xf32>,
            %broadcast_in_dim3A_262 = arith.constant 12 : i32
            %broadcast_in_dim3A_263 = vector.broadcast %broadcast_in_dim3A_262 : i32 to vector<16xi32>
            %gather3A_264 = tpu.vector_load_idx %arg19[%add3A_208, %broadcast_in_dim3A_263] : memref<160x32xf32, #tpu.memory_space<vmem>>[vector<16xi32>, vector<16xi32>], vector<16xf32>,
            %mul3A_265 = arith.mulf %gather3A_264, %mul3A_210 : vector<16xf32>
            tpu.vector_store_idx %arg19[%add3A_208, %broadcast_in_dim3A_263], %mul3A_265 : memref<160x32xf32, #tpu.memory_space<vmem>>[vector<16xi32>, vector<16xi32>], vector<16xf32>,
            %broadcast_in_dim3A_266 = arith.constant 13 : i32
            %broadcast_in_dim3A_267 = vector.broadcast %broadcast_in_dim3A_266 : i32 to vector<16xi32>
            %gather3A_268 = tpu.vector_load_idx %arg19[%add3A_208, %broadcast_in_dim3A_267] : memref<160x32xf32, #tpu.memory_space<vmem>>[vector<16xi32>, vector<16xi32>], vector<16xf32>,
            %mul3A_269 = arith.mulf %gather3A_268, %mul3A_210 : vector<16xf32>
            tpu.vector_store_idx %arg19[%add3A_208, %broadcast_in_dim3A_267], %mul3A_269 : memref<160x32xf32, #tpu.memory_space<vmem>>[vector<16xi32>, vector<16xi32>], vector<16xf32>,
            %broadcast_in_dim3A_270 = arith.constant 14 : i32
            %broadcast_in_dim3A_271 = vector.broadcast %broadcast_in_dim3A_270 : i32 to vector<16xi32>
            %gather3A_272 = tpu.vector_load_idx %arg19[%add3A_208, %broadcast_in_dim3A_271] : memref<160x32xf32, #tpu.memory_space<vmem>>[vector<16xi32>, vector<16xi32>], vector<16xf32>,
            %mul3A_273 = arith.mulf %gather3A_272, %mul3A_210 : vector<16xf32>
            tpu.vector_store_idx %arg19[%add3A_208, %broadcast_in_dim3A_271], %mul3A_273 : memref<160x32xf32, #tpu.memory_space<vmem>>[vector<16xi32>, vector<16xi32>], vector<16xf32>,
            %broadcast_in_dim3A_274 = arith.constant 15 : i32
            %broadcast_in_dim3A_275 = vector.broadcast %broadcast_in_dim3A_274 : i32 to vector<16xi32>
            %gather3A_276 = tpu.vector_load_idx %arg19[%add3A_208, %broadcast_in_dim3A_275] : memref<160x32xf32, #tpu.memory_space<vmem>>[vector<16xi32>, vector<16xi32>], vector<16xf32>,
            %mul3A_277 = arith.mulf %gather3A_276, %mul3A_210 : vector<16xf32>
            tpu.vector_store_idx %arg19[%add3A_208, %broadcast_in_dim3A_275], %mul3A_277 : memref<160x32xf32, #tpu.memory_space<vmem>>[vector<16xi32>, vector<16xi32>], vector<16xf32>,
            %broadcast_in_dim3A_278 = arith.constant 16 : i32
            %broadcast_in_dim3A_279 = vector.broadcast %broadcast_in_dim3A_278 : i32 to vector<16xi32>
            %gather3A_280 = tpu.vector_load_idx %arg19[%add3A_208, %broadcast_in_dim3A_279] : memref<160x32xf32, #tpu.memory_space<vmem>>[vector<16xi32>, vector<16xi32>], vector<16xf32>,
            %mul3A_281 = arith.mulf %gather3A_280, %mul3A_213 : vector<16xf32>
            tpu.vector_store_idx %arg19[%add3A_208, %broadcast_in_dim3A_279], %mul3A_281 : memref<160x32xf32, #tpu.memory_space<vmem>>[vector<16xi32>, vector<16xi32>], vector<16xf32>,
            %broadcast_in_dim3A_282 = arith.constant 17 : i32
            %broadcast_in_dim3A_283 = vector.broadcast %broadcast_in_dim3A_282 : i32 to vector<16xi32>
            %gather3A_284 = tpu.vector_load_idx %arg19[%add3A_208, %broadcast_in_dim3A_283] : memref<160x32xf32, #tpu.memory_space<vmem>>[vector<16xi32>, vector<16xi32>], vector<16xf32>,
            %mul3A_285 = arith.mulf %gather3A_284, %mul3A_213 : vector<16xf32>
            tpu.vector_store_idx %arg19[%add3A_208, %broadcast_in_dim3A_283], %mul3A_285 : memref<160x32xf32, #tpu.memory_space<vmem>>[vector<16xi32>, vector<16xi32>], vector<16xf32>,
            %broadcast_in_dim3A_286 = arith.constant 18 : i32
            %broadcast_in_dim3A_287 = vector.broadcast %broadcast_in_dim3A_286 : i32 to vector<16xi32>
            %gather3A_288 = tpu.vector_load_idx %arg19[%add3A_208, %broadcast_in_dim3A_287] : memref<160x32xf32, #tpu.memory_space<vmem>>[vector<16xi32>, vector<16xi32>], vector<16xf32>,
            %mul3A_289 = arith.mulf %gather3A_288, %mul3A_213 : vector<16xf32>
            tpu.vector_store_idx %arg19[%add3A_208, %broadcast_in_dim3A_287], %mul3A_289 : memref<160x32xf32, #tpu.memory_space<vmem>>[vector<16xi32>, vector<16xi32>], vector<16xf32>,
            %broadcast_in_dim3A_290 = arith.constant 19 : i32
            %broadcast_in_dim3A_291 = vector.broadcast %broadcast_in_dim3A_290 : i32 to vector<16xi32>
            %gather3A_292 = tpu.vector_load_idx %arg19[%add3A_208, %broadcast_in_dim3A_291] : memref<160x32xf32, #tpu.memory_space<vmem>>[vector<16xi32>, vector<16xi32>], vector<16xf32>,
            %mul3A_293 = arith.mulf %gather3A_292, %mul3A_213 : vector<16xf32>
            tpu.vector_store_idx %arg19[%add3A_208, %broadcast_in_dim3A_291], %mul3A_293 : memref<160x32xf32, #tpu.memory_space<vmem>>[vector<16xi32>, vector<16xi32>], vector<16xf32>,
            %broadcast_in_dim3A_294 = arith.constant 20 : i32
            %broadcast_in_dim3A_295 = vector.broadcast %broadcast_in_dim3A_294 : i32 to vector<16xi32>
            %gather3A_296 = tpu.vector_load_idx %arg19[%add3A_208, %broadcast_in_dim3A_295] : memref<160x32xf32, #tpu.memory_space<vmem>>[vector<16xi32>, vector<16xi32>], vector<16xf32>,
            %mul3A_297 = arith.mulf %gather3A_296, %mul3A_213 : vector<16xf32>
            tpu.vector_store_idx %arg19[%add3A_208, %broadcast_in_dim3A_295], %mul3A_297 : memref<160x32xf32, #tpu.memory_space<vmem>>[vector<16xi32>, vector<16xi32>], vector<16xf32>,
            %broadcast_in_dim3A_298 = arith.constant 21 : i32
            %broadcast_in_dim3A_299 = vector.broadcast %broadcast_in_dim3A_298 : i32 to vector<16xi32>
            %gather3A_300 = tpu.vector_load_idx %arg19[%add3A_208, %broadcast_in_dim3A_299] : memref<160x32xf32, #tpu.memory_space<vmem>>[vector<16xi32>, vector<16xi32>], vector<16xf32>,
            %mul3A_301 = arith.mulf %gather3A_300, %mul3A_213 : vector<16xf32>
            tpu.vector_store_idx %arg19[%add3A_208, %broadcast_in_dim3A_299], %mul3A_301 : memref<160x32xf32, #tpu.memory_space<vmem>>[vector<16xi32>, vector<16xi32>], vector<16xf32>,
            %broadcast_in_dim3A_302 = arith.constant 22 : i32
            %broadcast_in_dim3A_303 = vector.broadcast %broadcast_in_dim3A_302 : i32 to vector<16xi32>
            %gather3A_304 = tpu.vector_load_idx %arg19[%add3A_208, %broadcast_in_dim3A_303] : memref<160x32xf32, #tpu.memory_space<vmem>>[vector<16xi32>, vector<16xi32>], vector<16xf32>,
            %mul3A_305 = arith.mulf %gather3A_304, %mul3A_213 : vector<16xf32>
            tpu.vector_store_idx %arg19[%add3A_208, %broadcast_in_dim3A_303], %mul3A_305 : memref<160x32xf32, #tpu.memory_space<vmem>>[vector<16xi32>, vector<16xi32>], vector<16xf32>,
            %broadcast_in_dim3A_306 = arith.constant 23 : i32
            %broadcast_in_dim3A_307 = vector.broadcast %broadcast_in_dim3A_306 : i32 to vector<16xi32>
            %gather3A_308 = tpu.vector_load_idx %arg19[%add3A_208, %broadcast_in_dim3A_307] : memref<160x32xf32, #tpu.memory_space<vmem>>[vector<16xi32>, vector<16xi32>], vector<16xf32>,
            %mul3A_309 = arith.mulf %gather3A_308, %mul3A_213 : vector<16xf32>
            tpu.vector_store_idx %arg19[%add3A_208, %broadcast_in_dim3A_307], %mul3A_309 : memref<160x32xf32, #tpu.memory_space<vmem>>[vector<16xi32>, vector<16xi32>], vector<16xf32>,
            %broadcast_in_dim3A_310 = arith.constant 24 : i32
            %broadcast_in_dim3A_311 = vector.broadcast %broadcast_in_dim3A_310 : i32 to vector<16xi32>
            %gather3A_312 = tpu.vector_load_idx %arg19[%add3A_208, %broadcast_in_dim3A_311] : memref<160x32xf32, #tpu.memory_space<vmem>>[vector<16xi32>, vector<16xi32>], vector<16xf32>,
            %mul3A_313 = arith.mulf %gather3A_312, %mul3A_213 : vector<16xf32>
            tpu.vector_store_idx %arg19[%add3A_208, %broadcast_in_dim3A_311], %mul3A_313 : memref<160x32xf32, #tpu.memory_space<vmem>>[vector<16xi32>, vector<16xi32>], vector<16xf32>,
            %broadcast_in_dim3A_314 = arith.constant 25 : i32
            %broadcast_in_dim3A_315 = vector.broadcast %broadcast_in_dim3A_314 : i32 to vector<16xi32>
            %gather3A_316 = tpu.vector_load_idx %arg19[%add3A_208, %broadcast_in_dim3A_315] : memref<160x32xf32, #tpu.memory_space<vmem>>[vector<16xi32>, vector<16xi32>], vector<16xf32>,
            %mul3A_317 = arith.mulf %gather3A_316, %mul3A_213 : vector<16xf32>
            tpu.vector_store_idx %arg19[%add3A_208, %broadcast_in_dim3A_315], %mul3A_317 : memref<160x32xf32, #tpu.memory_space<vmem>>[vector<16xi32>, vector<16xi32>], vector<16xf32>,
            %broadcast_in_dim3A_318 = arith.constant 26 : i32
            %broadcast_in_dim3A_319 = vector.broadcast %broadcast_in_dim3A_318 : i32 to vector<16xi32>
            %gather3A_320 = tpu.vector_load_idx %arg19[%add3A_208, %broadcast_in_dim3A_319] : memref<160x32xf32, #tpu.memory_space<vmem>>[vector<16xi32>, vector<16xi32>], vector<16xf32>,
            %mul3A_321 = arith.mulf %gather3A_320, %mul3A_213 : vector<16xf32>
            tpu.vector_store_idx %arg19[%add3A_208, %broadcast_in_dim3A_319], %mul3A_321 : memref<160x32xf32, #tpu.memory_space<vmem>>[vector<16xi32>, vector<16xi32>], vector<16xf32>,
            %broadcast_in_dim3A_322 = arith.constant 27 : i32
            %broadcast_in_dim3A_323 = vector.broadcast %broadcast_in_dim3A_322 : i32 to vector<16xi32>
            %gather3A_324 = tpu.vector_load_idx %arg19[%add3A_208, %broadcast_in_dim3A_323] : memref<160x32xf32, #tpu.memory_space<vmem>>[vector<16xi32>, vector<16xi32>], vector<16xf32>,
            %mul3A_325 = arith.mulf %gather3A_324, %mul3A_213 : vector<16xf32>
            tpu.vector_store_idx %arg19[%add3A_208, %broadcast_in_dim3A_323], %mul3A_325 : memref<160x32xf32, #tpu.memory_space<vmem>>[vector<16xi32>, vector<16xi32>], vector<16xf32>,
            %broadcast_in_dim3A_326 = arith.constant 28 : i32
            %broadcast_in_dim3A_327 = vector.broadcast %broadcast_in_dim3A_326 : i32 to vector<16xi32>
            %gather3A_328 = tpu.vector_load_idx %arg19[%add3A_208, %broadcast_in_dim3A_327] : memref<160x32xf32, #tpu.memory_space<vmem>>[vector<16xi32>, vector<16xi32>], vector<16xf32>,
            %mul3A_329 = arith.mulf %gather3A_328, %mul3A_213 : vector<16xf32>
            tpu.vector_store_idx %arg19[%add3A_208, %broadcast_in_dim3A_327], %mul3A_329 : memref<160x32xf32, #tpu.memory_space<vmem>>[vector<16xi32>, vector<16xi32>], vector<16xf32>,
            %broadcast_in_dim3A_330 = arith.constant 29 : i32
            %broadcast_in_dim3A_331 = vector.broadcast %broadcast_in_dim3A_330 : i32 to vector<16xi32>
            %gather3A_332 = tpu.vector_load_idx %arg19[%add3A_208, %broadcast_in_dim3A_331] : memref<160x32xf32, #tpu.memory_space<vmem>>[vector<16xi32>, vector<16xi32>], vector<16xf32>,
            %mul3A_333 = arith.mulf %gather3A_332, %mul3A_213 : vector<16xf32>
            tpu.vector_store_idx %arg19[%add3A_208, %broadcast_in_dim3A_331], %mul3A_333 : memref<160x32xf32, #tpu.memory_space<vmem>>[vector<16xi32>, vector<16xi32>], vector<16xf32>,
            %broadcast_in_dim3A_334 = arith.constant 30 : i32
            %broadcast_in_dim3A_335 = vector.broadcast %broadcast_in_dim3A_334 : i32 to vector<16xi32>
            %gather3A_336 = tpu.vector_load_idx %arg19[%add3A_208, %broadcast_in_dim3A_335] : memref<160x32xf32, #tpu.memory_space<vmem>>[vector<16xi32>, vector<16xi32>], vector<16xf32>,
            %mul3A_337 = arith.mulf %gather3A_336, %mul3A_213 : vector<16xf32>
            tpu.vector_store_idx %arg19[%add3A_208, %broadcast_in_dim3A_335], %mul3A_337 : memref<160x32xf32, #tpu.memory_space<vmem>>[vector<16xi32>, vector<16xi32>], vector<16xf32>,
            %broadcast_in_dim3A_338 = arith.constant 31 : i32
            %broadcast_in_dim3A_339 = vector.broadcast %broadcast_in_dim3A_338 : i32 to vector<16xi32>
            %gather3A_340 = tpu.vector_load_idx %arg19[%add3A_208, %broadcast_in_dim3A_339] : memref<160x32xf32, #tpu.memory_space<vmem>>[vector<16xi32>, vector<16xi32>], vector<16xf32>,
            %mul3A_341 = arith.mulf %gather3A_340, %mul3A_213 : vector<16xf32>
            tpu.vector_store_idx %arg19[%add3A_208, %broadcast_in_dim3A_339], %mul3A_341 : memref<160x32xf32, #tpu.memory_space<vmem>>[vector<16xi32>, vector<16xi32>], vector<16xf32>,
          }
          %scan3A_203 = arith.constant 10 : i32
          "tpu.region"() ({
            %run_scoped3A = tpu.sem_alloc : memref<!tpu.dma_semaphore, #tpu.memory_space<semaphore_mem>>
            %dma_start3A_204 = arith.constant 0 : i32
            %dma_start3A_205 = arith.constant 0 : i32
            %dma_start3A_206 = tpu.memref_slice %arg26[%dma_start3A_204, %dma_start3A_205] : memref<50000x32xf32, #tpu.memory_space<vmem_shared>> -> memref<50000x32xf32, #tpu.memory_space<vmem_shared>>
            tpu.enqueue_indirect_dma source(%arg19 : memref<160x32xf32, #tpu.memory_space<vmem>>) target(%dma_start3A_206 : memref<50000x32xf32, #tpu.memory_space<vmem_shared>>) offsets(%arg17 : memref<160xi32, #tpu.memory_space<vmem>>) semaphore(%run_scoped3A : memref<!tpu.dma_semaphore, #tpu.memory_space<semaphore_mem>>) {add = true}
            %dma_wait3A_207 = arith.constant 0 : i32
            %dma_wait3A_208 = arith.constant 0 : i32
            %dma_wait3A_209 = tpu.memref_slice %arg26[%dma_wait3A_207, %dma_wait3A_208] : memref<50000x32xf32, #tpu.memory_space<vmem_shared>> -> memref<50000x32xf32, #tpu.memory_space<vmem_shared>>
            tpu.wait_indirect_dma semaphore(%run_scoped3A : memref<!tpu.dma_semaphore, #tpu.memory_space<semaphore_mem>>) src(%arg19 : memref<160x32xf32, #tpu.memory_space<vmem>>) dst(%dma_wait3A_209 : memref<50000x32xf32, #tpu.memory_space<vmem_shared>>)
            tpu.yield
          }) : () -> ()
        } else {
        }
        %add3A_170 = arith.constant 2 : i32
        %add3A_171 = arith.addi %add3A_141, %add3A_170 : i32
        %mul3A_172 = arith.constant 16 : i32
        %mul3A_173 = arith.muli %mul3A_172, %add3A_171 : i32
        %add3A_174 = arith.addi %arg1, %mul3A_173 : i32
        %lt3A_175 = arith.constant 5000 : i32
        %lt3A_176 = arith.cmpi slt, %add3A_174, %lt3A_175 : i32
        %convert_element_type3A_177 = arith.extui %lt3A_176 : i1 to i32
        %cond3A_178 = arith.constant 0 : i32
        %cond3A_179 = arith.cmpi ne, %convert_element_type3A_177, %cond3A_178 : i32
        scf.if %cond3A_179 {
          %add3A_180 = arith.constant 2 : i32
          %add3A_181 = arith.addi %add3A_141, %add3A_180 : i32
          %mul3A_182 = arith.constant 16 : i32
          %mul3A_183 = arith.muli %mul3A_182, %add3A_181 : i32
          %add3A_184 = arith.addi %arg1, %mul3A_183 : i32
          %mul3A_185 = arith.constant 160 : i32
          %mul3A_186 = arith.muli %add3A_184, %mul3A_185 : i32
          %dma_start3A_187 = tpu.memref_slice %arg6[%mul3A_186] : memref<800000xi32, #tpu.memory_space<hbm>> -> memref<160xi32, #tpu.memory_space<hbm>>
          %dma_start3A_188 = tpu.memref_slice %arg6[%mul3A_186] : memref<800000xi32, #tpu.memory_space<hbm>> -> memref<160xi32, #tpu.memory_space<hbm>>
          tpu.enqueue_dma source(%dma_start3A_188 : memref<160xi32, #tpu.memory_space<hbm>>) target(%arg13 : memref<160xi32, #tpu.memory_space<vmem>>) target_semaphore(%arg28 : memref<!tpu.dma_semaphore, #tpu.memory_space<semaphore_mem>>)
          %mul3A_189 = arith.constant 16 : i32
          %mul3A_190 = arith.muli %mul3A_189, %add3A_181 : i32
          %add3A_191 = arith.addi %arg1, %mul3A_190 : i32
          %mul3A_192 = arith.constant 160 : i32
          %mul3A_193 = arith.muli %add3A_191, %mul3A_192 : i32
          %dma_start3A_194 = tpu.memref_slice %arg7[%mul3A_193] : memref<800000xi32, #tpu.memory_space<hbm>> -> memref<160xi32, #tpu.memory_space<hbm>>
          %dma_start3A_195 = tpu.memref_slice %arg7[%mul3A_193] : memref<800000xi32, #tpu.memory_space<hbm>> -> memref<160xi32, #tpu.memory_space<hbm>>
          tpu.enqueue_dma source(%dma_start3A_195 : memref<160xi32, #tpu.memory_space<hbm>>) target(%arg15 : memref<160xi32, #tpu.memory_space<vmem>>) target_semaphore(%arg28 : memref<!tpu.dma_semaphore, #tpu.memory_space<semaphore_mem>>)
          %mul3A_196 = arith.constant 16 : i32
          %mul3A_197 = arith.muli %mul3A_196, %add3A_181 : i32
          %add3A_198 = arith.addi %arg1, %mul3A_197 : i32
          %mul3A_199 = arith.constant 160 : i32
          %mul3A_200 = arith.muli %add3A_198, %mul3A_199 : i32
          %dma_start3A_201 = tpu.memref_slice %arg8[%mul3A_200] : memref<800000xi32, #tpu.memory_space<hbm>> -> memref<160xi32, #tpu.memory_space<hbm>>
          %dma_start3A_202 = tpu.memref_slice %arg8[%mul3A_200] : memref<800000xi32, #tpu.memory_space<hbm>> -> memref<160xi32, #tpu.memory_space<hbm>>
          tpu.enqueue_dma source(%dma_start3A_202 : memref<160xi32, #tpu.memory_space<hbm>>) target(%arg17 : memref<160xi32, #tpu.memory_space<vmem>>) target_semaphore(%arg28 : memref<!tpu.dma_semaphore, #tpu.memory_space<semaphore_mem>>)
        } else {
        }
      }
      %scan3A_90 = arith.constant 158 : i32
      %barrier3A_91 = arith.constant 0 : index
      tpu.barrier barrier_id(%barrier3A_91)
      %scan3A_92 = arith.constant 0 : i32
      %scan3A_93 = arith.constant 0 : i32
      %scan3A_94 = arith.constant 16 : i32
      %scan3A_95 = arith.addi %scan3A_93, %scan3A_94 : i32
      %scan3A_96 = arith.constant 1 : i32
      scf.for %scan3A_98 = %scan3A_93 to %scan3A_95 step %scan3A_96  : i32 {
        %mul3A_99 = arith.constant 16 : i32
        %mul3A_100 = arith.muli %mul3A_99, %scan3A_98 : i32
        %add3A_101 = arith.addi %arg1, %mul3A_100 : i32
        %lt3A = arith.constant 250 : i32
        %lt3A_102 = arith.cmpi slt, %add3A_101, %lt3A : i32
        %convert_element_type3A_103 = arith.extui %lt3A_102 : i1 to i32
        %cond3A_104 = arith.constant 0 : i32
        %cond3A_105 = arith.cmpi ne, %convert_element_type3A_103, %cond3A_104 : i32
        scf.if %cond3A_105 {
          %mul3A_106 = arith.constant 200 : i32
          %mul3A_107 = arith.muli %add3A_101, %mul3A_106 : i32
          "tpu.region"() ({
            %run_scoped3A = tpu.sem_alloc : memref<!tpu.dma_semaphore, #tpu.memory_space<semaphore_mem>>
            %dma_start3A_110 = arith.constant 0 : i32
            %dma_start3A_111 = tpu.memref_slice %arg26[%mul3A_107, %dma_start3A_110] : memref<50000x32xf32, #tpu.memory_space<vmem_shared>> -> memref<200x32xf32, #tpu.memory_space<vmem_shared>>
            %dma_start3A_112 = arith.constant 0 : i32
            %dma_start3A_113 = tpu.memref_slice %arg26[%mul3A_107, %dma_start3A_112] : memref<50000x32xf32, #tpu.memory_space<vmem_shared>> -> memref<200x32xf32, #tpu.memory_space<vmem_shared>>
            tpu.enqueue_dma source(%dma_start3A_113 : memref<200x32xf32, #tpu.memory_space<vmem_shared>>) target(%arg24 : memref<200x32xf32, #tpu.memory_space<vmem>>) target_semaphore(%run_scoped3A : memref<!tpu.dma_semaphore, #tpu.memory_space<semaphore_mem>>)
            %dma_wait3A_114 = arith.constant 0 : i32
            %dma_wait3A_115 = tpu.memref_slice %arg26[%mul3A_107, %dma_wait3A_114] : memref<50000x32xf32, #tpu.memory_space<vmem_shared>> -> memref<200x32xf32, #tpu.memory_space<vmem_shared>>
            %dma_wait3A_116 = arith.constant 0 : i32
            %dma_wait3A_117 = tpu.memref_slice %arg26[%mul3A_107, %dma_wait3A_116] : memref<50000x32xf32, #tpu.memory_space<vmem_shared>> -> memref<200x32xf32, #tpu.memory_space<vmem_shared>>
            tpu.wait_dma2 semaphore(%run_scoped3A : memref<!tpu.dma_semaphore, #tpu.memory_space<semaphore_mem>>) src(%dma_wait3A_117 : memref<200x32xf32, #tpu.memory_space<vmem_shared>>) dst(%arg24 : memref<200x32xf32, #tpu.memory_space<vmem>>)
            tpu.yield
          }) : () -> ()
          %mul3A_108 = arith.constant 200 : i32
          %mul3A_109 = arith.muli %add3A_101, %mul3A_108 : i32
          "tpu.region"() ({
            %run_scoped3A = tpu.sem_alloc : memref<!tpu.dma_semaphore, #tpu.memory_space<semaphore_mem>>
            %dma_start3A_110 = arith.constant 0 : i32
            %dma_start3A_111 = tpu.memref_slice %arg10[%mul3A_109, %dma_start3A_110] : memref<50000x32xf32, #tpu.memory_space<hbm>> -> memref<200x32xf32, #tpu.memory_space<hbm>>
            %dma_start3A_112 = arith.constant 0 : i32
            %dma_start3A_113 = tpu.memref_slice %arg10[%mul3A_109, %dma_start3A_112] : memref<50000x32xf32, #tpu.memory_space<hbm>> -> memref<200x32xf32, #tpu.memory_space<hbm>>
            tpu.enqueue_dma source(%arg24 : memref<200x32xf32, #tpu.memory_space<vmem>>) target(%dma_start3A_113 : memref<200x32xf32, #tpu.memory_space<hbm>>) target_semaphore(%run_scoped3A : memref<!tpu.dma_semaphore, #tpu.memory_space<semaphore_mem>>)
            %dma_wait3A_114 = arith.constant 0 : i32
            %dma_wait3A_115 = tpu.memref_slice %arg10[%mul3A_109, %dma_wait3A_114] : memref<50000x32xf32, #tpu.memory_space<hbm>> -> memref<200x32xf32, #tpu.memory_space<hbm>>
            %dma_wait3A_116 = arith.constant 0 : i32
            %dma_wait3A_117 = tpu.memref_slice %arg10[%mul3A_109, %dma_wait3A_116] : memref<50000x32xf32, #tpu.memory_space<hbm>> -> memref<200x32xf32, #tpu.memory_space<hbm>>
            tpu.wait_dma2 semaphore(%run_scoped3A : memref<!tpu.dma_semaphore, #tpu.memory_space<semaphore_mem>>) src(%arg24 : memref<200x32xf32, #tpu.memory_space<vmem>>) dst(%dma_wait3A_117 : memref<200x32xf32, #tpu.memory_space<hbm>>)
            tpu.yield
          }) : () -> ()
        } else {
        }
      }
      %scan3A_97 = arith.constant 16 : i32
    } else {
    }
    %eq3A_2 = arith.constant 1 : i32
    %eq3A_3 = arith.cmpi eq, %arg0, %eq3A_2 : i32
    %convert_element_type3A_4 = arith.extui %eq3A_3 : i1 to i32
    %cond3A_5 = arith.constant 0 : i32
    %cond3A_6 = arith.cmpi ne, %convert_element_type3A_4, %cond3A_5 : i32
    scf.if %cond3A_6 {
      %get3A = arith.constant 32 : index
      %get3A_7 = tpu.vector_load %arg25[%get3A] {strides = array<i32>} : memref<64xf32, #tpu.memory_space<vmem>>, vector<16xf32>,
      %get3A_8 = arith.constant 48 : index
      %get3A_9 = tpu.vector_load %arg25[%get3A_8] {strides = array<i32>} : memref<64xf32, #tpu.memory_space<vmem>>, vector<16xf32>,
      %scan3A = arith.constant 0 : i32
      %scan3A_10 = arith.constant 0 : i32
      %scan3A_11 = arith.constant 200 : i32
      %scan3A_12 = arith.addi %scan3A_10, %scan3A_11 : i32
      %scan3A_13 = arith.constant 1 : i32
      scf.for %scan3A_98 = %scan3A_10 to %scan3A_12 step %scan3A_13  : i32 {
        %broadcast_in_dim3A = vector.broadcast %scan3A_98 : i32 to vector<16xi32>
        tpu.vector_store_idx %arg24[%broadcast_in_dim3A, %iota3A], %get3A_7 : memref<200x32xf32, #tpu.memory_space<vmem>>[vector<16xi32>, vector<16xi32>], vector<16xf32>,
        %add3A_99 = arith.constant 16 : i32
        %add3A_100 = vector.broadcast %add3A_99 : i32 to vector<16xi32>
        %add3A_101 = arith.addi %iota3A, %add3A_100 : vector<16xi32>
        tpu.vector_store_idx %arg24[%broadcast_in_dim3A, %add3A_101], %get3A_9 : memref<200x32xf32, #tpu.memory_space<vmem>>[vector<16xi32>, vector<16xi32>], vector<16xf32>,
      }
      %scan3A_14 = arith.constant 200 : i32
      %scan3A_15 = arith.constant 0 : i32
      %scan3A_16 = arith.constant 0 : i32
      %scan3A_17 = arith.constant 16 : i32
      %scan3A_18 = arith.addi %scan3A_16, %scan3A_17 : i32
      %scan3A_19 = arith.constant 1 : i32
      scf.for %scan3A_98 = %scan3A_16 to %scan3A_18 step %scan3A_19  : i32 {
        %mul3A_99 = arith.constant 16 : i32
        %mul3A_100 = arith.muli %mul3A_99, %scan3A_98 : i32
        %add3A_101 = arith.addi %arg1, %mul3A_100 : i32
        %lt3A = arith.constant 250 : i32
        %lt3A_102 = arith.cmpi slt, %add3A_101, %lt3A : i32
        %convert_element_type3A_103 = arith.extui %lt3A_102 : i1 to i32
        %cond3A_104 = arith.constant 0 : i32
        %cond3A_105 = arith.cmpi ne, %convert_element_type3A_103, %cond3A_104 : i32
        scf.if %cond3A_105 {
          %mul3A_106 = arith.constant 200 : i32
          %mul3A_107 = arith.muli %add3A_101, %mul3A_106 : i32
          "tpu.region"() ({
            %run_scoped3A = tpu.sem_alloc : memref<!tpu.dma_semaphore, #tpu.memory_space<semaphore_mem>>
            %dma_start3A_108 = arith.constant 0 : i32
            %dma_start3A_109 = tpu.memref_slice %arg26[%mul3A_107, %dma_start3A_108] : memref<50000x32xf32, #tpu.memory_space<vmem_shared>> -> memref<200x32xf32, #tpu.memory_space<vmem_shared>>
            %dma_start3A_110 = arith.constant 0 : i32
            %dma_start3A_111 = tpu.memref_slice %arg26[%mul3A_107, %dma_start3A_110] : memref<50000x32xf32, #tpu.memory_space<vmem_shared>> -> memref<200x32xf32, #tpu.memory_space<vmem_shared>>
            tpu.enqueue_dma source(%arg24 : memref<200x32xf32, #tpu.memory_space<vmem>>) target(%dma_start3A_111 : memref<200x32xf32, #tpu.memory_space<vmem_shared>>) target_semaphore(%run_scoped3A : memref<!tpu.dma_semaphore, #tpu.memory_space<semaphore_mem>>)
            %dma_wait3A_112 = arith.constant 0 : i32
            %dma_wait3A_113 = tpu.memref_slice %arg26[%mul3A_107, %dma_wait3A_112] : memref<50000x32xf32, #tpu.memory_space<vmem_shared>> -> memref<200x32xf32, #tpu.memory_space<vmem_shared>>
            %dma_wait3A_114 = arith.constant 0 : i32
            %dma_wait3A_115 = tpu.memref_slice %arg26[%mul3A_107, %dma_wait3A_114] : memref<50000x32xf32, #tpu.memory_space<vmem_shared>> -> memref<200x32xf32, #tpu.memory_space<vmem_shared>>
            tpu.wait_dma2 semaphore(%run_scoped3A : memref<!tpu.dma_semaphore, #tpu.memory_space<semaphore_mem>>) src(%arg24 : memref<200x32xf32, #tpu.memory_space<vmem>>) dst(%dma_wait3A_115 : memref<200x32xf32, #tpu.memory_space<vmem_shared>>)
            tpu.yield
          }) : () -> ()
        } else {
        }
      }
      %scan3A_20 = arith.constant 16 : i32
      %barrier3A = arith.constant 0 : index
      tpu.barrier barrier_id(%barrier3A)
      %add3A = arith.constant 0 : i32
      %add3A_21 = arith.addi %arg1, %add3A : i32
      %mul3A = arith.constant 160 : i32
      %mul3A_22 = arith.muli %add3A_21, %mul3A : i32
      %dma_start3A = tpu.memref_slice %arg6[%mul3A_22] : memref<800000xi32, #tpu.memory_space<hbm>> -> memref<160xi32, #tpu.memory_space<hbm>>
      %dma_start3A_23 = tpu.memref_slice %arg6[%mul3A_22] : memref<800000xi32, #tpu.memory_space<hbm>> -> memref<160xi32, #tpu.memory_space<hbm>>
      tpu.enqueue_dma source(%dma_start3A_23 : memref<160xi32, #tpu.memory_space<hbm>>) target(%arg12 : memref<160xi32, #tpu.memory_space<vmem>>) target_semaphore(%arg27 : memref<!tpu.dma_semaphore, #tpu.memory_space<semaphore_mem>>)
      %add3A_24 = arith.constant 0 : i32
      %add3A_25 = arith.addi %arg1, %add3A_24 : i32
      %mul3A_26 = arith.constant 160 : i32
      %mul3A_27 = arith.muli %add3A_25, %mul3A_26 : i32
      %dma_start3A_28 = tpu.memref_slice %arg7[%mul3A_27] : memref<800000xi32, #tpu.memory_space<hbm>> -> memref<160xi32, #tpu.memory_space<hbm>>
      %dma_start3A_29 = tpu.memref_slice %arg7[%mul3A_27] : memref<800000xi32, #tpu.memory_space<hbm>> -> memref<160xi32, #tpu.memory_space<hbm>>
      tpu.enqueue_dma source(%dma_start3A_29 : memref<160xi32, #tpu.memory_space<hbm>>) target(%arg14 : memref<160xi32, #tpu.memory_space<vmem>>) target_semaphore(%arg27 : memref<!tpu.dma_semaphore, #tpu.memory_space<semaphore_mem>>)
      %add3A_30 = arith.constant 0 : i32
      %add3A_31 = arith.addi %arg1, %add3A_30 : i32
      %mul3A_32 = arith.constant 160 : i32
      %mul3A_33 = arith.muli %add3A_31, %mul3A_32 : i32
      %dma_start3A_34 = tpu.memref_slice %arg8[%mul3A_33] : memref<800000xi32, #tpu.memory_space<hbm>> -> memref<160xi32, #tpu.memory_space<hbm>>
      %dma_start3A_35 = tpu.memref_slice %arg8[%mul3A_33] : memref<800000xi32, #tpu.memory_space<hbm>> -> memref<160xi32, #tpu.memory_space<hbm>>
      tpu.enqueue_dma source(%dma_start3A_35 : memref<160xi32, #tpu.memory_space<hbm>>) target(%arg16 : memref<160xi32, #tpu.memory_space<vmem>>) target_semaphore(%arg27 : memref<!tpu.dma_semaphore, #tpu.memory_space<semaphore_mem>>)
      %add3A_36 = arith.constant 16 : i32
      %add3A_37 = arith.addi %arg1, %add3A_36 : i32
      %mul3A_38 = arith.constant 160 : i32
      %mul3A_39 = arith.muli %add3A_37, %mul3A_38 : i32
      %dma_start3A_40 = tpu.memref_slice %arg6[%mul3A_39] : memref<800000xi32, #tpu.memory_space<hbm>> -> memref<160xi32, #tpu.memory_space<hbm>>
      %dma_start3A_41 = tpu.memref_slice %arg6[%mul3A_39] : memref<800000xi32, #tpu.memory_space<hbm>> -> memref<160xi32, #tpu.memory_space<hbm>>
      tpu.enqueue_dma source(%dma_start3A_41 : memref<160xi32, #tpu.memory_space<hbm>>) target(%arg13 : memref<160xi32, #tpu.memory_space<vmem>>) target_semaphore(%arg28 : memref<!tpu.dma_semaphore, #tpu.memory_space<semaphore_mem>>)
      %add3A_42 = arith.constant 16 : i32
      %add3A_43 = arith.addi %arg1, %add3A_42 : i32
      %mul3A_44 = arith.constant 160 : i32
      %mul3A_45 = arith.muli %add3A_43, %mul3A_44 : i32
      %dma_start3A_46 = tpu.memref_slice %arg7[%mul3A_45] : memref<800000xi32, #tpu.memory_space<hbm>> -> memref<160xi32, #tpu.memory_space<hbm>>
      %dma_start3A_47 = tpu.memref_slice %arg7[%mul3A_45] : memref<800000xi32, #tpu.memory_space<hbm>> -> memref<160xi32, #tpu.memory_space<hbm>>
      tpu.enqueue_dma source(%dma_start3A_47 : memref<160xi32, #tpu.memory_space<hbm>>) target(%arg15 : memref<160xi32, #tpu.memory_space<vmem>>) target_semaphore(%arg28 : memref<!tpu.dma_semaphore, #tpu.memory_space<semaphore_mem>>)
      %add3A_48 = arith.constant 16 : i32
      %add3A_49 = arith.addi %arg1, %add3A_48 : i32
      %mul3A_50 = arith.constant 160 : i32
      %mul3A_51 = arith.muli %add3A_49, %mul3A_50 : i32
      %dma_start3A_52 = tpu.memref_slice %arg8[%mul3A_51] : memref<800000xi32, #tpu.memory_space<hbm>> -> memref<160xi32, #tpu.memory_space<hbm>>
      %dma_start3A_53 = tpu.memref_slice %arg8[%mul3A_51] : memref<800000xi32, #tpu.memory_space<hbm>> -> memref<160xi32, #tpu.memory_space<hbm>>
      tpu.enqueue_dma source(%dma_start3A_53 : memref<160xi32, #tpu.memory_space<hbm>>) target(%arg17 : memref<160xi32, #tpu.memory_space<vmem>>) target_semaphore(%arg28 : memref<!tpu.dma_semaphore, #tpu.memory_space<semaphore_mem>>)
      %add3A_54 = arith.constant 0 : i32
      %add3A_55 = arith.addi %arg1, %add3A_54 : i32
      %mul3A_56 = arith.constant 160 : i32
      %mul3A_57 = arith.muli %add3A_55, %mul3A_56 : i32
      %dma_wait3A = tpu.memref_slice %arg6[%mul3A_57] : memref<800000xi32, #tpu.memory_space<hbm>> -> memref<160xi32, #tpu.memory_space<hbm>>
      %dma_wait3A_58 = tpu.memref_slice %arg6[%mul3A_57] : memref<800000xi32, #tpu.memory_space<hbm>> -> memref<160xi32, #tpu.memory_space<hbm>>
      tpu.wait_dma2 semaphore(%arg27 : memref<!tpu.dma_semaphore, #tpu.memory_space<semaphore_mem>>) src(%dma_wait3A_58 : memref<160xi32, #tpu.memory_space<hbm>>) dst(%arg12 : memref<160xi32, #tpu.memory_space<vmem>>)
      %add3A_59 = arith.constant 0 : i32
      %add3A_60 = arith.addi %arg1, %add3A_59 : i32
      %mul3A_61 = arith.constant 160 : i32
      %mul3A_62 = arith.muli %add3A_60, %mul3A_61 : i32
      %dma_wait3A_63 = tpu.memref_slice %arg7[%mul3A_62] : memref<800000xi32, #tpu.memory_space<hbm>> -> memref<160xi32, #tpu.memory_space<hbm>>
      %dma_wait3A_64 = tpu.memref_slice %arg7[%mul3A_62] : memref<800000xi32, #tpu.memory_space<hbm>> -> memref<160xi32, #tpu.memory_space<hbm>>
      tpu.wait_dma2 semaphore(%arg27 : memref<!tpu.dma_semaphore, #tpu.memory_space<semaphore_mem>>) src(%dma_wait3A_64 : memref<160xi32, #tpu.memory_space<hbm>>) dst(%arg14 : memref<160xi32, #tpu.memory_space<vmem>>)
      %add3A_65 = arith.constant 0 : i32
      %add3A_66 = arith.addi %arg1, %add3A_65 : i32
      %mul3A_67 = arith.constant 160 : i32
      %mul3A_68 = arith.muli %add3A_66, %mul3A_67 : i32
      %dma_wait3A_69 = tpu.memref_slice %arg8[%mul3A_68] : memref<800000xi32, #tpu.memory_space<hbm>> -> memref<160xi32, #tpu.memory_space<hbm>>
      %dma_wait3A_70 = tpu.memref_slice %arg8[%mul3A_68] : memref<800000xi32, #tpu.memory_space<hbm>> -> memref<160xi32, #tpu.memory_space<hbm>>
      tpu.wait_dma2 semaphore(%arg27 : memref<!tpu.dma_semaphore, #tpu.memory_space<semaphore_mem>>) src(%dma_wait3A_70 : memref<160xi32, #tpu.memory_space<hbm>>) dst(%arg16 : memref<160xi32, #tpu.memory_space<vmem>>)
      %dma_start3A_71 = arith.constant 0 : i32
      %dma_start3A_72 = arith.constant 0 : i32
      %dma_start3A_73 = tpu.memref_slice %arg3[%dma_start3A_71, %dma_start3A_72] : memref<100000x32xf32, #tpu.memory_space<hbm>> -> memref<100000x32xf32, #tpu.memory_space<hbm>>
      tpu.enqueue_indirect_dma source(%dma_start3A_73 : memref<100000x32xf32, #tpu.memory_space<hbm>>) target(%arg18 : memref<160x32xf32, #tpu.memory_space<vmem>>) offsets(%arg12 : memref<160xi32, #tpu.memory_space<vmem>>) semaphore(%arg29 : memref<!tpu.dma_semaphore, #tpu.memory_space<semaphore_mem>>)
      %dma_start3A_74 = arith.constant 0 : i32
      %dma_start3A_75 = arith.constant 0 : i32
      %dma_start3A_76 = tpu.memref_slice %arg5[%dma_start3A_74, %dma_start3A_75] : memref<100000x8xf32, #tpu.memory_space<hbm>> -> memref<100000x8xf32, #tpu.memory_space<hbm>>
      tpu.enqueue_indirect_dma source(%dma_start3A_76 : memref<100000x8xf32, #tpu.memory_space<hbm>>) target(%arg22 : memref<160x8xf32, #tpu.memory_space<vmem>>) offsets(%arg14 : memref<160xi32, #tpu.memory_space<vmem>>) semaphore(%arg29 : memref<!tpu.dma_semaphore, #tpu.memory_space<semaphore_mem>>)
      %add3A_77 = arith.constant 0 : i32
      %add3A_78 = arith.addi %arg1, %add3A_77 : i32
      %mul3A_79 = arith.constant 160 : i32
      %mul3A_80 = arith.muli %add3A_78, %mul3A_79 : i32
      %dma_start3A_81 = arith.constant 0 : i32
      %dma_start3A_82 = tpu.memref_slice %arg4[%mul3A_80, %dma_start3A_81] : memref<800000x8xf32, #tpu.memory_space<hbm>> -> memref<160x8xf32, #tpu.memory_space<hbm>>
      %dma_start3A_83 = arith.constant 0 : i32
      %dma_start3A_84 = tpu.memref_slice %arg4[%mul3A_80, %dma_start3A_83] : memref<800000x8xf32, #tpu.memory_space<hbm>> -> memref<160x8xf32, #tpu.memory_space<hbm>>
      tpu.enqueue_dma source(%dma_start3A_84 : memref<160x8xf32, #tpu.memory_space<hbm>>) target(%arg20 : memref<160x8xf32, #tpu.memory_space<vmem>>) target_semaphore(%arg29 : memref<!tpu.dma_semaphore, #tpu.memory_space<semaphore_mem>>)
      %scan3A_85 = arith.constant 0 : i32
      %scan3A_86 = arith.constant 0 : i32
      %scan3A_87 = arith.constant 158 : i32
      %scan3A_88 = arith.addi %scan3A_86, %scan3A_87 : i32
      %scan3A_89 = arith.constant 1 : i32
      scf.for %scan3A_98 = %scan3A_86 to %scan3A_88 step %scan3A_89  : i32 {
        %mul3A_99 = arith.constant 2 : i32
        %mul3A_100 = arith.muli %mul3A_99, %scan3A_98 : i32
        %add3A_101 = arith.constant 1 : i32
        %add3A_102 = arith.addi %mul3A_100, %add3A_101 : i32
        %mul3A_103 = arith.constant 16 : i32
        %mul3A_104 = arith.muli %mul3A_103, %add3A_102 : i32
        %add3A_105 = arith.addi %arg1, %mul3A_104 : i32
        %lt3A = arith.constant 5000 : i32
        %lt3A_106 = arith.cmpi slt, %add3A_105, %lt3A : i32
        %convert_element_type3A_107 = arith.extui %lt3A_106 : i1 to i32
        %cond3A_108 = arith.constant 0 : i32
        %cond3A_109 = arith.cmpi ne, %convert_element_type3A_107, %cond3A_108 : i32
        scf.if %cond3A_109 {
          %add3A_180 = arith.constant 1 : i32
          %add3A_181 = arith.addi %mul3A_100, %add3A_180 : i32
          %mul3A_182 = arith.constant 16 : i32
          %mul3A_183 = arith.muli %mul3A_182, %add3A_181 : i32
          %add3A_184 = arith.addi %arg1, %mul3A_183 : i32
          %mul3A_185 = arith.constant 160 : i32
          %mul3A_186 = arith.muli %add3A_184, %mul3A_185 : i32
          %dma_wait3A_187 = tpu.memref_slice %arg6[%mul3A_186] : memref<800000xi32, #tpu.memory_space<hbm>> -> memref<160xi32, #tpu.memory_space<hbm>>
          %dma_wait3A_188 = tpu.memref_slice %arg6[%mul3A_186] : memref<800000xi32, #tpu.memory_space<hbm>> -> memref<160xi32, #tpu.memory_space<hbm>>
          tpu.wait_dma2 semaphore(%arg28 : memref<!tpu.dma_semaphore, #tpu.memory_space<semaphore_mem>>) src(%dma_wait3A_188 : memref<160xi32, #tpu.memory_space<hbm>>) dst(%arg13 : memref<160xi32, #tpu.memory_space<vmem>>)
          %mul3A_189 = arith.constant 16 : i32
          %mul3A_190 = arith.muli %mul3A_189, %add3A_181 : i32
          %add3A_191 = arith.addi %arg1, %mul3A_190 : i32
          %mul3A_192 = arith.constant 160 : i32
          %mul3A_193 = arith.muli %add3A_191, %mul3A_192 : i32
          %dma_wait3A_194 = tpu.memref_slice %arg7[%mul3A_193] : memref<800000xi32, #tpu.memory_space<hbm>> -> memref<160xi32, #tpu.memory_space<hbm>>
          %dma_wait3A_195 = tpu.memref_slice %arg7[%mul3A_193] : memref<800000xi32, #tpu.memory_space<hbm>> -> memref<160xi32, #tpu.memory_space<hbm>>
          tpu.wait_dma2 semaphore(%arg28 : memref<!tpu.dma_semaphore, #tpu.memory_space<semaphore_mem>>) src(%dma_wait3A_195 : memref<160xi32, #tpu.memory_space<hbm>>) dst(%arg15 : memref<160xi32, #tpu.memory_space<vmem>>)
          %mul3A_196 = arith.constant 16 : i32
          %mul3A_197 = arith.muli %mul3A_196, %add3A_181 : i32
          %add3A_198 = arith.addi %arg1, %mul3A_197 : i32
          %mul3A_199 = arith.constant 160 : i32
          %mul3A_200 = arith.muli %add3A_198, %mul3A_199 : i32
          %dma_wait3A_201 = tpu.memref_slice %arg8[%mul3A_200] : memref<800000xi32, #tpu.memory_space<hbm>> -> memref<160xi32, #tpu.memory_space<hbm>>
          %dma_wait3A_202 = tpu.memref_slice %arg8[%mul3A_200] : memref<800000xi32, #tpu.memory_space<hbm>> -> memref<160xi32, #tpu.memory_space<hbm>>
          tpu.wait_dma2 semaphore(%arg28 : memref<!tpu.dma_semaphore, #tpu.memory_space<semaphore_mem>>) src(%dma_wait3A_202 : memref<160xi32, #tpu.memory_space<hbm>>) dst(%arg17 : memref<160xi32, #tpu.memory_space<vmem>>)
        } else {
        }
        %add3A_110 = arith.constant 1 : i32
        %add3A_111 = arith.addi %mul3A_100, %add3A_110 : i32
        %mul3A_112 = arith.constant 16 : i32
        %mul3A_113 = arith.muli %mul3A_112, %add3A_111 : i32
        %add3A_114 = arith.addi %arg1, %mul3A_113 : i32
        %lt3A_115 = arith.constant 5000 : i32
        %lt3A_116 = arith.cmpi slt, %add3A_114, %lt3A_115 : i32
        %convert_element_type3A_117 = arith.extui %lt3A_116 : i1 to i32
        %cond3A_118 = arith.constant 0 : i32
        %cond3A_119 = arith.cmpi ne, %convert_element_type3A_117, %cond3A_118 : i32
        scf.if %cond3A_119 {
          %add3A_180 = arith.constant 1 : i32
          %add3A_181 = arith.addi %mul3A_100, %add3A_180 : i32
          %dma_start3A_182 = arith.constant 0 : i32
          %dma_start3A_183 = arith.constant 0 : i32
          %dma_start3A_184 = tpu.memref_slice %arg3[%dma_start3A_182, %dma_start3A_183] : memref<100000x32xf32, #tpu.memory_space<hbm>> -> memref<100000x32xf32, #tpu.memory_space<hbm>>
          tpu.enqueue_indirect_dma source(%dma_start3A_184 : memref<100000x32xf32, #tpu.memory_space<hbm>>) target(%arg19 : memref<160x32xf32, #tpu.memory_space<vmem>>) offsets(%arg13 : memref<160xi32, #tpu.memory_space<vmem>>) semaphore(%arg30 : memref<!tpu.dma_semaphore, #tpu.memory_space<semaphore_mem>>)
          %dma_start3A_185 = arith.constant 0 : i32
          %dma_start3A_186 = arith.constant 0 : i32
          %dma_start3A_187 = tpu.memref_slice %arg5[%dma_start3A_185, %dma_start3A_186] : memref<100000x8xf32, #tpu.memory_space<hbm>> -> memref<100000x8xf32, #tpu.memory_space<hbm>>
          tpu.enqueue_indirect_dma source(%dma_start3A_187 : memref<100000x8xf32, #tpu.memory_space<hbm>>) target(%arg23 : memref<160x8xf32, #tpu.memory_space<vmem>>) offsets(%arg15 : memref<160xi32, #tpu.memory_space<vmem>>) semaphore(%arg30 : memref<!tpu.dma_semaphore, #tpu.memory_space<semaphore_mem>>)
          %mul3A_188 = arith.constant 16 : i32
          %mul3A_189 = arith.muli %mul3A_188, %add3A_181 : i32
          %add3A_190 = arith.addi %arg1, %mul3A_189 : i32
          %mul3A_191 = arith.constant 160 : i32
          %mul3A_192 = arith.muli %add3A_190, %mul3A_191 : i32
          %dma_start3A_193 = arith.constant 0 : i32
          %dma_start3A_194 = tpu.memref_slice %arg4[%mul3A_192, %dma_start3A_193] : memref<800000x8xf32, #tpu.memory_space<hbm>> -> memref<160x8xf32, #tpu.memory_space<hbm>>
          %dma_start3A_195 = arith.constant 0 : i32
          %dma_start3A_196 = tpu.memref_slice %arg4[%mul3A_192, %dma_start3A_195] : memref<800000x8xf32, #tpu.memory_space<hbm>> -> memref<160x8xf32, #tpu.memory_space<hbm>>
          tpu.enqueue_dma source(%dma_start3A_196 : memref<160x8xf32, #tpu.memory_space<hbm>>) target(%arg21 : memref<160x8xf32, #tpu.memory_space<vmem>>) target_semaphore(%arg30 : memref<!tpu.dma_semaphore, #tpu.memory_space<semaphore_mem>>)
        } else {
        }
        %mul3A_120 = arith.constant 16 : i32
        %mul3A_121 = arith.muli %mul3A_120, %mul3A_100 : i32
        %add3A_122 = arith.addi %arg1, %mul3A_121 : i32
        %lt3A_123 = arith.constant 5000 : i32
        %lt3A_124 = arith.cmpi slt, %add3A_122, %lt3A_123 : i32
        %convert_element_type3A_125 = arith.extui %lt3A_124 : i1 to i32
        %cond3A_126 = arith.constant 0 : i32
        %cond3A_127 = arith.cmpi ne, %convert_element_type3A_125, %cond3A_126 : i32
        scf.if %cond3A_127 {
          %dma_wait3A_180 = arith.constant 0 : i32
          %dma_wait3A_181 = arith.constant 0 : i32
          %dma_wait3A_182 = tpu.memref_slice %arg3[%dma_wait3A_180, %dma_wait3A_181] : memref<100000x32xf32, #tpu.memory_space<hbm>> -> memref<100000x32xf32, #tpu.memory_space<hbm>>
          tpu.wait_indirect_dma semaphore(%arg29 : memref<!tpu.dma_semaphore, #tpu.memory_space<semaphore_mem>>) src(%dma_wait3A_182 : memref<100000x32xf32, #tpu.memory_space<hbm>>) dst(%arg18 : memref<160x32xf32, #tpu.memory_space<vmem>>)
          %dma_wait3A_183 = arith.constant 0 : i32
          %dma_wait3A_184 = arith.constant 0 : i32
          %dma_wait3A_185 = tpu.memref_slice %arg5[%dma_wait3A_183, %dma_wait3A_184] : memref<100000x8xf32, #tpu.memory_space<hbm>> -> memref<100000x8xf32, #tpu.memory_space<hbm>>
          tpu.wait_indirect_dma semaphore(%arg29 : memref<!tpu.dma_semaphore, #tpu.memory_space<semaphore_mem>>) src(%dma_wait3A_185 : memref<100000x8xf32, #tpu.memory_space<hbm>>) dst(%arg22 : memref<160x8xf32, #tpu.memory_space<vmem>>)
          %mul3A_186 = arith.constant 16 : i32
          %mul3A_187 = arith.muli %mul3A_186, %mul3A_100 : i32
          %add3A_188 = arith.addi %arg1, %mul3A_187 : i32
          %mul3A_189 = arith.constant 160 : i32
          %mul3A_190 = arith.muli %add3A_188, %mul3A_189 : i32
          %dma_wait3A_191 = arith.constant 0 : i32
          %dma_wait3A_192 = tpu.memref_slice %arg4[%mul3A_190, %dma_wait3A_191] : memref<800000x8xf32, #tpu.memory_space<hbm>> -> memref<160x8xf32, #tpu.memory_space<hbm>>
          %dma_wait3A_193 = arith.constant 0 : i32
          %dma_wait3A_194 = tpu.memref_slice %arg4[%mul3A_190, %dma_wait3A_193] : memref<800000x8xf32, #tpu.memory_space<hbm>> -> memref<160x8xf32, #tpu.memory_space<hbm>>
          tpu.wait_dma2 semaphore(%arg29 : memref<!tpu.dma_semaphore, #tpu.memory_space<semaphore_mem>>) src(%dma_wait3A_194 : memref<160x8xf32, #tpu.memory_space<hbm>>) dst(%arg20 : memref<160x8xf32, #tpu.memory_space<vmem>>)
          %broadcast_in_dim3A = arith.constant 2 : i32
          %broadcast_in_dim3A_195 = vector.broadcast %broadcast_in_dim3A : i32 to vector<16xi32>
          %broadcast_in_dim3A_196 = arith.constant 3 : i32
          %broadcast_in_dim3A_197 = vector.broadcast %broadcast_in_dim3A_196 : i32 to vector<16xi32>
          %scan3A_198 = arith.constant 0 : i32
          %scan3A_199 = arith.constant 0 : i32
          %scan3A_200 = arith.constant 10 : i32
          %scan3A_201 = arith.addi %scan3A_199, %scan3A_200 : i32
          %scan3A_202 = arith.constant 1 : i32
          scf.for %scan3A_204 = %scan3A_199 to %scan3A_201 step %scan3A_202  : i32 {
            %mul3A_205 = arith.constant 16 : i32
            %mul3A_206 = arith.muli %scan3A_204, %mul3A_205 : i32
            %add3A_207 = vector.broadcast %mul3A_206 : i32 to vector<16xi32>
            %add3A_208 = arith.addi %iota3A, %add3A_207 : vector<16xi32>
            %gather3A = tpu.vector_load_idx %arg20[%add3A_208, %broadcast_in_dim3A_195] : memref<160x8xf32, #tpu.memory_space<vmem>>[vector<16xi32>, vector<16xi32>], vector<16xf32>,
            %gather3A_209 = tpu.vector_load_idx %arg22[%add3A_208, %broadcast_in_dim3A_195] : memref<160x8xf32, #tpu.memory_space<vmem>>[vector<16xi32>, vector<16xi32>], vector<16xf32>,
            %mul3A_210 = arith.mulf %gather3A, %gather3A_209 : vector<16xf32>
            %gather3A_211 = tpu.vector_load_idx %arg20[%add3A_208, %broadcast_in_dim3A_197] : memref<160x8xf32, #tpu.memory_space<vmem>>[vector<16xi32>, vector<16xi32>], vector<16xf32>,
            %gather3A_212 = tpu.vector_load_idx %arg22[%add3A_208, %broadcast_in_dim3A_197] : memref<160x8xf32, #tpu.memory_space<vmem>>[vector<16xi32>, vector<16xi32>], vector<16xf32>,
            %mul3A_213 = arith.mulf %gather3A_211, %gather3A_212 : vector<16xf32>
            %broadcast_in_dim3A_214 = arith.constant 0 : i32
            %broadcast_in_dim3A_215 = vector.broadcast %broadcast_in_dim3A_214 : i32 to vector<16xi32>
            %gather3A_216 = tpu.vector_load_idx %arg18[%add3A_208, %broadcast_in_dim3A_215] : memref<160x32xf32, #tpu.memory_space<vmem>>[vector<16xi32>, vector<16xi32>], vector<16xf32>,
            %mul3A_217 = arith.mulf %gather3A_216, %mul3A_210 : vector<16xf32>
            tpu.vector_store_idx %arg18[%add3A_208, %broadcast_in_dim3A_215], %mul3A_217 : memref<160x32xf32, #tpu.memory_space<vmem>>[vector<16xi32>, vector<16xi32>], vector<16xf32>,
            %broadcast_in_dim3A_218 = arith.constant 1 : i32
            %broadcast_in_dim3A_219 = vector.broadcast %broadcast_in_dim3A_218 : i32 to vector<16xi32>
            %gather3A_220 = tpu.vector_load_idx %arg18[%add3A_208, %broadcast_in_dim3A_219] : memref<160x32xf32, #tpu.memory_space<vmem>>[vector<16xi32>, vector<16xi32>], vector<16xf32>,
            %mul3A_221 = arith.mulf %gather3A_220, %mul3A_210 : vector<16xf32>
            tpu.vector_store_idx %arg18[%add3A_208, %broadcast_in_dim3A_219], %mul3A_221 : memref<160x32xf32, #tpu.memory_space<vmem>>[vector<16xi32>, vector<16xi32>], vector<16xf32>,
            %broadcast_in_dim3A_222 = arith.constant 2 : i32
            %broadcast_in_dim3A_223 = vector.broadcast %broadcast_in_dim3A_222 : i32 to vector<16xi32>
            %gather3A_224 = tpu.vector_load_idx %arg18[%add3A_208, %broadcast_in_dim3A_223] : memref<160x32xf32, #tpu.memory_space<vmem>>[vector<16xi32>, vector<16xi32>], vector<16xf32>,
            %mul3A_225 = arith.mulf %gather3A_224, %mul3A_210 : vector<16xf32>
            tpu.vector_store_idx %arg18[%add3A_208, %broadcast_in_dim3A_223], %mul3A_225 : memref<160x32xf32, #tpu.memory_space<vmem>>[vector<16xi32>, vector<16xi32>], vector<16xf32>,
            %broadcast_in_dim3A_226 = arith.constant 3 : i32
            %broadcast_in_dim3A_227 = vector.broadcast %broadcast_in_dim3A_226 : i32 to vector<16xi32>
            %gather3A_228 = tpu.vector_load_idx %arg18[%add3A_208, %broadcast_in_dim3A_227] : memref<160x32xf32, #tpu.memory_space<vmem>>[vector<16xi32>, vector<16xi32>], vector<16xf32>,
            %mul3A_229 = arith.mulf %gather3A_228, %mul3A_210 : vector<16xf32>
            tpu.vector_store_idx %arg18[%add3A_208, %broadcast_in_dim3A_227], %mul3A_229 : memref<160x32xf32, #tpu.memory_space<vmem>>[vector<16xi32>, vector<16xi32>], vector<16xf32>,
            %broadcast_in_dim3A_230 = arith.constant 4 : i32
            %broadcast_in_dim3A_231 = vector.broadcast %broadcast_in_dim3A_230 : i32 to vector<16xi32>
            %gather3A_232 = tpu.vector_load_idx %arg18[%add3A_208, %broadcast_in_dim3A_231] : memref<160x32xf32, #tpu.memory_space<vmem>>[vector<16xi32>, vector<16xi32>], vector<16xf32>,
            %mul3A_233 = arith.mulf %gather3A_232, %mul3A_210 : vector<16xf32>
            tpu.vector_store_idx %arg18[%add3A_208, %broadcast_in_dim3A_231], %mul3A_233 : memref<160x32xf32, #tpu.memory_space<vmem>>[vector<16xi32>, vector<16xi32>], vector<16xf32>,
            %broadcast_in_dim3A_234 = arith.constant 5 : i32
            %broadcast_in_dim3A_235 = vector.broadcast %broadcast_in_dim3A_234 : i32 to vector<16xi32>
            %gather3A_236 = tpu.vector_load_idx %arg18[%add3A_208, %broadcast_in_dim3A_235] : memref<160x32xf32, #tpu.memory_space<vmem>>[vector<16xi32>, vector<16xi32>], vector<16xf32>,
            %mul3A_237 = arith.mulf %gather3A_236, %mul3A_210 : vector<16xf32>
            tpu.vector_store_idx %arg18[%add3A_208, %broadcast_in_dim3A_235], %mul3A_237 : memref<160x32xf32, #tpu.memory_space<vmem>>[vector<16xi32>, vector<16xi32>], vector<16xf32>,
            %broadcast_in_dim3A_238 = arith.constant 6 : i32
            %broadcast_in_dim3A_239 = vector.broadcast %broadcast_in_dim3A_238 : i32 to vector<16xi32>
            %gather3A_240 = tpu.vector_load_idx %arg18[%add3A_208, %broadcast_in_dim3A_239] : memref<160x32xf32, #tpu.memory_space<vmem>>[vector<16xi32>, vector<16xi32>], vector<16xf32>,
            %mul3A_241 = arith.mulf %gather3A_240, %mul3A_210 : vector<16xf32>
            tpu.vector_store_idx %arg18[%add3A_208, %broadcast_in_dim3A_239], %mul3A_241 : memref<160x32xf32, #tpu.memory_space<vmem>>[vector<16xi32>, vector<16xi32>], vector<16xf32>,
            %broadcast_in_dim3A_242 = arith.constant 7 : i32
            %broadcast_in_dim3A_243 = vector.broadcast %broadcast_in_dim3A_242 : i32 to vector<16xi32>
            %gather3A_244 = tpu.vector_load_idx %arg18[%add3A_208, %broadcast_in_dim3A_243] : memref<160x32xf32, #tpu.memory_space<vmem>>[vector<16xi32>, vector<16xi32>], vector<16xf32>,
            %mul3A_245 = arith.mulf %gather3A_244, %mul3A_210 : vector<16xf32>
            tpu.vector_store_idx %arg18[%add3A_208, %broadcast_in_dim3A_243], %mul3A_245 : memref<160x32xf32, #tpu.memory_space<vmem>>[vector<16xi32>, vector<16xi32>], vector<16xf32>,
            %broadcast_in_dim3A_246 = arith.constant 8 : i32
            %broadcast_in_dim3A_247 = vector.broadcast %broadcast_in_dim3A_246 : i32 to vector<16xi32>
            %gather3A_248 = tpu.vector_load_idx %arg18[%add3A_208, %broadcast_in_dim3A_247] : memref<160x32xf32, #tpu.memory_space<vmem>>[vector<16xi32>, vector<16xi32>], vector<16xf32>,
            %mul3A_249 = arith.mulf %gather3A_248, %mul3A_210 : vector<16xf32>
            tpu.vector_store_idx %arg18[%add3A_208, %broadcast_in_dim3A_247], %mul3A_249 : memref<160x32xf32, #tpu.memory_space<vmem>>[vector<16xi32>, vector<16xi32>], vector<16xf32>,
            %broadcast_in_dim3A_250 = arith.constant 9 : i32
            %broadcast_in_dim3A_251 = vector.broadcast %broadcast_in_dim3A_250 : i32 to vector<16xi32>
            %gather3A_252 = tpu.vector_load_idx %arg18[%add3A_208, %broadcast_in_dim3A_251] : memref<160x32xf32, #tpu.memory_space<vmem>>[vector<16xi32>, vector<16xi32>], vector<16xf32>,
            %mul3A_253 = arith.mulf %gather3A_252, %mul3A_210 : vector<16xf32>
            tpu.vector_store_idx %arg18[%add3A_208, %broadcast_in_dim3A_251], %mul3A_253 : memref<160x32xf32, #tpu.memory_space<vmem>>[vector<16xi32>, vector<16xi32>], vector<16xf32>,
            %broadcast_in_dim3A_254 = arith.constant 10 : i32
            %broadcast_in_dim3A_255 = vector.broadcast %broadcast_in_dim3A_254 : i32 to vector<16xi32>
            %gather3A_256 = tpu.vector_load_idx %arg18[%add3A_208, %broadcast_in_dim3A_255] : memref<160x32xf32, #tpu.memory_space<vmem>>[vector<16xi32>, vector<16xi32>], vector<16xf32>,
            %mul3A_257 = arith.mulf %gather3A_256, %mul3A_210 : vector<16xf32>
            tpu.vector_store_idx %arg18[%add3A_208, %broadcast_in_dim3A_255], %mul3A_257 : memref<160x32xf32, #tpu.memory_space<vmem>>[vector<16xi32>, vector<16xi32>], vector<16xf32>,
            %broadcast_in_dim3A_258 = arith.constant 11 : i32
            %broadcast_in_dim3A_259 = vector.broadcast %broadcast_in_dim3A_258 : i32 to vector<16xi32>
            %gather3A_260 = tpu.vector_load_idx %arg18[%add3A_208, %broadcast_in_dim3A_259] : memref<160x32xf32, #tpu.memory_space<vmem>>[vector<16xi32>, vector<16xi32>], vector<16xf32>,
            %mul3A_261 = arith.mulf %gather3A_260, %mul3A_210 : vector<16xf32>
            tpu.vector_store_idx %arg18[%add3A_208, %broadcast_in_dim3A_259], %mul3A_261 : memref<160x32xf32, #tpu.memory_space<vmem>>[vector<16xi32>, vector<16xi32>], vector<16xf32>,
            %broadcast_in_dim3A_262 = arith.constant 12 : i32
            %broadcast_in_dim3A_263 = vector.broadcast %broadcast_in_dim3A_262 : i32 to vector<16xi32>
            %gather3A_264 = tpu.vector_load_idx %arg18[%add3A_208, %broadcast_in_dim3A_263] : memref<160x32xf32, #tpu.memory_space<vmem>>[vector<16xi32>, vector<16xi32>], vector<16xf32>,
            %mul3A_265 = arith.mulf %gather3A_264, %mul3A_210 : vector<16xf32>
            tpu.vector_store_idx %arg18[%add3A_208, %broadcast_in_dim3A_263], %mul3A_265 : memref<160x32xf32, #tpu.memory_space<vmem>>[vector<16xi32>, vector<16xi32>], vector<16xf32>,
            %broadcast_in_dim3A_266 = arith.constant 13 : i32
            %broadcast_in_dim3A_267 = vector.broadcast %broadcast_in_dim3A_266 : i32 to vector<16xi32>
            %gather3A_268 = tpu.vector_load_idx %arg18[%add3A_208, %broadcast_in_dim3A_267] : memref<160x32xf32, #tpu.memory_space<vmem>>[vector<16xi32>, vector<16xi32>], vector<16xf32>,
            %mul3A_269 = arith.mulf %gather3A_268, %mul3A_210 : vector<16xf32>
            tpu.vector_store_idx %arg18[%add3A_208, %broadcast_in_dim3A_267], %mul3A_269 : memref<160x32xf32, #tpu.memory_space<vmem>>[vector<16xi32>, vector<16xi32>], vector<16xf32>,
            %broadcast_in_dim3A_270 = arith.constant 14 : i32
            %broadcast_in_dim3A_271 = vector.broadcast %broadcast_in_dim3A_270 : i32 to vector<16xi32>
            %gather3A_272 = tpu.vector_load_idx %arg18[%add3A_208, %broadcast_in_dim3A_271] : memref<160x32xf32, #tpu.memory_space<vmem>>[vector<16xi32>, vector<16xi32>], vector<16xf32>,
            %mul3A_273 = arith.mulf %gather3A_272, %mul3A_210 : vector<16xf32>
            tpu.vector_store_idx %arg18[%add3A_208, %broadcast_in_dim3A_271], %mul3A_273 : memref<160x32xf32, #tpu.memory_space<vmem>>[vector<16xi32>, vector<16xi32>], vector<16xf32>,
            %broadcast_in_dim3A_274 = arith.constant 15 : i32
            %broadcast_in_dim3A_275 = vector.broadcast %broadcast_in_dim3A_274 : i32 to vector<16xi32>
            %gather3A_276 = tpu.vector_load_idx %arg18[%add3A_208, %broadcast_in_dim3A_275] : memref<160x32xf32, #tpu.memory_space<vmem>>[vector<16xi32>, vector<16xi32>], vector<16xf32>,
            %mul3A_277 = arith.mulf %gather3A_276, %mul3A_210 : vector<16xf32>
            tpu.vector_store_idx %arg18[%add3A_208, %broadcast_in_dim3A_275], %mul3A_277 : memref<160x32xf32, #tpu.memory_space<vmem>>[vector<16xi32>, vector<16xi32>], vector<16xf32>,
            %broadcast_in_dim3A_278 = arith.constant 16 : i32
            %broadcast_in_dim3A_279 = vector.broadcast %broadcast_in_dim3A_278 : i32 to vector<16xi32>
            %gather3A_280 = tpu.vector_load_idx %arg18[%add3A_208, %broadcast_in_dim3A_279] : memref<160x32xf32, #tpu.memory_space<vmem>>[vector<16xi32>, vector<16xi32>], vector<16xf32>,
            %mul3A_281 = arith.mulf %gather3A_280, %mul3A_213 : vector<16xf32>
            tpu.vector_store_idx %arg18[%add3A_208, %broadcast_in_dim3A_279], %mul3A_281 : memref<160x32xf32, #tpu.memory_space<vmem>>[vector<16xi32>, vector<16xi32>], vector<16xf32>,
            %broadcast_in_dim3A_282 = arith.constant 17 : i32
            %broadcast_in_dim3A_283 = vector.broadcast %broadcast_in_dim3A_282 : i32 to vector<16xi32>
            %gather3A_284 = tpu.vector_load_idx %arg18[%add3A_208, %broadcast_in_dim3A_283] : memref<160x32xf32, #tpu.memory_space<vmem>>[vector<16xi32>, vector<16xi32>], vector<16xf32>,
            %mul3A_285 = arith.mulf %gather3A_284, %mul3A_213 : vector<16xf32>
            tpu.vector_store_idx %arg18[%add3A_208, %broadcast_in_dim3A_283], %mul3A_285 : memref<160x32xf32, #tpu.memory_space<vmem>>[vector<16xi32>, vector<16xi32>], vector<16xf32>,
            %broadcast_in_dim3A_286 = arith.constant 18 : i32
            %broadcast_in_dim3A_287 = vector.broadcast %broadcast_in_dim3A_286 : i32 to vector<16xi32>
            %gather3A_288 = tpu.vector_load_idx %arg18[%add3A_208, %broadcast_in_dim3A_287] : memref<160x32xf32, #tpu.memory_space<vmem>>[vector<16xi32>, vector<16xi32>], vector<16xf32>,
            %mul3A_289 = arith.mulf %gather3A_288, %mul3A_213 : vector<16xf32>
            tpu.vector_store_idx %arg18[%add3A_208, %broadcast_in_dim3A_287], %mul3A_289 : memref<160x32xf32, #tpu.memory_space<vmem>>[vector<16xi32>, vector<16xi32>], vector<16xf32>,
            %broadcast_in_dim3A_290 = arith.constant 19 : i32
            %broadcast_in_dim3A_291 = vector.broadcast %broadcast_in_dim3A_290 : i32 to vector<16xi32>
            %gather3A_292 = tpu.vector_load_idx %arg18[%add3A_208, %broadcast_in_dim3A_291] : memref<160x32xf32, #tpu.memory_space<vmem>>[vector<16xi32>, vector<16xi32>], vector<16xf32>,
            %mul3A_293 = arith.mulf %gather3A_292, %mul3A_213 : vector<16xf32>
            tpu.vector_store_idx %arg18[%add3A_208, %broadcast_in_dim3A_291], %mul3A_293 : memref<160x32xf32, #tpu.memory_space<vmem>>[vector<16xi32>, vector<16xi32>], vector<16xf32>,
            %broadcast_in_dim3A_294 = arith.constant 20 : i32
            %broadcast_in_dim3A_295 = vector.broadcast %broadcast_in_dim3A_294 : i32 to vector<16xi32>
            %gather3A_296 = tpu.vector_load_idx %arg18[%add3A_208, %broadcast_in_dim3A_295] : memref<160x32xf32, #tpu.memory_space<vmem>>[vector<16xi32>, vector<16xi32>], vector<16xf32>,
            %mul3A_297 = arith.mulf %gather3A_296, %mul3A_213 : vector<16xf32>
            tpu.vector_store_idx %arg18[%add3A_208, %broadcast_in_dim3A_295], %mul3A_297 : memref<160x32xf32, #tpu.memory_space<vmem>>[vector<16xi32>, vector<16xi32>], vector<16xf32>,
            %broadcast_in_dim3A_298 = arith.constant 21 : i32
            %broadcast_in_dim3A_299 = vector.broadcast %broadcast_in_dim3A_298 : i32 to vector<16xi32>
            %gather3A_300 = tpu.vector_load_idx %arg18[%add3A_208, %broadcast_in_dim3A_299] : memref<160x32xf32, #tpu.memory_space<vmem>>[vector<16xi32>, vector<16xi32>], vector<16xf32>,
            %mul3A_301 = arith.mulf %gather3A_300, %mul3A_213 : vector<16xf32>
            tpu.vector_store_idx %arg18[%add3A_208, %broadcast_in_dim3A_299], %mul3A_301 : memref<160x32xf32, #tpu.memory_space<vmem>>[vector<16xi32>, vector<16xi32>], vector<16xf32>,
            %broadcast_in_dim3A_302 = arith.constant 22 : i32
            %broadcast_in_dim3A_303 = vector.broadcast %broadcast_in_dim3A_302 : i32 to vector<16xi32>
            %gather3A_304 = tpu.vector_load_idx %arg18[%add3A_208, %broadcast_in_dim3A_303] : memref<160x32xf32, #tpu.memory_space<vmem>>[vector<16xi32>, vector<16xi32>], vector<16xf32>,
            %mul3A_305 = arith.mulf %gather3A_304, %mul3A_213 : vector<16xf32>
            tpu.vector_store_idx %arg18[%add3A_208, %broadcast_in_dim3A_303], %mul3A_305 : memref<160x32xf32, #tpu.memory_space<vmem>>[vector<16xi32>, vector<16xi32>], vector<16xf32>,
            %broadcast_in_dim3A_306 = arith.constant 23 : i32
            %broadcast_in_dim3A_307 = vector.broadcast %broadcast_in_dim3A_306 : i32 to vector<16xi32>
            %gather3A_308 = tpu.vector_load_idx %arg18[%add3A_208, %broadcast_in_dim3A_307] : memref<160x32xf32, #tpu.memory_space<vmem>>[vector<16xi32>, vector<16xi32>], vector<16xf32>,
            %mul3A_309 = arith.mulf %gather3A_308, %mul3A_213 : vector<16xf32>
            tpu.vector_store_idx %arg18[%add3A_208, %broadcast_in_dim3A_307], %mul3A_309 : memref<160x32xf32, #tpu.memory_space<vmem>>[vector<16xi32>, vector<16xi32>], vector<16xf32>,
            %broadcast_in_dim3A_310 = arith.constant 24 : i32
            %broadcast_in_dim3A_311 = vector.broadcast %broadcast_in_dim3A_310 : i32 to vector<16xi32>
            %gather3A_312 = tpu.vector_load_idx %arg18[%add3A_208, %broadcast_in_dim3A_311] : memref<160x32xf32, #tpu.memory_space<vmem>>[vector<16xi32>, vector<16xi32>], vector<16xf32>,
            %mul3A_313 = arith.mulf %gather3A_312, %mul3A_213 : vector<16xf32>
            tpu.vector_store_idx %arg18[%add3A_208, %broadcast_in_dim3A_311], %mul3A_313 : memref<160x32xf32, #tpu.memory_space<vmem>>[vector<16xi32>, vector<16xi32>], vector<16xf32>,
            %broadcast_in_dim3A_314 = arith.constant 25 : i32
            %broadcast_in_dim3A_315 = vector.broadcast %broadcast_in_dim3A_314 : i32 to vector<16xi32>
            %gather3A_316 = tpu.vector_load_idx %arg18[%add3A_208, %broadcast_in_dim3A_315] : memref<160x32xf32, #tpu.memory_space<vmem>>[vector<16xi32>, vector<16xi32>], vector<16xf32>,
            %mul3A_317 = arith.mulf %gather3A_316, %mul3A_213 : vector<16xf32>
            tpu.vector_store_idx %arg18[%add3A_208, %broadcast_in_dim3A_315], %mul3A_317 : memref<160x32xf32, #tpu.memory_space<vmem>>[vector<16xi32>, vector<16xi32>], vector<16xf32>,
            %broadcast_in_dim3A_318 = arith.constant 26 : i32
            %broadcast_in_dim3A_319 = vector.broadcast %broadcast_in_dim3A_318 : i32 to vector<16xi32>
            %gather3A_320 = tpu.vector_load_idx %arg18[%add3A_208, %broadcast_in_dim3A_319] : memref<160x32xf32, #tpu.memory_space<vmem>>[vector<16xi32>, vector<16xi32>], vector<16xf32>,
            %mul3A_321 = arith.mulf %gather3A_320, %mul3A_213 : vector<16xf32>
            tpu.vector_store_idx %arg18[%add3A_208, %broadcast_in_dim3A_319], %mul3A_321 : memref<160x32xf32, #tpu.memory_space<vmem>>[vector<16xi32>, vector<16xi32>], vector<16xf32>,
            %broadcast_in_dim3A_322 = arith.constant 27 : i32
            %broadcast_in_dim3A_323 = vector.broadcast %broadcast_in_dim3A_322 : i32 to vector<16xi32>
            %gather3A_324 = tpu.vector_load_idx %arg18[%add3A_208, %broadcast_in_dim3A_323] : memref<160x32xf32, #tpu.memory_space<vmem>>[vector<16xi32>, vector<16xi32>], vector<16xf32>,
            %mul3A_325 = arith.mulf %gather3A_324, %mul3A_213 : vector<16xf32>
            tpu.vector_store_idx %arg18[%add3A_208, %broadcast_in_dim3A_323], %mul3A_325 : memref<160x32xf32, #tpu.memory_space<vmem>>[vector<16xi32>, vector<16xi32>], vector<16xf32>,
            %broadcast_in_dim3A_326 = arith.constant 28 : i32
            %broadcast_in_dim3A_327 = vector.broadcast %broadcast_in_dim3A_326 : i32 to vector<16xi32>
            %gather3A_328 = tpu.vector_load_idx %arg18[%add3A_208, %broadcast_in_dim3A_327] : memref<160x32xf32, #tpu.memory_space<vmem>>[vector<16xi32>, vector<16xi32>], vector<16xf32>,
            %mul3A_329 = arith.mulf %gather3A_328, %mul3A_213 : vector<16xf32>
            tpu.vector_store_idx %arg18[%add3A_208, %broadcast_in_dim3A_327], %mul3A_329 : memref<160x32xf32, #tpu.memory_space<vmem>>[vector<16xi32>, vector<16xi32>], vector<16xf32>,
            %broadcast_in_dim3A_330 = arith.constant 29 : i32
            %broadcast_in_dim3A_331 = vector.broadcast %broadcast_in_dim3A_330 : i32 to vector<16xi32>
            %gather3A_332 = tpu.vector_load_idx %arg18[%add3A_208, %broadcast_in_dim3A_331] : memref<160x32xf32, #tpu.memory_space<vmem>>[vector<16xi32>, vector<16xi32>], vector<16xf32>,
            %mul3A_333 = arith.mulf %gather3A_332, %mul3A_213 : vector<16xf32>
            tpu.vector_store_idx %arg18[%add3A_208, %broadcast_in_dim3A_331], %mul3A_333 : memref<160x32xf32, #tpu.memory_space<vmem>>[vector<16xi32>, vector<16xi32>], vector<16xf32>,
            %broadcast_in_dim3A_334 = arith.constant 30 : i32
            %broadcast_in_dim3A_335 = vector.broadcast %broadcast_in_dim3A_334 : i32 to vector<16xi32>
            %gather3A_336 = tpu.vector_load_idx %arg18[%add3A_208, %broadcast_in_dim3A_335] : memref<160x32xf32, #tpu.memory_space<vmem>>[vector<16xi32>, vector<16xi32>], vector<16xf32>,
            %mul3A_337 = arith.mulf %gather3A_336, %mul3A_213 : vector<16xf32>
            tpu.vector_store_idx %arg18[%add3A_208, %broadcast_in_dim3A_335], %mul3A_337 : memref<160x32xf32, #tpu.memory_space<vmem>>[vector<16xi32>, vector<16xi32>], vector<16xf32>,
            %broadcast_in_dim3A_338 = arith.constant 31 : i32
            %broadcast_in_dim3A_339 = vector.broadcast %broadcast_in_dim3A_338 : i32 to vector<16xi32>
            %gather3A_340 = tpu.vector_load_idx %arg18[%add3A_208, %broadcast_in_dim3A_339] : memref<160x32xf32, #tpu.memory_space<vmem>>[vector<16xi32>, vector<16xi32>], vector<16xf32>,
            %mul3A_341 = arith.mulf %gather3A_340, %mul3A_213 : vector<16xf32>
            tpu.vector_store_idx %arg18[%add3A_208, %broadcast_in_dim3A_339], %mul3A_341 : memref<160x32xf32, #tpu.memory_space<vmem>>[vector<16xi32>, vector<16xi32>], vector<16xf32>,
          }
          %scan3A_203 = arith.constant 10 : i32
          "tpu.region"() ({
            %run_scoped3A = tpu.sem_alloc : memref<!tpu.dma_semaphore, #tpu.memory_space<semaphore_mem>>
            %dma_start3A_204 = arith.constant 0 : i32
            %dma_start3A_205 = arith.constant 0 : i32
            %dma_start3A_206 = tpu.memref_slice %arg26[%dma_start3A_204, %dma_start3A_205] : memref<50000x32xf32, #tpu.memory_space<vmem_shared>> -> memref<50000x32xf32, #tpu.memory_space<vmem_shared>>
            tpu.enqueue_indirect_dma source(%arg18 : memref<160x32xf32, #tpu.memory_space<vmem>>) target(%dma_start3A_206 : memref<50000x32xf32, #tpu.memory_space<vmem_shared>>) offsets(%arg16 : memref<160xi32, #tpu.memory_space<vmem>>) semaphore(%run_scoped3A : memref<!tpu.dma_semaphore, #tpu.memory_space<semaphore_mem>>) {add = true}
            %dma_wait3A_207 = arith.constant 0 : i32
            %dma_wait3A_208 = arith.constant 0 : i32
            %dma_wait3A_209 = tpu.memref_slice %arg26[%dma_wait3A_207, %dma_wait3A_208] : memref<50000x32xf32, #tpu.memory_space<vmem_shared>> -> memref<50000x32xf32, #tpu.memory_space<vmem_shared>>
            tpu.wait_indirect_dma semaphore(%run_scoped3A : memref<!tpu.dma_semaphore, #tpu.memory_space<semaphore_mem>>) src(%arg18 : memref<160x32xf32, #tpu.memory_space<vmem>>) dst(%dma_wait3A_209 : memref<50000x32xf32, #tpu.memory_space<vmem_shared>>)
            tpu.yield
          }) : () -> ()
        } else {
        }
        %add3A_128 = arith.constant 2 : i32
        %add3A_129 = arith.addi %mul3A_100, %add3A_128 : i32
        %mul3A_130 = arith.constant 16 : i32
        %mul3A_131 = arith.muli %mul3A_130, %add3A_129 : i32
        %add3A_132 = arith.addi %arg1, %mul3A_131 : i32
        %lt3A_133 = arith.constant 5000 : i32
        %lt3A_134 = arith.cmpi slt, %add3A_132, %lt3A_133 : i32
        %convert_element_type3A_135 = arith.extui %lt3A_134 : i1 to i32
        %cond3A_136 = arith.constant 0 : i32
        %cond3A_137 = arith.cmpi ne, %convert_element_type3A_135, %cond3A_136 : i32
        scf.if %cond3A_137 {
          %add3A_180 = arith.constant 2 : i32
          %add3A_181 = arith.addi %mul3A_100, %add3A_180 : i32
          %mul3A_182 = arith.constant 16 : i32
          %mul3A_183 = arith.muli %mul3A_182, %add3A_181 : i32
          %add3A_184 = arith.addi %arg1, %mul3A_183 : i32
          %mul3A_185 = arith.constant 160 : i32
          %mul3A_186 = arith.muli %add3A_184, %mul3A_185 : i32
          %dma_start3A_187 = tpu.memref_slice %arg6[%mul3A_186] : memref<800000xi32, #tpu.memory_space<hbm>> -> memref<160xi32, #tpu.memory_space<hbm>>
          %dma_start3A_188 = tpu.memref_slice %arg6[%mul3A_186] : memref<800000xi32, #tpu.memory_space<hbm>> -> memref<160xi32, #tpu.memory_space<hbm>>
          tpu.enqueue_dma source(%dma_start3A_188 : memref<160xi32, #tpu.memory_space<hbm>>) target(%arg12 : memref<160xi32, #tpu.memory_space<vmem>>) target_semaphore(%arg27 : memref<!tpu.dma_semaphore, #tpu.memory_space<semaphore_mem>>)
          %mul3A_189 = arith.constant 16 : i32
          %mul3A_190 = arith.muli %mul3A_189, %add3A_181 : i32
          %add3A_191 = arith.addi %arg1, %mul3A_190 : i32
          %mul3A_192 = arith.constant 160 : i32
          %mul3A_193 = arith.muli %add3A_191, %mul3A_192 : i32
          %dma_start3A_194 = tpu.memref_slice %arg7[%mul3A_193] : memref<800000xi32, #tpu.memory_space<hbm>> -> memref<160xi32, #tpu.memory_space<hbm>>
          %dma_start3A_195 = tpu.memref_slice %arg7[%mul3A_193] : memref<800000xi32, #tpu.memory_space<hbm>> -> memref<160xi32, #tpu.memory_space<hbm>>
          tpu.enqueue_dma source(%dma_start3A_195 : memref<160xi32, #tpu.memory_space<hbm>>) target(%arg14 : memref<160xi32, #tpu.memory_space<vmem>>) target_semaphore(%arg27 : memref<!tpu.dma_semaphore, #tpu.memory_space<semaphore_mem>>)
          %mul3A_196 = arith.constant 16 : i32
          %mul3A_197 = arith.muli %mul3A_196, %add3A_181 : i32
          %add3A_198 = arith.addi %arg1, %mul3A_197 : i32
          %mul3A_199 = arith.constant 160 : i32
          %mul3A_200 = arith.muli %add3A_198, %mul3A_199 : i32
          %dma_start3A_201 = tpu.memref_slice %arg8[%mul3A_200] : memref<800000xi32, #tpu.memory_space<hbm>> -> memref<160xi32, #tpu.memory_space<hbm>>
          %dma_start3A_202 = tpu.memref_slice %arg8[%mul3A_200] : memref<800000xi32, #tpu.memory_space<hbm>> -> memref<160xi32, #tpu.memory_space<hbm>>
          tpu.enqueue_dma source(%dma_start3A_202 : memref<160xi32, #tpu.memory_space<hbm>>) target(%arg16 : memref<160xi32, #tpu.memory_space<vmem>>) target_semaphore(%arg27 : memref<!tpu.dma_semaphore, #tpu.memory_space<semaphore_mem>>)
        } else {
        }
        %mul3A_138 = arith.constant 2 : i32
        %mul3A_139 = arith.muli %mul3A_138, %scan3A_98 : i32
        %add3A_140 = arith.constant 1 : i32
        %add3A_141 = arith.addi %mul3A_139, %add3A_140 : i32
        %add3A_142 = arith.constant 1 : i32
        %add3A_143 = arith.addi %add3A_141, %add3A_142 : i32
        %mul3A_144 = arith.constant 16 : i32
        %mul3A_145 = arith.muli %mul3A_144, %add3A_143 : i32
        %add3A_146 = arith.addi %arg1, %mul3A_145 : i32
        %lt3A_147 = arith.constant 5000 : i32
        %lt3A_148 = arith.cmpi slt, %add3A_146, %lt3A_147 : i32
        %convert_element_type3A_149 = arith.extui %lt3A_148 : i1 to i32
        %cond3A_150 = arith.constant 0 : i32
        %cond3A_151 = arith.cmpi ne, %convert_element_type3A_149, %cond3A_150 : i32
        scf.if %cond3A_151 {
          %add3A_180 = arith.constant 1 : i32
          %add3A_181 = arith.addi %add3A_141, %add3A_180 : i32
          %mul3A_182 = arith.constant 16 : i32
          %mul3A_183 = arith.muli %mul3A_182, %add3A_181 : i32
          %add3A_184 = arith.addi %arg1, %mul3A_183 : i32
          %mul3A_185 = arith.constant 160 : i32
          %mul3A_186 = arith.muli %add3A_184, %mul3A_185 : i32
          %dma_wait3A_187 = tpu.memref_slice %arg6[%mul3A_186] : memref<800000xi32, #tpu.memory_space<hbm>> -> memref<160xi32, #tpu.memory_space<hbm>>
          %dma_wait3A_188 = tpu.memref_slice %arg6[%mul3A_186] : memref<800000xi32, #tpu.memory_space<hbm>> -> memref<160xi32, #tpu.memory_space<hbm>>
          tpu.wait_dma2 semaphore(%arg27 : memref<!tpu.dma_semaphore, #tpu.memory_space<semaphore_mem>>) src(%dma_wait3A_188 : memref<160xi32, #tpu.memory_space<hbm>>) dst(%arg12 : memref<160xi32, #tpu.memory_space<vmem>>)
          %mul3A_189 = arith.constant 16 : i32
          %mul3A_190 = arith.muli %mul3A_189, %add3A_181 : i32
          %add3A_191 = arith.addi %arg1, %mul3A_190 : i32
          %mul3A_192 = arith.constant 160 : i32
          %mul3A_193 = arith.muli %add3A_191, %mul3A_192 : i32
          %dma_wait3A_194 = tpu.memref_slice %arg7[%mul3A_193] : memref<800000xi32, #tpu.memory_space<hbm>> -> memref<160xi32, #tpu.memory_space<hbm>>
          %dma_wait3A_195 = tpu.memref_slice %arg7[%mul3A_193] : memref<800000xi32, #tpu.memory_space<hbm>> -> memref<160xi32, #tpu.memory_space<hbm>>
          tpu.wait_dma2 semaphore(%arg27 : memref<!tpu.dma_semaphore, #tpu.memory_space<semaphore_mem>>) src(%dma_wait3A_195 : memref<160xi32, #tpu.memory_space<hbm>>) dst(%arg14 : memref<160xi32, #tpu.memory_space<vmem>>)
          %mul3A_196 = arith.constant 16 : i32
          %mul3A_197 = arith.muli %mul3A_196, %add3A_181 : i32
          %add3A_198 = arith.addi %arg1, %mul3A_197 : i32
          %mul3A_199 = arith.constant 160 : i32
          %mul3A_200 = arith.muli %add3A_198, %mul3A_199 : i32
          %dma_wait3A_201 = tpu.memref_slice %arg8[%mul3A_200] : memref<800000xi32, #tpu.memory_space<hbm>> -> memref<160xi32, #tpu.memory_space<hbm>>
          %dma_wait3A_202 = tpu.memref_slice %arg8[%mul3A_200] : memref<800000xi32, #tpu.memory_space<hbm>> -> memref<160xi32, #tpu.memory_space<hbm>>
          tpu.wait_dma2 semaphore(%arg27 : memref<!tpu.dma_semaphore, #tpu.memory_space<semaphore_mem>>) src(%dma_wait3A_202 : memref<160xi32, #tpu.memory_space<hbm>>) dst(%arg16 : memref<160xi32, #tpu.memory_space<vmem>>)
        } else {
        }
        %add3A_152 = arith.constant 1 : i32
        %add3A_153 = arith.addi %add3A_141, %add3A_152 : i32
        %mul3A_154 = arith.constant 16 : i32
        %mul3A_155 = arith.muli %mul3A_154, %add3A_153 : i32
        %add3A_156 = arith.addi %arg1, %mul3A_155 : i32
        %lt3A_157 = arith.constant 5000 : i32
        %lt3A_158 = arith.cmpi slt, %add3A_156, %lt3A_157 : i32
        %convert_element_type3A_159 = arith.extui %lt3A_158 : i1 to i32
        %cond3A_160 = arith.constant 0 : i32
        %cond3A_161 = arith.cmpi ne, %convert_element_type3A_159, %cond3A_160 : i32
        scf.if %cond3A_161 {
          %add3A_180 = arith.constant 1 : i32
          %add3A_181 = arith.addi %add3A_141, %add3A_180 : i32
          %dma_start3A_182 = arith.constant 0 : i32
          %dma_start3A_183 = arith.constant 0 : i32
          %dma_start3A_184 = tpu.memref_slice %arg3[%dma_start3A_182, %dma_start3A_183] : memref<100000x32xf32, #tpu.memory_space<hbm>> -> memref<100000x32xf32, #tpu.memory_space<hbm>>
          tpu.enqueue_indirect_dma source(%dma_start3A_184 : memref<100000x32xf32, #tpu.memory_space<hbm>>) target(%arg18 : memref<160x32xf32, #tpu.memory_space<vmem>>) offsets(%arg12 : memref<160xi32, #tpu.memory_space<vmem>>) semaphore(%arg29 : memref<!tpu.dma_semaphore, #tpu.memory_space<semaphore_mem>>)
          %dma_start3A_185 = arith.constant 0 : i32
          %dma_start3A_186 = arith.constant 0 : i32
          %dma_start3A_187 = tpu.memref_slice %arg5[%dma_start3A_185, %dma_start3A_186] : memref<100000x8xf32, #tpu.memory_space<hbm>> -> memref<100000x8xf32, #tpu.memory_space<hbm>>
          tpu.enqueue_indirect_dma source(%dma_start3A_187 : memref<100000x8xf32, #tpu.memory_space<hbm>>) target(%arg22 : memref<160x8xf32, #tpu.memory_space<vmem>>) offsets(%arg14 : memref<160xi32, #tpu.memory_space<vmem>>) semaphore(%arg29 : memref<!tpu.dma_semaphore, #tpu.memory_space<semaphore_mem>>)
          %mul3A_188 = arith.constant 16 : i32
          %mul3A_189 = arith.muli %mul3A_188, %add3A_181 : i32
          %add3A_190 = arith.addi %arg1, %mul3A_189 : i32
          %mul3A_191 = arith.constant 160 : i32
          %mul3A_192 = arith.muli %add3A_190, %mul3A_191 : i32
          %dma_start3A_193 = arith.constant 0 : i32
          %dma_start3A_194 = tpu.memref_slice %arg4[%mul3A_192, %dma_start3A_193] : memref<800000x8xf32, #tpu.memory_space<hbm>> -> memref<160x8xf32, #tpu.memory_space<hbm>>
          %dma_start3A_195 = arith.constant 0 : i32
          %dma_start3A_196 = tpu.memref_slice %arg4[%mul3A_192, %dma_start3A_195] : memref<800000x8xf32, #tpu.memory_space<hbm>> -> memref<160x8xf32, #tpu.memory_space<hbm>>
          tpu.enqueue_dma source(%dma_start3A_196 : memref<160x8xf32, #tpu.memory_space<hbm>>) target(%arg20 : memref<160x8xf32, #tpu.memory_space<vmem>>) target_semaphore(%arg29 : memref<!tpu.dma_semaphore, #tpu.memory_space<semaphore_mem>>)
        } else {
        }
        %mul3A_162 = arith.constant 16 : i32
        %mul3A_163 = arith.muli %mul3A_162, %add3A_141 : i32
        %add3A_164 = arith.addi %arg1, %mul3A_163 : i32
        %lt3A_165 = arith.constant 5000 : i32
        %lt3A_166 = arith.cmpi slt, %add3A_164, %lt3A_165 : i32
        %convert_element_type3A_167 = arith.extui %lt3A_166 : i1 to i32
        %cond3A_168 = arith.constant 0 : i32
        %cond3A_169 = arith.cmpi ne, %convert_element_type3A_167, %cond3A_168 : i32
        scf.if %cond3A_169 {
          %dma_wait3A_180 = arith.constant 0 : i32
          %dma_wait3A_181 = arith.constant 0 : i32
          %dma_wait3A_182 = tpu.memref_slice %arg3[%dma_wait3A_180, %dma_wait3A_181] : memref<100000x32xf32, #tpu.memory_space<hbm>> -> memref<100000x32xf32, #tpu.memory_space<hbm>>
          tpu.wait_indirect_dma semaphore(%arg30 : memref<!tpu.dma_semaphore, #tpu.memory_space<semaphore_mem>>) src(%dma_wait3A_182 : memref<100000x32xf32, #tpu.memory_space<hbm>>) dst(%arg19 : memref<160x32xf32, #tpu.memory_space<vmem>>)
          %dma_wait3A_183 = arith.constant 0 : i32
          %dma_wait3A_184 = arith.constant 0 : i32
          %dma_wait3A_185 = tpu.memref_slice %arg5[%dma_wait3A_183, %dma_wait3A_184] : memref<100000x8xf32, #tpu.memory_space<hbm>> -> memref<100000x8xf32, #tpu.memory_space<hbm>>
          tpu.wait_indirect_dma semaphore(%arg30 : memref<!tpu.dma_semaphore, #tpu.memory_space<semaphore_mem>>) src(%dma_wait3A_185 : memref<100000x8xf32, #tpu.memory_space<hbm>>) dst(%arg23 : memref<160x8xf32, #tpu.memory_space<vmem>>)
          %mul3A_186 = arith.constant 16 : i32
          %mul3A_187 = arith.muli %mul3A_186, %add3A_141 : i32
          %add3A_188 = arith.addi %arg1, %mul3A_187 : i32
          %mul3A_189 = arith.constant 160 : i32
          %mul3A_190 = arith.muli %add3A_188, %mul3A_189 : i32
          %dma_wait3A_191 = arith.constant 0 : i32
          %dma_wait3A_192 = tpu.memref_slice %arg4[%mul3A_190, %dma_wait3A_191] : memref<800000x8xf32, #tpu.memory_space<hbm>> -> memref<160x8xf32, #tpu.memory_space<hbm>>
          %dma_wait3A_193 = arith.constant 0 : i32
          %dma_wait3A_194 = tpu.memref_slice %arg4[%mul3A_190, %dma_wait3A_193] : memref<800000x8xf32, #tpu.memory_space<hbm>> -> memref<160x8xf32, #tpu.memory_space<hbm>>
          tpu.wait_dma2 semaphore(%arg30 : memref<!tpu.dma_semaphore, #tpu.memory_space<semaphore_mem>>) src(%dma_wait3A_194 : memref<160x8xf32, #tpu.memory_space<hbm>>) dst(%arg21 : memref<160x8xf32, #tpu.memory_space<vmem>>)
          %broadcast_in_dim3A = arith.constant 2 : i32
          %broadcast_in_dim3A_195 = vector.broadcast %broadcast_in_dim3A : i32 to vector<16xi32>
          %broadcast_in_dim3A_196 = arith.constant 3 : i32
          %broadcast_in_dim3A_197 = vector.broadcast %broadcast_in_dim3A_196 : i32 to vector<16xi32>
          %scan3A_198 = arith.constant 0 : i32
          %scan3A_199 = arith.constant 0 : i32
          %scan3A_200 = arith.constant 10 : i32
          %scan3A_201 = arith.addi %scan3A_199, %scan3A_200 : i32
          %scan3A_202 = arith.constant 1 : i32
          scf.for %scan3A_204 = %scan3A_199 to %scan3A_201 step %scan3A_202  : i32 {
            %mul3A_205 = arith.constant 16 : i32
            %mul3A_206 = arith.muli %scan3A_204, %mul3A_205 : i32
            %add3A_207 = vector.broadcast %mul3A_206 : i32 to vector<16xi32>
            %add3A_208 = arith.addi %iota3A, %add3A_207 : vector<16xi32>
            %gather3A = tpu.vector_load_idx %arg21[%add3A_208, %broadcast_in_dim3A_195] : memref<160x8xf32, #tpu.memory_space<vmem>>[vector<16xi32>, vector<16xi32>], vector<16xf32>,
            %gather3A_209 = tpu.vector_load_idx %arg23[%add3A_208, %broadcast_in_dim3A_195] : memref<160x8xf32, #tpu.memory_space<vmem>>[vector<16xi32>, vector<16xi32>], vector<16xf32>,
            %mul3A_210 = arith.mulf %gather3A, %gather3A_209 : vector<16xf32>
            %gather3A_211 = tpu.vector_load_idx %arg21[%add3A_208, %broadcast_in_dim3A_197] : memref<160x8xf32, #tpu.memory_space<vmem>>[vector<16xi32>, vector<16xi32>], vector<16xf32>,
            %gather3A_212 = tpu.vector_load_idx %arg23[%add3A_208, %broadcast_in_dim3A_197] : memref<160x8xf32, #tpu.memory_space<vmem>>[vector<16xi32>, vector<16xi32>], vector<16xf32>,
            %mul3A_213 = arith.mulf %gather3A_211, %gather3A_212 : vector<16xf32>
            %broadcast_in_dim3A_214 = arith.constant 0 : i32
            %broadcast_in_dim3A_215 = vector.broadcast %broadcast_in_dim3A_214 : i32 to vector<16xi32>
            %gather3A_216 = tpu.vector_load_idx %arg19[%add3A_208, %broadcast_in_dim3A_215] : memref<160x32xf32, #tpu.memory_space<vmem>>[vector<16xi32>, vector<16xi32>], vector<16xf32>,
            %mul3A_217 = arith.mulf %gather3A_216, %mul3A_210 : vector<16xf32>
            tpu.vector_store_idx %arg19[%add3A_208, %broadcast_in_dim3A_215], %mul3A_217 : memref<160x32xf32, #tpu.memory_space<vmem>>[vector<16xi32>, vector<16xi32>], vector<16xf32>,
            %broadcast_in_dim3A_218 = arith.constant 1 : i32
            %broadcast_in_dim3A_219 = vector.broadcast %broadcast_in_dim3A_218 : i32 to vector<16xi32>
            %gather3A_220 = tpu.vector_load_idx %arg19[%add3A_208, %broadcast_in_dim3A_219] : memref<160x32xf32, #tpu.memory_space<vmem>>[vector<16xi32>, vector<16xi32>], vector<16xf32>,
            %mul3A_221 = arith.mulf %gather3A_220, %mul3A_210 : vector<16xf32>
            tpu.vector_store_idx %arg19[%add3A_208, %broadcast_in_dim3A_219], %mul3A_221 : memref<160x32xf32, #tpu.memory_space<vmem>>[vector<16xi32>, vector<16xi32>], vector<16xf32>,
            %broadcast_in_dim3A_222 = arith.constant 2 : i32
            %broadcast_in_dim3A_223 = vector.broadcast %broadcast_in_dim3A_222 : i32 to vector<16xi32>
            %gather3A_224 = tpu.vector_load_idx %arg19[%add3A_208, %broadcast_in_dim3A_223] : memref<160x32xf32, #tpu.memory_space<vmem>>[vector<16xi32>, vector<16xi32>], vector<16xf32>,
            %mul3A_225 = arith.mulf %gather3A_224, %mul3A_210 : vector<16xf32>
            tpu.vector_store_idx %arg19[%add3A_208, %broadcast_in_dim3A_223], %mul3A_225 : memref<160x32xf32, #tpu.memory_space<vmem>>[vector<16xi32>, vector<16xi32>], vector<16xf32>,
            %broadcast_in_dim3A_226 = arith.constant 3 : i32
            %broadcast_in_dim3A_227 = vector.broadcast %broadcast_in_dim3A_226 : i32 to vector<16xi32>
            %gather3A_228 = tpu.vector_load_idx %arg19[%add3A_208, %broadcast_in_dim3A_227] : memref<160x32xf32, #tpu.memory_space<vmem>>[vector<16xi32>, vector<16xi32>], vector<16xf32>,
            %mul3A_229 = arith.mulf %gather3A_228, %mul3A_210 : vector<16xf32>
            tpu.vector_store_idx %arg19[%add3A_208, %broadcast_in_dim3A_227], %mul3A_229 : memref<160x32xf32, #tpu.memory_space<vmem>>[vector<16xi32>, vector<16xi32>], vector<16xf32>,
            %broadcast_in_dim3A_230 = arith.constant 4 : i32
            %broadcast_in_dim3A_231 = vector.broadcast %broadcast_in_dim3A_230 : i32 to vector<16xi32>
            %gather3A_232 = tpu.vector_load_idx %arg19[%add3A_208, %broadcast_in_dim3A_231] : memref<160x32xf32, #tpu.memory_space<vmem>>[vector<16xi32>, vector<16xi32>], vector<16xf32>,
            %mul3A_233 = arith.mulf %gather3A_232, %mul3A_210 : vector<16xf32>
            tpu.vector_store_idx %arg19[%add3A_208, %broadcast_in_dim3A_231], %mul3A_233 : memref<160x32xf32, #tpu.memory_space<vmem>>[vector<16xi32>, vector<16xi32>], vector<16xf32>,
            %broadcast_in_dim3A_234 = arith.constant 5 : i32
            %broadcast_in_dim3A_235 = vector.broadcast %broadcast_in_dim3A_234 : i32 to vector<16xi32>
            %gather3A_236 = tpu.vector_load_idx %arg19[%add3A_208, %broadcast_in_dim3A_235] : memref<160x32xf32, #tpu.memory_space<vmem>>[vector<16xi32>, vector<16xi32>], vector<16xf32>,
            %mul3A_237 = arith.mulf %gather3A_236, %mul3A_210 : vector<16xf32>
            tpu.vector_store_idx %arg19[%add3A_208, %broadcast_in_dim3A_235], %mul3A_237 : memref<160x32xf32, #tpu.memory_space<vmem>>[vector<16xi32>, vector<16xi32>], vector<16xf32>,
            %broadcast_in_dim3A_238 = arith.constant 6 : i32
            %broadcast_in_dim3A_239 = vector.broadcast %broadcast_in_dim3A_238 : i32 to vector<16xi32>
            %gather3A_240 = tpu.vector_load_idx %arg19[%add3A_208, %broadcast_in_dim3A_239] : memref<160x32xf32, #tpu.memory_space<vmem>>[vector<16xi32>, vector<16xi32>], vector<16xf32>,
            %mul3A_241 = arith.mulf %gather3A_240, %mul3A_210 : vector<16xf32>
            tpu.vector_store_idx %arg19[%add3A_208, %broadcast_in_dim3A_239], %mul3A_241 : memref<160x32xf32, #tpu.memory_space<vmem>>[vector<16xi32>, vector<16xi32>], vector<16xf32>,
            %broadcast_in_dim3A_242 = arith.constant 7 : i32
            %broadcast_in_dim3A_243 = vector.broadcast %broadcast_in_dim3A_242 : i32 to vector<16xi32>
            %gather3A_244 = tpu.vector_load_idx %arg19[%add3A_208, %broadcast_in_dim3A_243] : memref<160x32xf32, #tpu.memory_space<vmem>>[vector<16xi32>, vector<16xi32>], vector<16xf32>,
            %mul3A_245 = arith.mulf %gather3A_244, %mul3A_210 : vector<16xf32>
            tpu.vector_store_idx %arg19[%add3A_208, %broadcast_in_dim3A_243], %mul3A_245 : memref<160x32xf32, #tpu.memory_space<vmem>>[vector<16xi32>, vector<16xi32>], vector<16xf32>,
            %broadcast_in_dim3A_246 = arith.constant 8 : i32
            %broadcast_in_dim3A_247 = vector.broadcast %broadcast_in_dim3A_246 : i32 to vector<16xi32>
            %gather3A_248 = tpu.vector_load_idx %arg19[%add3A_208, %broadcast_in_dim3A_247] : memref<160x32xf32, #tpu.memory_space<vmem>>[vector<16xi32>, vector<16xi32>], vector<16xf32>,
            %mul3A_249 = arith.mulf %gather3A_248, %mul3A_210 : vector<16xf32>
            tpu.vector_store_idx %arg19[%add3A_208, %broadcast_in_dim3A_247], %mul3A_249 : memref<160x32xf32, #tpu.memory_space<vmem>>[vector<16xi32>, vector<16xi32>], vector<16xf32>,
            %broadcast_in_dim3A_250 = arith.constant 9 : i32
            %broadcast_in_dim3A_251 = vector.broadcast %broadcast_in_dim3A_250 : i32 to vector<16xi32>
            %gather3A_252 = tpu.vector_load_idx %arg19[%add3A_208, %broadcast_in_dim3A_251] : memref<160x32xf32, #tpu.memory_space<vmem>>[vector<16xi32>, vector<16xi32>], vector<16xf32>,
            %mul3A_253 = arith.mulf %gather3A_252, %mul3A_210 : vector<16xf32>
            tpu.vector_store_idx %arg19[%add3A_208, %broadcast_in_dim3A_251], %mul3A_253 : memref<160x32xf32, #tpu.memory_space<vmem>>[vector<16xi32>, vector<16xi32>], vector<16xf32>,
            %broadcast_in_dim3A_254 = arith.constant 10 : i32
            %broadcast_in_dim3A_255 = vector.broadcast %broadcast_in_dim3A_254 : i32 to vector<16xi32>
            %gather3A_256 = tpu.vector_load_idx %arg19[%add3A_208, %broadcast_in_dim3A_255] : memref<160x32xf32, #tpu.memory_space<vmem>>[vector<16xi32>, vector<16xi32>], vector<16xf32>,
            %mul3A_257 = arith.mulf %gather3A_256, %mul3A_210 : vector<16xf32>
            tpu.vector_store_idx %arg19[%add3A_208, %broadcast_in_dim3A_255], %mul3A_257 : memref<160x32xf32, #tpu.memory_space<vmem>>[vector<16xi32>, vector<16xi32>], vector<16xf32>,
            %broadcast_in_dim3A_258 = arith.constant 11 : i32
            %broadcast_in_dim3A_259 = vector.broadcast %broadcast_in_dim3A_258 : i32 to vector<16xi32>
            %gather3A_260 = tpu.vector_load_idx %arg19[%add3A_208, %broadcast_in_dim3A_259] : memref<160x32xf32, #tpu.memory_space<vmem>>[vector<16xi32>, vector<16xi32>], vector<16xf32>,
            %mul3A_261 = arith.mulf %gather3A_260, %mul3A_210 : vector<16xf32>
            tpu.vector_store_idx %arg19[%add3A_208, %broadcast_in_dim3A_259], %mul3A_261 : memref<160x32xf32, #tpu.memory_space<vmem>>[vector<16xi32>, vector<16xi32>], vector<16xf32>,
            %broadcast_in_dim3A_262 = arith.constant 12 : i32
            %broadcast_in_dim3A_263 = vector.broadcast %broadcast_in_dim3A_262 : i32 to vector<16xi32>
            %gather3A_264 = tpu.vector_load_idx %arg19[%add3A_208, %broadcast_in_dim3A_263] : memref<160x32xf32, #tpu.memory_space<vmem>>[vector<16xi32>, vector<16xi32>], vector<16xf32>,
            %mul3A_265 = arith.mulf %gather3A_264, %mul3A_210 : vector<16xf32>
            tpu.vector_store_idx %arg19[%add3A_208, %broadcast_in_dim3A_263], %mul3A_265 : memref<160x32xf32, #tpu.memory_space<vmem>>[vector<16xi32>, vector<16xi32>], vector<16xf32>,
            %broadcast_in_dim3A_266 = arith.constant 13 : i32
            %broadcast_in_dim3A_267 = vector.broadcast %broadcast_in_dim3A_266 : i32 to vector<16xi32>
            %gather3A_268 = tpu.vector_load_idx %arg19[%add3A_208, %broadcast_in_dim3A_267] : memref<160x32xf32, #tpu.memory_space<vmem>>[vector<16xi32>, vector<16xi32>], vector<16xf32>,
            %mul3A_269 = arith.mulf %gather3A_268, %mul3A_210 : vector<16xf32>
            tpu.vector_store_idx %arg19[%add3A_208, %broadcast_in_dim3A_267], %mul3A_269 : memref<160x32xf32, #tpu.memory_space<vmem>>[vector<16xi32>, vector<16xi32>], vector<16xf32>,
            %broadcast_in_dim3A_270 = arith.constant 14 : i32
            %broadcast_in_dim3A_271 = vector.broadcast %broadcast_in_dim3A_270 : i32 to vector<16xi32>
            %gather3A_272 = tpu.vector_load_idx %arg19[%add3A_208, %broadcast_in_dim3A_271] : memref<160x32xf32, #tpu.memory_space<vmem>>[vector<16xi32>, vector<16xi32>], vector<16xf32>,
            %mul3A_273 = arith.mulf %gather3A_272, %mul3A_210 : vector<16xf32>
            tpu.vector_store_idx %arg19[%add3A_208, %broadcast_in_dim3A_271], %mul3A_273 : memref<160x32xf32, #tpu.memory_space<vmem>>[vector<16xi32>, vector<16xi32>], vector<16xf32>,
            %broadcast_in_dim3A_274 = arith.constant 15 : i32
            %broadcast_in_dim3A_275 = vector.broadcast %broadcast_in_dim3A_274 : i32 to vector<16xi32>
            %gather3A_276 = tpu.vector_load_idx %arg19[%add3A_208, %broadcast_in_dim3A_275] : memref<160x32xf32, #tpu.memory_space<vmem>>[vector<16xi32>, vector<16xi32>], vector<16xf32>,
            %mul3A_277 = arith.mulf %gather3A_276, %mul3A_210 : vector<16xf32>
            tpu.vector_store_idx %arg19[%add3A_208, %broadcast_in_dim3A_275], %mul3A_277 : memref<160x32xf32, #tpu.memory_space<vmem>>[vector<16xi32>, vector<16xi32>], vector<16xf32>,
            %broadcast_in_dim3A_278 = arith.constant 16 : i32
            %broadcast_in_dim3A_279 = vector.broadcast %broadcast_in_dim3A_278 : i32 to vector<16xi32>
            %gather3A_280 = tpu.vector_load_idx %arg19[%add3A_208, %broadcast_in_dim3A_279] : memref<160x32xf32, #tpu.memory_space<vmem>>[vector<16xi32>, vector<16xi32>], vector<16xf32>,
            %mul3A_281 = arith.mulf %gather3A_280, %mul3A_213 : vector<16xf32>
            tpu.vector_store_idx %arg19[%add3A_208, %broadcast_in_dim3A_279], %mul3A_281 : memref<160x32xf32, #tpu.memory_space<vmem>>[vector<16xi32>, vector<16xi32>], vector<16xf32>,
            %broadcast_in_dim3A_282 = arith.constant 17 : i32
            %broadcast_in_dim3A_283 = vector.broadcast %broadcast_in_dim3A_282 : i32 to vector<16xi32>
            %gather3A_284 = tpu.vector_load_idx %arg19[%add3A_208, %broadcast_in_dim3A_283] : memref<160x32xf32, #tpu.memory_space<vmem>>[vector<16xi32>, vector<16xi32>], vector<16xf32>,
            %mul3A_285 = arith.mulf %gather3A_284, %mul3A_213 : vector<16xf32>
            tpu.vector_store_idx %arg19[%add3A_208, %broadcast_in_dim3A_283], %mul3A_285 : memref<160x32xf32, #tpu.memory_space<vmem>>[vector<16xi32>, vector<16xi32>], vector<16xf32>,
            %broadcast_in_dim3A_286 = arith.constant 18 : i32
            %broadcast_in_dim3A_287 = vector.broadcast %broadcast_in_dim3A_286 : i32 to vector<16xi32>
            %gather3A_288 = tpu.vector_load_idx %arg19[%add3A_208, %broadcast_in_dim3A_287] : memref<160x32xf32, #tpu.memory_space<vmem>>[vector<16xi32>, vector<16xi32>], vector<16xf32>,
            %mul3A_289 = arith.mulf %gather3A_288, %mul3A_213 : vector<16xf32>
            tpu.vector_store_idx %arg19[%add3A_208, %broadcast_in_dim3A_287], %mul3A_289 : memref<160x32xf32, #tpu.memory_space<vmem>>[vector<16xi32>, vector<16xi32>], vector<16xf32>,
            %broadcast_in_dim3A_290 = arith.constant 19 : i32
            %broadcast_in_dim3A_291 = vector.broadcast %broadcast_in_dim3A_290 : i32 to vector<16xi32>
            %gather3A_292 = tpu.vector_load_idx %arg19[%add3A_208, %broadcast_in_dim3A_291] : memref<160x32xf32, #tpu.memory_space<vmem>>[vector<16xi32>, vector<16xi32>], vector<16xf32>,
            %mul3A_293 = arith.mulf %gather3A_292, %mul3A_213 : vector<16xf32>
            tpu.vector_store_idx %arg19[%add3A_208, %broadcast_in_dim3A_291], %mul3A_293 : memref<160x32xf32, #tpu.memory_space<vmem>>[vector<16xi32>, vector<16xi32>], vector<16xf32>,
            %broadcast_in_dim3A_294 = arith.constant 20 : i32
            %broadcast_in_dim3A_295 = vector.broadcast %broadcast_in_dim3A_294 : i32 to vector<16xi32>
            %gather3A_296 = tpu.vector_load_idx %arg19[%add3A_208, %broadcast_in_dim3A_295] : memref<160x32xf32, #tpu.memory_space<vmem>>[vector<16xi32>, vector<16xi32>], vector<16xf32>,
            %mul3A_297 = arith.mulf %gather3A_296, %mul3A_213 : vector<16xf32>
            tpu.vector_store_idx %arg19[%add3A_208, %broadcast_in_dim3A_295], %mul3A_297 : memref<160x32xf32, #tpu.memory_space<vmem>>[vector<16xi32>, vector<16xi32>], vector<16xf32>,
            %broadcast_in_dim3A_298 = arith.constant 21 : i32
            %broadcast_in_dim3A_299 = vector.broadcast %broadcast_in_dim3A_298 : i32 to vector<16xi32>
            %gather3A_300 = tpu.vector_load_idx %arg19[%add3A_208, %broadcast_in_dim3A_299] : memref<160x32xf32, #tpu.memory_space<vmem>>[vector<16xi32>, vector<16xi32>], vector<16xf32>,
            %mul3A_301 = arith.mulf %gather3A_300, %mul3A_213 : vector<16xf32>
            tpu.vector_store_idx %arg19[%add3A_208, %broadcast_in_dim3A_299], %mul3A_301 : memref<160x32xf32, #tpu.memory_space<vmem>>[vector<16xi32>, vector<16xi32>], vector<16xf32>,
            %broadcast_in_dim3A_302 = arith.constant 22 : i32
            %broadcast_in_dim3A_303 = vector.broadcast %broadcast_in_dim3A_302 : i32 to vector<16xi32>
            %gather3A_304 = tpu.vector_load_idx %arg19[%add3A_208, %broadcast_in_dim3A_303] : memref<160x32xf32, #tpu.memory_space<vmem>>[vector<16xi32>, vector<16xi32>], vector<16xf32>,
            %mul3A_305 = arith.mulf %gather3A_304, %mul3A_213 : vector<16xf32>
            tpu.vector_store_idx %arg19[%add3A_208, %broadcast_in_dim3A_303], %mul3A_305 : memref<160x32xf32, #tpu.memory_space<vmem>>[vector<16xi32>, vector<16xi32>], vector<16xf32>,
            %broadcast_in_dim3A_306 = arith.constant 23 : i32
            %broadcast_in_dim3A_307 = vector.broadcast %broadcast_in_dim3A_306 : i32 to vector<16xi32>
            %gather3A_308 = tpu.vector_load_idx %arg19[%add3A_208, %broadcast_in_dim3A_307] : memref<160x32xf32, #tpu.memory_space<vmem>>[vector<16xi32>, vector<16xi32>], vector<16xf32>,
            %mul3A_309 = arith.mulf %gather3A_308, %mul3A_213 : vector<16xf32>
            tpu.vector_store_idx %arg19[%add3A_208, %broadcast_in_dim3A_307], %mul3A_309 : memref<160x32xf32, #tpu.memory_space<vmem>>[vector<16xi32>, vector<16xi32>], vector<16xf32>,
            %broadcast_in_dim3A_310 = arith.constant 24 : i32
            %broadcast_in_dim3A_311 = vector.broadcast %broadcast_in_dim3A_310 : i32 to vector<16xi32>
            %gather3A_312 = tpu.vector_load_idx %arg19[%add3A_208, %broadcast_in_dim3A_311] : memref<160x32xf32, #tpu.memory_space<vmem>>[vector<16xi32>, vector<16xi32>], vector<16xf32>,
            %mul3A_313 = arith.mulf %gather3A_312, %mul3A_213 : vector<16xf32>
            tpu.vector_store_idx %arg19[%add3A_208, %broadcast_in_dim3A_311], %mul3A_313 : memref<160x32xf32, #tpu.memory_space<vmem>>[vector<16xi32>, vector<16xi32>], vector<16xf32>,
            %broadcast_in_dim3A_314 = arith.constant 25 : i32
            %broadcast_in_dim3A_315 = vector.broadcast %broadcast_in_dim3A_314 : i32 to vector<16xi32>
            %gather3A_316 = tpu.vector_load_idx %arg19[%add3A_208, %broadcast_in_dim3A_315] : memref<160x32xf32, #tpu.memory_space<vmem>>[vector<16xi32>, vector<16xi32>], vector<16xf32>,
            %mul3A_317 = arith.mulf %gather3A_316, %mul3A_213 : vector<16xf32>
            tpu.vector_store_idx %arg19[%add3A_208, %broadcast_in_dim3A_315], %mul3A_317 : memref<160x32xf32, #tpu.memory_space<vmem>>[vector<16xi32>, vector<16xi32>], vector<16xf32>,
            %broadcast_in_dim3A_318 = arith.constant 26 : i32
            %broadcast_in_dim3A_319 = vector.broadcast %broadcast_in_dim3A_318 : i32 to vector<16xi32>
            %gather3A_320 = tpu.vector_load_idx %arg19[%add3A_208, %broadcast_in_dim3A_319] : memref<160x32xf32, #tpu.memory_space<vmem>>[vector<16xi32>, vector<16xi32>], vector<16xf32>,
            %mul3A_321 = arith.mulf %gather3A_320, %mul3A_213 : vector<16xf32>
            tpu.vector_store_idx %arg19[%add3A_208, %broadcast_in_dim3A_319], %mul3A_321 : memref<160x32xf32, #tpu.memory_space<vmem>>[vector<16xi32>, vector<16xi32>], vector<16xf32>,
            %broadcast_in_dim3A_322 = arith.constant 27 : i32
            %broadcast_in_dim3A_323 = vector.broadcast %broadcast_in_dim3A_322 : i32 to vector<16xi32>
            %gather3A_324 = tpu.vector_load_idx %arg19[%add3A_208, %broadcast_in_dim3A_323] : memref<160x32xf32, #tpu.memory_space<vmem>>[vector<16xi32>, vector<16xi32>], vector<16xf32>,
            %mul3A_325 = arith.mulf %gather3A_324, %mul3A_213 : vector<16xf32>
            tpu.vector_store_idx %arg19[%add3A_208, %broadcast_in_dim3A_323], %mul3A_325 : memref<160x32xf32, #tpu.memory_space<vmem>>[vector<16xi32>, vector<16xi32>], vector<16xf32>,
            %broadcast_in_dim3A_326 = arith.constant 28 : i32
            %broadcast_in_dim3A_327 = vector.broadcast %broadcast_in_dim3A_326 : i32 to vector<16xi32>
            %gather3A_328 = tpu.vector_load_idx %arg19[%add3A_208, %broadcast_in_dim3A_327] : memref<160x32xf32, #tpu.memory_space<vmem>>[vector<16xi32>, vector<16xi32>], vector<16xf32>,
            %mul3A_329 = arith.mulf %gather3A_328, %mul3A_213 : vector<16xf32>
            tpu.vector_store_idx %arg19[%add3A_208, %broadcast_in_dim3A_327], %mul3A_329 : memref<160x32xf32, #tpu.memory_space<vmem>>[vector<16xi32>, vector<16xi32>], vector<16xf32>,
            %broadcast_in_dim3A_330 = arith.constant 29 : i32
            %broadcast_in_dim3A_331 = vector.broadcast %broadcast_in_dim3A_330 : i32 to vector<16xi32>
            %gather3A_332 = tpu.vector_load_idx %arg19[%add3A_208, %broadcast_in_dim3A_331] : memref<160x32xf32, #tpu.memory_space<vmem>>[vector<16xi32>, vector<16xi32>], vector<16xf32>,
            %mul3A_333 = arith.mulf %gather3A_332, %mul3A_213 : vector<16xf32>
            tpu.vector_store_idx %arg19[%add3A_208, %broadcast_in_dim3A_331], %mul3A_333 : memref<160x32xf32, #tpu.memory_space<vmem>>[vector<16xi32>, vector<16xi32>], vector<16xf32>,
            %broadcast_in_dim3A_334 = arith.constant 30 : i32
            %broadcast_in_dim3A_335 = vector.broadcast %broadcast_in_dim3A_334 : i32 to vector<16xi32>
            %gather3A_336 = tpu.vector_load_idx %arg19[%add3A_208, %broadcast_in_dim3A_335] : memref<160x32xf32, #tpu.memory_space<vmem>>[vector<16xi32>, vector<16xi32>], vector<16xf32>,
            %mul3A_337 = arith.mulf %gather3A_336, %mul3A_213 : vector<16xf32>
            tpu.vector_store_idx %arg19[%add3A_208, %broadcast_in_dim3A_335], %mul3A_337 : memref<160x32xf32, #tpu.memory_space<vmem>>[vector<16xi32>, vector<16xi32>], vector<16xf32>,
            %broadcast_in_dim3A_338 = arith.constant 31 : i32
            %broadcast_in_dim3A_339 = vector.broadcast %broadcast_in_dim3A_338 : i32 to vector<16xi32>
            %gather3A_340 = tpu.vector_load_idx %arg19[%add3A_208, %broadcast_in_dim3A_339] : memref<160x32xf32, #tpu.memory_space<vmem>>[vector<16xi32>, vector<16xi32>], vector<16xf32>,
            %mul3A_341 = arith.mulf %gather3A_340, %mul3A_213 : vector<16xf32>
            tpu.vector_store_idx %arg19[%add3A_208, %broadcast_in_dim3A_339], %mul3A_341 : memref<160x32xf32, #tpu.memory_space<vmem>>[vector<16xi32>, vector<16xi32>], vector<16xf32>,
          }
          %scan3A_203 = arith.constant 10 : i32
          "tpu.region"() ({
            %run_scoped3A = tpu.sem_alloc : memref<!tpu.dma_semaphore, #tpu.memory_space<semaphore_mem>>
            %dma_start3A_204 = arith.constant 0 : i32
            %dma_start3A_205 = arith.constant 0 : i32
            %dma_start3A_206 = tpu.memref_slice %arg26[%dma_start3A_204, %dma_start3A_205] : memref<50000x32xf32, #tpu.memory_space<vmem_shared>> -> memref<50000x32xf32, #tpu.memory_space<vmem_shared>>
            tpu.enqueue_indirect_dma source(%arg19 : memref<160x32xf32, #tpu.memory_space<vmem>>) target(%dma_start3A_206 : memref<50000x32xf32, #tpu.memory_space<vmem_shared>>) offsets(%arg17 : memref<160xi32, #tpu.memory_space<vmem>>) semaphore(%run_scoped3A : memref<!tpu.dma_semaphore, #tpu.memory_space<semaphore_mem>>) {add = true}
            %dma_wait3A_207 = arith.constant 0 : i32
            %dma_wait3A_208 = arith.constant 0 : i32
            %dma_wait3A_209 = tpu.memref_slice %arg26[%dma_wait3A_207, %dma_wait3A_208] : memref<50000x32xf32, #tpu.memory_space<vmem_shared>> -> memref<50000x32xf32, #tpu.memory_space<vmem_shared>>
            tpu.wait_indirect_dma semaphore(%run_scoped3A : memref<!tpu.dma_semaphore, #tpu.memory_space<semaphore_mem>>) src(%arg19 : memref<160x32xf32, #tpu.memory_space<vmem>>) dst(%dma_wait3A_209 : memref<50000x32xf32, #tpu.memory_space<vmem_shared>>)
            tpu.yield
          }) : () -> ()
        } else {
        }
        %add3A_170 = arith.constant 2 : i32
        %add3A_171 = arith.addi %add3A_141, %add3A_170 : i32
        %mul3A_172 = arith.constant 16 : i32
        %mul3A_173 = arith.muli %mul3A_172, %add3A_171 : i32
        %add3A_174 = arith.addi %arg1, %mul3A_173 : i32
        %lt3A_175 = arith.constant 5000 : i32
        %lt3A_176 = arith.cmpi slt, %add3A_174, %lt3A_175 : i32
        %convert_element_type3A_177 = arith.extui %lt3A_176 : i1 to i32
        %cond3A_178 = arith.constant 0 : i32
        %cond3A_179 = arith.cmpi ne, %convert_element_type3A_177, %cond3A_178 : i32
        scf.if %cond3A_179 {
          %add3A_180 = arith.constant 2 : i32
          %add3A_181 = arith.addi %add3A_141, %add3A_180 : i32
          %mul3A_182 = arith.constant 16 : i32
          %mul3A_183 = arith.muli %mul3A_182, %add3A_181 : i32
          %add3A_184 = arith.addi %arg1, %mul3A_183 : i32
          %mul3A_185 = arith.constant 160 : i32
          %mul3A_186 = arith.muli %add3A_184, %mul3A_185 : i32
          %dma_start3A_187 = tpu.memref_slice %arg6[%mul3A_186] : memref<800000xi32, #tpu.memory_space<hbm>> -> memref<160xi32, #tpu.memory_space<hbm>>
          %dma_start3A_188 = tpu.memref_slice %arg6[%mul3A_186] : memref<800000xi32, #tpu.memory_space<hbm>> -> memref<160xi32, #tpu.memory_space<hbm>>
          tpu.enqueue_dma source(%dma_start3A_188 : memref<160xi32, #tpu.memory_space<hbm>>) target(%arg13 : memref<160xi32, #tpu.memory_space<vmem>>) target_semaphore(%arg28 : memref<!tpu.dma_semaphore, #tpu.memory_space<semaphore_mem>>)
          %mul3A_189 = arith.constant 16 : i32
          %mul3A_190 = arith.muli %mul3A_189, %add3A_181 : i32
          %add3A_191 = arith.addi %arg1, %mul3A_190 : i32
          %mul3A_192 = arith.constant 160 : i32
          %mul3A_193 = arith.muli %add3A_191, %mul3A_192 : i32
          %dma_start3A_194 = tpu.memref_slice %arg7[%mul3A_193] : memref<800000xi32, #tpu.memory_space<hbm>> -> memref<160xi32, #tpu.memory_space<hbm>>
          %dma_start3A_195 = tpu.memref_slice %arg7[%mul3A_193] : memref<800000xi32, #tpu.memory_space<hbm>> -> memref<160xi32, #tpu.memory_space<hbm>>
          tpu.enqueue_dma source(%dma_start3A_195 : memref<160xi32, #tpu.memory_space<hbm>>) target(%arg15 : memref<160xi32, #tpu.memory_space<vmem>>) target_semaphore(%arg28 : memref<!tpu.dma_semaphore, #tpu.memory_space<semaphore_mem>>)
          %mul3A_196 = arith.constant 16 : i32
          %mul3A_197 = arith.muli %mul3A_196, %add3A_181 : i32
          %add3A_198 = arith.addi %arg1, %mul3A_197 : i32
          %mul3A_199 = arith.constant 160 : i32
          %mul3A_200 = arith.muli %add3A_198, %mul3A_199 : i32
          %dma_start3A_201 = tpu.memref_slice %arg8[%mul3A_200] : memref<800000xi32, #tpu.memory_space<hbm>> -> memref<160xi32, #tpu.memory_space<hbm>>
          %dma_start3A_202 = tpu.memref_slice %arg8[%mul3A_200] : memref<800000xi32, #tpu.memory_space<hbm>> -> memref<160xi32, #tpu.memory_space<hbm>>
          tpu.enqueue_dma source(%dma_start3A_202 : memref<160xi32, #tpu.memory_space<hbm>>) target(%arg17 : memref<160xi32, #tpu.memory_space<vmem>>) target_semaphore(%arg28 : memref<!tpu.dma_semaphore, #tpu.memory_space<semaphore_mem>>)
        } else {
        }
      }
      %scan3A_90 = arith.constant 158 : i32
      %barrier3A_91 = arith.constant 0 : index
      tpu.barrier barrier_id(%barrier3A_91)
      %scan3A_92 = arith.constant 0 : i32
      %scan3A_93 = arith.constant 0 : i32
      %scan3A_94 = arith.constant 16 : i32
      %scan3A_95 = arith.addi %scan3A_93, %scan3A_94 : i32
      %scan3A_96 = arith.constant 1 : i32
      scf.for %scan3A_98 = %scan3A_93 to %scan3A_95 step %scan3A_96  : i32 {
        %mul3A_99 = arith.constant 16 : i32
        %mul3A_100 = arith.muli %mul3A_99, %scan3A_98 : i32
        %add3A_101 = arith.addi %arg1, %mul3A_100 : i32
        %lt3A = arith.constant 250 : i32
        %lt3A_102 = arith.cmpi slt, %add3A_101, %lt3A : i32
        %convert_element_type3A_103 = arith.extui %lt3A_102 : i1 to i32
        %cond3A_104 = arith.constant 0 : i32
        %cond3A_105 = arith.cmpi ne, %convert_element_type3A_103, %cond3A_104 : i32
        scf.if %cond3A_105 {
          %mul3A_106 = arith.constant 200 : i32
          %mul3A_107 = arith.muli %add3A_101, %mul3A_106 : i32
          "tpu.region"() ({
            %run_scoped3A = tpu.sem_alloc : memref<!tpu.dma_semaphore, #tpu.memory_space<semaphore_mem>>
            %dma_start3A_110 = arith.constant 0 : i32
            %dma_start3A_111 = tpu.memref_slice %arg26[%mul3A_107, %dma_start3A_110] : memref<50000x32xf32, #tpu.memory_space<vmem_shared>> -> memref<200x32xf32, #tpu.memory_space<vmem_shared>>
            %dma_start3A_112 = arith.constant 0 : i32
            %dma_start3A_113 = tpu.memref_slice %arg26[%mul3A_107, %dma_start3A_112] : memref<50000x32xf32, #tpu.memory_space<vmem_shared>> -> memref<200x32xf32, #tpu.memory_space<vmem_shared>>
            tpu.enqueue_dma source(%dma_start3A_113 : memref<200x32xf32, #tpu.memory_space<vmem_shared>>) target(%arg24 : memref<200x32xf32, #tpu.memory_space<vmem>>) target_semaphore(%run_scoped3A : memref<!tpu.dma_semaphore, #tpu.memory_space<semaphore_mem>>)
            %dma_wait3A_114 = arith.constant 0 : i32
            %dma_wait3A_115 = tpu.memref_slice %arg26[%mul3A_107, %dma_wait3A_114] : memref<50000x32xf32, #tpu.memory_space<vmem_shared>> -> memref<200x32xf32, #tpu.memory_space<vmem_shared>>
            %dma_wait3A_116 = arith.constant 0 : i32
            %dma_wait3A_117 = tpu.memref_slice %arg26[%mul3A_107, %dma_wait3A_116] : memref<50000x32xf32, #tpu.memory_space<vmem_shared>> -> memref<200x32xf32, #tpu.memory_space<vmem_shared>>
            tpu.wait_dma2 semaphore(%run_scoped3A : memref<!tpu.dma_semaphore, #tpu.memory_space<semaphore_mem>>) src(%dma_wait3A_117 : memref<200x32xf32, #tpu.memory_space<vmem_shared>>) dst(%arg24 : memref<200x32xf32, #tpu.memory_space<vmem>>)
            tpu.yield
          }) : () -> ()
          %mul3A_108 = arith.constant 200 : i32
          %mul3A_109 = arith.muli %add3A_101, %mul3A_108 : i32
          "tpu.region"() ({
            %run_scoped3A = tpu.sem_alloc : memref<!tpu.dma_semaphore, #tpu.memory_space<semaphore_mem>>
            %dma_start3A_110 = arith.constant 0 : i32
            %dma_start3A_111 = tpu.memref_slice %arg11[%mul3A_109, %dma_start3A_110] : memref<50000x32xf32, #tpu.memory_space<hbm>> -> memref<200x32xf32, #tpu.memory_space<hbm>>
            %dma_start3A_112 = arith.constant 0 : i32
            %dma_start3A_113 = tpu.memref_slice %arg11[%mul3A_109, %dma_start3A_112] : memref<50000x32xf32, #tpu.memory_space<hbm>> -> memref<200x32xf32, #tpu.memory_space<hbm>>
            tpu.enqueue_dma source(%arg24 : memref<200x32xf32, #tpu.memory_space<vmem>>) target(%dma_start3A_113 : memref<200x32xf32, #tpu.memory_space<hbm>>) target_semaphore(%run_scoped3A : memref<!tpu.dma_semaphore, #tpu.memory_space<semaphore_mem>>)
            %dma_wait3A_114 = arith.constant 0 : i32
            %dma_wait3A_115 = tpu.memref_slice %arg11[%mul3A_109, %dma_wait3A_114] : memref<50000x32xf32, #tpu.memory_space<hbm>> -> memref<200x32xf32, #tpu.memory_space<hbm>>
            %dma_wait3A_116 = arith.constant 0 : i32
            %dma_wait3A_117 = tpu.memref_slice %arg11[%mul3A_109, %dma_wait3A_116] : memref<50000x32xf32, #tpu.memory_space<hbm>> -> memref<200x32xf32, #tpu.memory_space<hbm>>
            tpu.wait_dma2 semaphore(%run_scoped3A : memref<!tpu.dma_semaphore, #tpu.memory_space<semaphore_mem>>) src(%arg24 : memref<200x32xf32, #tpu.memory_space<vmem>>) dst(%dma_wait3A_117 : memref<200x32xf32, #tpu.memory_space<hbm>>)
            tpu.yield
          }) : () -> ()
        } else {
        }
      }
      %scan3A_97 = arith.constant 16 : i32
    } else {
    }
    return
  }
}

#map = affine_map<(d0, d1) -> (0, 0)>
#map1 = affine_map<(d0, d1) -> (0)>
module attributes {stable_mosaic.version = 14 : i64} {
  func.func @kb(%arg0: i32, %arg1: i32, %arg2: memref<100000x8xf32, #tpu.memory_space<hbm>>, %arg3: memref<800000xi32, #tpu.memory_space<hbm>>, %arg4: memref<800000xi32, #tpu.memory_space<hbm>>, %arg5: memref<800000x8xf32, #tpu.memory_space<hbm>>, %arg6: memref<100000x8xf32, #tpu.memory_space<hbm>>, %arg7: memref<800xi32, #tpu.memory_space<vmem>>, %arg8: memref<800xi32, #tpu.memory_space<vmem>>, %arg9: memref<800xi32, #tpu.memory_space<vmem>>, %arg10: memref<800xi32, #tpu.memory_space<vmem>>, %arg11: memref<800x8xf32, #tpu.memory_space<vmem>>, %arg12: memref<800x8xf32, #tpu.memory_space<vmem>>, %arg13: memref<800x8xf32, #tpu.memory_space<vmem>>, %arg14: memref<800x8xf32, #tpu.memory_space<vmem>>, %arg15: memref<800x8xf32, #tpu.memory_space<vmem>>, %arg16: memref<800x8xf32, #tpu.memory_space<vmem>>, %arg17: memref<200x8xf32, #tpu.memory_space<vmem>>, %arg18: memref<100000x8xf32, #tpu.memory_space<vmem_shared>>, %arg19: memref<!tpu.dma_semaphore, #tpu.memory_space<semaphore_mem>>, %arg20: memref<!tpu.dma_semaphore, #tpu.memory_space<semaphore_mem>>, %arg21: memref<!tpu.dma_semaphore, #tpu.memory_space<semaphore_mem>>, %arg22: memref<!tpu.dma_semaphore, #tpu.memory_space<semaphore_mem>>) attributes {dimension_semantics = [#tpu.dimension_semantics<core_parallel>, #tpu.dimension_semantics<subcore_parallel>], iteration_bounds = array<i64: 2, 16>, scalar_prefetch = 0 : i64, scratch_operands = 16 : i64, tpu.core_type = #tpu.core_type<sc_vector_subcore>, window_params = [{transform_indices = #map}, {transform_indices = #map1}, {transform_indices = #map1}, {transform_indices = #map}, {transform_indices = #map}]} {
    %iota3A = tpu.iota {dimensions = array<i32: 0>} : vector<16xi32>
    %jit3A = arith.constant 8 : i32
    %div3A = vector.broadcast %jit3A : i32 to vector<16xi32>
    %div3A_0 = arith.divsi %iota3A, %div3A : vector<16xi32>
    %sign3A = arith.constant 0 : i32
    %sign3A_1 = vector.broadcast %sign3A : i32 to vector<16xi32>
    %sign3A_2 = arith.cmpi sgt, %iota3A, %sign3A_1 : vector<16xi32>
    %sign3A_3 = arith.extui %sign3A_2 : vector<16xi1> to vector<16xi32>
    %sign3A_4 = arith.constant 0 : i32
    %sign3A_5 = vector.broadcast %sign3A_4 : i32 to vector<16xi32>
    %sign3A_6 = arith.cmpi slt, %iota3A, %sign3A_5 : vector<16xi32>
    %sign3A_7 = arith.extui %sign3A_6 : vector<16xi1> to vector<16xi32>
    %sign3A_8 = arith.subi %sign3A_3, %sign3A_7 : vector<16xi32>
    %sign3A_9 = arith.constant 0 : i32
    %sign3A_10 = arith.cmpi sgt, %jit3A, %sign3A_9 : i32
    %sign3A_11 = arith.extui %sign3A_10 : i1 to i32
    %sign3A_12 = arith.constant 0 : i32
    %sign3A_13 = arith.cmpi slt, %jit3A, %sign3A_12 : i32
    %sign3A_14 = arith.extui %sign3A_13 : i1 to i32
    %sign3A_15 = arith.subi %sign3A_11, %sign3A_14 : i32
    %ne3A = vector.broadcast %sign3A_15 : i32 to vector<16xi32>
    %ne3A_16 = arith.cmpi ne, %sign3A_8, %ne3A : vector<16xi32>
    %rem3A = vector.broadcast %jit3A : i32 to vector<16xi32>
    %rem3A_17 = arith.remsi %iota3A, %rem3A : vector<16xi32>
    %ne3A_18 = arith.constant 0 : i32
    %ne3A_19 = vector.broadcast %ne3A_18 : i32 to vector<16xi32>
    %ne3A_20 = arith.cmpi ne, %rem3A_17, %ne3A_19 : vector<16xi32>
    %and3A = arith.andi %ne3A_16, %ne3A_20 : vector<16xi1>
    %sub3A = arith.constant 1 : i32
    %sub3A_21 = vector.broadcast %sub3A : i32 to vector<16xi32>
    %sub3A_22 = arith.subi %div3A_0, %sub3A_21 : vector<16xi32>
    %select_n3A = arith.select %and3A, %sub3A_22, %div3A_0 : vector<16xi1>, vector<16xi32>
    %jit3A_23 = arith.constant 8 : i32
    %eq3A = arith.constant 0 : i32
    %eq3A_24 = arith.cmpi eq, %jit3A_23, %eq3A : i32
    %jit3A_25 = arith.constant 1 : i32
    %select_n3A_26 = arith.select %eq3A_24, %jit3A_25, %jit3A_23 : i32
    %rem3A_27 = vector.broadcast %select_n3A_26 : i32 to vector<16xi32>
    %rem3A_28 = arith.remsi %iota3A, %rem3A_27 : vector<16xi32>
    %ne3A_29 = arith.constant 0 : i32
    %ne3A_30 = vector.broadcast %ne3A_29 : i32 to vector<16xi32>
    %ne3A_31 = arith.cmpi ne, %rem3A_28, %ne3A_30 : vector<16xi32>
    %lt3A = arith.constant 0 : i32
    %lt3A_32 = vector.broadcast %lt3A : i32 to vector<16xi32>
    %lt3A_33 = arith.cmpi slt, %rem3A_28, %lt3A_32 : vector<16xi32>
    %lt3A_34 = arith.constant 0 : i32
    %lt3A_35 = arith.cmpi slt, %select_n3A_26, %lt3A_34 : i32
    %ne3A_36 = vector.broadcast %lt3A_35 : i1 to vector<16xi1>
    %ne3A_37 = vector.broadcast %ne3A_36 : vector<16xi1> to vector<16xi1>
    %ne3A_38 = arith.xori %lt3A_33, %ne3A_37 : vector<16xi1>
    %and3A_39 = arith.andi %ne3A_38, %ne3A_31 : vector<16xi1>
    %add3A = vector.broadcast %select_n3A_26 : i32 to vector<16xi32>
    %add3A_40 = arith.addi %rem3A_28, %add3A : vector<16xi32>
    %select_n3A_41 = arith.select %and3A_39, %add3A_40, %rem3A_28 : vector<16xi1>, vector<16xi32>
    %broadcast_in_dim3A = arith.constant 0.000000e+00 : f32
    %broadcast_in_dim3A_42 = vector.broadcast %broadcast_in_dim3A : f32 to vector<16xf32>
    %scan3A = arith.constant 0 : i32
    %scan3A_43 = arith.constant 0 : i32
    %scan3A_44 = arith.constant 200 : i32
    %scan3A_45 = arith.addi %scan3A_43, %scan3A_44 : i32
    %scan3A_46 = arith.constant 1 : i32
    scf.for %scan3A_130 = %scan3A_43 to %scan3A_45 step %scan3A_46  : i32 {
      %mul3A_131 = arith.constant 4 : i32
      %mul3A_132 = arith.muli %scan3A_130, %mul3A_131 : i32
      %jit3A_133 = arith.constant 4 : i32
      %div3A_134 = vector.broadcast %jit3A_133 : i32 to vector<16xi32>
      %div3A_135 = arith.divsi %iota3A, %div3A_134 : vector<16xi32>
      %sign3A_136 = arith.constant 0 : i32
      %sign3A_137 = vector.broadcast %sign3A_136 : i32 to vector<16xi32>
      %sign3A_138 = arith.cmpi sgt, %iota3A, %sign3A_137 : vector<16xi32>
      %sign3A_139 = arith.extui %sign3A_138 : vector<16xi1> to vector<16xi32>
      %sign3A_140 = arith.constant 0 : i32
      %sign3A_141 = vector.broadcast %sign3A_140 : i32 to vector<16xi32>
      %sign3A_142 = arith.cmpi slt, %iota3A, %sign3A_141 : vector<16xi32>
      %sign3A_143 = arith.extui %sign3A_142 : vector<16xi1> to vector<16xi32>
      %sign3A_144 = arith.subi %sign3A_139, %sign3A_143 : vector<16xi32>
      %sign3A_145 = arith.constant 0 : i32
      %sign3A_146 = arith.cmpi sgt, %jit3A_133, %sign3A_145 : i32
      %sign3A_147 = arith.extui %sign3A_146 : i1 to i32
      %sign3A_148 = arith.constant 0 : i32
      %sign3A_149 = arith.cmpi slt, %jit3A_133, %sign3A_148 : i32
      %sign3A_150 = arith.extui %sign3A_149 : i1 to i32
      %sign3A_151 = arith.subi %sign3A_147, %sign3A_150 : i32
      %ne3A_152 = vector.broadcast %sign3A_151 : i32 to vector<16xi32>
      %ne3A_153 = arith.cmpi ne, %sign3A_144, %ne3A_152 : vector<16xi32>
      %rem3A_154 = vector.broadcast %jit3A_133 : i32 to vector<16xi32>
      %rem3A_155 = arith.remsi %iota3A, %rem3A_154 : vector<16xi32>
      %ne3A_156 = arith.constant 0 : i32
      %ne3A_157 = vector.broadcast %ne3A_156 : i32 to vector<16xi32>
      %ne3A_158 = arith.cmpi ne, %rem3A_155, %ne3A_157 : vector<16xi32>
      %and3A_159 = arith.andi %ne3A_153, %ne3A_158 : vector<16xi1>
      %sub3A_160 = arith.constant 1 : i32
      %sub3A_161 = vector.broadcast %sub3A_160 : i32 to vector<16xi32>
      %sub3A_162 = arith.subi %div3A_135, %sub3A_161 : vector<16xi32>
      %select_n3A_163 = arith.select %and3A_159, %sub3A_162, %div3A_135 : vector<16xi1>, vector<16xi32>
      %add3A_164 = vector.broadcast %mul3A_132 : i32 to vector<16xi32>
      %add3A_165 = arith.addi %add3A_164, %select_n3A_163 : vector<16xi32>
      %jit3A_166 = arith.constant 4 : i32
      %eq3A_167 = arith.constant 0 : i32
      %eq3A_168 = arith.cmpi eq, %jit3A_166, %eq3A_167 : i32
      %jit3A_169 = arith.constant 1 : i32
      %select_n3A_170 = arith.select %eq3A_168, %jit3A_169, %jit3A_166 : i32
      %rem3A_171 = vector.broadcast %select_n3A_170 : i32 to vector<16xi32>
      %rem3A_172 = arith.remsi %iota3A, %rem3A_171 : vector<16xi32>
      %ne3A_173 = arith.constant 0 : i32
      %ne3A_174 = vector.broadcast %ne3A_173 : i32 to vector<16xi32>
      %ne3A_175 = arith.cmpi ne, %rem3A_172, %ne3A_174 : vector<16xi32>
      %lt3A_176 = arith.constant 0 : i32
      %lt3A_177 = vector.broadcast %lt3A_176 : i32 to vector<16xi32>
      %lt3A_178 = arith.cmpi slt, %rem3A_172, %lt3A_177 : vector<16xi32>
      %lt3A_179 = arith.constant 0 : i32
      %lt3A_180 = arith.cmpi slt, %select_n3A_170, %lt3A_179 : i32
      %ne3A_181 = vector.broadcast %lt3A_180 : i1 to vector<16xi1>
      %ne3A_182 = vector.broadcast %ne3A_181 : vector<16xi1> to vector<16xi1>
      %ne3A_183 = arith.xori %lt3A_178, %ne3A_182 : vector<16xi1>
      %and3A_184 = arith.andi %ne3A_183, %ne3A_175 : vector<16xi1>
      %add3A_185 = vector.broadcast %select_n3A_170 : i32 to vector<16xi32>
      %add3A_186 = arith.addi %rem3A_172, %add3A_185 : vector<16xi32>
      %select_n3A_187 = arith.select %and3A_184, %add3A_186, %rem3A_172 : vector<16xi1>, vector<16xi32>
      %add3A_188 = arith.constant 4 : i32
      %add3A_189 = vector.broadcast %add3A_188 : i32 to vector<16xi32>
      %add3A_190 = arith.addi %add3A_189, %select_n3A_187 : vector<16xi32>
      tpu.vector_store_idx %arg15[%add3A_165, %add3A_190], %broadcast_in_dim3A_42 : memref<800x8xf32, #tpu.memory_space<vmem>>[vector<16xi32>, vector<16xi32>], vector<16xf32>,
      %mul3A_191 = arith.constant 4 : i32
      %mul3A_192 = arith.muli %scan3A_130, %mul3A_191 : i32
      %jit3A_193 = arith.constant 4 : i32
      %div3A_194 = vector.broadcast %jit3A_193 : i32 to vector<16xi32>
      %div3A_195 = arith.divsi %iota3A, %div3A_194 : vector<16xi32>
      %sign3A_196 = arith.constant 0 : i32
      %sign3A_197 = vector.broadcast %sign3A_196 : i32 to vector<16xi32>
      %sign3A_198 = arith.cmpi sgt, %iota3A, %sign3A_197 : vector<16xi32>
      %sign3A_199 = arith.extui %sign3A_198 : vector<16xi1> to vector<16xi32>
      %sign3A_200 = arith.constant 0 : i32
      %sign3A_201 = vector.broadcast %sign3A_200 : i32 to vector<16xi32>
      %sign3A_202 = arith.cmpi slt, %iota3A, %sign3A_201 : vector<16xi32>
      %sign3A_203 = arith.extui %sign3A_202 : vector<16xi1> to vector<16xi32>
      %sign3A_204 = arith.subi %sign3A_199, %sign3A_203 : vector<16xi32>
      %sign3A_205 = arith.constant 0 : i32
      %sign3A_206 = arith.cmpi sgt, %jit3A_193, %sign3A_205 : i32
      %sign3A_207 = arith.extui %sign3A_206 : i1 to i32
      %sign3A_208 = arith.constant 0 : i32
      %sign3A_209 = arith.cmpi slt, %jit3A_193, %sign3A_208 : i32
      %sign3A_210 = arith.extui %sign3A_209 : i1 to i32
      %sign3A_211 = arith.subi %sign3A_207, %sign3A_210 : i32
      %ne3A_212 = vector.broadcast %sign3A_211 : i32 to vector<16xi32>
      %ne3A_213 = arith.cmpi ne, %sign3A_204, %ne3A_212 : vector<16xi32>
      %rem3A_214 = vector.broadcast %jit3A_193 : i32 to vector<16xi32>
      %rem3A_215 = arith.remsi %iota3A, %rem3A_214 : vector<16xi32>
      %ne3A_216 = arith.constant 0 : i32
      %ne3A_217 = vector.broadcast %ne3A_216 : i32 to vector<16xi32>
      %ne3A_218 = arith.cmpi ne, %rem3A_215, %ne3A_217 : vector<16xi32>
      %and3A_219 = arith.andi %ne3A_213, %ne3A_218 : vector<16xi1>
      %sub3A_220 = arith.constant 1 : i32
      %sub3A_221 = vector.broadcast %sub3A_220 : i32 to vector<16xi32>
      %sub3A_222 = arith.subi %div3A_195, %sub3A_221 : vector<16xi32>
      %select_n3A_223 = arith.select %and3A_219, %sub3A_222, %div3A_195 : vector<16xi1>, vector<16xi32>
      %add3A_224 = vector.broadcast %mul3A_192 : i32 to vector<16xi32>
      %add3A_225 = arith.addi %add3A_224, %select_n3A_223 : vector<16xi32>
      %jit3A_226 = arith.constant 4 : i32
      %eq3A_227 = arith.constant 0 : i32
      %eq3A_228 = arith.cmpi eq, %jit3A_226, %eq3A_227 : i32
      %jit3A_229 = arith.constant 1 : i32
      %select_n3A_230 = arith.select %eq3A_228, %jit3A_229, %jit3A_226 : i32
      %rem3A_231 = vector.broadcast %select_n3A_230 : i32 to vector<16xi32>
      %rem3A_232 = arith.remsi %iota3A, %rem3A_231 : vector<16xi32>
      %ne3A_233 = arith.constant 0 : i32
      %ne3A_234 = vector.broadcast %ne3A_233 : i32 to vector<16xi32>
      %ne3A_235 = arith.cmpi ne, %rem3A_232, %ne3A_234 : vector<16xi32>
      %lt3A_236 = arith.constant 0 : i32
      %lt3A_237 = vector.broadcast %lt3A_236 : i32 to vector<16xi32>
      %lt3A_238 = arith.cmpi slt, %rem3A_232, %lt3A_237 : vector<16xi32>
      %lt3A_239 = arith.constant 0 : i32
      %lt3A_240 = arith.cmpi slt, %select_n3A_230, %lt3A_239 : i32
      %ne3A_241 = vector.broadcast %lt3A_240 : i1 to vector<16xi1>
      %ne3A_242 = vector.broadcast %ne3A_241 : vector<16xi1> to vector<16xi1>
      %ne3A_243 = arith.xori %lt3A_238, %ne3A_242 : vector<16xi1>
      %and3A_244 = arith.andi %ne3A_243, %ne3A_235 : vector<16xi1>
      %add3A_245 = vector.broadcast %select_n3A_230 : i32 to vector<16xi32>
      %add3A_246 = arith.addi %rem3A_232, %add3A_245 : vector<16xi32>
      %select_n3A_247 = arith.select %and3A_244, %add3A_246, %rem3A_232 : vector<16xi1>, vector<16xi32>
      %add3A_248 = arith.constant 4 : i32
      %add3A_249 = vector.broadcast %add3A_248 : i32 to vector<16xi32>
      %add3A_250 = arith.addi %add3A_249, %select_n3A_247 : vector<16xi32>
      tpu.vector_store_idx %arg16[%add3A_225, %add3A_250], %broadcast_in_dim3A_42 : memref<800x8xf32, #tpu.memory_space<vmem>>[vector<16xi32>, vector<16xi32>], vector<16xf32>,
    }
    %scan3A_47 = arith.constant 200 : i32
    %scan3A_48 = arith.constant 0 : i32
    %scan3A_49 = arith.constant 0 : i32
    %scan3A_50 = arith.constant 100 : i32
    %scan3A_51 = arith.addi %scan3A_49, %scan3A_50 : i32
    %scan3A_52 = arith.constant 1 : i32
    scf.for %scan3A_130 = %scan3A_49 to %scan3A_51 step %scan3A_52  : i32 {
      %mul3A_131 = arith.constant 2 : i32
      %mul3A_132 = arith.muli %scan3A_130, %mul3A_131 : i32
      %add3A_133 = vector.broadcast %mul3A_132 : i32 to vector<16xi32>
      %add3A_134 = arith.addi %select_n3A, %add3A_133 : vector<16xi32>
      tpu.vector_store_idx %arg17[%add3A_134, %select_n3A_41], %broadcast_in_dim3A_42 : memref<200x8xf32, #tpu.memory_space<vmem>>[vector<16xi32>, vector<16xi32>], vector<16xf32>,
    }
    %scan3A_53 = arith.constant 100 : i32
    %scan3A_54 = arith.constant 0 : i32
    %scan3A_55 = arith.constant 0 : i32
    %scan3A_56 = arith.constant 16 : i32
    %scan3A_57 = arith.addi %scan3A_55, %scan3A_56 : i32
    %scan3A_58 = arith.constant 1 : i32
    scf.for %scan3A_130 = %scan3A_55 to %scan3A_57 step %scan3A_58  : i32 {
      %mul3A_131 = arith.constant 16 : i32
      %mul3A_132 = arith.muli %mul3A_131, %scan3A_130 : i32
      %add3A_133 = arith.addi %arg1, %mul3A_132 : i32
      %lt3A_134 = arith.constant 250 : i32
      %lt3A_135 = arith.cmpi slt, %add3A_133, %lt3A_134 : i32
      %convert_element_type3A = arith.extui %lt3A_135 : i1 to i32
      %cond3A = arith.constant 0 : i32
      %cond3A_136 = arith.cmpi ne, %convert_element_type3A, %cond3A : i32
      scf.if %cond3A_136 {
        %mul3A_137 = arith.constant 50000 : i32
        %mul3A_138 = arith.muli %arg0, %mul3A_137 : i32
        %mul3A_139 = arith.constant 200 : i32
        %mul3A_140 = arith.muli %add3A_133, %mul3A_139 : i32
        %add3A_141 = arith.addi %mul3A_138, %mul3A_140 : i32
        "tpu.region"() ({
          %run_scoped3A = tpu.sem_alloc : memref<!tpu.dma_semaphore, #tpu.memory_space<semaphore_mem>>
          %dma_start3A_142 = arith.constant 0 : i32
          %dma_start3A_143 = tpu.memref_slice %arg18[%add3A_141, %dma_start3A_142] : memref<100000x8xf32, #tpu.memory_space<vmem_shared>> -> memref<200x8xf32, #tpu.memory_space<vmem_shared>>
          %dma_start3A_144 = arith.constant 0 : i32
          %dma_start3A_145 = tpu.memref_slice %arg18[%add3A_141, %dma_start3A_144] : memref<100000x8xf32, #tpu.memory_space<vmem_shared>> -> memref<200x8xf32, #tpu.memory_space<vmem_shared>>
          tpu.enqueue_dma source(%arg17 : memref<200x8xf32, #tpu.memory_space<vmem>>) target(%dma_start3A_145 : memref<200x8xf32, #tpu.memory_space<vmem_shared>>) target_semaphore(%run_scoped3A : memref<!tpu.dma_semaphore, #tpu.memory_space<semaphore_mem>>)
          %dma_wait3A_146 = arith.constant 0 : i32
          %dma_wait3A_147 = tpu.memref_slice %arg18[%add3A_141, %dma_wait3A_146] : memref<100000x8xf32, #tpu.memory_space<vmem_shared>> -> memref<200x8xf32, #tpu.memory_space<vmem_shared>>
          %dma_wait3A_148 = arith.constant 0 : i32
          %dma_wait3A_149 = tpu.memref_slice %arg18[%add3A_141, %dma_wait3A_148] : memref<100000x8xf32, #tpu.memory_space<vmem_shared>> -> memref<200x8xf32, #tpu.memory_space<vmem_shared>>
          tpu.wait_dma2 semaphore(%run_scoped3A : memref<!tpu.dma_semaphore, #tpu.memory_space<semaphore_mem>>) src(%arg17 : memref<200x8xf32, #tpu.memory_space<vmem>>) dst(%dma_wait3A_149 : memref<200x8xf32, #tpu.memory_space<vmem_shared>>)
          tpu.yield
        }) : () -> ()
      } else {
      }
    }
    %scan3A_59 = arith.constant 16 : i32
    %barrier3A = arith.constant 0 : index
    tpu.barrier barrier_id(%barrier3A)
    %mul3A = arith.constant 400000 : i32
    %mul3A_60 = arith.muli %arg0, %mul3A : i32
    %add3A_61 = arith.constant 0 : i32
    %add3A_62 = arith.addi %arg1, %add3A_61 : i32
    %mul3A_63 = arith.constant 800 : i32
    %mul3A_64 = arith.muli %add3A_62, %mul3A_63 : i32
    %add3A_65 = arith.addi %mul3A_60, %mul3A_64 : i32
    %dma_start3A = tpu.memref_slice %arg3[%add3A_65] : memref<800000xi32, #tpu.memory_space<hbm>> -> memref<800xi32, #tpu.memory_space<hbm>>
    %dma_start3A_66 = tpu.memref_slice %arg3[%add3A_65] : memref<800000xi32, #tpu.memory_space<hbm>> -> memref<800xi32, #tpu.memory_space<hbm>>
    tpu.enqueue_dma source(%dma_start3A_66 : memref<800xi32, #tpu.memory_space<hbm>>) target(%arg7 : memref<800xi32, #tpu.memory_space<vmem>>) target_semaphore(%arg19 : memref<!tpu.dma_semaphore, #tpu.memory_space<semaphore_mem>>)
    %mul3A_67 = arith.constant 400000 : i32
    %mul3A_68 = arith.muli %arg0, %mul3A_67 : i32
    %add3A_69 = arith.constant 0 : i32
    %add3A_70 = arith.addi %arg1, %add3A_69 : i32
    %mul3A_71 = arith.constant 800 : i32
    %mul3A_72 = arith.muli %add3A_70, %mul3A_71 : i32
    %add3A_73 = arith.addi %mul3A_68, %mul3A_72 : i32
    %dma_start3A_74 = tpu.memref_slice %arg4[%add3A_73] : memref<800000xi32, #tpu.memory_space<hbm>> -> memref<800xi32, #tpu.memory_space<hbm>>
    %dma_start3A_75 = tpu.memref_slice %arg4[%add3A_73] : memref<800000xi32, #tpu.memory_space<hbm>> -> memref<800xi32, #tpu.memory_space<hbm>>
    tpu.enqueue_dma source(%dma_start3A_75 : memref<800xi32, #tpu.memory_space<hbm>>) target(%arg9 : memref<800xi32, #tpu.memory_space<vmem>>) target_semaphore(%arg19 : memref<!tpu.dma_semaphore, #tpu.memory_space<semaphore_mem>>)
    %mul3A_76 = arith.constant 400000 : i32
    %mul3A_77 = arith.muli %arg0, %mul3A_76 : i32
    %add3A_78 = arith.constant 16 : i32
    %add3A_79 = arith.addi %arg1, %add3A_78 : i32
    %mul3A_80 = arith.constant 800 : i32
    %mul3A_81 = arith.muli %add3A_79, %mul3A_80 : i32
    %add3A_82 = arith.addi %mul3A_77, %mul3A_81 : i32
    %dma_start3A_83 = tpu.memref_slice %arg3[%add3A_82] : memref<800000xi32, #tpu.memory_space<hbm>> -> memref<800xi32, #tpu.memory_space<hbm>>
    %dma_start3A_84 = tpu.memref_slice %arg3[%add3A_82] : memref<800000xi32, #tpu.memory_space<hbm>> -> memref<800xi32, #tpu.memory_space<hbm>>
    tpu.enqueue_dma source(%dma_start3A_84 : memref<800xi32, #tpu.memory_space<hbm>>) target(%arg8 : memref<800xi32, #tpu.memory_space<vmem>>) target_semaphore(%arg20 : memref<!tpu.dma_semaphore, #tpu.memory_space<semaphore_mem>>)
    %mul3A_85 = arith.constant 400000 : i32
    %mul3A_86 = arith.muli %arg0, %mul3A_85 : i32
    %add3A_87 = arith.constant 16 : i32
    %add3A_88 = arith.addi %arg1, %add3A_87 : i32
    %mul3A_89 = arith.constant 800 : i32
    %mul3A_90 = arith.muli %add3A_88, %mul3A_89 : i32
    %add3A_91 = arith.addi %mul3A_86, %mul3A_90 : i32
    %dma_start3A_92 = tpu.memref_slice %arg4[%add3A_91] : memref<800000xi32, #tpu.memory_space<hbm>> -> memref<800xi32, #tpu.memory_space<hbm>>
    %dma_start3A_93 = tpu.memref_slice %arg4[%add3A_91] : memref<800000xi32, #tpu.memory_space<hbm>> -> memref<800xi32, #tpu.memory_space<hbm>>
    tpu.enqueue_dma source(%dma_start3A_93 : memref<800xi32, #tpu.memory_space<hbm>>) target(%arg10 : memref<800xi32, #tpu.memory_space<vmem>>) target_semaphore(%arg20 : memref<!tpu.dma_semaphore, #tpu.memory_space<semaphore_mem>>)
    %mul3A_94 = arith.constant 400000 : i32
    %mul3A_95 = arith.muli %arg0, %mul3A_94 : i32
    %add3A_96 = arith.constant 0 : i32
    %add3A_97 = arith.addi %arg1, %add3A_96 : i32
    %mul3A_98 = arith.constant 800 : i32
    %mul3A_99 = arith.muli %add3A_97, %mul3A_98 : i32
    %add3A_100 = arith.addi %mul3A_95, %mul3A_99 : i32
    %dma_wait3A = tpu.memref_slice %arg3[%add3A_100] : memref<800000xi32, #tpu.memory_space<hbm>> -> memref<800xi32, #tpu.memory_space<hbm>>
    %dma_wait3A_101 = tpu.memref_slice %arg3[%add3A_100] : memref<800000xi32, #tpu.memory_space<hbm>> -> memref<800xi32, #tpu.memory_space<hbm>>
    tpu.wait_dma2 semaphore(%arg19 : memref<!tpu.dma_semaphore, #tpu.memory_space<semaphore_mem>>) src(%dma_wait3A_101 : memref<800xi32, #tpu.memory_space<hbm>>) dst(%arg7 : memref<800xi32, #tpu.memory_space<vmem>>)
    %mul3A_102 = arith.constant 400000 : i32
    %mul3A_103 = arith.muli %arg0, %mul3A_102 : i32
    %add3A_104 = arith.constant 0 : i32
    %add3A_105 = arith.addi %arg1, %add3A_104 : i32
    %mul3A_106 = arith.constant 800 : i32
    %mul3A_107 = arith.muli %add3A_105, %mul3A_106 : i32
    %add3A_108 = arith.addi %mul3A_103, %mul3A_107 : i32
    %dma_wait3A_109 = tpu.memref_slice %arg4[%add3A_108] : memref<800000xi32, #tpu.memory_space<hbm>> -> memref<800xi32, #tpu.memory_space<hbm>>
    %dma_wait3A_110 = tpu.memref_slice %arg4[%add3A_108] : memref<800000xi32, #tpu.memory_space<hbm>> -> memref<800xi32, #tpu.memory_space<hbm>>
    tpu.wait_dma2 semaphore(%arg19 : memref<!tpu.dma_semaphore, #tpu.memory_space<semaphore_mem>>) src(%dma_wait3A_110 : memref<800xi32, #tpu.memory_space<hbm>>) dst(%arg9 : memref<800xi32, #tpu.memory_space<vmem>>)
    %dma_start3A_111 = arith.constant 0 : i32
    %dma_start3A_112 = arith.constant 0 : i32
    %dma_start3A_113 = tpu.memref_slice %arg2[%dma_start3A_111, %dma_start3A_112] : memref<100000x8xf32, #tpu.memory_space<hbm>> -> memref<100000x8xf32, #tpu.memory_space<hbm>>
    tpu.enqueue_indirect_dma source(%dma_start3A_113 : memref<100000x8xf32, #tpu.memory_space<hbm>>) target(%arg11 : memref<800x8xf32, #tpu.memory_space<vmem>>) offsets(%arg7 : memref<800xi32, #tpu.memory_space<vmem>>) semaphore(%arg21 : memref<!tpu.dma_semaphore, #tpu.memory_space<semaphore_mem>>)
    %dma_start3A_114 = arith.constant 0 : i32
    %dma_start3A_115 = arith.constant 0 : i32
    %dma_start3A_116 = tpu.memref_slice %arg2[%dma_start3A_114, %dma_start3A_115] : memref<100000x8xf32, #tpu.memory_space<hbm>> -> memref<100000x8xf32, #tpu.memory_space<hbm>>
    tpu.enqueue_indirect_dma source(%dma_start3A_116 : memref<100000x8xf32, #tpu.memory_space<hbm>>) target(%arg13 : memref<800x8xf32, #tpu.memory_space<vmem>>) offsets(%arg9 : memref<800xi32, #tpu.memory_space<vmem>>) semaphore(%arg21 : memref<!tpu.dma_semaphore, #tpu.memory_space<semaphore_mem>>)
    %scan3A_117 = arith.constant 0 : i32
    %scan3A_118 = arith.constant 0 : i32
    %scan3A_119 = arith.constant 17 : i32
    %scan3A_120 = arith.addi %scan3A_118, %scan3A_119 : i32
    %scan3A_121 = arith.constant 1 : i32
    scf.for %scan3A_130 = %scan3A_118 to %scan3A_120 step %scan3A_121  : i32 {
      %mul3A_131 = arith.constant 2 : i32
      %mul3A_132 = arith.muli %mul3A_131, %scan3A_130 : i32
      %add3A_133 = arith.constant 1 : i32
      %add3A_134 = arith.addi %mul3A_132, %add3A_133 : i32
      %mul3A_135 = arith.constant 16 : i32
      %mul3A_136 = arith.muli %mul3A_135, %add3A_134 : i32
      %add3A_137 = arith.addi %arg1, %mul3A_136 : i32
      %lt3A_138 = arith.constant 500 : i32
      %lt3A_139 = arith.cmpi slt, %add3A_137, %lt3A_138 : i32
      %convert_element_type3A = arith.extui %lt3A_139 : i1 to i32
      %cond3A = arith.constant 0 : i32
      %cond3A_140 = arith.cmpi ne, %convert_element_type3A, %cond3A : i32
      scf.if %cond3A_140 {
        %add3A_211 = arith.constant 1 : i32
        %add3A_212 = arith.addi %mul3A_132, %add3A_211 : i32
        %mul3A_213 = arith.constant 400000 : i32
        %mul3A_214 = arith.muli %arg0, %mul3A_213 : i32
        %mul3A_215 = arith.constant 16 : i32
        %mul3A_216 = arith.muli %mul3A_215, %add3A_212 : i32
        %add3A_217 = arith.addi %arg1, %mul3A_216 : i32
        %mul3A_218 = arith.constant 800 : i32
        %mul3A_219 = arith.muli %add3A_217, %mul3A_218 : i32
        %add3A_220 = arith.addi %mul3A_214, %mul3A_219 : i32
        %dma_wait3A_221 = tpu.memref_slice %arg3[%add3A_220] : memref<800000xi32, #tpu.memory_space<hbm>> -> memref<800xi32, #tpu.memory_space<hbm>>
        %dma_wait3A_222 = tpu.memref_slice %arg3[%add3A_220] : memref<800000xi32, #tpu.memory_space<hbm>> -> memref<800xi32, #tpu.memory_space<hbm>>
        tpu.wait_dma2 semaphore(%arg20 : memref<!tpu.dma_semaphore, #tpu.memory_space<semaphore_mem>>) src(%dma_wait3A_222 : memref<800xi32, #tpu.memory_space<hbm>>) dst(%arg8 : memref<800xi32, #tpu.memory_space<vmem>>)
        %mul3A_223 = arith.constant 400000 : i32
        %mul3A_224 = arith.muli %arg0, %mul3A_223 : i32
        %mul3A_225 = arith.constant 16 : i32
        %mul3A_226 = arith.muli %mul3A_225, %add3A_212 : i32
        %add3A_227 = arith.addi %arg1, %mul3A_226 : i32
        %mul3A_228 = arith.constant 800 : i32
        %mul3A_229 = arith.muli %add3A_227, %mul3A_228 : i32
        %add3A_230 = arith.addi %mul3A_224, %mul3A_229 : i32
        %dma_wait3A_231 = tpu.memref_slice %arg4[%add3A_230] : memref<800000xi32, #tpu.memory_space<hbm>> -> memref<800xi32, #tpu.memory_space<hbm>>
        %dma_wait3A_232 = tpu.memref_slice %arg4[%add3A_230] : memref<800000xi32, #tpu.memory_space<hbm>> -> memref<800xi32, #tpu.memory_space<hbm>>
        tpu.wait_dma2 semaphore(%arg20 : memref<!tpu.dma_semaphore, #tpu.memory_space<semaphore_mem>>) src(%dma_wait3A_232 : memref<800xi32, #tpu.memory_space<hbm>>) dst(%arg10 : memref<800xi32, #tpu.memory_space<vmem>>)
      } else {
      }
      %add3A_141 = arith.constant 1 : i32
      %add3A_142 = arith.addi %mul3A_132, %add3A_141 : i32
      %mul3A_143 = arith.constant 16 : i32
      %mul3A_144 = arith.muli %mul3A_143, %add3A_142 : i32
      %add3A_145 = arith.addi %arg1, %mul3A_144 : i32
      %lt3A_146 = arith.constant 500 : i32
      %lt3A_147 = arith.cmpi slt, %add3A_145, %lt3A_146 : i32
      %convert_element_type3A_148 = arith.extui %lt3A_147 : i1 to i32
      %cond3A_149 = arith.constant 0 : i32
      %cond3A_150 = arith.cmpi ne, %convert_element_type3A_148, %cond3A_149 : i32
      scf.if %cond3A_150 {
        %dma_start3A_211 = arith.constant 0 : i32
        %dma_start3A_212 = arith.constant 0 : i32
        %dma_start3A_213 = tpu.memref_slice %arg2[%dma_start3A_211, %dma_start3A_212] : memref<100000x8xf32, #tpu.memory_space<hbm>> -> memref<100000x8xf32, #tpu.memory_space<hbm>>
        tpu.enqueue_indirect_dma source(%dma_start3A_213 : memref<100000x8xf32, #tpu.memory_space<hbm>>) target(%arg12 : memref<800x8xf32, #tpu.memory_space<vmem>>) offsets(%arg8 : memref<800xi32, #tpu.memory_space<vmem>>) semaphore(%arg22 : memref<!tpu.dma_semaphore, #tpu.memory_space<semaphore_mem>>)
        %dma_start3A_214 = arith.constant 0 : i32
        %dma_start3A_215 = arith.constant 0 : i32
        %dma_start3A_216 = tpu.memref_slice %arg2[%dma_start3A_214, %dma_start3A_215] : memref<100000x8xf32, #tpu.memory_space<hbm>> -> memref<100000x8xf32, #tpu.memory_space<hbm>>
        tpu.enqueue_indirect_dma source(%dma_start3A_216 : memref<100000x8xf32, #tpu.memory_space<hbm>>) target(%arg14 : memref<800x8xf32, #tpu.memory_space<vmem>>) offsets(%arg10 : memref<800xi32, #tpu.memory_space<vmem>>) semaphore(%arg22 : memref<!tpu.dma_semaphore, #tpu.memory_space<semaphore_mem>>)
      } else {
      }
      %mul3A_151 = arith.constant 16 : i32
      %mul3A_152 = arith.muli %mul3A_151, %mul3A_132 : i32
      %add3A_153 = arith.addi %arg1, %mul3A_152 : i32
      %lt3A_154 = arith.constant 500 : i32
      %lt3A_155 = arith.cmpi slt, %add3A_153, %lt3A_154 : i32
      %convert_element_type3A_156 = arith.extui %lt3A_155 : i1 to i32
      %cond3A_157 = arith.constant 0 : i32
      %cond3A_158 = arith.cmpi ne, %convert_element_type3A_156, %cond3A_157 : i32
      scf.if %cond3A_158 {
        %dma_wait3A_211 = arith.constant 0 : i32
        %dma_wait3A_212 = arith.constant 0 : i32
        %dma_wait3A_213 = tpu.memref_slice %arg2[%dma_wait3A_211, %dma_wait3A_212] : memref<100000x8xf32, #tpu.memory_space<hbm>> -> memref<100000x8xf32, #tpu.memory_space<hbm>>
        tpu.wait_indirect_dma semaphore(%arg21 : memref<!tpu.dma_semaphore, #tpu.memory_space<semaphore_mem>>) src(%dma_wait3A_213 : memref<100000x8xf32, #tpu.memory_space<hbm>>) dst(%arg11 : memref<800x8xf32, #tpu.memory_space<vmem>>)
        %dma_wait3A_214 = arith.constant 0 : i32
        %dma_wait3A_215 = arith.constant 0 : i32
        %dma_wait3A_216 = tpu.memref_slice %arg2[%dma_wait3A_214, %dma_wait3A_215] : memref<100000x8xf32, #tpu.memory_space<hbm>> -> memref<100000x8xf32, #tpu.memory_space<hbm>>
        tpu.wait_indirect_dma semaphore(%arg21 : memref<!tpu.dma_semaphore, #tpu.memory_space<semaphore_mem>>) src(%dma_wait3A_216 : memref<100000x8xf32, #tpu.memory_space<hbm>>) dst(%arg13 : memref<800x8xf32, #tpu.memory_space<vmem>>)
        %scan3A_217 = arith.constant 0 : i32
        %scan3A_218 = arith.constant 0 : i32
        %scan3A_219 = arith.constant 50 : i32
        %scan3A_220 = arith.addi %scan3A_218, %scan3A_219 : i32
        %scan3A_221 = arith.constant 1 : i32
        scf.for %scan3A_231 = %scan3A_218 to %scan3A_220 step %scan3A_221  : i32 {
          %mul3A_232 = arith.constant 16 : i32
          %mul3A_233 = arith.muli %scan3A_231, %mul3A_232 : i32
          %add3A_234 = vector.broadcast %mul3A_233 : i32 to vector<16xi32>
          %add3A_235 = arith.addi %iota3A, %add3A_234 : vector<16xi32>
          %broadcast_in_dim3A_236 = arith.constant 0 : i32
          %broadcast_in_dim3A_237 = vector.broadcast %broadcast_in_dim3A_236 : i32 to vector<16xi32>
          %gather3A = tpu.vector_load_idx %arg11[%add3A_235, %broadcast_in_dim3A_237] : memref<800x8xf32, #tpu.memory_space<vmem>>[vector<16xi32>, vector<16xi32>], vector<16xf32>,
          %broadcast_in_dim3A_238 = arith.constant 4 : i32
          %broadcast_in_dim3A_239 = vector.broadcast %broadcast_in_dim3A_238 : i32 to vector<16xi32>
          %gather3A_240 = tpu.vector_load_idx %arg13[%add3A_235, %broadcast_in_dim3A_239] : memref<800x8xf32, #tpu.memory_space<vmem>>[vector<16xi32>, vector<16xi32>], vector<16xf32>,
          %add3A_241 = arith.addf %gather3A, %gather3A_240 : vector<16xf32>
          %ge3A = arith.constant 0.000000e+00 : f32
          %ge3A_242 = vector.broadcast %ge3A : f32 to vector<16xf32>
          %ge3A_243 = arith.cmpf oge, %add3A_241, %ge3A_242 : vector<16xf32>
          %mul3A_244 = arith.constant 2.000000e-01 : f32
          %mul3A_245 = vector.broadcast %mul3A_244 : f32 to vector<16xf32>
          %mul3A_246 = arith.mulf %mul3A_245, %add3A_241 : vector<16xf32>
          %select_n3A_247 = arith.select %ge3A_243, %add3A_241, %mul3A_246 : vector<16xi1>, vector<16xf32>
          %min3A = arith.constant 6.000000e+01 : f32
          %min3A_248 = vector.broadcast %min3A : f32 to vector<16xf32>
          %min3A_249 = arith.minimumf %select_n3A_247, %min3A_248 : vector<16xf32>
          %exp3A = math.exp %min3A_249 : vector<16xf32>
          tpu.vector_store_idx %arg15[%add3A_235, %broadcast_in_dim3A_237], %exp3A : memref<800x8xf32, #tpu.memory_space<vmem>>[vector<16xi32>, vector<16xi32>], vector<16xf32>,
          %broadcast_in_dim3A_250 = arith.constant 1 : i32
          %broadcast_in_dim3A_251 = vector.broadcast %broadcast_in_dim3A_250 : i32 to vector<16xi32>
          %gather3A_252 = tpu.vector_load_idx %arg11[%add3A_235, %broadcast_in_dim3A_251] : memref<800x8xf32, #tpu.memory_space<vmem>>[vector<16xi32>, vector<16xi32>], vector<16xf32>,
          %broadcast_in_dim3A_253 = arith.constant 5 : i32
          %broadcast_in_dim3A_254 = vector.broadcast %broadcast_in_dim3A_253 : i32 to vector<16xi32>
          %gather3A_255 = tpu.vector_load_idx %arg13[%add3A_235, %broadcast_in_dim3A_254] : memref<800x8xf32, #tpu.memory_space<vmem>>[vector<16xi32>, vector<16xi32>], vector<16xf32>,
          %add3A_256 = arith.addf %gather3A_252, %gather3A_255 : vector<16xf32>
          %ge3A_257 = arith.constant 0.000000e+00 : f32
          %ge3A_258 = vector.broadcast %ge3A_257 : f32 to vector<16xf32>
          %ge3A_259 = arith.cmpf oge, %add3A_256, %ge3A_258 : vector<16xf32>
          %mul3A_260 = arith.constant 2.000000e-01 : f32
          %mul3A_261 = vector.broadcast %mul3A_260 : f32 to vector<16xf32>
          %mul3A_262 = arith.mulf %mul3A_261, %add3A_256 : vector<16xf32>
          %select_n3A_263 = arith.select %ge3A_259, %add3A_256, %mul3A_262 : vector<16xi1>, vector<16xf32>
          %min3A_264 = arith.constant 6.000000e+01 : f32
          %min3A_265 = vector.broadcast %min3A_264 : f32 to vector<16xf32>
          %min3A_266 = arith.minimumf %select_n3A_263, %min3A_265 : vector<16xf32>
          %exp3A_267 = math.exp %min3A_266 : vector<16xf32>
          tpu.vector_store_idx %arg15[%add3A_235, %broadcast_in_dim3A_251], %exp3A_267 : memref<800x8xf32, #tpu.memory_space<vmem>>[vector<16xi32>, vector<16xi32>], vector<16xf32>,
          %broadcast_in_dim3A_268 = arith.constant 2 : i32
          %broadcast_in_dim3A_269 = vector.broadcast %broadcast_in_dim3A_268 : i32 to vector<16xi32>
          %gather3A_270 = tpu.vector_load_idx %arg11[%add3A_235, %broadcast_in_dim3A_269] : memref<800x8xf32, #tpu.memory_space<vmem>>[vector<16xi32>, vector<16xi32>], vector<16xf32>,
          %broadcast_in_dim3A_271 = arith.constant 6 : i32
          %broadcast_in_dim3A_272 = vector.broadcast %broadcast_in_dim3A_271 : i32 to vector<16xi32>
          %gather3A_273 = tpu.vector_load_idx %arg13[%add3A_235, %broadcast_in_dim3A_272] : memref<800x8xf32, #tpu.memory_space<vmem>>[vector<16xi32>, vector<16xi32>], vector<16xf32>,
          %add3A_274 = arith.addf %gather3A_270, %gather3A_273 : vector<16xf32>
          %ge3A_275 = arith.constant 0.000000e+00 : f32
          %ge3A_276 = vector.broadcast %ge3A_275 : f32 to vector<16xf32>
          %ge3A_277 = arith.cmpf oge, %add3A_274, %ge3A_276 : vector<16xf32>
          %mul3A_278 = arith.constant 2.000000e-01 : f32
          %mul3A_279 = vector.broadcast %mul3A_278 : f32 to vector<16xf32>
          %mul3A_280 = arith.mulf %mul3A_279, %add3A_274 : vector<16xf32>
          %select_n3A_281 = arith.select %ge3A_277, %add3A_274, %mul3A_280 : vector<16xi1>, vector<16xf32>
          %min3A_282 = arith.constant 6.000000e+01 : f32
          %min3A_283 = vector.broadcast %min3A_282 : f32 to vector<16xf32>
          %min3A_284 = arith.minimumf %select_n3A_281, %min3A_283 : vector<16xf32>
          %exp3A_285 = math.exp %min3A_284 : vector<16xf32>
          tpu.vector_store_idx %arg15[%add3A_235, %broadcast_in_dim3A_269], %exp3A_285 : memref<800x8xf32, #tpu.memory_space<vmem>>[vector<16xi32>, vector<16xi32>], vector<16xf32>,
          %broadcast_in_dim3A_286 = arith.constant 3 : i32
          %broadcast_in_dim3A_287 = vector.broadcast %broadcast_in_dim3A_286 : i32 to vector<16xi32>
          %gather3A_288 = tpu.vector_load_idx %arg11[%add3A_235, %broadcast_in_dim3A_287] : memref<800x8xf32, #tpu.memory_space<vmem>>[vector<16xi32>, vector<16xi32>], vector<16xf32>,
          %broadcast_in_dim3A_289 = arith.constant 7 : i32
          %broadcast_in_dim3A_290 = vector.broadcast %broadcast_in_dim3A_289 : i32 to vector<16xi32>
          %gather3A_291 = tpu.vector_load_idx %arg13[%add3A_235, %broadcast_in_dim3A_290] : memref<800x8xf32, #tpu.memory_space<vmem>>[vector<16xi32>, vector<16xi32>], vector<16xf32>,
          %add3A_292 = arith.addf %gather3A_288, %gather3A_291 : vector<16xf32>
          %ge3A_293 = arith.constant 0.000000e+00 : f32
          %ge3A_294 = vector.broadcast %ge3A_293 : f32 to vector<16xf32>
          %ge3A_295 = arith.cmpf oge, %add3A_292, %ge3A_294 : vector<16xf32>
          %mul3A_296 = arith.constant 2.000000e-01 : f32
          %mul3A_297 = vector.broadcast %mul3A_296 : f32 to vector<16xf32>
          %mul3A_298 = arith.mulf %mul3A_297, %add3A_292 : vector<16xf32>
          %select_n3A_299 = arith.select %ge3A_295, %add3A_292, %mul3A_298 : vector<16xi1>, vector<16xf32>
          %min3A_300 = arith.constant 6.000000e+01 : f32
          %min3A_301 = vector.broadcast %min3A_300 : f32 to vector<16xf32>
          %min3A_302 = arith.minimumf %select_n3A_299, %min3A_301 : vector<16xf32>
          %exp3A_303 = math.exp %min3A_302 : vector<16xf32>
          tpu.vector_store_idx %arg15[%add3A_235, %broadcast_in_dim3A_287], %exp3A_303 : memref<800x8xf32, #tpu.memory_space<vmem>>[vector<16xi32>, vector<16xi32>], vector<16xf32>,
        }
        %scan3A_222 = arith.constant 50 : i32
        "tpu.region"() ({
          %run_scoped3A = tpu.sem_alloc : memref<!tpu.dma_semaphore, #tpu.memory_space<semaphore_mem>>
          %dma_start3A_231 = arith.constant 0 : i32
          %dma_start3A_232 = arith.constant 0 : i32
          %dma_start3A_233 = tpu.memref_slice %arg18[%dma_start3A_231, %dma_start3A_232] : memref<100000x8xf32, #tpu.memory_space<vmem_shared>> -> memref<100000x8xf32, #tpu.memory_space<vmem_shared>>
          tpu.enqueue_indirect_dma source(%arg15 : memref<800x8xf32, #tpu.memory_space<vmem>>) target(%dma_start3A_233 : memref<100000x8xf32, #tpu.memory_space<vmem_shared>>) offsets(%arg9 : memref<800xi32, #tpu.memory_space<vmem>>) semaphore(%run_scoped3A : memref<!tpu.dma_semaphore, #tpu.memory_space<semaphore_mem>>) {add = true}
          %dma_wait3A_234 = arith.constant 0 : i32
          %dma_wait3A_235 = arith.constant 0 : i32
          %dma_wait3A_236 = tpu.memref_slice %arg18[%dma_wait3A_234, %dma_wait3A_235] : memref<100000x8xf32, #tpu.memory_space<vmem_shared>> -> memref<100000x8xf32, #tpu.memory_space<vmem_shared>>
          tpu.wait_indirect_dma semaphore(%run_scoped3A : memref<!tpu.dma_semaphore, #tpu.memory_space<semaphore_mem>>) src(%arg15 : memref<800x8xf32, #tpu.memory_space<vmem>>) dst(%dma_wait3A_236 : memref<100000x8xf32, #tpu.memory_space<vmem_shared>>)
          tpu.yield
        }) : () -> ()
        %mul3A_223 = arith.constant 400000 : i32
        %mul3A_224 = arith.muli %arg0, %mul3A_223 : i32
        %mul3A_225 = arith.constant 16 : i32
        %mul3A_226 = arith.muli %mul3A_225, %mul3A_132 : i32
        %add3A_227 = arith.addi %arg1, %mul3A_226 : i32
        %mul3A_228 = arith.constant 800 : i32
        %mul3A_229 = arith.muli %add3A_227, %mul3A_228 : i32
        %add3A_230 = arith.addi %mul3A_224, %mul3A_229 : i32
        "tpu.region"() ({
          %run_scoped3A = tpu.sem_alloc : memref<!tpu.dma_semaphore, #tpu.memory_space<semaphore_mem>>
          %dma_start3A_231 = arith.constant 0 : i32
          %dma_start3A_232 = tpu.memref_slice %arg5[%add3A_230, %dma_start3A_231] : memref<800000x8xf32, #tpu.memory_space<hbm>> -> memref<800x8xf32, #tpu.memory_space<hbm>>
          %dma_start3A_233 = arith.constant 0 : i32
          %dma_start3A_234 = tpu.memref_slice %arg5[%add3A_230, %dma_start3A_233] : memref<800000x8xf32, #tpu.memory_space<hbm>> -> memref<800x8xf32, #tpu.memory_space<hbm>>
          tpu.enqueue_dma source(%arg15 : memref<800x8xf32, #tpu.memory_space<vmem>>) target(%dma_start3A_234 : memref<800x8xf32, #tpu.memory_space<hbm>>) target_semaphore(%run_scoped3A : memref<!tpu.dma_semaphore, #tpu.memory_space<semaphore_mem>>)
          %dma_wait3A_235 = arith.constant 0 : i32
          %dma_wait3A_236 = tpu.memref_slice %arg5[%add3A_230, %dma_wait3A_235] : memref<800000x8xf32, #tpu.memory_space<hbm>> -> memref<800x8xf32, #tpu.memory_space<hbm>>
          %dma_wait3A_237 = arith.constant 0 : i32
          %dma_wait3A_238 = tpu.memref_slice %arg5[%add3A_230, %dma_wait3A_237] : memref<800000x8xf32, #tpu.memory_space<hbm>> -> memref<800x8xf32, #tpu.memory_space<hbm>>
          tpu.wait_dma2 semaphore(%run_scoped3A : memref<!tpu.dma_semaphore, #tpu.memory_space<semaphore_mem>>) src(%arg15 : memref<800x8xf32, #tpu.memory_space<vmem>>) dst(%dma_wait3A_238 : memref<800x8xf32, #tpu.memory_space<hbm>>)
          tpu.yield
        }) : () -> ()
      } else {
      }
      %add3A_159 = arith.constant 2 : i32
      %add3A_160 = arith.addi %mul3A_132, %add3A_159 : i32
      %mul3A_161 = arith.constant 16 : i32
      %mul3A_162 = arith.muli %mul3A_161, %add3A_160 : i32
      %add3A_163 = arith.addi %arg1, %mul3A_162 : i32
      %lt3A_164 = arith.constant 500 : i32
      %lt3A_165 = arith.cmpi slt, %add3A_163, %lt3A_164 : i32
      %convert_element_type3A_166 = arith.extui %lt3A_165 : i1 to i32
      %cond3A_167 = arith.constant 0 : i32
      %cond3A_168 = arith.cmpi ne, %convert_element_type3A_166, %cond3A_167 : i32
      scf.if %cond3A_168 {
        %add3A_211 = arith.constant 2 : i32
        %add3A_212 = arith.addi %mul3A_132, %add3A_211 : i32
        %mul3A_213 = arith.constant 400000 : i32
        %mul3A_214 = arith.muli %arg0, %mul3A_213 : i32
        %mul3A_215 = arith.constant 16 : i32
        %mul3A_216 = arith.muli %mul3A_215, %add3A_212 : i32
        %add3A_217 = arith.addi %arg1, %mul3A_216 : i32
        %mul3A_218 = arith.constant 800 : i32
        %mul3A_219 = arith.muli %add3A_217, %mul3A_218 : i32
        %add3A_220 = arith.addi %mul3A_214, %mul3A_219 : i32
        %dma_start3A_221 = tpu.memref_slice %arg3[%add3A_220] : memref<800000xi32, #tpu.memory_space<hbm>> -> memref<800xi32, #tpu.memory_space<hbm>>
        %dma_start3A_222 = tpu.memref_slice %arg3[%add3A_220] : memref<800000xi32, #tpu.memory_space<hbm>> -> memref<800xi32, #tpu.memory_space<hbm>>
        tpu.enqueue_dma source(%dma_start3A_222 : memref<800xi32, #tpu.memory_space<hbm>>) target(%arg7 : memref<800xi32, #tpu.memory_space<vmem>>) target_semaphore(%arg19 : memref<!tpu.dma_semaphore, #tpu.memory_space<semaphore_mem>>)
        %mul3A_223 = arith.constant 400000 : i32
        %mul3A_224 = arith.muli %arg0, %mul3A_223 : i32
        %mul3A_225 = arith.constant 16 : i32
        %mul3A_226 = arith.muli %mul3A_225, %add3A_212 : i32
        %add3A_227 = arith.addi %arg1, %mul3A_226 : i32
        %mul3A_228 = arith.constant 800 : i32
        %mul3A_229 = arith.muli %add3A_227, %mul3A_228 : i32
        %add3A_230 = arith.addi %mul3A_224, %mul3A_229 : i32
        %dma_start3A_231 = tpu.memref_slice %arg4[%add3A_230] : memref<800000xi32, #tpu.memory_space<hbm>> -> memref<800xi32, #tpu.memory_space<hbm>>
        %dma_start3A_232 = tpu.memref_slice %arg4[%add3A_230] : memref<800000xi32, #tpu.memory_space<hbm>> -> memref<800xi32, #tpu.memory_space<hbm>>
        tpu.enqueue_dma source(%dma_start3A_232 : memref<800xi32, #tpu.memory_space<hbm>>) target(%arg9 : memref<800xi32, #tpu.memory_space<vmem>>) target_semaphore(%arg19 : memref<!tpu.dma_semaphore, #tpu.memory_space<semaphore_mem>>)
      } else {
      }
      %mul3A_169 = arith.constant 2 : i32
      %mul3A_170 = arith.muli %mul3A_169, %scan3A_130 : i32
      %add3A_171 = arith.constant 1 : i32
      %add3A_172 = arith.addi %mul3A_170, %add3A_171 : i32
      %add3A_173 = arith.constant 1 : i32
      %add3A_174 = arith.addi %add3A_172, %add3A_173 : i32
      %mul3A_175 = arith.constant 16 : i32
      %mul3A_176 = arith.muli %mul3A_175, %add3A_174 : i32
      %add3A_177 = arith.addi %arg1, %mul3A_176 : i32
      %lt3A_178 = arith.constant 500 : i32
      %lt3A_179 = arith.cmpi slt, %add3A_177, %lt3A_178 : i32
      %convert_element_type3A_180 = arith.extui %lt3A_179 : i1 to i32
      %cond3A_181 = arith.constant 0 : i32
      %cond3A_182 = arith.cmpi ne, %convert_element_type3A_180, %cond3A_181 : i32
      scf.if %cond3A_182 {
        %add3A_211 = arith.constant 1 : i32
        %add3A_212 = arith.addi %add3A_172, %add3A_211 : i32
        %mul3A_213 = arith.constant 400000 : i32
        %mul3A_214 = arith.muli %arg0, %mul3A_213 : i32
        %mul3A_215 = arith.constant 16 : i32
        %mul3A_216 = arith.muli %mul3A_215, %add3A_212 : i32
        %add3A_217 = arith.addi %arg1, %mul3A_216 : i32
        %mul3A_218 = arith.constant 800 : i32
        %mul3A_219 = arith.muli %add3A_217, %mul3A_218 : i32
        %add3A_220 = arith.addi %mul3A_214, %mul3A_219 : i32
        %dma_wait3A_221 = tpu.memref_slice %arg3[%add3A_220] : memref<800000xi32, #tpu.memory_space<hbm>> -> memref<800xi32, #tpu.memory_space<hbm>>
        %dma_wait3A_222 = tpu.memref_slice %arg3[%add3A_220] : memref<800000xi32, #tpu.memory_space<hbm>> -> memref<800xi32, #tpu.memory_space<hbm>>
        tpu.wait_dma2 semaphore(%arg19 : memref<!tpu.dma_semaphore, #tpu.memory_space<semaphore_mem>>) src(%dma_wait3A_222 : memref<800xi32, #tpu.memory_space<hbm>>) dst(%arg7 : memref<800xi32, #tpu.memory_space<vmem>>)
        %mul3A_223 = arith.constant 400000 : i32
        %mul3A_224 = arith.muli %arg0, %mul3A_223 : i32
        %mul3A_225 = arith.constant 16 : i32
        %mul3A_226 = arith.muli %mul3A_225, %add3A_212 : i32
        %add3A_227 = arith.addi %arg1, %mul3A_226 : i32
        %mul3A_228 = arith.constant 800 : i32
        %mul3A_229 = arith.muli %add3A_227, %mul3A_228 : i32
        %add3A_230 = arith.addi %mul3A_224, %mul3A_229 : i32
        %dma_wait3A_231 = tpu.memref_slice %arg4[%add3A_230] : memref<800000xi32, #tpu.memory_space<hbm>> -> memref<800xi32, #tpu.memory_space<hbm>>
        %dma_wait3A_232 = tpu.memref_slice %arg4[%add3A_230] : memref<800000xi32, #tpu.memory_space<hbm>> -> memref<800xi32, #tpu.memory_space<hbm>>
        tpu.wait_dma2 semaphore(%arg19 : memref<!tpu.dma_semaphore, #tpu.memory_space<semaphore_mem>>) src(%dma_wait3A_232 : memref<800xi32, #tpu.memory_space<hbm>>) dst(%arg9 : memref<800xi32, #tpu.memory_space<vmem>>)
      } else {
      }
      %add3A_183 = arith.constant 1 : i32
      %add3A_184 = arith.addi %add3A_172, %add3A_183 : i32
      %mul3A_185 = arith.constant 16 : i32
      %mul3A_186 = arith.muli %mul3A_185, %add3A_184 : i32
      %add3A_187 = arith.addi %arg1, %mul3A_186 : i32
      %lt3A_188 = arith.constant 500 : i32
      %lt3A_189 = arith.cmpi slt, %add3A_187, %lt3A_188 : i32
      %convert_element_type3A_190 = arith.extui %lt3A_189 : i1 to i32
      %cond3A_191 = arith.constant 0 : i32
      %cond3A_192 = arith.cmpi ne, %convert_element_type3A_190, %cond3A_191 : i32
      scf.if %cond3A_192 {
        %dma_start3A_211 = arith.constant 0 : i32
        %dma_start3A_212 = arith.constant 0 : i32
        %dma_start3A_213 = tpu.memref_slice %arg2[%dma_start3A_211, %dma_start3A_212] : memref<100000x8xf32, #tpu.memory_space<hbm>> -> memref<100000x8xf32, #tpu.memory_space<hbm>>
        tpu.enqueue_indirect_dma source(%dma_start3A_213 : memref<100000x8xf32, #tpu.memory_space<hbm>>) target(%arg11 : memref<800x8xf32, #tpu.memory_space<vmem>>) offsets(%arg7 : memref<800xi32, #tpu.memory_space<vmem>>) semaphore(%arg21 : memref<!tpu.dma_semaphore, #tpu.memory_space<semaphore_mem>>)
        %dma_start3A_214 = arith.constant 0 : i32
        %dma_start3A_215 = arith.constant 0 : i32
        %dma_start3A_216 = tpu.memref_slice %arg2[%dma_start3A_214, %dma_start3A_215] : memref<100000x8xf32, #tpu.memory_space<hbm>> -> memref<100000x8xf32, #tpu.memory_space<hbm>>
        tpu.enqueue_indirect_dma source(%dma_start3A_216 : memref<100000x8xf32, #tpu.memory_space<hbm>>) target(%arg13 : memref<800x8xf32, #tpu.memory_space<vmem>>) offsets(%arg9 : memref<800xi32, #tpu.memory_space<vmem>>) semaphore(%arg21 : memref<!tpu.dma_semaphore, #tpu.memory_space<semaphore_mem>>)
      } else {
      }
      %mul3A_193 = arith.constant 16 : i32
      %mul3A_194 = arith.muli %mul3A_193, %add3A_172 : i32
      %add3A_195 = arith.addi %arg1, %mul3A_194 : i32
      %lt3A_196 = arith.constant 500 : i32
      %lt3A_197 = arith.cmpi slt, %add3A_195, %lt3A_196 : i32
      %convert_element_type3A_198 = arith.extui %lt3A_197 : i1 to i32
      %cond3A_199 = arith.constant 0 : i32
      %cond3A_200 = arith.cmpi ne, %convert_element_type3A_198, %cond3A_199 : i32
      scf.if %cond3A_200 {
        %dma_wait3A_211 = arith.constant 0 : i32
        %dma_wait3A_212 = arith.constant 0 : i32
        %dma_wait3A_213 = tpu.memref_slice %arg2[%dma_wait3A_211, %dma_wait3A_212] : memref<100000x8xf32, #tpu.memory_space<hbm>> -> memref<100000x8xf32, #tpu.memory_space<hbm>>
        tpu.wait_indirect_dma semaphore(%arg22 : memref<!tpu.dma_semaphore, #tpu.memory_space<semaphore_mem>>) src(%dma_wait3A_213 : memref<100000x8xf32, #tpu.memory_space<hbm>>) dst(%arg12 : memref<800x8xf32, #tpu.memory_space<vmem>>)
        %dma_wait3A_214 = arith.constant 0 : i32
        %dma_wait3A_215 = arith.constant 0 : i32
        %dma_wait3A_216 = tpu.memref_slice %arg2[%dma_wait3A_214, %dma_wait3A_215] : memref<100000x8xf32, #tpu.memory_space<hbm>> -> memref<100000x8xf32, #tpu.memory_space<hbm>>
        tpu.wait_indirect_dma semaphore(%arg22 : memref<!tpu.dma_semaphore, #tpu.memory_space<semaphore_mem>>) src(%dma_wait3A_216 : memref<100000x8xf32, #tpu.memory_space<hbm>>) dst(%arg14 : memref<800x8xf32, #tpu.memory_space<vmem>>)
        %scan3A_217 = arith.constant 0 : i32
        %scan3A_218 = arith.constant 0 : i32
        %scan3A_219 = arith.constant 50 : i32
        %scan3A_220 = arith.addi %scan3A_218, %scan3A_219 : i32
        %scan3A_221 = arith.constant 1 : i32
        scf.for %scan3A_231 = %scan3A_218 to %scan3A_220 step %scan3A_221  : i32 {
          %mul3A_232 = arith.constant 16 : i32
          %mul3A_233 = arith.muli %scan3A_231, %mul3A_232 : i32
          %add3A_234 = vector.broadcast %mul3A_233 : i32 to vector<16xi32>
          %add3A_235 = arith.addi %iota3A, %add3A_234 : vector<16xi32>
          %broadcast_in_dim3A_236 = arith.constant 0 : i32
          %broadcast_in_dim3A_237 = vector.broadcast %broadcast_in_dim3A_236 : i32 to vector<16xi32>
          %gather3A = tpu.vector_load_idx %arg12[%add3A_235, %broadcast_in_dim3A_237] : memref<800x8xf32, #tpu.memory_space<vmem>>[vector<16xi32>, vector<16xi32>], vector<16xf32>,
          %broadcast_in_dim3A_238 = arith.constant 4 : i32
          %broadcast_in_dim3A_239 = vector.broadcast %broadcast_in_dim3A_238 : i32 to vector<16xi32>
          %gather3A_240 = tpu.vector_load_idx %arg14[%add3A_235, %broadcast_in_dim3A_239] : memref<800x8xf32, #tpu.memory_space<vmem>>[vector<16xi32>, vector<16xi32>], vector<16xf32>,
          %add3A_241 = arith.addf %gather3A, %gather3A_240 : vector<16xf32>
          %ge3A = arith.constant 0.000000e+00 : f32
          %ge3A_242 = vector.broadcast %ge3A : f32 to vector<16xf32>
          %ge3A_243 = arith.cmpf oge, %add3A_241, %ge3A_242 : vector<16xf32>
          %mul3A_244 = arith.constant 2.000000e-01 : f32
          %mul3A_245 = vector.broadcast %mul3A_244 : f32 to vector<16xf32>
          %mul3A_246 = arith.mulf %mul3A_245, %add3A_241 : vector<16xf32>
          %select_n3A_247 = arith.select %ge3A_243, %add3A_241, %mul3A_246 : vector<16xi1>, vector<16xf32>
          %min3A = arith.constant 6.000000e+01 : f32
          %min3A_248 = vector.broadcast %min3A : f32 to vector<16xf32>
          %min3A_249 = arith.minimumf %select_n3A_247, %min3A_248 : vector<16xf32>
          %exp3A = math.exp %min3A_249 : vector<16xf32>
          tpu.vector_store_idx %arg16[%add3A_235, %broadcast_in_dim3A_237], %exp3A : memref<800x8xf32, #tpu.memory_space<vmem>>[vector<16xi32>, vector<16xi32>], vector<16xf32>,
          %broadcast_in_dim3A_250 = arith.constant 1 : i32
          %broadcast_in_dim3A_251 = vector.broadcast %broadcast_in_dim3A_250 : i32 to vector<16xi32>
          %gather3A_252 = tpu.vector_load_idx %arg12[%add3A_235, %broadcast_in_dim3A_251] : memref<800x8xf32, #tpu.memory_space<vmem>>[vector<16xi32>, vector<16xi32>], vector<16xf32>,
          %broadcast_in_dim3A_253 = arith.constant 5 : i32
          %broadcast_in_dim3A_254 = vector.broadcast %broadcast_in_dim3A_253 : i32 to vector<16xi32>
          %gather3A_255 = tpu.vector_load_idx %arg14[%add3A_235, %broadcast_in_dim3A_254] : memref<800x8xf32, #tpu.memory_space<vmem>>[vector<16xi32>, vector<16xi32>], vector<16xf32>,
          %add3A_256 = arith.addf %gather3A_252, %gather3A_255 : vector<16xf32>
          %ge3A_257 = arith.constant 0.000000e+00 : f32
          %ge3A_258 = vector.broadcast %ge3A_257 : f32 to vector<16xf32>
          %ge3A_259 = arith.cmpf oge, %add3A_256, %ge3A_258 : vector<16xf32>
          %mul3A_260 = arith.constant 2.000000e-01 : f32
          %mul3A_261 = vector.broadcast %mul3A_260 : f32 to vector<16xf32>
          %mul3A_262 = arith.mulf %mul3A_261, %add3A_256 : vector<16xf32>
          %select_n3A_263 = arith.select %ge3A_259, %add3A_256, %mul3A_262 : vector<16xi1>, vector<16xf32>
          %min3A_264 = arith.constant 6.000000e+01 : f32
          %min3A_265 = vector.broadcast %min3A_264 : f32 to vector<16xf32>
          %min3A_266 = arith.minimumf %select_n3A_263, %min3A_265 : vector<16xf32>
          %exp3A_267 = math.exp %min3A_266 : vector<16xf32>
          tpu.vector_store_idx %arg16[%add3A_235, %broadcast_in_dim3A_251], %exp3A_267 : memref<800x8xf32, #tpu.memory_space<vmem>>[vector<16xi32>, vector<16xi32>], vector<16xf32>,
          %broadcast_in_dim3A_268 = arith.constant 2 : i32
          %broadcast_in_dim3A_269 = vector.broadcast %broadcast_in_dim3A_268 : i32 to vector<16xi32>
          %gather3A_270 = tpu.vector_load_idx %arg12[%add3A_235, %broadcast_in_dim3A_269] : memref<800x8xf32, #tpu.memory_space<vmem>>[vector<16xi32>, vector<16xi32>], vector<16xf32>,
          %broadcast_in_dim3A_271 = arith.constant 6 : i32
          %broadcast_in_dim3A_272 = vector.broadcast %broadcast_in_dim3A_271 : i32 to vector<16xi32>
          %gather3A_273 = tpu.vector_load_idx %arg14[%add3A_235, %broadcast_in_dim3A_272] : memref<800x8xf32, #tpu.memory_space<vmem>>[vector<16xi32>, vector<16xi32>], vector<16xf32>,
          %add3A_274 = arith.addf %gather3A_270, %gather3A_273 : vector<16xf32>
          %ge3A_275 = arith.constant 0.000000e+00 : f32
          %ge3A_276 = vector.broadcast %ge3A_275 : f32 to vector<16xf32>
          %ge3A_277 = arith.cmpf oge, %add3A_274, %ge3A_276 : vector<16xf32>
          %mul3A_278 = arith.constant 2.000000e-01 : f32
          %mul3A_279 = vector.broadcast %mul3A_278 : f32 to vector<16xf32>
          %mul3A_280 = arith.mulf %mul3A_279, %add3A_274 : vector<16xf32>
          %select_n3A_281 = arith.select %ge3A_277, %add3A_274, %mul3A_280 : vector<16xi1>, vector<16xf32>
          %min3A_282 = arith.constant 6.000000e+01 : f32
          %min3A_283 = vector.broadcast %min3A_282 : f32 to vector<16xf32>
          %min3A_284 = arith.minimumf %select_n3A_281, %min3A_283 : vector<16xf32>
          %exp3A_285 = math.exp %min3A_284 : vector<16xf32>
          tpu.vector_store_idx %arg16[%add3A_235, %broadcast_in_dim3A_269], %exp3A_285 : memref<800x8xf32, #tpu.memory_space<vmem>>[vector<16xi32>, vector<16xi32>], vector<16xf32>,
          %broadcast_in_dim3A_286 = arith.constant 3 : i32
          %broadcast_in_dim3A_287 = vector.broadcast %broadcast_in_dim3A_286 : i32 to vector<16xi32>
          %gather3A_288 = tpu.vector_load_idx %arg12[%add3A_235, %broadcast_in_dim3A_287] : memref<800x8xf32, #tpu.memory_space<vmem>>[vector<16xi32>, vector<16xi32>], vector<16xf32>,
          %broadcast_in_dim3A_289 = arith.constant 7 : i32
          %broadcast_in_dim3A_290 = vector.broadcast %broadcast_in_dim3A_289 : i32 to vector<16xi32>
          %gather3A_291 = tpu.vector_load_idx %arg14[%add3A_235, %broadcast_in_dim3A_290] : memref<800x8xf32, #tpu.memory_space<vmem>>[vector<16xi32>, vector<16xi32>], vector<16xf32>,
          %add3A_292 = arith.addf %gather3A_288, %gather3A_291 : vector<16xf32>
          %ge3A_293 = arith.constant 0.000000e+00 : f32
          %ge3A_294 = vector.broadcast %ge3A_293 : f32 to vector<16xf32>
          %ge3A_295 = arith.cmpf oge, %add3A_292, %ge3A_294 : vector<16xf32>
          %mul3A_296 = arith.constant 2.000000e-01 : f32
          %mul3A_297 = vector.broadcast %mul3A_296 : f32 to vector<16xf32>
          %mul3A_298 = arith.mulf %mul3A_297, %add3A_292 : vector<16xf32>
          %select_n3A_299 = arith.select %ge3A_295, %add3A_292, %mul3A_298 : vector<16xi1>, vector<16xf32>
          %min3A_300 = arith.constant 6.000000e+01 : f32
          %min3A_301 = vector.broadcast %min3A_300 : f32 to vector<16xf32>
          %min3A_302 = arith.minimumf %select_n3A_299, %min3A_301 : vector<16xf32>
          %exp3A_303 = math.exp %min3A_302 : vector<16xf32>
          tpu.vector_store_idx %arg16[%add3A_235, %broadcast_in_dim3A_287], %exp3A_303 : memref<800x8xf32, #tpu.memory_space<vmem>>[vector<16xi32>, vector<16xi32>], vector<16xf32>,
        }
        %scan3A_222 = arith.constant 50 : i32
        "tpu.region"() ({
          %run_scoped3A = tpu.sem_alloc : memref<!tpu.dma_semaphore, #tpu.memory_space<semaphore_mem>>
          %dma_start3A_231 = arith.constant 0 : i32
          %dma_start3A_232 = arith.constant 0 : i32
          %dma_start3A_233 = tpu.memref_slice %arg18[%dma_start3A_231, %dma_start3A_232] : memref<100000x8xf32, #tpu.memory_space<vmem_shared>> -> memref<100000x8xf32, #tpu.memory_space<vmem_shared>>
          tpu.enqueue_indirect_dma source(%arg16 : memref<800x8xf32, #tpu.memory_space<vmem>>) target(%dma_start3A_233 : memref<100000x8xf32, #tpu.memory_space<vmem_shared>>) offsets(%arg10 : memref<800xi32, #tpu.memory_space<vmem>>) semaphore(%run_scoped3A : memref<!tpu.dma_semaphore, #tpu.memory_space<semaphore_mem>>) {add = true}
          %dma_wait3A_234 = arith.constant 0 : i32
          %dma_wait3A_235 = arith.constant 0 : i32
          %dma_wait3A_236 = tpu.memref_slice %arg18[%dma_wait3A_234, %dma_wait3A_235] : memref<100000x8xf32, #tpu.memory_space<vmem_shared>> -> memref<100000x8xf32, #tpu.memory_space<vmem_shared>>
          tpu.wait_indirect_dma semaphore(%run_scoped3A : memref<!tpu.dma_semaphore, #tpu.memory_space<semaphore_mem>>) src(%arg16 : memref<800x8xf32, #tpu.memory_space<vmem>>) dst(%dma_wait3A_236 : memref<100000x8xf32, #tpu.memory_space<vmem_shared>>)
          tpu.yield
        }) : () -> ()
        %mul3A_223 = arith.constant 400000 : i32
        %mul3A_224 = arith.muli %arg0, %mul3A_223 : i32
        %mul3A_225 = arith.constant 16 : i32
        %mul3A_226 = arith.muli %mul3A_225, %add3A_172 : i32
        %add3A_227 = arith.addi %arg1, %mul3A_226 : i32
        %mul3A_228 = arith.constant 800 : i32
        %mul3A_229 = arith.muli %add3A_227, %mul3A_228 : i32
        %add3A_230 = arith.addi %mul3A_224, %mul3A_229 : i32
        "tpu.region"() ({
          %run_scoped3A = tpu.sem_alloc : memref<!tpu.dma_semaphore, #tpu.memory_space<semaphore_mem>>
          %dma_start3A_231 = arith.constant 0 : i32
          %dma_start3A_232 = tpu.memref_slice %arg5[%add3A_230, %dma_start3A_231] : memref<800000x8xf32, #tpu.memory_space<hbm>> -> memref<800x8xf32, #tpu.memory_space<hbm>>
          %dma_start3A_233 = arith.constant 0 : i32
          %dma_start3A_234 = tpu.memref_slice %arg5[%add3A_230, %dma_start3A_233] : memref<800000x8xf32, #tpu.memory_space<hbm>> -> memref<800x8xf32, #tpu.memory_space<hbm>>
          tpu.enqueue_dma source(%arg16 : memref<800x8xf32, #tpu.memory_space<vmem>>) target(%dma_start3A_234 : memref<800x8xf32, #tpu.memory_space<hbm>>) target_semaphore(%run_scoped3A : memref<!tpu.dma_semaphore, #tpu.memory_space<semaphore_mem>>)
          %dma_wait3A_235 = arith.constant 0 : i32
          %dma_wait3A_236 = tpu.memref_slice %arg5[%add3A_230, %dma_wait3A_235] : memref<800000x8xf32, #tpu.memory_space<hbm>> -> memref<800x8xf32, #tpu.memory_space<hbm>>
          %dma_wait3A_237 = arith.constant 0 : i32
          %dma_wait3A_238 = tpu.memref_slice %arg5[%add3A_230, %dma_wait3A_237] : memref<800000x8xf32, #tpu.memory_space<hbm>> -> memref<800x8xf32, #tpu.memory_space<hbm>>
          tpu.wait_dma2 semaphore(%run_scoped3A : memref<!tpu.dma_semaphore, #tpu.memory_space<semaphore_mem>>) src(%arg16 : memref<800x8xf32, #tpu.memory_space<vmem>>) dst(%dma_wait3A_238 : memref<800x8xf32, #tpu.memory_space<hbm>>)
          tpu.yield
        }) : () -> ()
      } else {
      }
      %add3A_201 = arith.constant 2 : i32
      %add3A_202 = arith.addi %add3A_172, %add3A_201 : i32
      %mul3A_203 = arith.constant 16 : i32
      %mul3A_204 = arith.muli %mul3A_203, %add3A_202 : i32
      %add3A_205 = arith.addi %arg1, %mul3A_204 : i32
      %lt3A_206 = arith.constant 500 : i32
      %lt3A_207 = arith.cmpi slt, %add3A_205, %lt3A_206 : i32
      %convert_element_type3A_208 = arith.extui %lt3A_207 : i1 to i32
      %cond3A_209 = arith.constant 0 : i32
      %cond3A_210 = arith.cmpi ne, %convert_element_type3A_208, %cond3A_209 : i32
      scf.if %cond3A_210 {
        %add3A_211 = arith.constant 2 : i32
        %add3A_212 = arith.addi %add3A_172, %add3A_211 : i32
        %mul3A_213 = arith.constant 400000 : i32
        %mul3A_214 = arith.muli %arg0, %mul3A_213 : i32
        %mul3A_215 = arith.constant 16 : i32
        %mul3A_216 = arith.muli %mul3A_215, %add3A_212 : i32
        %add3A_217 = arith.addi %arg1, %mul3A_216 : i32
        %mul3A_218 = arith.constant 800 : i32
        %mul3A_219 = arith.muli %add3A_217, %mul3A_218 : i32
        %add3A_220 = arith.addi %mul3A_214, %mul3A_219 : i32
        %dma_start3A_221 = tpu.memref_slice %arg3[%add3A_220] : memref<800000xi32, #tpu.memory_space<hbm>> -> memref<800xi32, #tpu.memory_space<hbm>>
        %dma_start3A_222 = tpu.memref_slice %arg3[%add3A_220] : memref<800000xi32, #tpu.memory_space<hbm>> -> memref<800xi32, #tpu.memory_space<hbm>>
        tpu.enqueue_dma source(%dma_start3A_222 : memref<800xi32, #tpu.memory_space<hbm>>) target(%arg8 : memref<800xi32, #tpu.memory_space<vmem>>) target_semaphore(%arg20 : memref<!tpu.dma_semaphore, #tpu.memory_space<semaphore_mem>>)
        %mul3A_223 = arith.constant 400000 : i32
        %mul3A_224 = arith.muli %arg0, %mul3A_223 : i32
        %mul3A_225 = arith.constant 16 : i32
        %mul3A_226 = arith.muli %mul3A_225, %add3A_212 : i32
        %add3A_227 = arith.addi %arg1, %mul3A_226 : i32
        %mul3A_228 = arith.constant 800 : i32
        %mul3A_229 = arith.muli %add3A_227, %mul3A_228 : i32
        %add3A_230 = arith.addi %mul3A_224, %mul3A_229 : i32
        %dma_start3A_231 = tpu.memref_slice %arg4[%add3A_230] : memref<800000xi32, #tpu.memory_space<hbm>> -> memref<800xi32, #tpu.memory_space<hbm>>
        %dma_start3A_232 = tpu.memref_slice %arg4[%add3A_230] : memref<800000xi32, #tpu.memory_space<hbm>> -> memref<800xi32, #tpu.memory_space<hbm>>
        tpu.enqueue_dma source(%dma_start3A_232 : memref<800xi32, #tpu.memory_space<hbm>>) target(%arg10 : memref<800xi32, #tpu.memory_space<vmem>>) target_semaphore(%arg20 : memref<!tpu.dma_semaphore, #tpu.memory_space<semaphore_mem>>)
      } else {
      }
    }
    %scan3A_122 = arith.constant 17 : i32
    %barrier3A_123 = arith.constant 0 : index
    tpu.barrier barrier_id(%barrier3A_123)
    %scan3A_124 = arith.constant 0 : i32
    %scan3A_125 = arith.constant 0 : i32
    %scan3A_126 = arith.constant 16 : i32
    %scan3A_127 = arith.addi %scan3A_125, %scan3A_126 : i32
    %scan3A_128 = arith.constant 1 : i32
    scf.for %scan3A_130 = %scan3A_125 to %scan3A_127 step %scan3A_128  : i32 {
      %mul3A_131 = arith.constant 16 : i32
      %mul3A_132 = arith.muli %mul3A_131, %scan3A_130 : i32
      %add3A_133 = arith.addi %arg1, %mul3A_132 : i32
      %lt3A_134 = arith.constant 250 : i32
      %lt3A_135 = arith.cmpi slt, %add3A_133, %lt3A_134 : i32
      %convert_element_type3A = arith.extui %lt3A_135 : i1 to i32
      %cond3A = arith.constant 0 : i32
      %cond3A_136 = arith.cmpi ne, %convert_element_type3A, %cond3A : i32
      scf.if %cond3A_136 {
        %mul3A_137 = arith.constant 50000 : i32
        %mul3A_138 = arith.muli %arg0, %mul3A_137 : i32
        %mul3A_139 = arith.constant 200 : i32
        %mul3A_140 = arith.muli %add3A_133, %mul3A_139 : i32
        %add3A_141 = arith.addi %mul3A_138, %mul3A_140 : i32
        "tpu.region"() ({
          %run_scoped3A = tpu.sem_alloc : memref<!tpu.dma_semaphore, #tpu.memory_space<semaphore_mem>>
          %dma_start3A_148 = arith.constant 0 : i32
          %dma_start3A_149 = tpu.memref_slice %arg18[%add3A_141, %dma_start3A_148] : memref<100000x8xf32, #tpu.memory_space<vmem_shared>> -> memref<200x8xf32, #tpu.memory_space<vmem_shared>>
          %dma_start3A_150 = arith.constant 0 : i32
          %dma_start3A_151 = tpu.memref_slice %arg18[%add3A_141, %dma_start3A_150] : memref<100000x8xf32, #tpu.memory_space<vmem_shared>> -> memref<200x8xf32, #tpu.memory_space<vmem_shared>>
          tpu.enqueue_dma source(%dma_start3A_151 : memref<200x8xf32, #tpu.memory_space<vmem_shared>>) target(%arg17 : memref<200x8xf32, #tpu.memory_space<vmem>>) target_semaphore(%run_scoped3A : memref<!tpu.dma_semaphore, #tpu.memory_space<semaphore_mem>>)
          %dma_wait3A_152 = arith.constant 0 : i32
          %dma_wait3A_153 = tpu.memref_slice %arg18[%add3A_141, %dma_wait3A_152] : memref<100000x8xf32, #tpu.memory_space<vmem_shared>> -> memref<200x8xf32, #tpu.memory_space<vmem_shared>>
          %dma_wait3A_154 = arith.constant 0 : i32
          %dma_wait3A_155 = tpu.memref_slice %arg18[%add3A_141, %dma_wait3A_154] : memref<100000x8xf32, #tpu.memory_space<vmem_shared>> -> memref<200x8xf32, #tpu.memory_space<vmem_shared>>
          tpu.wait_dma2 semaphore(%run_scoped3A : memref<!tpu.dma_semaphore, #tpu.memory_space<semaphore_mem>>) src(%dma_wait3A_155 : memref<200x8xf32, #tpu.memory_space<vmem_shared>>) dst(%arg17 : memref<200x8xf32, #tpu.memory_space<vmem>>)
          tpu.yield
        }) : () -> ()
        %scan3A_142 = arith.constant 0 : i32
        %scan3A_143 = arith.constant 0 : i32
        %scan3A_144 = arith.constant 100 : i32
        %scan3A_145 = arith.addi %scan3A_143, %scan3A_144 : i32
        %scan3A_146 = arith.constant 1 : i32
        scf.for %scan3A_148 = %scan3A_143 to %scan3A_145 step %scan3A_146  : i32 {
          %mul3A_149 = arith.constant 2 : i32
          %mul3A_150 = arith.muli %scan3A_148, %mul3A_149 : i32
          %add3A_151 = vector.broadcast %mul3A_150 : i32 to vector<16xi32>
          %add3A_152 = arith.addi %select_n3A, %add3A_151 : vector<16xi32>
          %gather3A = tpu.vector_load_idx %arg17[%add3A_152, %select_n3A_41] : memref<200x8xf32, #tpu.memory_space<vmem>>[vector<16xi32>, vector<16xi32>], vector<16xf32>,
          %mul3A_153 = arith.constant 2 : i32
          %mul3A_154 = arith.muli %scan3A_148, %mul3A_153 : i32
          %add3A_155 = vector.broadcast %mul3A_154 : i32 to vector<16xi32>
          %add3A_156 = arith.addi %select_n3A, %add3A_155 : vector<16xi32>
          %add3A_157 = arith.constant 9.99999971E-10 : f32
          %add3A_158 = vector.broadcast %add3A_157 : f32 to vector<16xf32>
          %add3A_159 = arith.addf %gather3A, %add3A_158 : vector<16xf32>
          %div3A_160 = arith.constant 1.000000e+00 : f32
          %div3A_161 = vector.broadcast %div3A_160 : f32 to vector<16xf32>
          %div3A_162 = arith.divf %div3A_161, %add3A_159 : vector<16xf32>
          tpu.vector_store_idx %arg17[%add3A_156, %select_n3A_41], %div3A_162 : memref<200x8xf32, #tpu.memory_space<vmem>>[vector<16xi32>, vector<16xi32>], vector<16xf32>,
        }
        %scan3A_147 = arith.constant 100 : i32
        "tpu.region"() ({
          %run_scoped3A = tpu.sem_alloc : memref<!tpu.dma_semaphore, #tpu.memory_space<semaphore_mem>>
          %dma_start3A_148 = arith.constant 0 : i32
          %dma_start3A_149 = tpu.memref_slice %arg6[%add3A_141, %dma_start3A_148] : memref<100000x8xf32, #tpu.memory_space<hbm>> -> memref<200x8xf32, #tpu.memory_space<hbm>>
          %dma_start3A_150 = arith.constant 0 : i32
          %dma_start3A_151 = tpu.memref_slice %arg6[%add3A_141, %dma_start3A_150] : memref<100000x8xf32, #tpu.memory_space<hbm>> -> memref<200x8xf32, #tpu.memory_space<hbm>>
          tpu.enqueue_dma source(%arg17 : memref<200x8xf32, #tpu.memory_space<vmem>>) target(%dma_start3A_151 : memref<200x8xf32, #tpu.memory_space<hbm>>) target_semaphore(%run_scoped3A : memref<!tpu.dma_semaphore, #tpu.memory_space<semaphore_mem>>)
          %dma_wait3A_152 = arith.constant 0 : i32
          %dma_wait3A_153 = tpu.memref_slice %arg6[%add3A_141, %dma_wait3A_152] : memref<100000x8xf32, #tpu.memory_space<hbm>> -> memref<200x8xf32, #tpu.memory_space<hbm>>
          %dma_wait3A_154 = arith.constant 0 : i32
          %dma_wait3A_155 = tpu.memref_slice %arg6[%add3A_141, %dma_wait3A_154] : memref<100000x8xf32, #tpu.memory_space<hbm>> -> memref<200x8xf32, #tpu.memory_space<hbm>>
          tpu.wait_dma2 semaphore(%run_scoped3A : memref<!tpu.dma_semaphore, #tpu.memory_space<semaphore_mem>>) src(%arg17 : memref<200x8xf32, #tpu.memory_space<vmem>>) dst(%dma_wait3A_155 : memref<200x8xf32, #tpu.memory_space<hbm>>)
          tpu.yield
        }) : () -> ()
      } else {
      }
    }
    %scan3A_129 = arith.constant 16 : i32
    return
  }
}

module attributes {stable_mosaic.version = 14 : i64} {
  func.func @_tc_body(%arg0: i32, %arg1: i32, %arg2: memref<2000x64xf32, #tpu.memory_space<vmem>>, %arg3: memref<1x64x64xf32, #tpu.memory_space<vmem>>, %arg4: memref<1x64x8xf32, #tpu.memory_space<vmem>>, %arg5: memref<2000x32xf32, #tpu.memory_space<vmem>>, %arg6: memref<2000x32xf32, #tpu.memory_space<vmem>>, %arg7: memref<2000x8xf32, #tpu.memory_space<vmem>>) attributes {dimension_semantics = [#tpu.dimension_semantics<arbitrary>, #tpu.dimension_semantics<arbitrary>], iteration_bounds = array<i64: 2, 25>, scalar_prefetch = 0 : i64, scratch_operands = 0 : i64, tpu.core_type = #tpu.core_type<tc>, window_params = [{transform_indices = @transform_0, window_bounds = array<i64: 2000, 64>}, {transform_indices = @transform_1, window_bounds = array<i64: 1, 64, 64>}, {transform_indices = @transform_2, window_bounds = array<i64: 1, 64, 8>}, {transform_indices = @transform_3, window_bounds = array<i64: 2000, 32>}, {transform_indices = @transform_4, window_bounds = array<i64: 2000, 32>}, {transform_indices = @transform_5, window_bounds = array<i64: 2000, 8>}]} {
    %get3A = arith.constant 0 : index
    %get3A_0 = arith.constant 0 : index
    %get3A_1 = vector.load %arg2[%get3A, %get3A_0] : memref<2000x64xf32, #tpu.memory_space<vmem>>, vector<2000x64xf32>
    %get3A_2 = arith.constant 0 : index
    %get3A_3 = arith.constant 0 : index
    %get3A_4 = arith.constant 0 : index
    %get3A_5 = vector.load %arg3[%get3A_2, %get3A_3, %get3A_4] : memref<1x64x64xf32, #tpu.memory_space<vmem>>, vector<1x64x64xf32>
    %get3A_6 = vector.shape_cast %get3A_5 : vector<1x64x64xf32> to vector<64x64xf32>
    %dot_general3A = arith.constant dense<0.000000e+00> : vector<2000x64xf32>
    %dot_general3A_7 = tpu.matmul %get3A_1, %get3A_6, %dot_general3A {dimension_numbers = #tpu.dot_dimension_numbers<[1], [0], [0], [1], [0, 0, 1, 1], [], []>, transpose_lhs_hint = false} : vector<2000x64xf32>, vector<64x64xf32>, vector<2000x64xf32> -> vector<2000x64xf32>
    %slice3A = vector.extract_strided_slice %dot_general3A_7 {offsets = [0, 0], sizes = [2000, 32], strides = [1, 1]} : vector<2000x64xf32> to vector<2000x32xf32>
    %swap3A = arith.constant 0 : index
    %swap3A_8 = arith.constant 0 : index
    %swap3A_9 = vector.load %arg5[%swap3A, %swap3A_8] : memref<2000x32xf32, #tpu.memory_space<vmem>>, vector<2000x32xf32>
    tpu.vector_store %arg5[%swap3A, %swap3A_8], %slice3A {strides = array<i32>} : memref<2000x32xf32, #tpu.memory_space<vmem>>, vector<2000x32xf32>,
    %slice3A_10 = vector.extract_strided_slice %dot_general3A_7 {offsets = [0, 32], sizes = [2000, 32], strides = [1, 1]} : vector<2000x64xf32> to vector<2000x32xf32>
    %swap3A_11 = arith.constant 0 : index
    %swap3A_12 = arith.constant 0 : index
    %swap3A_13 = vector.load %arg6[%swap3A_11, %swap3A_12] : memref<2000x32xf32, #tpu.memory_space<vmem>>, vector<2000x32xf32>
    tpu.vector_store %arg6[%swap3A_11, %swap3A_12], %slice3A_10 {strides = array<i32>} : memref<2000x32xf32, #tpu.memory_space<vmem>>, vector<2000x32xf32>,
    %get3A_14 = arith.constant 0 : index
    %get3A_15 = arith.constant 0 : index
    %get3A_16 = arith.constant 0 : index
    %get3A_17 = vector.load %arg4[%get3A_14, %get3A_15, %get3A_16] : memref<1x64x8xf32, #tpu.memory_space<vmem>>, vector<1x64x8xf32>
    %get3A_18 = vector.shape_cast %get3A_17 : vector<1x64x8xf32> to vector<64x8xf32>
    %dot_general3A_19 = arith.constant dense<0.000000e+00> : vector<2000x8xf32>
    %dot_general3A_20 = tpu.matmul %dot_general3A_7, %get3A_18, %dot_general3A_19 {dimension_numbers = #tpu.dot_dimension_numbers<[1], [0], [0], [1], [0, 0, 1, 1], [], []>, transpose_lhs_hint = false} : vector<2000x64xf32>, vector<64x8xf32>, vector<2000x8xf32> -> vector<2000x8xf32>
    %swap3A_21 = arith.constant 0 : index
    %swap3A_22 = arith.constant 0 : index
    %swap3A_23 = vector.load %arg7[%swap3A_21, %swap3A_22] : memref<2000x8xf32, #tpu.memory_space<vmem>>, vector<2000x8xf32>
    tpu.vector_store %arg7[%swap3A_21, %swap3A_22], %dot_general3A_20 {strides = array<i32>} : memref<2000x8xf32, #tpu.memory_space<vmem>>, vector<2000x8xf32>,
    return
  }
  func.func @transform_0(%arg0: i32, %arg1: i32) -> (i32, i32) {
    %c0_i32 = arith.constant 0 : i32
    %c0_i32_0 = arith.constant 0 : i32
    return %arg1, %c0_i32 : i32, i32
  }
  func.func @transform_1(%arg0: i32, %arg1: i32) -> (i32, i32, i32) {
    %c0_i32 = arith.constant 0 : i32
    %c0_i32_0 = arith.constant 0 : i32
    %c0_i32_1 = arith.constant 0 : i32
    return %arg0, %c0_i32, %c0_i32_0 : i32, i32, i32
  }
  func.func @transform_2(%arg0: i32, %arg1: i32) -> (i32, i32, i32) {
    %c0_i32 = arith.constant 0 : i32
    %c0_i32_0 = arith.constant 0 : i32
    %c0_i32_1 = arith.constant 0 : i32
    return %arg0, %c0_i32, %c0_i32_0 : i32, i32, i32
  }
  func.func @transform_3(%arg0: i32, %arg1: i32) -> (i32, i32) {
    %mul3A = arith.constant 25 : i32
    %mul3A_0 = arith.muli %arg0, %mul3A : i32
    %add3A = arith.addi %mul3A_0, %arg1 : i32
    %c0_i32 = arith.constant 0 : i32
    %c0_i32_1 = arith.constant 0 : i32
    return %add3A, %c0_i32 : i32, i32
  }
  func.func @transform_4(%arg0: i32, %arg1: i32) -> (i32, i32) {
    %mul3A = arith.constant 25 : i32
    %mul3A_0 = arith.muli %arg0, %mul3A : i32
    %add3A = arith.addi %mul3A_0, %arg1 : i32
    %c0_i32 = arith.constant 0 : i32
    %c0_i32_1 = arith.constant 0 : i32
    return %add3A, %c0_i32 : i32, i32
  }
  func.func @transform_5(%arg0: i32, %arg1: i32) -> (i32, i32) {
    %mul3A = arith.constant 25 : i32
    %mul3A_0 = arith.muli %arg0, %mul3A : i32
    %add3A = arith.addi %mul3A_0, %arg1 : i32
    %c0_i32 = arith.constant 0 : i32
    %c0_i32_1 = arith.constant 0 : i32
    return %add3A, %c0_i32 : i32, i32
  }
}

</mosaic_0001>

<sc_bundles>
// kernel: kernel.5.cloned.1.call-start
scs
__scs_entry_jumppad:
0x0: {  	(pc) =	sbr.rel $0x88, $3  }
0x1: {  	(tag) =	ssettag $0x0;
	lr =	simm.s32 $0x1  }
0x2: {  	[smem:$0x3F96] =	sst lr;
	_ =	strace $0xD0000000  }
0x3: {  	_ = 	snop  }
0x4: {  	_ = 	snop  }
0x5: {  	_ = 	snop  }
0x6: {  	_ = 	snop  }
0x7: {  	_ = 	snop  }
__scs_overlays_trampoline_lowered:
0x8: {  	[smem:$0x3FA5] =	sst s0  }
0x9: {  	[smem:$0x3FA6] =	sst s1  }
0xa: {  	[smem:$0x3FA7] =	sst s2  }
0xb: {  	[smem:$0x3FA8] =	sst s3  }
0xc: {  	[smem:$0x3FA9] =	sst s4  }
0xd: {  	[smem:$0x3FAA] =	sst s5  }
0xe: {  	[smem:$0x3FAB] =	sst s6  }
0xf: {  	[smem:$0x3FAC] =	sst s7  }
0x10: {  	[smem:$0x3FAD] =	sst s8  }
0x11: {  	[smem:$0x3FAE] =	sst s9;
	s0 =	simm.s32 @!p0 $0x0  }
0x12: {  	s1 =	sld [smem:$0x3F94];
	s0 =	simm.s32 @p0 $0x1  }
0x13: {  	[smem:$0x3FAF] =	sst s0;
	s0 =	simm.s32 @!p1 $0x0  }
0x14: {  	s2 =	sld [smem:$0x3F93];
	s0 =	simm.s32 @p1 $0x1  }
0x15: {  	[smem:$0x3FB0] =	sst s0;
	s0 =	simm.s32 @!p2 $0x0  }
0x16: {  	s3 =	sld [smem:$0x3FDB];
	s0 =	simm.s32 @p2 $0x1  }
0x17: {  	s4 =	simm.s32 $0x1BF5;
	[smem:$0x3FB2] =	sst s0  }
0x18: {  	s0 =	sld [smem:$0x3F95];
	_ =	swait.ge [sflag:s4], $0x0  }
0x19: {  	s7 =	sld [smem:$0x3F96]  }
0x1a: {  	s8 =	sadd.s32 $0xFFFFE003, lr  }
0x1b: {  	s9 =	sadd.s32 $0xFFFFFEF7, lr;
	s5 =	simm.s32 $0xFFFFFFFF;
	p2 =	slt.u32 s8, $0xFFFFF086  }
0x1c: {  	p1 =	slt.u32 s9, $0xF7A;
	s5 =	simm.s32 @!p2 $0x0  }
0x1d: {  	s5 =	simm.s32 @p1 $0x1;
	p0 =	seq.s32 s7, s2  }
0x1e: {  	s7 =	smul.u32 @!p0 $0xF7A, s2;
	p2 =	seq.s32 @!p0 s5, $0x0  }
0x1f: {  	s9 =	smul.u32 $0xF7A, s1;
	s8 =	simm.s32 @!p0 $0x1BF5;
	p2 =	por !p2, p0  }
0x20: {  	[sflag:s8] =	ssyncset.s32 @!p0 $0xFFFFF086;
	s6 =	sadd.s32 @!p0 s3, s7;
	s7 =	simm.s32 @!p0 $0x108  }
0x21: {  	s3 =	sadd.s32 s3, s9;
	s6 =	sadd.s32 @!p0 $0x88, s6;
	s7 =	simm.s32 @p2 $0x1082  }
0x22: {  	[simem:s7], [sflag:s8] =	dma.local @!p0 [hbm:s6], $0xF7A  }
0x23: {  	s9 =	sor.u32 $0xD0000000, s2;
	s6 =	simm.s32 $0x108;
	_ =	swait.ge @!p0 [sflag:s8], $0x0  }
0x24: {  	s3 =	sadd.s32 $0x88, s3;
	s6 =	simm.s32 @!p1 $0x1082;
	[sflag:s4] =	ssyncset.s32 $0xFFFFF086  }
0x25: {  	[simem:s6], [sflag:s4] =	dma.local [hbm:s3], $0xF7A  }
0x26: {  	[smem:$0x3F96] =	sst s1;
	(tag) =	ssettag s2;
	_ =	strace s9  }
0x27: {  	s1 =	sld [smem:$0x3FA6]  }
0x28: {  	s2 =	sld [smem:$0x3FA7]  }
0x29: {  	s4 =	sld [smem:$0x3FA9]  }
0x2a: {  	p0 =	seq.s32 s5, $0x0;
	s5 =	sld [smem:$0x3FAA]  }
0x2b: {  	s6 =	sld [smem:$0x3FAB]  }
0x2c: {  	s7 =	sld [smem:$0x3FAC]  }
0x2d: {  	s3 =	simm.s32 $0x108;
	s8 =	sld [smem:$0x3FAD]  }
0x2e: {  	s3 =	simm.s32 @!p0 $0x1082;
	s9 =	sld [smem:$0x3FAE]  }
0x2f: {  	lr =	sadd.s32 s0, s3;
	s0 =	sld [smem:$0x3FA5]  }
0x30: {  	s3 =	sld [smem:$0x3FA8]  }
0x31: {  	[smem:$0x3FB1] =	sst s10  }
0x32: {  	s10 =	sld [smem:$0x3FAF];
	_ =	sdelay $0x3  }
0x33: {  	p0 =	seq.s32 s10, $0x1;
	s10 =	sld [smem:$0x3FB1];
	_ =	sdelay $0x3  }
0x34: {  	[smem:$0x3FB1] =	sst s10  }
0x35: {  	s10 =	sld [smem:$0x3FB0];
	_ =	sdelay $0x3  }
0x36: {  	p1 =	seq.s32 s10, $0x1;
	s10 =	sld [smem:$0x3FB1];
	_ =	sdelay $0x3  }
0x37: {  	[smem:$0x3FB1] =	sst s10  }
0x38: {  	s10 =	sld [smem:$0x3FB2]  }
0x39: {  	_ = 	snop;
	(pc) =	sbr.ind lr, $3  }
0x3a: {  	_ = 	snop  }
0x3b: {  	_ = 	snop  }
0x3c: {  	p2 =	seq.s32 s10, $0x1;
	s10 =	sld [smem:$0x3FB1]  }
0x3d: {  	_ =	shalt  }
0x3e: {  	_ =	shalt  }
0x3f: {  	_ =	shalt  }
0x40: {  	_ =	shalt  }
0x41: {  	_ =	shalt  }
0x42: {  	_ =	shalt  }
0x43: {  	_ =	shalt  }
0x44: {  	_ =	shalt  }
0x45: {  	_ =	shalt  }
0x46: {  	_ =	shalt  }
0x47: {  	_ =	shalt  }
0x48: {  	_ =	shalt  }
0x49: {  	_ =	shalt  }
0x4a: {  	_ =	shalt  }
0x4b: {  	_ =	shalt  }
0x4c: {  	_ =	shalt  }
0x4d: {  	_ =	shalt  }
0x4e: {  	_ =	shalt  }
0x4f: {  	_ =	shalt  }
0x50: {  	_ =	shalt  }
0x51: {  	_ =	shalt  }
0x52: {  	_ =	shalt  }
0x53: {  	_ =	shalt  }
0x54: {  	_ =	shalt  }
0x55: {  	_ =	shalt  }
0x56: {  	_ =	shalt  }
0x57: {  	_ =	shalt  }
0x58: {  	_ =	shalt  }
0x59: {  	_ =	shalt  }
0x5a: {  	_ =	shalt  }
0x5b: {  	_ =	shalt  }
0x5c: {  	_ =	shalt  }
0x5d: {  	_ =	shalt  }
0x5e: {  	_ =	shalt  }
0x5f: {  	_ =	shalt  }
0x60: {  	_ =	shalt  }
0x61: {  	_ =	shalt  }
0x62: {  	_ =	shalt  }
0x63: {  	_ =	shalt  }
0x64: {  	_ =	shalt  }
0x65: {  	_ =	shalt  }
0x66: {  	_ =	shalt  }
0x67: {  	_ =	shalt  }
0x68: {  	_ =	shalt  }
0x69: {  	_ =	shalt  }
0x6a: {  	_ =	shalt  }
0x6b: {  	_ =	shalt  }
0x6c: {  	_ =	shalt  }
0x6d: {  	_ =	shalt  }
0x6e: {  	_ =	shalt  }
0x6f: {  	_ =	shalt  }
0x70: {  	_ =	shalt  }
0x71: {  	_ =	shalt  }
0x72: {  	_ =	shalt  }
0x73: {  	_ =	shalt  }
0x74: {  	_ =	shalt  }
0x75: {  	_ =	shalt  }
0x76: {  	_ =	shalt  }
0x77: {  	_ =	shalt  }
0x78: {  	_ =	shalt  }
0x79: {  	_ =	shalt  }
0x7a: {  	_ =	shalt  }
0x7b: {  	_ =	shalt  }
0x7c: {  	_ =	shalt  }
0x7d: {  	_ =	shalt  }
0x7e: {  	_ =	shalt  }
0x7f: {  	_ =	shalt  }
0x80: {  	_ =	shalt  }
0x81: {  	_ =	shalt  }
0x82: {  	_ =	shalt  }
0x83: {  	_ =	shalt  }
0x84: {  	_ =	shalt  }
0x85: {  	_ =	shalt  }
0x86: {  	_ =	shalt  }
0x87: {  	_ =	shalt  }
.Lfunc_end0:
.L_simem_size_0:
called_computation_lowered:
.L_overlay_start_0:
0x88: {  	s2 =	sld [smem:$0x3FD9]  }
0x89: {  	s3 =	sld [smem:$0x3FFE];
	_ =	sdelay $0x1  }
0x8a: {  	s1 =	srdreg.scid  }
0x8b: {  	s0 =	sand.u32 $0x1, s1  }
0x8c: {  	s16 =	sshll.u32 s0, $0xA;
	s2 =	sadd.s32 s3, s2  }
0x8d: {  	s2 =	sadd.s32 s2, s16  }
0x8e: {  	[smem:$0x3FBD] =	sst s2  }
0x8f: {  	_ = 	snop  }
0x90: {  	(tm) =	ssettm $0x1  }
0x91: {  	s17 =	sld [smem:$0x3FFB];
	_ =	sdelay $0x3  }
0x92: {  	_ =	strace s17  }
0x93: {  	s2 =	sld [smem:$0x3FFC];
	_ =	sdelay $0x3  }
0x94: {  	_ =	strace s2  }
0x95: {  	s2 =	sld [smem:$0x3FFD];
	_ =	sdelay $0x3  }
0x96: {  	_ =	strace s2  }
0x97: {  	_ =	strace $0x8FFFFFFF  }
0x98: {  	s18 =	sld [smem:$0x3FDB];
	_ =	sdelay $0x1  }
0x99: {  	s19 =	simm.s32 $_scs_section_size  }
0x9a: {  	s4 =	simm.s32 $_size__tile_overlayer_lowered;
	s5 =	simm.s32 $_tile_overlayer_lowered  }
0x9b: {  	s22 =	simm.s32 $0x1BFF;
	s21 =	sshll.u32 s5, $0x1;
	s2 =	sadd.s32 s19, s18  }
0x9c: {  	s6 =	simm.s32 $0x0;
	s20 =	sshll.u32 s4, $0x1;
	s4 =	sadd.s32 s21, s2  }
0x9d: {  	[timem:s6], [sflag:s22] =	dma.local [hbm:s4], s20  }
0x9e: {  	_ =	swait.ge [sflag:s22], s20  }
0x9f: {  	s3 =	ssub.s32 $0x0, s20;
	[sflag:s22] =	ssyncset.done $0x0  }
0xa0: {  	[sflag:s22] =	ssyncadd.s32 s3;
	_ =	sdelay $0x1  }
0xa1: {  	s23 =	simm.s32 $0x1B8B  }
0xa2: {  	_ =	swait.ge [sflag:s23], $0x1  }
0xa3: {  	[sflag:s23] =	ssyncset.done $0x0  }
0xa4: {  	s25 =	simm.s32 $0x1B8E;
	s24 =	sld [smem:$0x3FFE];
	[sflag:s23] =	ssyncadd.s32 $0xFFFFFFFF  }
0xa5: {  	s26 =	simm.s32 $execute0_lowered;
	[smem:$0x3FD2] =	sst s25  }
0xa6: {  	s4 =	sshll.u32 s26, $0x1;
	_ =	strace $0x80000046;
	[dreg:$0x1] =	wrdreg $0xFFFFFFFF  }
0xa7: {  	s28 =	simm.s32 $_size_execute0_lowered;
	s2 =	sadd.s32 s2, s4;
	[dreg:$0x0] =	wrdreg $0x0  }
0xa8: {  	s4 =	sshll.u32 s28, $0x1;
	[dreg:$0x2] =	wrdreg s2  }
0xa9: {  	[dreg:$0x3] =	wrdreg s4  }
0xaa: {  	[dreg:$0x4] =	wrdreg $0xC0  }
0xab: {  	_ =	task [dreg:s6], $0x5FFFF  }
0xac: {  	[dreg:$0x1] =	wrdreg $0xFFFFFFFF  }
0xad: {  	[dreg:$0x0] =	wrdreg $0x60  }
0xae: {  	[dreg:$0x2] =	wrdreg s24  }
0xaf: {  	[dreg:$0x3] =	wrdreg $0xA8C00  }
0xb0: {  	[dreg:$0x4] =	wrdreg $0x9  }
0xb1: {  	_ =	task.clear_ibuf [dreg:s6], $0x5FFFF;
	_ =	strace $0x90000046  }
0xb2: {  	s29 =	simm.s32 $0x9;
	_ =	strace $0x80000048  }
0xb3: {  	_ =	swait.ge [sflag:s29], $0x1  }
0xb4: {  	[sflag:s29] =	ssyncadd.s32 $0xFFFFFFFF  }
0xb5: {  	_ =	strace $0x90000048  }
0xb6: {  	_ =	sfence  }
0xb7: {  	s30 =	sld [smem:$0x0];
	_ =	sdelay $0x2  }
0xb8: {  	s31 =	sshll.u32 s1, $0xD;
	s1 =	sshrl.u32 s1, $0x2  }
0xb9: {  	s3 =	sand.u32 $0x4000, s31;
	s1 =	sadd.s32 s1, s30  }
0xba: {  	s0 =	sor.u32 s3, s0;
	s1 =	sshll.u32 s1, $0x11  }
0xbb: {  	s0 =	sor.u32 s1, s0  }
0xbc: {  	s0 =	sadd.s32 $0x8F2B, s0  }
0xbd: {  	[sflag:s0] =	ssyncadd.remote.s32 $0x1  }
0xbe: {  	_ =	sfence.sel $0xFFFF  }
0xbf: {  	[dreg:$0x0] =	wrdreg $0xFFFFFFFF;
	(pc) =	sbr.abs _section_cstart, $3  }
0xc0: {  	[dreg:$0x1] =	wrdreg $0xFFFFFFFF  }
0xc1: {  	_ =	task.clear_ibuf [dreg:s6], $0x2FFFF;
	_ =	strace $0x9FFFFFFF  }
0xc2: {  	(tm) =	ssettm $0x7FFFFFFF  }
0xc3: {  	_ =	shalt  }
tec
execute0_lowered:
.L_overlay_start_1:
0x0: {  	(tag) =	ssettag $0x1  }
0x1: {  	s0 =	rddreg [dreg:$0x0]  }
0x2: {  	s1 =	rddreg [dreg:$0x1];
	s2 =	simm.s32 $0x0;
	s3 =	srdreg.scid  }
0x3: {  	s19 =	simm.s32 $0x7080;
	s20 =	simm.s32 $0x8980;
	s21 =	simm.s32 $0xA280  }
0x4: {  	s28 =	simm.s32 $0x3E80;
	s29 =	simm.s32 $0x3;
	s10 =	sand.u32 $0x1, s3  }
0x5: {  	s30 =	simm.s32 $0x5;
	s3 =	stileid.u32;
	s4 =	smul.u32 $0x61A80, s10  }
0x6: {  	s31 =	simm.s32 $0x4;
	[smem:$0x7FF] =	sst s2;
	s11 =	smul.u32 $0x320, s3  }
0x7: {  	s5 =	sadd.s32 $0x1200, s0;
	s6 =	sadd.s32 $0x4AA00, s0;
	s9 =	smul.u32 $0xC350, s10  }
0x8: {  	s8 =	sadd.s32 $0x126800, s0;
	s22 =	ssub.s32 $0x2, s10;
	s10 =	smul.u32 $0x186A00, s10  }
0x9: {  	s7 =	sadd.s32 $0x32200, s0;
	_ =	strace $0x80000047;
	s15 =	smul.u32 $0x1900, s3  }
0xa: {  	s13 =	sshrl.u32 s22, $0x1;
	s12 =	sadd.s32 s4, s0;
	s11 =	sadd.s32 s11, s4  }
0xb: {  	s0 =	ssub.s32 s22, s13;
	s10 =	sadd.s32 s15, s10;
	s15 =	sor.u32 $0x30, s3  }
0xc: {  	s13 =	simm.s32 $0x0;
	s11 =	sshrl.u32 s11, $0x3;
	s16 =	sadd.s32 $0x63200, s12  }
0xd: {  	s10 =	sshrl.u32 s10, $0x2;
	s0 =	smax.u32 s0, $0x1;
	s23 =	sadd.s32 $0x640, s11  }
0xe: {  	s14 =	sadd.s32 s6, s11;
	s11 =	sadd.s32 s7, s11;
	[dreg:$0x7] =	wrdreg s0  }
.Ltmp0:
0xf: {  	s26 =	sadd.s32 s10, s1;
	[dreg:$0x3] =	wrdreg s14;
	(pc) =	sbr.rel .LBB2_1-.Ltmp0, $4  }
0x10: {  	v5 =	vlaneseq.u32;
	s0 =	simm.s32 $0x2580;
	s10 =	simm.s32 $0x5780;
	[dreg:$0x4] =	wrdreg s11  }
0x11: {  	v2 =	vimm.f32 $0.0e+00;
	v0 =	vshrl.u32 v5, $0x2;
	v1 =	vand.u32 $0x3, v5;
	s24 =	sadd.s32 s6, s23;
	s25 =	sadd.s32 s7, s23;
	[dreg:$0x8] =	wrdreg s26  }
0x12: {  	v3 =	vshrl.u32 v5, $0x3;
	v4 =	vand.u32 $0x7, v5;
	v5 =	vmul.u32 $0x8, v5;
	s14 =	sor.u32 $0x20, s3;
	s23 =	simm.s32 $0x320;
	[dreg:$0x5] =	wrdreg s24  }
0x13: {  	v0 =	vmul.u32 $0x8, v0;
	v1 =	vor.u32 $0x4, v1;
	v3 =	vmul.u32 $0x8, v3;
	s26 =	simm.s32 $0xC80;
	s11 =	simm.s32 $0x6;
	[dreg:$0x6] =	wrdreg s25  }
.LBB2_23:
0x14: {  	s13 =	rddreg [dreg:$0x9]  }
0x15: {  	s12 =	rddreg [dreg:$0x7];
	s13 =	sadd.s32 $0x1, s13  }
0x16: {  	p0 =	sne.s32 s13, s12  }
.Ltmp1:
0x17: {  	_ = 	snop;
	(pc) =	sbr.rel @!p0 .LBB2_24-.Ltmp1, $1  }
0x18: {  	_ =	sdelay $0x3  }
.LBB2_1:
0x19: {  	p0 =	por $0x0, $0x0  }
.Ltmp2:
0x1a: {  	_ = 	snop;
	(pc) =	sbr.rel @p0 .LBB2_3-.Ltmp2, $4  }
0x1b: {  	v6 =	vmov s2  }
0x1c: {  	v6 =	vshll.u32 v6, $0x3  }
0x1d: {  	v6 =	vor.u32 v0, v6  }
0x1e: {  	s12 =	simm.s32 $0x4;
	v6 =	vor.u32 v1, v6  }
.LBB2_2:
0x1f: {  	p0 =	seq.s32 s12, $0x31C  }
.Ltmp3:
0x20: {  	_ = 	snop;
	(pc) =	sbr.rel @!p0 .LBB2_2-.Ltmp3, $4  }
0x21: {  	v7 =	vmov s12  }
0x22: {  	v7 =	vshll.u32 v7, $0x3  }
0x23: {  	[tilespmem:v6+s19+$0x0] =	vst.idx.msk $0xffff, v2;
	v7 =	vor.u32 v0, v7  }
0x24: {  	s12 =	sadd.s32 $0x4, s12;
	[tilespmem:v6+s20+$0x0] =	vst.idx.msk $0xffff, v2;
	v6 =	vor.u32 v1, v7  }
.LBB2_3:
0x25: {  	_ =	sdelay $0x3  }
0x26: {  	[tilespmem:v6+s19+$0x0] =	vst.idx.msk $0xffff, v2;
	s12 =	simm.s32 $0x0  }
0x27: {  	[tilespmem:v6+s20+$0x0] =	vst.idx.msk $0xffff, v2;
	v6 =	vmov s12  }
0x28: {  	v6 =	vshll.u32 v6, $0x3  }
0x29: {  	v6 =	vor.u32 v3, v6  }
0x2a: {  	s12 =	simm.s32 $0x2;
	v6 =	vor.u32 v4, v6  }
.LBB2_4:
0x2b: {  	p0 =	seq.s32 s12, $0xC6  }
.Ltmp4:
0x2c: {  	_ = 	snop;
	(pc) =	sbr.rel @!p0 .LBB2_4-.Ltmp4, $4  }
0x2d: {  	v7 =	vmov s12  }
0x2e: {  	v7 =	vshll.u32 v7, $0x3  }
0x2f: {  	v7 =	vor.u32 v3, v7  }
0x30: {  	s12 =	sadd.s32 $0x2, s12;
	[tilespmem:v6+s21+$0x0] =	vst.idx.msk $0xffff, v2;
	v6 =	vor.u32 v4, v7  }
0x31: {  	_ =	sdelay $0x1  }
0x32: {  	s12 =	sadd.s32 $0x0, s3  }
0x33: {  	[dreg:$0x9] =	wrdreg s13;
	p0 =	sgt.u32 s12, $0xF9  }
0x34: {  	[tilespmem:v6+s21+$0x0] =	vst.idx.msk $0xffff, v2;
	s22 =	rddreg [dreg:$0x8];
	s12 =	simm.s32 @!p0 $0xA280;
	s18 =	simm.s32 @!p0 $0x5  }
0x35: {  	[spmem:s22] =	stream.linear.scatter @!p0 [tilespmem:s12], [sflag:$0x5], $0x640, $0x38;
	[tilespmem:$0x16C10] =	vst v63  }
0x36: {  	s13 =	simm.s32 $0x10;
	_ =	swait.ge @!p0 [sflag:s18], $0x640  }
0x37: {  	s17 =	simm.s32 $0x20;
	s12 =	sadd.s32 $0x6400, s22;
	[sflag:s18] =	ssyncset.done @!p0 $0x0  }
.LBB2_6:
0x38: {  	s24 =	sadd.s32 s13, s3;
	s13 =	smov.u32 s17;
	s17 =	sadd.s32 $0x10, s17  }
0x39: {  	[sflag:s18] =	ssyncadd.s32 @!p0 $0xFFFFF9C0;
	p1 =	sne.s32 s17, $0x100  }
.Ltmp5:
0x3a: {  	p0 =	sgt.u32 s24, $0xF9;
	(pc) =	sbr.rel @p1 .LBB2_6-.Ltmp5, $4  }
0x3b: {  	s24 =	simm.s32 @!p0 $0xA280;
	s18 =	simm.s32 @!p0 $0x5  }
0x3c: {  	[spmem:s12] =	stream.linear.scatter @!p0 [tilespmem:s24], [sflag:$0x5], $0x640, $0x38;
	[tilespmem:$0x16C10] =	vst v63  }
0x3d: {  	_ =	swait.ge @!p0 [sflag:s18], $0x640  }
0x3e: {  	s12 =	sadd.s32 $0x6400, s12;
	[sflag:s18] =	ssyncset.done @!p0 $0x0  }
0x3f: {  	s13 =	sadd.s32 s13, s3  }
0x40: {  	p1 =	sgt.u32 s13, $0xF9  }
0x41: {  	[sflag:s18] =	ssyncadd.s32 @!p0 $0xFFFFF9C0;
	s13 =	simm.s32 @!p1 $0xA280;
	s17 =	simm.s32 @!p1 $0x5  }
0x42: {  	[spmem:s12] =	stream.linear.scatter @!p1 [tilespmem:s13], [sflag:$0x5], $0x640, $0x38;
	[tilespmem:$0x16C10] =	vst v63  }
0x43: {  	_ =	swait.ge @!p1 [sflag:s17], $0x640  }
0x44: {  	[sflag:s17] =	ssyncset.done @!p1 $0x0  }
0x45: {  	[sflag:s17] =	ssyncadd.s32 @!p1 $0xFFFFF9C0  }
0x46: {  	[bflag:$0x0] =	sbarrier.arrive $0xFFFF  }
0x47: {  	s13 =	simm.s32 $0x0;
	s24 =	rddreg [dreg:$0x3]  }
0x48: {  	[tilespmem:s13], [sflag:$0x1] =	stream.linear.gather [hbm4b:s24+s13], $0x320, $0x38;
	[tilespmem:$0x16C10] =	vst v63  }
0x49: {  	s17 =	simm.s32 $0x640;
	s25 =	rddreg [dreg:$0x4]  }
0x4a: {  	[tilespmem:s17], [sflag:$0x1] =	stream.linear.gather [hbm4b:s25+s13], $0x320, $0x38;
	[tilespmem:$0x16C10] =	vst v63  }
0x4b: {  	s18 =	rddreg [dreg:$0x5]  }
0x4c: {  	[tilespmem:s23], [sflag:$0x2] =	stream.linear.gather [hbm4b:s18+s13], $0x320, $0x38;
	[tilespmem:$0x16C10] =	vst v63  }
0x4d: {  	s22 =	rddreg [dreg:$0x6];
	s24 =	simm.s32 $0x960;
	s25 =	simm.s32 $0x1  }
0x4e: {  	[tilespmem:s24], [sflag:$0x2] =	stream.linear.gather [hbm4b:s22+s13], $0x320, $0x38;
	[tilespmem:$0x16C10] =	vst v63  }
0x4f: {  	_ =	swait.ge [sflag:s25], $0x320  }
0x50: {  	[sflag:s25] =	ssyncset.done $0x0  }
0x51: {  	[sflag:s25] =	ssyncadd.s32 $0xFFFFFCE0  }
0x52: {  	_ =	swait.ge [sflag:s25], $0x320  }
.Ltmp6:
0x53: {  	[sflag:s25] =	ssyncset.done $0x0;
	(pc) =	sbr.rel .LBB2_8-.Ltmp6, $4  }
0x54: {  	[sflag:s25] =	ssyncadd.s32 $0xFFFFFCE0  }
0x55: {  	[tilespmem:s26], [sflag:$0x3] =	stream.indirect.gather [hbm4b:s5+s23], $0x8, s13, s23, $0xb8;
	[tilespmem:$0x16C10] =	vst v63  }
0x56: {  	_ = 	snop  }
0x57: {  	[tilespmem:s28], [sflag:$0x3] =	stream.indirect.gather [hbm4b:s5+s23], $0x8, s17, s23, $0xb8;
	[tilespmem:$0x16C10] =	vst v63  }
.LBB2_16:
0x58: {  	s12 =	sadd.s32 s15, s17  }
0x59: {  	p0 =	sgt.u32 s12, $0x1F3  }
0x5a: {  	s12 =	smul.u32 @!p0 $0x320, s12;
	_ =	sdelay $0x1  }
0x5b: {  	s12 =	sadd.s32 @!p0 s4, s12  }
0x5c: {  	s12 =	sshrl.u32 @!p0 s12, $0x3  }
0x5d: {  	s18 =	simm.s32 @!p0 $0x0;
	s22 =	simm.s32 @!p0 $0x320;
	s17 =	sadd.s32 @!p0 s6, s12  }
0x5e: {  	[tilespmem:s22], [sflag:$0x2] =	stream.linear.gather @!p0 [hbm4b:s17+s18], $0x320, $0x38;
	[tilespmem:$0x16C10] =	vst v63  }
0x5f: {  	s13 =	sadd.s32 $0x1, s13;
	s12 =	sadd.s32 @!p0 s7, s12;
	s17 =	simm.s32 @!p0 $0x960  }
0x60: {  	[tilespmem:s17], [sflag:$0x2] =	stream.linear.gather @!p0 [hbm4b:s12+s18], $0x320, $0x38;
	[tilespmem:$0x16C10] =	vst v63  }
0x61: {  	p0 =	sne.s32 s13, $0x11  }
.Ltmp7:
0x62: {  	_ = 	snop;
	(pc) =	sbr.rel @!p0 .LBB2_17-.Ltmp7, $1  }
0x63: {  	_ =	sdelay $0x3  }
.LBB2_8:
0x64: {  	s17 =	sshll.u32 s13, $0x5  }
0x65: {  	s25 =	sor.u32 s17, s3  }
0x66: {  	s18 =	sor.u32 $0x10, s25  }
0x67: {  	p0 =	sgt.u32 s18, $0x1F3  }
0x68: {  	s12 =	simm.s32 @!p0 $0x2  }
0x69: {  	_ =	swait.ge @!p0 [sflag:s12], $0x320  }
0x6a: {  	[sflag:s12] =	ssyncset.done @!p0 $0x0  }
0x6b: {  	[sflag:s12] =	ssyncadd.s32 @!p0 $0xFFFFFCE0  }
0x6c: {  	p1 =	sgt.u32 s25, $0x1F3;
	_ =	swait.ge @!p0 [sflag:s12], $0x320  }
.Ltmp8:
0x6d: {  	[sflag:s12] =	ssyncset.done @!p0 $0x0;
	(pc) =	sbr.rel @p1 .LBB2_12-.Ltmp8, $4  }
0x6e: {  	s24 =	simm.s32 @!p0 $0x2580;
	[sflag:s12] =	ssyncadd.s32 @!p0 $0xFFFFFCE0;
	s12 =	simm.s32 @!p0 $0x320  }
0x6f: {  	[tilespmem:s24], [sflag:$0x4] =	stream.indirect.gather @!p0 [hbm4b:s5+s12], $0x8, s12, s12, $0xb8;
	[tilespmem:$0x16C10] =	vst v63  }
0x70: {  	s22 =	simm.s32 @!p0 $0x5780;
	s24 =	simm.s32 @!p0 $0x960  }
0x71: {  	[tilespmem:s22], [sflag:$0x4] =	stream.indirect.gather @!p0 [hbm4b:s5+s12], $0x8, s24, s12, $0xb8;
	[tilespmem:$0x16C10] =	vst v63  }
0x72: {  	s12 =	simm.s32 $0x0  }
0x73: {  	v6 =	vmov s12  }
0x74: {  	_ =	swait.ge [sflag:s29], $0x1900;
	v6 =	vshll.u32 v6, $0x3  }
0x75: {  	[sflag:s29] =	ssyncset.done $0x0;
	v6 =	vor.u32 v5, v6  }
0x76: {  	[sflag:s29] =	ssyncadd.s32 $0xFFFFE700;
	v7 =	vor.u32 $0x4, v6  }
0x77: {  	_ =	swait.ge [sflag:s29], $0x1900  }
0x78: {  	[sflag:s29] =	ssyncset.done $0x0  }
0x79: {  	[sflag:s29] =	ssyncadd.s32 $0xFFFFE700  }
0x7a: {  	v8 =	vld.idx.msk [tilespmem:v6+s26+$0x0], $0xffff  }
0x7b: {  	v7 =	vld.idx.msk [tilespmem:v7+s28+$0x0], $0xffff;
	_ =	sdelay $0x4  }
0x7c: {  	v7 =	vadd.f32 v7, v8;
	_ =	sdelay $0x1  }
0x7d: {  	v8 =	vmul.f32 $2.000000030e-01, v7  }
0x7e: {  	vm0 =	vge.f32 v7, $0.0e+00  }
0x7f: {  	v7 =	vsel vm0, v7, v8  }
0x80: {  	v7 =	vmin.f32 v7, $6.000000000e+01  }
0x81: {  	v7 =	vmul.f32 $1.442695020e+00, v7;
	_ =	sdelay $0x1  }
0x82: {  	(erf) = vpow2.f32 v7;
	_ =	sdelay $0x5  }
0x83: {  	v7 =	vor.u32 $0x1, v6  }
0x84: {  	v8 =	vor.u32 $0x5, v6;
	_ =	sdelay $0x1  }
0x85: {  	v9 =	vpop (erf)  }
0x86: {  	[tilespmem:v6+s19+$0x0] =	vst.idx.msk $0xffff, v9  }
0x87: {  	v9 =	vld.idx.msk [tilespmem:v7+s26+$0x0], $0xffff  }
0x88: {  	v8 =	vld.idx.msk [tilespmem:v8+s28+$0x0], $0xffff;
	_ =	sdelay $0x4  }
0x89: {  	v8 =	vadd.f32 v8, v9;
	_ =	sdelay $0x1  }
0x8a: {  	v9 =	vmul.f32 $2.000000030e-01, v8  }
0x8b: {  	vm13 =	vge.f32 v8, $0.0e+00  }
0x8c: {  	v8 =	vsel vm13, v8, v9  }
0x8d: {  	v8 =	vmin.f32 v8, $6.000000000e+01  }
0x8e: {  	v8 =	vmul.f32 $1.442695020e+00, v8;
	_ =	sdelay $0x1  }
0x8f: {  	(erf) = vpow2.f32 v8;
	_ =	sdelay $0x5  }
0x90: {  	v8 =	vor.u32 $0x2, v6  }
0x91: {  	v62 =	vor.u32 $0x6, v6;
	_ =	sdelay $0x1  }
0x92: {  	v10 =	vpop (erf)  }
0x93: {  	[tilespmem:v7+s19+$0x0] =	vst.idx.msk $0xffff, v10  }
0x94: {  	v7 =	vld.idx.msk [tilespmem:v8+s26+$0x0], $0xffff  }
0x95: {  	v9 =	vld.idx.msk [tilespmem:v62+s28+$0x0], $0xffff;
	_ =	sdelay $0x4  }
0x96: {  	v7 =	vadd.f32 v9, v7;
	_ =	sdelay $0x1  }
0x97: {  	v9 =	vmul.f32 $2.000000030e-01, v7  }
0x98: {  	vm14 =	vge.f32 v7, $0.0e+00  }
0x99: {  	v7 =	vsel vm14, v7, v9  }
0x9a: {  	v7 =	vmin.f32 v7, $6.000000000e+01  }
0x9b: {  	v7 =	vmul.f32 $1.442695020e+00, v7;
	_ =	sdelay $0x1  }
0x9c: {  	(erf) = vpow2.f32 v7;
	_ =	sdelay $0x5  }
0x9d: {  	v7 =	vor.u32 $0x3, v6  }
0x9e: {  	v6 =	vor.u32 $0x7, v6;
	_ =	sdelay $0x1  }
0x9f: {  	v63 =	vpop (erf)  }
0xa0: {  	[tilespmem:v8+s19+$0x0] =	vst.idx.msk $0xffff, v63  }
0xa1: {  	v8 =	vld.idx.msk [tilespmem:v7+s26+$0x0], $0xffff  }
0xa2: {  	v6 =	vld.idx.msk [tilespmem:v6+s28+$0x0], $0xffff;
	_ =	sdelay $0x4  }
0xa3: {  	v6 =	vadd.f32 v6, v8;
	_ =	sdelay $0x1  }
0xa4: {  	v8 =	vmul.f32 $2.000000030e-01, v6  }
0xa5: {  	vm15 =	vge.f32 v6, $0.0e+00  }
0xa6: {  	v6 =	vsel vm15, v6, v8  }
0xa7: {  	v6 =	vmin.f32 v6, $6.000000000e+01  }
0xa8: {  	v6 =	vmul.f32 $1.442695020e+00, v6;
	_ =	sdelay $0x1  }
0xa9: {  	(erf) = vpow2.f32 v6;
	_ =	sdelay $0x2  }
0xaa: {  	s24 =	simm.s32 $0x10  }
0xab: {  	v8 =	vmov s24  }
0xac: {  	v8 =	vshll.u32 v8, $0x3  }
0xad: {  	s12 =	simm.s32 $0x20;
	v6 =	vor.u32 v5, v8  }
.LBB2_10:
0xae: {  	p1 =	sne.s32 s12, $0x310;
	v8 =	vor.u32 $0x4, v6;
	s24 =	smov.u32 s12;
	s12 =	sadd.s32 $0x10, s12  }
0xaf: {  	_ = 	snop  }
0xb0: {  	v9 =	vpop (erf)  }
0xb1: {  	[tilespmem:v7+s19+$0x0] =	vst.idx.msk $0xffff, v9  }
0xb2: {  	v7 =	vld.idx.msk [tilespmem:v6+s26+$0x0], $0xffff  }
0xb3: {  	v8 =	vld.idx.msk [tilespmem:v8+s28+$0x0], $0xffff;
	_ =	sdelay $0x5  }
0xb4: {  	v7 =	vadd.f32 v8, v7;
	_ =	sdelay $0x1  }
0xb5: {  	v8 =	vmul.f32 $2.000000030e-01, v7  }
0xb6: {  	vm0 =	vge.f32 v7, $0.0e+00  }
0xb7: {  	v7 =	vsel vm0, v7, v8  }
0xb8: {  	v7 =	vmin.f32 v7, $6.000000000e+01  }
0xb9: {  	v7 =	vmul.f32 $1.442695020e+00, v7;
	_ =	sdelay $0x1  }
0xba: {  	(erf) = vpow2.f32 v7;
	_ =	sdelay $0x5  }
0xbb: {  	v8 =	vor.u32 $0x5, v6;
	v7 =	vor.u32 $0x1, v6;
	_ =	sdelay $0x2  }
0xbc: {  	v9 =	vpop (erf)  }
0xbd: {  	[tilespmem:v6+s19+$0x0] =	vst.idx.msk $0xffff, v9  }
0xbe: {  	v9 =	vld.idx.msk [tilespmem:v7+s26+$0x0], $0xffff  }
0xbf: {  	v8 =	vld.idx.msk [tilespmem:v8+s28+$0x0], $0xffff;
	_ =	sdelay $0x5  }
0xc0: {  	v8 =	vadd.f32 v8, v9;
	_ =	sdelay $0x1  }
0xc1: {  	vm0 =	vge.f32 v8, $0.0e+00;
	v9 =	vmul.f32 $2.000000030e-01, v8;
	_ =	sdelay $0x1  }
0xc2: {  	v8 =	vsel vm0, v8, v9  }
0xc3: {  	v8 =	vmin.f32 v8, $6.000000000e+01  }
0xc4: {  	v8 =	vmul.f32 $1.442695020e+00, v8;
	_ =	sdelay $0x1  }
0xc5: {  	(erf) = vpow2.f32 v8;
	_ =	sdelay $0x5  }
0xc6: {  	v9 =	vor.u32 $0x6, v6;
	v8 =	vor.u32 $0x2, v6;
	_ =	sdelay $0x2  }
0xc7: {  	v10 =	vpop (erf)  }
0xc8: {  	[tilespmem:v7+s19+$0x0] =	vst.idx.msk $0xffff, v10  }
0xc9: {  	v7 =	vld.idx.msk [tilespmem:v8+s26+$0x0], $0xffff  }
0xca: {  	v9 =	vld.idx.msk [tilespmem:v9+s28+$0x0], $0xffff;
	_ =	sdelay $0x5  }
0xcb: {  	v7 =	vadd.f32 v9, v7;
	_ =	sdelay $0x1  }
0xcc: {  	vm0 =	vge.f32 v7, $0.0e+00;
	v9 =	vmul.f32 $2.000000030e-01, v7;
	_ =	sdelay $0x1  }
0xcd: {  	v7 =	vsel vm0, v7, v9  }
0xce: {  	v7 =	vmin.f32 v7, $6.000000000e+01  }
0xcf: {  	v7 =	vmul.f32 $1.442695020e+00, v7;
	_ =	sdelay $0x1  }
0xd0: {  	(erf) = vpow2.f32 v7;
	_ =	sdelay $0x5  }
0xd1: {  	v7 =	vor.u32 $0x3, v6;
	v6 =	vor.u32 $0x7, v6;
	_ =	sdelay $0x2  }
0xd2: {  	v9 =	vpop (erf)  }
0xd3: {  	[tilespmem:v8+s19+$0x0] =	vst.idx.msk $0xffff, v9  }
0xd4: {  	v8 =	vld.idx.msk [tilespmem:v7+s26+$0x0], $0xffff  }
0xd5: {  	v6 =	vld.idx.msk [tilespmem:v6+s28+$0x0], $0xffff;
	_ =	sdelay $0x5  }
0xd6: {  	v6 =	vadd.f32 v6, v8;
	_ =	sdelay $0x1  }
0xd7: {  	vm0 =	vge.f32 v6, $0.0e+00;
	v8 =	vmul.f32 $2.000000030e-01, v6;
	_ =	sdelay $0x1  }
0xd8: {  	v6 =	vsel vm0, v6, v8  }
0xd9: {  	v6 =	vmin.f32 v6, $6.000000000e+01  }
0xda: {  	v6 =	vmul.f32 $1.442695020e+00, v6;
	_ =	sdelay $0x1  }
0xdb: {  	(erf) = vpow2.f32 v6;
	_ =	sdelay $0x1  }
.Ltmp9:
0xdc: {  	(pc) =	sbr.rel @p1 .LBB2_10-.Ltmp9, $4  }
0xdd: {  	_ = 	snop  }
0xde: {  	v6 =	vmov s24  }
0xdf: {  	v6 =	vshll.u32 v6, $0x3  }
0xe0: {  	v6 =	vor.u32 v5, v6  }
0xe1: {  	_ = 	snop  }
0xe2: {  	v8 =	vor.u32 $0x4, v6;
	_ =	sdelay $0x1  }
0xe3: {  	v9 =	vpop (erf)  }
0xe4: {  	[tilespmem:v7+s19+$0x0] =	vst.idx.msk $0xffff, v9  }
0xe5: {  	v7 =	vld.idx.msk [tilespmem:v6+s26+$0x0], $0xffff  }
0xe6: {  	v8 =	vld.idx.msk [tilespmem:v8+s28+$0x0], $0xffff;
	_ =	sdelay $0x4  }
0xe7: {  	v7 =	vadd.f32 v8, v7;
	_ =	sdelay $0x1  }
0xe8: {  	v8 =	vmul.f32 $2.000000030e-01, v7  }
0xe9: {  	vm0 =	vge.f32 v7, $0.0e+00  }
0xea: {  	v7 =	vsel vm0, v7, v8  }
0xeb: {  	v7 =	vmin.f32 v7, $6.000000000e+01  }
0xec: {  	v7 =	vmul.f32 $1.442695020e+00, v7;
	_ =	sdelay $0x1  }
0xed: {  	(erf) = vpow2.f32 v7;
	_ =	sdelay $0x5  }
0xee: {  	v7 =	vor.u32 $0x1, v6  }
0xef: {  	v59 =	vor.u32 $0x5, v6;
	_ =	sdelay $0x1  }
0xf0: {  	v60 =	vpop (erf)  }
0xf1: {  	[tilespmem:v6+s19+$0x0] =	vst.idx.msk $0xffff, v60  }
0xf2: {  	v9 =	vld.idx.msk [tilespmem:v7+s26+$0x0], $0xffff  }
0xf3: {  	v8 =	vld.idx.msk [tilespmem:v59+s28+$0x0], $0xffff;
	_ =	sdelay $0x4  }
0xf4: {  	v8 =	vadd.f32 v8, v9;
	_ =	sdelay $0x1  }
0xf5: {  	v9 =	vmul.f32 $2.000000030e-01, v8  }
0xf6: {  	vm13 =	vge.f32 v8, $0.0e+00  }
0xf7: {  	v8 =	vsel vm13, v8, v9  }
0xf8: {  	v8 =	vmin.f32 v8, $6.000000000e+01  }
0xf9: {  	v8 =	vmul.f32 $1.442695020e+00, v8;
	_ =	sdelay $0x1  }
0xfa: {  	(erf) = vpow2.f32 v8;
	_ =	sdelay $0x5  }
0xfb: {  	v61 =	vor.u32 $0x2, v6  }
0xfc: {  	v62 =	vor.u32 $0x6, v6;
	_ =	sdelay $0x1  }
0xfd: {  	v10 =	vpop (erf)  }
0xfe: {  	[tilespmem:v7+s19+$0x0] =	vst.idx.msk $0xffff, v10  }
0xff: {  	v7 =	vld.idx.msk [tilespmem:v61+s26+$0x0], $0xffff  }
0x100: {  	v9 =	vld.idx.msk [tilespmem:v62+s28+$0x0], $0xffff;
	_ =	sdelay $0x4  }
0x101: {  	v7 =	vadd.f32 v9, v7;
	_ =	sdelay $0x1  }
0x102: {  	v9 =	vmul.f32 $2.000000030e-01, v7  }
0x103: {  	vm14 =	vge.f32 v7, $0.0e+00  }
0x104: {  	v7 =	vsel vm14, v7, v9  }
0x105: {  	v7 =	vmin.f32 v7, $6.000000000e+01  }
0x106: {  	v7 =	vmul.f32 $1.442695020e+00, v7;
	_ =	sdelay $0x1  }
0x107: {  	(erf) = vpow2.f32 v7;
	_ =	sdelay $0x5  }
0x108: {  	v7 =	vor.u32 $0x3, v6  }
0x109: {  	v6 =	vor.u32 $0x7, v6;
	_ =	sdelay $0x1  }
0x10a: {  	v63 =	vpop (erf)  }
0x10b: {  	[tilespmem:v61+s19+$0x0] =	vst.idx.msk $0xffff, v63  }
0x10c: {  	v8 =	vld.idx.msk [tilespmem:v7+s26+$0x0], $0xffff  }
0x10d: {  	v6 =	vld.idx.msk [tilespmem:v6+s28+$0x0], $0xffff;
	_ =	sdelay $0x4  }
0x10e: {  	v6 =	vadd.f32 v6, v8;
	_ =	sdelay $0x1  }
0x10f: {  	v8 =	vmul.f32 $2.000000030e-01, v6  }
0x110: {  	vm15 =	vge.f32 v6, $0.0e+00  }
0x111: {  	v6 =	vsel vm15, v6, v8  }
0x112: {  	v6 =	vmin.f32 v6, $6.000000000e+01  }
0x113: {  	v6 =	vmul.f32 $1.442695020e+00, v6;
	_ =	sdelay $0x1  }
0x114: {  	(erf) = vpow2.f32 v6;
	_ =	sdelay $0x8  }
0x115: {  	v6 =	vpop (erf)  }
0x116: {  	s12 =	simm.s32 $0x640;
	[tilespmem:v7+s19+$0x0] =	vst.idx.msk $0xffff, v6  }
0x117: {  	[spmem:s1] =	stream.indirect.scatter.add.f32 [tilespmem:s19], [sflag:$0x5], $0x8, s12, s23, $0xb8;
	[tilespmem:$0x16C10] =	vst v63  }
0x118: {  	s25 =	smul.u32 $0x320, s25;
	_ =	swait.ge [sflag:s30], $0x1900  }
0x119: {  	[sflag:s30] =	ssyncset.done $0x0  }
0x11a: {  	s12 =	sadd.s32 s25, s16;
	[sflag:s30] =	ssyncadd.s32 $0xFFFFE700  }
0x11b: {  	[hbm4b:s12+s2] =	stream.linear.scatter [tilespmem:s19], [sflag:$0x5], $0x1900, $0x38;
	[tilespmem:$0x16C10] =	vst v63  }
0x11c: {  	_ =	swait.ge [sflag:s30], $0x1900  }
0x11d: {  	[sflag:s30] =	ssyncset.done $0x0  }
0x11e: {  	[sflag:s30] =	ssyncadd.s32 $0xFFFFE700  }
.LBB2_12:
0x11f: {  	s12 =	sadd.s32 s14, s17  }
0x120: {  	p1 =	sgt.u32 s12, $0x1F3  }
0x121: {  	s12 =	smul.u32 @!p1 $0x320, s12;
	_ =	sdelay $0x1  }
0x122: {  	s12 =	sadd.s32 @!p1 s4, s12  }
0x123: {  	s12 =	sshrl.u32 @!p1 s12, $0x3  }
0x124: {  	s24 =	simm.s32 @!p1 $0x0;
	s22 =	sadd.s32 @!p1 s6, s12  }
0x125: {  	[tilespmem:s24], [sflag:$0x1] =	stream.linear.gather @!p1 [hbm4b:s22+s24], $0x320, $0x38;
	[tilespmem:$0x16C10] =	vst v63  }
0x126: {  	s12 =	sadd.s32 @!p1 s7, s12;
	s22 =	simm.s32 @!p1 $0x640  }
0x127: {  	[tilespmem:s22], [sflag:$0x1] =	stream.linear.gather @!p1 [hbm4b:s12+s24], $0x320, $0x38;
	[tilespmem:$0x16C10] =	vst v63  }
0x128: {  	s12 =	simm.s32 @!p1 $0x1  }
0x129: {  	_ =	swait.ge @!p1 [sflag:s12], $0x320  }
0x12a: {  	[sflag:s12] =	ssyncset.done @!p1 $0x0  }
0x12b: {  	[sflag:s12] =	ssyncadd.s32 @!p1 $0xFFFFFCE0  }
0x12c: {  	_ =	swait.ge @!p1 [sflag:s12], $0x320  }
.Ltmp10:
0x12d: {  	[sflag:s12] =	ssyncset.done @!p1 $0x0;
	(pc) =	sbr.rel @p0 .LBB2_16-.Ltmp10, $4  }
0x12e: {  	s25 =	simm.s32 @!p1 $0xC80;
	[sflag:s12] =	ssyncadd.s32 @!p1 $0xFFFFFCE0;
	s12 =	simm.s32 @!p1 $0x320  }
0x12f: {  	[tilespmem:s25], [sflag:$0x3] =	stream.indirect.gather @!p1 [hbm4b:s5+s12], $0x8, s24, s12, $0xb8;
	[tilespmem:$0x16C10] =	vst v63  }
0x130: {  	s24 =	simm.s32 @!p1 $0x3E80  }
0x131: {  	[tilespmem:s24], [sflag:$0x3] =	stream.indirect.gather @!p1 [hbm4b:s5+s12], $0x8, s22, s12, $0xb8;
	[tilespmem:$0x16C10] =	vst v63  }
0x132: {  	s12 =	simm.s32 $0x0  }
0x133: {  	v6 =	vmov s12  }
0x134: {  	_ =	swait.ge [sflag:s31], $0x1900;
	v6 =	vshll.u32 v6, $0x3  }
0x135: {  	[sflag:s31] =	ssyncset.done $0x0;
	v6 =	vor.u32 v5, v6  }
0x136: {  	[sflag:s31] =	ssyncadd.s32 $0xFFFFE700;
	v7 =	vor.u32 $0x4, v6  }
0x137: {  	_ =	swait.ge [sflag:s31], $0x1900  }
0x138: {  	[sflag:s31] =	ssyncset.done $0x0  }
0x139: {  	[sflag:s31] =	ssyncadd.s32 $0xFFFFE700  }
0x13a: {  	v8 =	vld.idx.msk [tilespmem:v6+s0+$0x0], $0xffff  }
0x13b: {  	v7 =	vld.idx.msk [tilespmem:v7+s10+$0x0], $0xffff;
	_ =	sdelay $0x4  }
0x13c: {  	v7 =	vadd.f32 v7, v8;
	_ =	sdelay $0x1  }
0x13d: {  	v8 =	vmul.f32 $2.000000030e-01, v7  }
0x13e: {  	vm0 =	vge.f32 v7, $0.0e+00  }
0x13f: {  	v7 =	vsel vm0, v7, v8  }
0x140: {  	v7 =	vmin.f32 v7, $6.000000000e+01  }
0x141: {  	v7 =	vmul.f32 $1.442695020e+00, v7;
	_ =	sdelay $0x1  }
0x142: {  	(erf) = vpow2.f32 v7;
	_ =	sdelay $0x5  }
0x143: {  	v7 =	vor.u32 $0x1, v6  }
0x144: {  	v8 =	vor.u32 $0x5, v6;
	_ =	sdelay $0x1  }
0x145: {  	v9 =	vpop (erf)  }
0x146: {  	[tilespmem:v6+s20+$0x0] =	vst.idx.msk $0xffff, v9  }
0x147: {  	v9 =	vld.idx.msk [tilespmem:v7+s0+$0x0], $0xffff  }
0x148: {  	v8 =	vld.idx.msk [tilespmem:v8+s10+$0x0], $0xffff;
	_ =	sdelay $0x4  }
0x149: {  	v8 =	vadd.f32 v8, v9;
	_ =	sdelay $0x1  }
0x14a: {  	v9 =	vmul.f32 $2.000000030e-01, v8  }
0x14b: {  	vm13 =	vge.f32 v8, $0.0e+00  }
0x14c: {  	v8 =	vsel vm13, v8, v9  }
0x14d: {  	v8 =	vmin.f32 v8, $6.000000000e+01  }
0x14e: {  	v8 =	vmul.f32 $1.442695020e+00, v8;
	_ =	sdelay $0x1  }
0x14f: {  	(erf) = vpow2.f32 v8;
	_ =	sdelay $0x5  }
0x150: {  	v8 =	vor.u32 $0x2, v6  }
0x151: {  	v62 =	vor.u32 $0x6, v6;
	_ =	sdelay $0x1  }
0x152: {  	v10 =	vpop (erf)  }
0x153: {  	[tilespmem:v7+s20+$0x0] =	vst.idx.msk $0xffff, v10  }
0x154: {  	v7 =	vld.idx.msk [tilespmem:v8+s0+$0x0], $0xffff  }
0x155: {  	v9 =	vld.idx.msk [tilespmem:v62+s10+$0x0], $0xffff;
	_ =	sdelay $0x4  }
0x156: {  	v7 =	vadd.f32 v9, v7;
	_ =	sdelay $0x1  }
0x157: {  	v9 =	vmul.f32 $2.000000030e-01, v7  }
0x158: {  	vm14 =	vge.f32 v7, $0.0e+00  }
0x159: {  	v7 =	vsel vm14, v7, v9  }
0x15a: {  	v7 =	vmin.f32 v7, $6.000000000e+01  }
0x15b: {  	v7 =	vmul.f32 $1.442695020e+00, v7;
	_ =	sdelay $0x1  }
0x15c: {  	(erf) = vpow2.f32 v7;
	_ =	sdelay $0x5  }
0x15d: {  	v7 =	vor.u32 $0x3, v6  }
0x15e: {  	v6 =	vor.u32 $0x7, v6;
	_ =	sdelay $0x1  }
0x15f: {  	v63 =	vpop (erf)  }
0x160: {  	[tilespmem:v8+s20+$0x0] =	vst.idx.msk $0xffff, v63  }
0x161: {  	v8 =	vld.idx.msk [tilespmem:v7+s0+$0x0], $0xffff  }
0x162: {  	v6 =	vld.idx.msk [tilespmem:v6+s10+$0x0], $0xffff;
	_ =	sdelay $0x4  }
0x163: {  	v6 =	vadd.f32 v6, v8;
	_ =	sdelay $0x1  }
0x164: {  	v8 =	vmul.f32 $2.000000030e-01, v6  }
0x165: {  	vm15 =	vge.f32 v6, $0.0e+00  }
0x166: {  	v6 =	vsel vm15, v6, v8  }
0x167: {  	v6 =	vmin.f32 v6, $6.000000000e+01  }
0x168: {  	v6 =	vmul.f32 $1.442695020e+00, v6;
	_ =	sdelay $0x1  }
0x169: {  	(erf) = vpow2.f32 v6;
	_ =	sdelay $0x2  }
0x16a: {  	s25 =	simm.s32 $0x10  }
0x16b: {  	v8 =	vmov s25  }
0x16c: {  	v8 =	vshll.u32 v8, $0x3  }
0x16d: {  	s12 =	simm.s32 $0x20;
	v6 =	vor.u32 v5, v8  }
.LBB2_14:
0x16e: {  	p0 =	sne.s32 s12, $0x310;
	v8 =	vor.u32 $0x4, v6;
	s24 =	smov.u32 s12;
	s12 =	sadd.s32 $0x10, s12  }
0x16f: {  	_ = 	snop  }
0x170: {  	v9 =	vpop (erf)  }
0x171: {  	[tilespmem:v7+s20+$0x0] =	vst.idx.msk $0xffff, v9  }
0x172: {  	v7 =	vld.idx.msk [tilespmem:v6+s0+$0x0], $0xffff  }
0x173: {  	v8 =	vld.idx.msk [tilespmem:v8+s10+$0x0], $0xffff;
	_ =	sdelay $0x5  }
0x174: {  	v7 =	vadd.f32 v8, v7;
	_ =	sdelay $0x1  }
0x175: {  	v8 =	vmul.f32 $2.000000030e-01, v7  }
0x176: {  	vm0 =	vge.f32 v7, $0.0e+00  }
0x177: {  	v7 =	vsel vm0, v7, v8  }
0x178: {  	v7 =	vmin.f32 v7, $6.000000000e+01  }
0x179: {  	v7 =	vmul.f32 $1.442695020e+00, v7;
	_ =	sdelay $0x1  }
0x17a: {  	(erf) = vpow2.f32 v7;
	_ =	sdelay $0x5  }
0x17b: {  	v8 =	vor.u32 $0x5, v6;
	v7 =	vor.u32 $0x1, v6;
	_ =	sdelay $0x2  }
0x17c: {  	v9 =	vpop (erf)  }
0x17d: {  	[tilespmem:v6+s20+$0x0] =	vst.idx.msk $0xffff, v9  }
0x17e: {  	v9 =	vld.idx.msk [tilespmem:v7+s0+$0x0], $0xffff  }
0x17f: {  	v8 =	vld.idx.msk [tilespmem:v8+s10+$0x0], $0xffff;
	_ =	sdelay $0x5  }
0x180: {  	v8 =	vadd.f32 v8, v9;
	_ =	sdelay $0x1  }
0x181: {  	vm0 =	vge.f32 v8, $0.0e+00;
	v9 =	vmul.f32 $2.000000030e-01, v8;
	_ =	sdelay $0x1  }
0x182: {  	v8 =	vsel vm0, v8, v9  }
0x183: {  	v8 =	vmin.f32 v8, $6.000000000e+01  }
0x184: {  	v8 =	vmul.f32 $1.442695020e+00, v8;
	_ =	sdelay $0x1  }
0x185: {  	(erf) = vpow2.f32 v8;
	_ =	sdelay $0x5  }
0x186: {  	v9 =	vor.u32 $0x6, v6;
	v8 =	vor.u32 $0x2, v6;
	_ =	sdelay $0x2  }
0x187: {  	v10 =	vpop (erf)  }
0x188: {  	[tilespmem:v7+s20+$0x0] =	vst.idx.msk $0xffff, v10  }
0x189: {  	v7 =	vld.idx.msk [tilespmem:v8+s0+$0x0], $0xffff  }
0x18a: {  	v9 =	vld.idx.msk [tilespmem:v9+s10+$0x0], $0xffff;
	_ =	sdelay $0x5  }
0x18b: {  	v7 =	vadd.f32 v9, v7;
	_ =	sdelay $0x1  }
0x18c: {  	vm0 =	vge.f32 v7, $0.0e+00;
	v9 =	vmul.f32 $2.000000030e-01, v7;
	_ =	sdelay $0x1  }
0x18d: {  	v7 =	vsel vm0, v7, v9  }
0x18e: {  	v7 =	vmin.f32 v7, $6.000000000e+01  }
0x18f: {  	v7 =	vmul.f32 $1.442695020e+00, v7;
	_ =	sdelay $0x1  }
0x190: {  	(erf) = vpow2.f32 v7;
	_ =	sdelay $0x5  }
0x191: {  	v7 =	vor.u32 $0x3, v6;
	v6 =	vor.u32 $0x7, v6;
	_ =	sdelay $0x2  }
0x192: {  	v9 =	vpop (erf)  }
0x193: {  	[tilespmem:v8+s20+$0x0] =	vst.idx.msk $0xffff, v9  }
0x194: {  	v8 =	vld.idx.msk [tilespmem:v7+s0+$0x0], $0xffff  }
0x195: {  	v6 =	vld.idx.msk [tilespmem:v6+s10+$0x0], $0xffff;
	_ =	sdelay $0x5  }
0x196: {  	v6 =	vadd.f32 v6, v8;
	_ =	sdelay $0x1  }
0x197: {  	vm0 =	vge.f32 v6, $0.0e+00;
	v8 =	vmul.f32 $2.000000030e-01, v6;
	_ =	sdelay $0x1  }
0x198: {  	v6 =	vsel vm0, v6, v8  }
0x199: {  	v6 =	vmin.f32 v6, $6.000000000e+01  }
0x19a: {  	v6 =	vmul.f32 $1.442695020e+00, v6;
	_ =	sdelay $0x1  }
0x19b: {  	(erf) = vpow2.f32 v6;
	_ =	sdelay $0x1  }
.Ltmp11:
0x19c: {  	(pc) =	sbr.rel @p0 .LBB2_14-.Ltmp11, $4  }
0x19d: {  	_ = 	snop  }
0x19e: {  	v6 =	vmov s24  }
0x19f: {  	v6 =	vshll.u32 v6, $0x3  }
0x1a0: {  	v6 =	vor.u32 v5, v6  }
0x1a1: {  	_ = 	snop  }
0x1a2: {  	v8 =	vor.u32 $0x4, v6;
	_ =	sdelay $0x1  }
0x1a3: {  	v9 =	vpop (erf)  }
0x1a4: {  	[tilespmem:v7+s20+$0x0] =	vst.idx.msk $0xffff, v9  }
0x1a5: {  	v7 =	vld.idx.msk [tilespmem:v6+s0+$0x0], $0xffff  }
0x1a6: {  	v8 =	vld.idx.msk [tilespmem:v8+s10+$0x0], $0xffff;
	_ =	sdelay $0x4  }
0x1a7: {  	v7 =	vadd.f32 v8, v7;
	_ =	sdelay $0x1  }
0x1a8: {  	v8 =	vmul.f32 $2.000000030e-01, v7  }
0x1a9: {  	vm0 =	vge.f32 v7, $0.0e+00  }
0x1aa: {  	v7 =	vsel vm0, v7, v8  }
0x1ab: {  	v7 =	vmin.f32 v7, $6.000000000e+01  }
0x1ac: {  	v7 =	vmul.f32 $1.442695020e+00, v7;
	_ =	sdelay $0x1  }
0x1ad: {  	(erf) = vpow2.f32 v7;
	_ =	sdelay $0x5  }
0x1ae: {  	v7 =	vor.u32 $0x1, v6  }
0x1af: {  	v59 =	vor.u32 $0x5, v6;
	_ =	sdelay $0x1  }
0x1b0: {  	v60 =	vpop (erf)  }
0x1b1: {  	[tilespmem:v6+s20+$0x0] =	vst.idx.msk $0xffff, v60  }
0x1b2: {  	v9 =	vld.idx.msk [tilespmem:v7+s0+$0x0], $0xffff  }
0x1b3: {  	v8 =	vld.idx.msk [tilespmem:v59+s10+$0x0], $0xffff;
	_ =	sdelay $0x4  }
0x1b4: {  	v8 =	vadd.f32 v8, v9;
	_ =	sdelay $0x1  }
0x1b5: {  	v9 =	vmul.f32 $2.000000030e-01, v8  }
0x1b6: {  	vm13 =	vge.f32 v8, $0.0e+00  }
0x1b7: {  	v8 =	vsel vm13, v8, v9  }
0x1b8: {  	v8 =	vmin.f32 v8, $6.000000000e+01  }
0x1b9: {  	v8 =	vmul.f32 $1.442695020e+00, v8;
	_ =	sdelay $0x1  }
0x1ba: {  	(erf) = vpow2.f32 v8;
	_ =	sdelay $0x5  }
0x1bb: {  	v61 =	vor.u32 $0x2, v6  }
0x1bc: {  	v62 =	vor.u32 $0x6, v6;
	_ =	sdelay $0x1  }
0x1bd: {  	v10 =	vpop (erf)  }
0x1be: {  	[tilespmem:v7+s20+$0x0] =	vst.idx.msk $0xffff, v10  }
0x1bf: {  	v7 =	vld.idx.msk [tilespmem:v61+s0+$0x0], $0xffff  }
0x1c0: {  	v9 =	vld.idx.msk [tilespmem:v62+s10+$0x0], $0xffff;
	_ =	sdelay $0x4  }
0x1c1: {  	v7 =	vadd.f32 v9, v7;
	_ =	sdelay $0x1  }
0x1c2: {  	v9 =	vmul.f32 $2.000000030e-01, v7  }
0x1c3: {  	vm14 =	vge.f32 v7, $0.0e+00  }
0x1c4: {  	v7 =	vsel vm14, v7, v9  }
0x1c5: {  	v7 =	vmin.f32 v7, $6.000000000e+01  }
0x1c6: {  	v7 =	vmul.f32 $1.442695020e+00, v7;
	_ =	sdelay $0x1  }
0x1c7: {  	(erf) = vpow2.f32 v7;
	_ =	sdelay $0x5  }
0x1c8: {  	v7 =	vor.u32 $0x3, v6  }
0x1c9: {  	v6 =	vor.u32 $0x7, v6;
	_ =	sdelay $0x1  }
0x1ca: {  	v63 =	vpop (erf)  }
0x1cb: {  	[tilespmem:v61+s20+$0x0] =	vst.idx.msk $0xffff, v63  }
0x1cc: {  	v8 =	vld.idx.msk [tilespmem:v7+s0+$0x0], $0xffff  }
0x1cd: {  	v6 =	vld.idx.msk [tilespmem:v6+s10+$0x0], $0xffff;
	_ =	sdelay $0x4  }
0x1ce: {  	v6 =	vadd.f32 v6, v8;
	_ =	sdelay $0x1  }
0x1cf: {  	v8 =	vmul.f32 $2.000000030e-01, v6  }
0x1d0: {  	vm15 =	vge.f32 v6, $0.0e+00  }
0x1d1: {  	v6 =	vsel vm15, v6, v8  }
0x1d2: {  	v6 =	vmin.f32 v6, $6.000000000e+01  }
0x1d3: {  	v6 =	vmul.f32 $1.442695020e+00, v6;
	_ =	sdelay $0x1  }
0x1d4: {  	(erf) = vpow2.f32 v6;
	_ =	sdelay $0x8  }
0x1d5: {  	v6 =	vpop (erf)  }
0x1d6: {  	s12 =	simm.s32 $0x960;
	[tilespmem:v7+s20+$0x0] =	vst.idx.msk $0xffff, v6  }
0x1d7: {  	[spmem:s1] =	stream.indirect.scatter.add.f32 [tilespmem:s20], [sflag:$0x5], $0x8, s12, s23, $0xb8;
	[tilespmem:$0x16C10] =	vst v63  }
0x1d8: {  	s25 =	smul.u32 $0x320, s18;
	_ =	swait.ge [sflag:s30], $0x1900  }
0x1d9: {  	[sflag:s30] =	ssyncset.done $0x0  }
.Ltmp12:
0x1da: {  	s12 =	sadd.s32 s25, s16;
	[sflag:s30] =	ssyncadd.s32 $0xFFFFE700;
	(pc) =	sbr.rel .LBB2_16-.Ltmp12, $4  }
0x1db: {  	[hbm4b:s12+s2] =	stream.linear.scatter [tilespmem:s20], [sflag:$0x5], $0x1900, $0x38;
	[tilespmem:$0x16C10] =	vst v63  }
0x1dc: {  	_ =	swait.ge [sflag:s30], $0x1900  }
0x1dd: {  	[sflag:s30] =	ssyncset.done $0x0  }
0x1de: {  	[sflag:s30] =	ssyncadd.s32 $0xFFFFE700  }
.LBB2_17:
.Ltmp13:
0x1df: {  	(pc) =	sbr.rel .LBB2_18-.Ltmp13, $3  }
0x1e0: {  	_ =	sdelay $0x1  }
0x1e1: {  	[bflag:$0x0] =	sbarrier.arrive $0xFFFF  }
0x1e2: {  	s12 =	simm.s32 $0x0  }
.LBB2_22:
0x1e3: {  	s12 =	sadd.s32 $0x1, s12  }
0x1e4: {  	p0 =	sne.s32 s12, $0x10  }
.Ltmp14:
0x1e5: {  	_ = 	snop;
	(pc) =	sbr.rel @!p0 .LBB2_23-.Ltmp14, $1  }
0x1e6: {  	_ =	sdelay $0x3  }
.LBB2_18:
0x1e7: {  	s13 =	sshll.u32 s12, $0x4  }
0x1e8: {  	s13 =	sor.u32 s3, s13  }
0x1e9: {  	p0 =	sgt.u32 s13, $0xF9  }
.Ltmp15:
0x1ea: {  	_ = 	snop;
	(pc) =	sbr.rel @p0 .LBB2_22-.Ltmp15, $1  }
0x1eb: {  	_ =	sdelay $0x3  }
0x1ec: {  	s13 =	smul.u32 $0xC8, s13  }
0x1ed: {  	s17 =	simm.s32 $0x0  }
0x1ee: {  	v6 =	vmov s17;
	s13 =	sadd.s32 s9, s13  }
0x1ef: {  	v6 =	vshll.u32 v6, $0x3;
	s24 =	sshll.u32 s13, $0x3  }
0x1f0: {  	v6 =	vor.u32 v3, v6;
	s17 =	sand.u32 $0x3FFFFFF8, s24  }
0x1f1: {  	v6 =	vor.u32 v4, v6;
	s17 =	sadd.s32 s17, s1  }
0x1f2: {  	[tilespmem:s21], [sflag:$0x6] =	stream.linear.gather [spmem:s17], $0x640, $0x38;
	[tilespmem:$0x16C10] =	vst v63  }
0x1f3: {  	_ =	swait.ge [sflag:s11], $0x640  }
0x1f4: {  	[sflag:s11] =	ssyncset.done $0x0  }
0x1f5: {  	[sflag:s11] =	ssyncadd.s32 $0xFFFFF9C0  }
0x1f6: {  	v7 =	vld.idx.msk [tilespmem:v6+s21+$0x0], $0xffff;
	_ =	sdelay $0x4  }
0x1f7: {  	v7 =	vadd.f32 $9.999999710e-10, v7;
	_ =	sdelay $0x1  }
0x1f8: {  	(erf) = vrcp.f32 v7;
	_ =	sdelay $0x1  }
0x1f9: {  	s25 =	simm.s32 $0x2  }
0x1fa: {  	s17 =	simm.s32 $0x4;
	v7 =	vmov s25  }
.LBB2_20:
0x1fb: {  	p0 =	sne.s32 s17, $0xC6;
	v7 =	vshll.u32 v7, $0x3  }
0x1fc: {  	v7 =	vor.u32 v3, v7  }
0x1fd: {  	v7 =	vor.u32 v4, v7;
	_ =	sdelay $0x2  }
0x1fe: {  	v8 =	vpop (erf)  }
0x1ff: {  	[tilespmem:v6+s21+$0x0] =	vst.idx.msk $0xffff, v8;
	v6 =	vmov v7  }
0x200: {  	v7 =	vld.idx.msk [tilespmem:v7+s21+$0x0], $0xffff;
	_ =	sdelay $0x5  }
0x201: {  	v7 =	vadd.f32 $9.999999710e-10, v7  }
.Ltmp16:
0x202: {  	(pc) =	sbr.rel @p0 .LBB2_20-.Ltmp16, $2  }
0x203: {  	(erf) = vrcp.f32 v7;
	_ =	sdelay $0x2  }
0x204: {  	v7 =	vmov s17;
	s17 =	sadd.s32 $0x2, s17  }
0x205: {  	v7 =	vshll.u32 v7, $0x3  }
0x206: {  	v7 =	vor.u32 v3, v7  }
0x207: {  	v7 =	vor.u32 v4, v7;
	_ =	sdelay $0x2  }
0x208: {  	v8 =	vpop (erf)  }
0x209: {  	[tilespmem:v6+s21+$0x0] =	vst.idx.msk $0xffff, v8  }
0x20a: {  	v6 =	vld.idx.msk [tilespmem:v7+s21+$0x0], $0xffff;
	_ =	sdelay $0x4  }
0x20b: {  	v6 =	vadd.f32 $9.999999710e-10, v6;
	_ =	sdelay $0x1  }
0x20c: {  	(erf) = vrcp.f32 v6;
	_ =	sdelay $0x8  }
0x20d: {  	v6 =	vpop (erf)  }
.Ltmp17:
0x20e: {  	s13 =	sadd.s32 s8, s13;
	[tilespmem:v7+s21+$0x0] =	vst.idx.msk $0xffff, v6;
	(pc) =	sbr.rel .LBB2_22-.Ltmp17, $4  }
0x20f: {  	[hbm4b:s13+s2] =	stream.linear.scatter [tilespmem:s21], [sflag:$0x5], $0x640, $0x38;
	[tilespmem:$0x16C10] =	vst v63  }
0x210: {  	_ =	swait.ge [sflag:s30], $0x640  }
0x211: {  	[sflag:s30] =	ssyncset.done $0x0  }
0x212: {  	[sflag:s30] =	ssyncadd.s32 $0xFFFFF9C0  }
.LBB2_24:
0x213: {  	_ =	sfence.sel $0x180000  }
0x214: {  	[bflag:$0x0] =	sbarrier.arrive $0xFFFF  }
0x215: {  	_ =	strace $0x90000047  }
0x216: {  	[bflag:$0x2] =	sbarrier.arrive $0xFFFF  }
0x217: {  	p0 =	sne.s32 s3, $0x0;
	s0 =	rddreg [dreg:$0x2]  }
0x218: {  	s0 =	sadd.s32 @!p0 $0x100000, s0  }
0x219: {  	[sflag:s0] =	ssyncadd.tile.s32 @!p0 $0x1;
	_ =	shalt  }
.Lfunc_end2:
_tile_overlayer_lowered:
.L_overlay_start_2:
0x21a: {  	(tag) =	ssettag $0x2  }
0x21b: {  	s0 =	rddreg [dreg:$0x0];
	s2 =	stileid.u32  }
0x21c: {  	s1 =	rddreg [dreg:$0x1];
	p0 =	sne.s32 s2, $0x0  }
0x21d: {  	s3 =	rddreg [dreg:$0x2];
	[bflag:$0x3] =	sbarrier.arrive $0xFFFF;
	s2 =	simm.s32 @!p0 $0x1C05  }
0x21e: {  	[timem:s3], [sflag:s2] =	dma.local @!p0 [hbm:s0], s1  }
0x21f: {  	s0 =	simm.s32 @!p0 $0x5  }
0x220: {  	_ =	swait.ge @!p0 [sflag:s0], s1  }
0x221: {  	s1 =	ssub.s32 @!p0 $0x0, s1;
	[sflag:s0] =	ssyncset.done @!p0 $0x0  }
0x222: {  	[sflag:s0] =	ssyncadd.s32 @!p0 s1  }
0x223: {  	[bflag:$0x3] =	sbarrier.arrive $0xFFFF  }
0x224: {  	_ =	shalt  }

// kernel: kernel.8.cloned.1.call-start
scs
__scs_entry_jumppad:
0x0: {  	(pc) =	sbr.rel $0x88, $3  }
0x1: {  	(tag) =	ssettag $0x0;
	lr =	simm.s32 $0x1  }
0x2: {  	[smem:$0x3F96] =	sst lr;
	_ =	strace $0xD0000000  }
0x3: {  	_ = 	snop  }
0x4: {  	_ = 	snop  }
0x5: {  	_ = 	snop  }
0x6: {  	_ = 	snop  }
0x7: {  	_ = 	snop  }
__scs_overlays_trampoline_lowered:
0x8: {  	[smem:$0x3FA5] =	sst s0  }
0x9: {  	[smem:$0x3FA6] =	sst s1  }
0xa: {  	[smem:$0x3FA7] =	sst s2  }
0xb: {  	[smem:$0x3FA8] =	sst s3  }
0xc: {  	[smem:$0x3FA9] =	sst s4  }
0xd: {  	[smem:$0x3FAA] =	sst s5  }
0xe: {  	[smem:$0x3FAB] =	sst s6  }
0xf: {  	[smem:$0x3FAC] =	sst s7  }
0x10: {  	[smem:$0x3FAD] =	sst s8  }
0x11: {  	[smem:$0x3FAE] =	sst s9;
	s0 =	simm.s32 @!p0 $0x0  }
0x12: {  	s1 =	sld [smem:$0x3F94];
	s0 =	simm.s32 @p0 $0x1  }
0x13: {  	[smem:$0x3FAF] =	sst s0;
	s0 =	simm.s32 @!p1 $0x0  }
0x14: {  	s2 =	sld [smem:$0x3F93];
	s0 =	simm.s32 @p1 $0x1  }
0x15: {  	[smem:$0x3FB0] =	sst s0;
	s0 =	simm.s32 @!p2 $0x0  }
0x16: {  	s3 =	sld [smem:$0x3FDB];
	s0 =	simm.s32 @p2 $0x1  }
0x17: {  	s4 =	simm.s32 $0x1BF5;
	[smem:$0x3FB2] =	sst s0  }
0x18: {  	s0 =	sld [smem:$0x3F95];
	_ =	swait.ge [sflag:s4], $0x0  }
0x19: {  	s7 =	sld [smem:$0x3F96]  }
0x1a: {  	s8 =	sadd.s32 $0xFFFFE003, lr  }
0x1b: {  	s9 =	sadd.s32 $0xFFFFFEF7, lr;
	s5 =	simm.s32 $0xFFFFFFFF;
	p2 =	slt.u32 s8, $0xFFFFF086  }
0x1c: {  	p1 =	slt.u32 s9, $0xF7A;
	s5 =	simm.s32 @!p2 $0x0  }
0x1d: {  	s5 =	simm.s32 @p1 $0x1;
	p0 =	seq.s32 s7, s2  }
0x1e: {  	s7 =	smul.u32 @!p0 $0xF7A, s2;
	p2 =	seq.s32 @!p0 s5, $0x0  }
0x1f: {  	s9 =	smul.u32 $0xF7A, s1;
	s8 =	simm.s32 @!p0 $0x1BF5;
	p2 =	por !p2, p0  }
0x20: {  	[sflag:s8] =	ssyncset.s32 @!p0 $0xFFFFF086;
	s6 =	sadd.s32 @!p0 s3, s7;
	s7 =	simm.s32 @!p0 $0x108  }
0x21: {  	s3 =	sadd.s32 s3, s9;
	s6 =	sadd.s32 @!p0 $0x88, s6;
	s7 =	simm.s32 @p2 $0x1082  }
0x22: {  	[simem:s7], [sflag:s8] =	dma.local @!p0 [hbm:s6], $0xF7A  }
0x23: {  	s9 =	sor.u32 $0xD0000000, s2;
	s6 =	simm.s32 $0x108;
	_ =	swait.ge @!p0 [sflag:s8], $0x0  }
0x24: {  	s3 =	sadd.s32 $0x88, s3;
	s6 =	simm.s32 @!p1 $0x1082;
	[sflag:s4] =	ssyncset.s32 $0xFFFFF086  }
0x25: {  	[simem:s6], [sflag:s4] =	dma.local [hbm:s3], $0xF7A  }
0x26: {  	[smem:$0x3F96] =	sst s1;
	(tag) =	ssettag s2;
	_ =	strace s9  }
0x27: {  	s1 =	sld [smem:$0x3FA6]  }
0x28: {  	s2 =	sld [smem:$0x3FA7]  }
0x29: {  	s4 =	sld [smem:$0x3FA9]  }
0x2a: {  	p0 =	seq.s32 s5, $0x0;
	s5 =	sld [smem:$0x3FAA]  }
0x2b: {  	s6 =	sld [smem:$0x3FAB]  }
0x2c: {  	s7 =	sld [smem:$0x3FAC]  }
0x2d: {  	s3 =	simm.s32 $0x108;
	s8 =	sld [smem:$0x3FAD]  }
0x2e: {  	s3 =	simm.s32 @!p0 $0x1082;
	s9 =	sld [smem:$0x3FAE]  }
0x2f: {  	lr =	sadd.s32 s0, s3;
	s0 =	sld [smem:$0x3FA5]  }
0x30: {  	s3 =	sld [smem:$0x3FA8]  }
0x31: {  	[smem:$0x3FB1] =	sst s10  }
0x32: {  	s10 =	sld [smem:$0x3FAF];
	_ =	sdelay $0x3  }
0x33: {  	p0 =	seq.s32 s10, $0x1;
	s10 =	sld [smem:$0x3FB1];
	_ =	sdelay $0x3  }
0x34: {  	[smem:$0x3FB1] =	sst s10  }
0x35: {  	s10 =	sld [smem:$0x3FB0];
	_ =	sdelay $0x3  }
0x36: {  	p1 =	seq.s32 s10, $0x1;
	s10 =	sld [smem:$0x3FB1];
	_ =	sdelay $0x3  }
0x37: {  	[smem:$0x3FB1] =	sst s10  }
0x38: {  	s10 =	sld [smem:$0x3FB2]  }
0x39: {  	_ = 	snop;
	(pc) =	sbr.ind lr, $3  }
0x3a: {  	_ = 	snop  }
0x3b: {  	_ = 	snop  }
0x3c: {  	p2 =	seq.s32 s10, $0x1;
	s10 =	sld [smem:$0x3FB1]  }
0x3d: {  	_ =	shalt  }
0x3e: {  	_ =	shalt  }
0x3f: {  	_ =	shalt  }
0x40: {  	_ =	shalt  }
0x41: {  	_ =	shalt  }
0x42: {  	_ =	shalt  }
0x43: {  	_ =	shalt  }
0x44: {  	_ =	shalt  }
0x45: {  	_ =	shalt  }
0x46: {  	_ =	shalt  }
0x47: {  	_ =	shalt  }
0x48: {  	_ =	shalt  }
0x49: {  	_ =	shalt  }
0x4a: {  	_ =	shalt  }
0x4b: {  	_ =	shalt  }
0x4c: {  	_ =	shalt  }
0x4d: {  	_ =	shalt  }
0x4e: {  	_ =	shalt  }
0x4f: {  	_ =	shalt  }
0x50: {  	_ =	shalt  }
0x51: {  	_ =	shalt  }
0x52: {  	_ =	shalt  }
0x53: {  	_ =	shalt  }
0x54: {  	_ =	shalt  }
0x55: {  	_ =	shalt  }
0x56: {  	_ =	shalt  }
0x57: {  	_ =	shalt  }
0x58: {  	_ =	shalt  }
0x59: {  	_ =	shalt  }
0x5a: {  	_ =	shalt  }
0x5b: {  	_ =	shalt  }
0x5c: {  	_ =	shalt  }
0x5d: {  	_ =	shalt  }
0x5e: {  	_ =	shalt  }
0x5f: {  	_ =	shalt  }
0x60: {  	_ =	shalt  }
0x61: {  	_ =	shalt  }
0x62: {  	_ =	shalt  }
0x63: {  	_ =	shalt  }
0x64: {  	_ =	shalt  }
0x65: {  	_ =	shalt  }
0x66: {  	_ =	shalt  }
0x67: {  	_ =	shalt  }
0x68: {  	_ =	shalt  }
0x69: {  	_ =	shalt  }
0x6a: {  	_ =	shalt  }
0x6b: {  	_ =	shalt  }
0x6c: {  	_ =	shalt  }
0x6d: {  	_ =	shalt  }
0x6e: {  	_ =	shalt  }
0x6f: {  	_ =	shalt  }
0x70: {  	_ =	shalt  }
0x71: {  	_ =	shalt  }
0x72: {  	_ =	shalt  }
0x73: {  	_ =	shalt  }
0x74: {  	_ =	shalt  }
0x75: {  	_ =	shalt  }
0x76: {  	_ =	shalt  }
0x77: {  	_ =	shalt  }
0x78: {  	_ =	shalt  }
0x79: {  	_ =	shalt  }
0x7a: {  	_ =	shalt  }
0x7b: {  	_ =	shalt  }
0x7c: {  	_ =	shalt  }
0x7d: {  	_ =	shalt  }
0x7e: {  	_ =	shalt  }
0x7f: {  	_ =	shalt  }
0x80: {  	_ =	shalt  }
0x81: {  	_ =	shalt  }
0x82: {  	_ =	shalt  }
0x83: {  	_ =	shalt  }
0x84: {  	_ =	shalt  }
0x85: {  	_ =	shalt  }
0x86: {  	_ =	shalt  }
0x87: {  	_ =	shalt  }
.Lfunc_end0:
.L_simem_size_0:
called_computation.1_lowered:
.L_overlay_start_0:
0x88: {  	s2 =	sld [smem:$0x3FD9]  }
0x89: {  	s3 =	sld [smem:$0x3FFE];
	_ =	sdelay $0x1  }
0x8a: {  	s1 =	srdreg.scid  }
0x8b: {  	s0 =	sand.u32 $0x1, s1  }
0x8c: {  	s17 =	sshll.u32 s0, $0xA;
	s2 =	sadd.s32 s3, s2  }
0x8d: {  	s2 =	sadd.s32 s2, s17  }
0x8e: {  	[smem:$0x3FBD] =	sst s2  }
0x8f: {  	_ = 	snop  }
0x90: {  	s2 =	sld [smem:$0x3FD0];
	(tm) =	ssettm $0x1  }
0x91: {  	s18 =	sld [smem:$0x3FFB];
	_ =	sdelay $0x3  }
0x92: {  	_ =	strace s18  }
0x93: {  	s3 =	sld [smem:$0x3FFC];
	_ =	sdelay $0x3  }
0x94: {  	_ =	strace s3  }
0x95: {  	s3 =	sld [smem:$0x3FFD];
	_ =	sdelay $0x3  }
0x96: {  	_ =	strace s3  }
0x97: {  	_ =	strace $0x8FFFFFFF  }
0x98: {  	s19 =	sld [smem:$0x3FDB];
	_ =	sdelay $0x1  }
0x99: {  	s4 =	simm.s32 $_scs_section_size  }
0x9a: {  	s5 =	simm.s32 $_size__tile_overlayer_lowered;
	s6 =	simm.s32 $_tile_overlayer_lowered  }
0x9b: {  	s22 =	simm.s32 $0x1BFF;
	s21 =	sshll.u32 s6, $0x1;
	s3 =	sadd.s32 s4, s19  }
0x9c: {  	s7 =	simm.s32 $0x0;
	s20 =	sshll.u32 s5, $0x1;
	s5 =	sadd.s32 s21, s3  }
0x9d: {  	[timem:s7], [sflag:s22] =	dma.local [hbm:s5], s20  }
0x9e: {  	_ =	swait.ge [sflag:s22], s20  }
0x9f: {  	s4 =	ssub.s32 $0x0, s20;
	[sflag:s22] =	ssyncset.done $0x0  }
0xa0: {  	[sflag:s22] =	ssyncadd.s32 s4;
	_ =	sdelay $0x1  }
0xa1: {  	s23 =	simm.s32 $0x1B8B  }
0xa2: {  	_ =	swait.ge [sflag:s23], $0x1  }
0xa3: {  	[sflag:s23] =	ssyncset.done $0x0  }
0xa4: {  	s25 =	simm.s32 $0x1B8E;
	s24 =	sld [smem:$0x3FFE];
	[sflag:s23] =	ssyncadd.s32 $0xFFFFFFFF  }
0xa5: {  	s26 =	simm.s32 $execute0_lowered;
	[smem:$0x3FD2] =	sst s25  }
0xa6: {  	s5 =	sshll.u32 s26, $0x1;
	_ =	strace $0x80000049;
	[dreg:$0x1] =	wrdreg $0xFFFFFFFF  }
0xa7: {  	s28 =	simm.s32 $_size_execute0_lowered;
	s3 =	sadd.s32 s3, s5;
	[dreg:$0x0] =	wrdreg $0x0  }
0xa8: {  	s5 =	sshll.u32 s28, $0x1;
	[dreg:$0x2] =	wrdreg s3  }
0xa9: {  	[dreg:$0x3] =	wrdreg s5  }
0xaa: {  	[dreg:$0x4] =	wrdreg $0xC0  }
0xab: {  	_ =	task [dreg:s7], $0x5FFFF  }
0xac: {  	[dreg:$0x1] =	wrdreg $0xFFFFFFFF  }
0xad: {  	[dreg:$0x0] =	wrdreg $0x60  }
0xae: {  	[dreg:$0x2] =	wrdreg s2  }
0xaf: {  	[dreg:$0x3] =	wrdreg s24  }
0xb0: {  	[dreg:$0x4] =	wrdreg $0x59000  }
0xb1: {  	[dreg:$0x5] =	wrdreg $0x9  }
0xb2: {  	_ =	task.clear_ibuf [dreg:s7], $0x6FFFF;
	_ =	strace $0x90000049  }
0xb3: {  	s29 =	simm.s32 $0x9;
	_ =	strace $0x8000004B  }
0xb4: {  	_ =	swait.ge [sflag:s29], $0x1  }
0xb5: {  	[sflag:s29] =	ssyncadd.s32 $0xFFFFFFFF  }
0xb6: {  	_ =	strace $0x9000004B  }
0xb7: {  	_ =	sfence  }
0xb8: {  	s30 =	sld [smem:$0x0];
	_ =	sdelay $0x2  }
0xb9: {  	s31 =	sshll.u32 s1, $0xD;
	s1 =	sshrl.u32 s1, $0x2  }
0xba: {  	s3 =	sand.u32 $0x4000, s31;
	s1 =	sadd.s32 s1, s30  }
0xbb: {  	s0 =	sor.u32 s3, s0;
	s1 =	sshll.u32 s1, $0x11  }
0xbc: {  	s0 =	sor.u32 s1, s0  }
0xbd: {  	s0 =	sadd.s32 $0x8F2B, s0  }
0xbe: {  	[sflag:s0] =	ssyncadd.remote.s32 $0x1  }
0xbf: {  	_ =	sfence.sel $0xFFFF  }
0xc0: {  	[dreg:$0x0] =	wrdreg $0xFFFFFFFF;
	(pc) =	sbr.abs _section_cstart, $3  }
0xc1: {  	[dreg:$0x1] =	wrdreg $0xFFFFFFFF  }
0xc2: {  	_ =	task.clear_ibuf [dreg:s7], $0x2FFFF;
	_ =	strace $0x9FFFFFFF  }
0xc3: {  	(tm) =	ssettm $0x7FFFFFFF  }
tec
execute0_lowered:
.L_overlay_start_1:
0x0: {  	(tag) =	ssettag $0x1  }
0x1: {  	s1 =	rddreg [dreg:$0x0]  }
0x2: {  	s0 =	rddreg [dreg:$0x1]  }
0x3: {  	s2 =	rddreg [dreg:$0x2];
	s3 =	simm.s32 $0x0;
	s5 =	stileid.u32  }
0x4: {  	s15 =	srdreg.scid;
	s29 =	simm.s32 $0x5;
	s30 =	simm.s32 $0x3FC0  }
0x5: {  	s28 =	simm.s32 $0xA0;
	[smem:$0x7FF] =	sst s3;
	s4 =	sadd.s32 $0x13F000, s0  }
0x6: {  	s6 =	sadd.s32 $0x63200, s0;
	s7 =	sadd.s32 $0x126800, s0;
	s11 =	smul.u32 $0x320, s5  }
0x7: {  	s8 =	sadd.s32 $0x4AA00, s0;
	s9 =	sadd.s32 $0x32200, s0;
	s13 =	smul.u32 $0xA0, s5  }
0x8: {  	s10 =	sadd.s32 $0x19A00, s0;
	s3 =	sand.u32 $0x1, s15;
	s14 =	smul.u32 $0x14, s5  }
0x9: {  	s12 =	sadd.s32 $0x1A0C00, s0;
	s23 =	smul.u32 $0x6400, s5;
	s15 =	simm.s32 $0x4  }
0xa: {  	_ =	strace $0x8000004A;
	[dreg:$0x4] =	wrdreg s12;
	s16 =	ssub.s32 $0x2, s3  }
0xb: {  	p0 =	seq.s32 s3, $0x1;
	s12 =	simm.s32 $0x35C0;
	s0 =	sadd.s32 s11, s0  }
0xc: {  	s17 =	sshrl.u32 s16, $0x1;
	s18 =	sshrl.u32 s13, $0x3;
	s19 =	sadd.s32 s8, s14  }
0xd: {  	s20 =	sadd.s32 s9, s14;
	s21 =	sadd.s32 s10, s14;
	[dreg:$0x5] =	wrdreg s19  }
0xe: {  	s25 =	sadd.s32 s6, s13;
	s26 =	sshrl.u32 s23, $0x2;
	[dreg:$0x6] =	wrdreg s20  }
0xf: {  	s13 =	simm.s32 $0x2BC0;
	s14 =	simm.s32 $0x3;
	[dreg:$0x7] =	wrdreg s21  }
0x10: {  	s11 =	ssub.s32 s16, s17;
	s3 =	sadd.s32 $0x140, s18;
	[dreg:$0xb] =	wrdreg s25  }
0x11: {  	s19 =	ssub.s32 $0x1388, s5;
	s20 =	sor.u32 $0x20, s5;
	s31 =	sadd.s32 $0x1D1C00, s0  }
0x12: {  	s21 =	sor.u32 $0x30, s5;
	s0 =	sadd.s32 $0x1A0E00, s0;
	[dreg:$0xe] =	wrdreg s31  }
0x13: {  	s16 =	simm.s32 $0x30C0;
	s22 =	sadd.s32 s8, s3;
	[dreg:$0xf] =	wrdreg s0  }
.Ltmp0:
0x14: {  	s24 =	sadd.s32 s9, s3;
	[dreg:$0x8] =	wrdreg s22;
	(pc) =	sbr.rel .LBB2_1-.Ltmp0, $4  }
0x15: {  	s17 =	simm.s32 $0x3AC0;
	s3 =	sadd.s32 s10, s3;
	[dreg:$0x9] =	wrdreg s24  }
0x16: {  	s18 =	simm.s32 $0x17C0;
	s11 =	smax.u32 s11, $0x1;
	[dreg:$0xa] =	wrdreg s3  }
0x17: {  	v0 =	vlaneseq.u32;
	[dreg:$0xc] =	wrdreg s11;
	s3 =	sadd.s32 s26, s2;
	s26 =	sor.u32 $0x10, s5  }
0x18: {  	v1 =	vor.u32 $0x10, v0;
	s11 =	simm.s32 $0x3C0;
	[dreg:$0xd] =	wrdreg s3;
	s3 =	simm.s32 $0x0  }
.LBB2_36:
0x19: {  	s3 =	sadd.s32 $0x1, s3;
	s0 =	rddreg [dreg:$0xc]  }
0x1a: {  	p1 =	sne.s32 s3, s0  }
.Ltmp1:
0x1b: {  	_ = 	snop;
	(pc) =	sbr.rel @!p1 .LBB2_37-.Ltmp1, $1  }
0x1c: {  	_ =	sdelay $0x3  }
.LBB2_1:
0x1d: {  	[dreg:$0x10] =	wrdreg s3;
	s0 =	simm.s32 $0x0  }
.Ltmp2:
0x1e: {  	s31 =	rddreg [dreg:$0x4];
	s22 =	simm.s32 $0x58C0;
	(pc) =	sbr.rel @!p0 .LBB2_2-.Ltmp2, $4  }
0x1f: {  	[tilespmem:s22], [sflag:$0x5] =	stream.linear.gather [hbm4b:s31+s0], $0x40, $0x38;
	[tilespmem:$0x1DFA0] =	vst v63  }
0x20: {  	_ =	swait.ge [sflag:s29], $0x40  }
0x21: {  	[sflag:s29] =	ssyncset.done $0x0  }
0x22: {  	[sflag:s29] =	ssyncadd.s32 $0xFFFFFFC0  }
0x23: {  	s0 =	simm.s32 $0x0  }
0x24: {  	v2 =	vld [tilespmem:$0x58E0];
	v4 =	vor.u32 s0, v0  }
0x25: {  	v3 =	vld [tilespmem:$0x58F0];
	s23 =	simm.s32 $0x1;
	v5 =	vor.u32 s0, v1  }
.LBB2_20:
0x26: {  	p1 =	sne.s32 s23, $0xC7  }
.Ltmp3:
0x27: {  	_ = 	snop;
	(pc) =	sbr.rel @p1 .LBB2_20-.Ltmp3, $4  }
0x28: {  	_ = 	snop  }
0x29: {  	s0 =	sshll.u32 s23, $0x5;
	[tilespmem:v4+s30+$0x0] =	vst.idx.msk $0xffff, v2  }
0x2a: {  	s23 =	sadd.s32 $0x1, s23;
	v4 =	vor.u32 s0, v0;
	[tilespmem:v5+s30+$0x0] =	vst.idx.msk $0xffff, v3  }
0x2b: {  	v5 =	vor.u32 s0, v1  }
0x2c: {  	_ =	sdelay $0x2  }
0x2d: {  	s0 =	sadd.s32 $0x0, s5  }
0x2e: {  	[tilespmem:v4+s30+$0x0] =	vst.idx.msk $0xffff, v2;
	p1 =	sgt.u32 s0, $0xF9  }
0x2f: {  	s3 =	rddreg [dreg:$0xd];
	[tilespmem:v5+s30+$0x0] =	vst.idx.msk $0xffff, v3;
	s0 =	simm.s32 @!p1 $0x3FC0;
	s31 =	simm.s32 @!p1 $0x5  }
0x30: {  	[spmem:s3] =	stream.linear.scatter @!p1 [tilespmem:s0], [sflag:$0x5], $0x1900, $0x38;
	[tilespmem:$0x1DFA0] =	vst v63  }
0x31: {  	s24 =	simm.s32 $0x10;
	_ =	swait.ge @!p1 [sflag:s31], $0x1900  }
0x32: {  	s25 =	simm.s32 $0x20;
	s23 =	sadd.s32 $0x19000, s3;
	[sflag:s31] =	ssyncset.done @!p1 $0x0  }
.LBB2_22:
0x33: {  	s0 =	sadd.s32 s24, s5;
	s24 =	smov.u32 s25;
	s25 =	sadd.s32 $0x10, s25  }
0x34: {  	[sflag:s31] =	ssyncadd.s32 @!p1 $0xFFFFE700;
	p2 =	sne.s32 s25, $0x100  }
.Ltmp4:
0x35: {  	p1 =	sgt.u32 s0, $0xF9;
	(pc) =	sbr.rel @p2 .LBB2_22-.Ltmp4, $4  }
0x36: {  	s0 =	simm.s32 @!p1 $0x3FC0;
	s31 =	simm.s32 @!p1 $0x5  }
0x37: {  	[spmem:s23] =	stream.linear.scatter @!p1 [tilespmem:s0], [sflag:$0x5], $0x1900, $0x38;
	[tilespmem:$0x1DFA0] =	vst v63  }
0x38: {  	_ =	swait.ge @!p1 [sflag:s31], $0x1900  }
0x39: {  	s23 =	sadd.s32 $0x19000, s23;
	[sflag:s31] =	ssyncset.done @!p1 $0x0  }
0x3a: {  	s0 =	sadd.s32 s24, s5  }
0x3b: {  	p2 =	sgt.u32 s0, $0xF9  }
0x3c: {  	[sflag:s31] =	ssyncadd.s32 @!p1 $0xFFFFE700;
	s0 =	simm.s32 @!p2 $0x3FC0;
	s3 =	simm.s32 @!p2 $0x5  }
0x3d: {  	[spmem:s23] =	stream.linear.scatter @!p2 [tilespmem:s0], [sflag:$0x5], $0x1900, $0x38;
	[tilespmem:$0x1DFA0] =	vst v63  }
0x3e: {  	_ =	swait.ge @!p2 [sflag:s3], $0x1900  }
0x3f: {  	[sflag:s3] =	ssyncset.done @!p2 $0x0  }
0x40: {  	[sflag:s3] =	ssyncadd.s32 @!p2 $0xFFFFE700  }
0x41: {  	[bflag:$0x0] =	sbarrier.arrive $0xFFFF  }
0x42: {  	s24 =	simm.s32 $0x0;
	s23 =	rddreg [dreg:$0x5]  }
0x43: {  	[tilespmem:s24], [sflag:$0x1] =	stream.linear.gather [hbm4b:s23+s24], $0xA0, $0x38;
	[tilespmem:$0x1DFA0] =	vst v63  }
0x44: {  	s3 =	simm.s32 $0x140;
	s25 =	rddreg [dreg:$0x6]  }
0x45: {  	[tilespmem:s3], [sflag:$0x1] =	stream.linear.gather [hbm4b:s25+s24], $0xA0, $0x38;
	[tilespmem:$0x1DFA0] =	vst v63  }
0x46: {  	s22 =	simm.s32 $0x280;
	s31 =	rddreg [dreg:$0x7]  }
0x47: {  	[tilespmem:s22], [sflag:$0x1] =	stream.linear.gather [hbm4b:s31+s24], $0xA0, $0x38;
	[tilespmem:$0x1DFA0] =	vst v63  }
0x48: {  	s23 =	rddreg [dreg:$0x8]  }
0x49: {  	[tilespmem:s28], [sflag:$0x2] =	stream.linear.gather [hbm4b:s23+s24], $0xA0, $0x38;
	[tilespmem:$0x1DFA0] =	vst v63  }
0x4a: {  	s25 =	rddreg [dreg:$0x9];
	s31 =	simm.s32 $0x1E0  }
0x4b: {  	[tilespmem:s31], [sflag:$0x2] =	stream.linear.gather [hbm4b:s25+s24], $0xA0, $0x38;
	[tilespmem:$0x1DFA0] =	vst v63  }
0x4c: {  	s22 =	rddreg [dreg:$0xa];
	s23 =	simm.s32 $0x320;
	s25 =	simm.s32 $0x1  }
0x4d: {  	[tilespmem:s23], [sflag:$0x2] =	stream.linear.gather [hbm4b:s22+s24], $0xA0, $0x38;
	[tilespmem:$0x1DFA0] =	vst v63  }
0x4e: {  	_ =	swait.ge [sflag:s25], $0xA0  }
0x4f: {  	[sflag:s25] =	ssyncset.done $0x0  }
0x50: {  	[sflag:s25] =	ssyncadd.s32 $0xFFFFFF60  }
0x51: {  	_ =	swait.ge [sflag:s25], $0xA0  }
0x52: {  	[sflag:s25] =	ssyncset.done $0x0  }
0x53: {  	[sflag:s25] =	ssyncadd.s32 $0xFFFFFF60  }
0x54: {  	_ =	swait.ge [sflag:s25], $0xA0  }
0x55: {  	[sflag:s25] =	ssyncset.done $0x0  }
0x56: {  	[sflag:s25] =	ssyncadd.s32 $0xFFFFFF60  }
0x57: {  	[tilespmem:s11], [sflag:$0x3] =	stream.indirect.gather [hbm4b:s4+s28], $0x20, s24, s28, $0xb8;
	[tilespmem:$0x1DFA0] =	vst v63  }
.Ltmp5:
0x58: {  	_ = 	snop;
	(pc) =	sbr.rel .LBB2_24-.Ltmp5, $4  }
0x59: {  	_ = 	snop  }
0x5a: {  	[tilespmem:s12], [sflag:$0x3] =	stream.indirect.gather [hbm4b:s7+s28], $0x8, s3, s28, $0xb8;
	[tilespmem:$0x1DFA0] =	vst v63  }
0x5b: {  	s31 =	rddreg [dreg:$0xb]  }
0x5c: {  	[tilespmem:s13], [sflag:$0x3] =	stream.linear.gather [hbm4b:s31+s24], $0x500, $0x38;
	[tilespmem:$0x1DFA0] =	vst v63  }
.LBB2_32:
0x5d: {  	s0 =	sadd.s32 s21, s25  }
0x5e: {  	p1 =	sgt.u32 s0, $0x1387  }
0x5f: {  	s0 =	smul.u32 @!p1 $0x14, s0;
	_ =	sdelay $0x1  }
0x60: {  	s22 =	simm.s32 @!p1 $0x0;
	s23 =	simm.s32 @!p1 $0xA0;
	s3 =	sadd.s32 @!p1 s8, s0  }
0x61: {  	[tilespmem:s23], [sflag:$0x2] =	stream.linear.gather @!p1 [hbm4b:s3+s22], $0xA0, $0x38;
	[tilespmem:$0x1DFA0] =	vst v63  }
0x62: {  	s3 =	sadd.s32 @!p1 s9, s0;
	s23 =	simm.s32 @!p1 $0x1E0  }
0x63: {  	[tilespmem:s23], [sflag:$0x2] =	stream.linear.gather @!p1 [hbm4b:s3+s22], $0xA0, $0x38;
	[tilespmem:$0x1DFA0] =	vst v63  }
0x64: {  	s24 =	sadd.s32 $0x1, s24;
	s0 =	sadd.s32 @!p1 s10, s0;
	s3 =	simm.s32 @!p1 $0x320  }
0x65: {  	[tilespmem:s3], [sflag:$0x2] =	stream.linear.gather @!p1 [hbm4b:s0+s22], $0xA0, $0x38;
	[tilespmem:$0x1DFA0] =	vst v63  }
0x66: {  	p1 =	sne.s32 s24, $0x9E  }
.Ltmp6:
0x67: {  	_ = 	snop;
	(pc) =	sbr.rel @!p1 .LBB2_33-.Ltmp6, $1  }
0x68: {  	_ =	sdelay $0x3  }
.LBB2_24:
0x69: {  	s25 =	sshll.u32 s24, $0x5  }
0x6a: {  	s0 =	sor.u32 s26, s25  }
0x6b: {  	p1 =	sgt.u32 s0, $0x1387  }
0x6c: {  	s3 =	simm.s32 @!p1 $0x2  }
0x6d: {  	_ =	swait.ge @!p1 [sflag:s3], $0xA0  }
0x6e: {  	[sflag:s3] =	ssyncset.done @!p1 $0x0  }
0x6f: {  	[sflag:s3] =	ssyncadd.s32 @!p1 $0xFFFFFF60  }
0x70: {  	_ =	swait.ge @!p1 [sflag:s3], $0xA0  }
0x71: {  	[sflag:s3] =	ssyncset.done @!p1 $0x0  }
0x72: {  	[sflag:s3] =	ssyncadd.s32 @!p1 $0xFFFFFF60  }
0x73: {  	_ =	swait.ge @!p1 [sflag:s3], $0xA0  }
0x74: {  	p2 =	sge.u32 s25, s19;
	[sflag:s3] =	ssyncset.done @!p1 $0x0  }
0x75: {  	s22 =	simm.s32 @!p1 $0x17C0;
	[sflag:s3] =	ssyncadd.s32 @!p1 $0xFFFFFF60;
	s3 =	simm.s32 @!p1 $0xA0  }
0x76: {  	[tilespmem:s22], [sflag:$0x4] =	stream.indirect.gather @!p1 [hbm4b:s4+s3], $0x20, s3, s3, $0xb8;
	[tilespmem:$0x1DFA0] =	vst v63  }
.Ltmp7:
0x77: {  	_ = 	snop;
	(pc) =	sbr.rel @p2 .LBB2_28-.Ltmp7, $4  }
0x78: {  	s23 =	simm.s32 @!p1 $0x3AC0;
	s0 =	smul.u32 @!p1 $0xA0, s0;
	s22 =	simm.s32 @!p1 $0x1E0  }
0x79: {  	[tilespmem:s23], [sflag:$0x4] =	stream.indirect.gather @!p1 [hbm4b:s7+s3], $0x8, s22, s3, $0xb8;
	[tilespmem:$0x1DFA0] =	vst v63  }
0x7a: {  	s0 =	sadd.s32 @!p1 s6, s0;
	s3 =	simm.s32 @!p1 $0x0;
	s22 =	simm.s32 @!p1 $0x30C0  }
0x7b: {  	[tilespmem:s22], [sflag:$0x4] =	stream.linear.gather @!p1 [hbm4b:s0+s3], $0x500, $0x38;
	[tilespmem:$0x1DFA0] =	vst v63  }
0x7c: {  	_ =	swait.ge [sflag:s14], $0x1400  }
0x7d: {  	s0 =	simm.s32 $0x0;
	[sflag:s14] =	ssyncset.done $0x0  }
0x7e: {  	v2 =	vor.u32 s0, v0;
	[sflag:s14] =	ssyncadd.s32 $0xFFFFEC00  }
0x7f: {  	v3 =	vshll.u32 v2, $0x3;
	_ =	swait.ge [sflag:s14], $0x500  }
0x80: {  	v4 =	vor.u32 $0x2, v3;
	[sflag:s14] =	ssyncset.done $0x0  }
0x81: {  	[sflag:s14] =	ssyncadd.s32 $0xFFFFFB00  }
0x82: {  	_ =	swait.ge [sflag:s14], $0x500  }
0x83: {  	v2 =	vshll.u32 v2, $0x5;
	[sflag:s14] =	ssyncset.done $0x0  }
0x84: {  	[sflag:s14] =	ssyncadd.s32 $0xFFFFFB00  }
0x85: {  	v5 =	vld.idx.msk [tilespmem:v4+s13+$0x0], $0xffff  }
0x86: {  	v4 =	vld.idx.msk [tilespmem:v4+s12+$0x0], $0xffff;
	_ =	sdelay $0x1  }
0x87: {  	v6 =	vld.idx.msk [tilespmem:v2+s11+$0x0], $0xffff  }
0x88: {  	v3 =	vor.u32 $0x3, v3;
	_ =	sdelay $0x1  }
0x89: {  	v7 =	vor.u32 $0x1, v2;
	v4 =	vmul.f32 v4, v5;
	_ =	sdelay $0x1  }
0x8a: {  	v6 =	vmul.f32 v6, v4  }
0x8b: {  	v5 =	vld.idx.msk [tilespmem:v3+s12+$0x0], $0xffff  }
0x8c: {  	v3 =	vld.idx.msk [tilespmem:v3+s13+$0x0], $0xffff;
	[tilespmem:v2+s11+$0x0] =	vst.idx.msk $0xffff, v6  }
0x8d: {  	v6 =	vld.idx.msk [tilespmem:v7+s11+$0x0], $0xffff;
	_ =	sdelay $0x2  }
0x8e: {  	v8 =	vor.u32 $0x2, v2;
	_ =	sdelay $0x1  }
0x8f: {  	v6 =	vmul.f32 v6, v4;
	_ =	sdelay $0x1  }
0x90: {  	[tilespmem:v7+s11+$0x0] =	vst.idx.msk $0xffff, v6  }
0x91: {  	v6 =	vld.idx.msk [tilespmem:v8+s11+$0x0], $0xffff;
	_ =	sdelay $0x2  }
0x92: {  	v7 =	vor.u32 $0x3, v2;
	_ =	sdelay $0x1  }
0x93: {  	v6 =	vmul.f32 v6, v4;
	_ =	sdelay $0x1  }
0x94: {  	[tilespmem:v8+s11+$0x0] =	vst.idx.msk $0xffff, v6  }
0x95: {  	v6 =	vld.idx.msk [tilespmem:v7+s11+$0x0], $0xffff;
	_ =	sdelay $0x2  }
0x96: {  	v8 =	vor.u32 $0x4, v2;
	_ =	sdelay $0x1  }
0x97: {  	v6 =	vmul.f32 v6, v4;
	_ =	sdelay $0x1  }
0x98: {  	[tilespmem:v7+s11+$0x0] =	vst.idx.msk $0xffff, v6  }
0x99: {  	v6 =	vld.idx.msk [tilespmem:v8+s11+$0x0], $0xffff;
	_ =	sdelay $0x2  }
0x9a: {  	v7 =	vor.u32 $0x5, v2;
	_ =	sdelay $0x1  }
0x9b: {  	v6 =	vmul.f32 v6, v4;
	_ =	sdelay $0x1  }
0x9c: {  	[tilespmem:v8+s11+$0x0] =	vst.idx.msk $0xffff, v6  }
0x9d: {  	v6 =	vld.idx.msk [tilespmem:v7+s11+$0x0], $0xffff;
	_ =	sdelay $0x2  }
0x9e: {  	v8 =	vor.u32 $0x6, v2;
	_ =	sdelay $0x1  }
0x9f: {  	v6 =	vmul.f32 v6, v4;
	_ =	sdelay $0x1  }
0xa0: {  	[tilespmem:v7+s11+$0x0] =	vst.idx.msk $0xffff, v6  }
0xa1: {  	v6 =	vld.idx.msk [tilespmem:v8+s11+$0x0], $0xffff;
	_ =	sdelay $0x2  }
0xa2: {  	v7 =	vor.u32 $0x7, v2;
	_ =	sdelay $0x1  }
0xa3: {  	v6 =	vmul.f32 v6, v4;
	_ =	sdelay $0x1  }
0xa4: {  	[tilespmem:v8+s11+$0x0] =	vst.idx.msk $0xffff, v6  }
0xa5: {  	v6 =	vld.idx.msk [tilespmem:v7+s11+$0x0], $0xffff;
	_ =	sdelay $0x2  }
0xa6: {  	v8 =	vor.u32 $0x8, v2;
	_ =	sdelay $0x1  }
0xa7: {  	v6 =	vmul.f32 v6, v4;
	_ =	sdelay $0x1  }
0xa8: {  	[tilespmem:v7+s11+$0x0] =	vst.idx.msk $0xffff, v6  }
0xa9: {  	v6 =	vld.idx.msk [tilespmem:v8+s11+$0x0], $0xffff;
	_ =	sdelay $0x2  }
0xaa: {  	v7 =	vor.u32 $0x9, v2;
	_ =	sdelay $0x1  }
0xab: {  	v6 =	vmul.f32 v6, v4;
	_ =	sdelay $0x1  }
0xac: {  	[tilespmem:v8+s11+$0x0] =	vst.idx.msk $0xffff, v6  }
0xad: {  	v6 =	vld.idx.msk [tilespmem:v7+s11+$0x0], $0xffff;
	_ =	sdelay $0x2  }
0xae: {  	v8 =	vor.u32 $0xA, v2;
	_ =	sdelay $0x1  }
0xaf: {  	v6 =	vmul.f32 v6, v4;
	_ =	sdelay $0x1  }
0xb0: {  	[tilespmem:v7+s11+$0x0] =	vst.idx.msk $0xffff, v6  }
0xb1: {  	v6 =	vld.idx.msk [tilespmem:v8+s11+$0x0], $0xffff;
	_ =	sdelay $0x2  }
0xb2: {  	v7 =	vor.u32 $0xB, v2;
	_ =	sdelay $0x1  }
0xb3: {  	v6 =	vmul.f32 v6, v4;
	_ =	sdelay $0x1  }
0xb4: {  	[tilespmem:v8+s11+$0x0] =	vst.idx.msk $0xffff, v6  }
0xb5: {  	v6 =	vld.idx.msk [tilespmem:v7+s11+$0x0], $0xffff;
	_ =	sdelay $0x2  }
0xb6: {  	v8 =	vor.u32 $0xC, v2;
	_ =	sdelay $0x1  }
0xb7: {  	v6 =	vmul.f32 v6, v4;
	_ =	sdelay $0x1  }
0xb8: {  	[tilespmem:v7+s11+$0x0] =	vst.idx.msk $0xffff, v6  }
0xb9: {  	v6 =	vld.idx.msk [tilespmem:v8+s11+$0x0], $0xffff;
	_ =	sdelay $0x2  }
0xba: {  	v7 =	vor.u32 $0xD, v2;
	_ =	sdelay $0x1  }
0xbb: {  	v6 =	vmul.f32 v6, v4;
	_ =	sdelay $0x1  }
0xbc: {  	[tilespmem:v8+s11+$0x0] =	vst.idx.msk $0xffff, v6  }
0xbd: {  	v6 =	vld.idx.msk [tilespmem:v7+s11+$0x0], $0xffff;
	_ =	sdelay $0x2  }
0xbe: {  	v8 =	vor.u32 $0xE, v2;
	_ =	sdelay $0x1  }
0xbf: {  	v6 =	vmul.f32 v6, v4;
	_ =	sdelay $0x1  }
0xc0: {  	[tilespmem:v7+s11+$0x0] =	vst.idx.msk $0xffff, v6  }
0xc1: {  	v6 =	vld.idx.msk [tilespmem:v8+s11+$0x0], $0xffff;
	_ =	sdelay $0x2  }
0xc2: {  	v7 =	vor.u32 $0xF, v2;
	_ =	sdelay $0x1  }
0xc3: {  	v6 =	vmul.f32 v6, v4;
	_ =	sdelay $0x1  }
0xc4: {  	[tilespmem:v8+s11+$0x0] =	vst.idx.msk $0xffff, v6  }
0xc5: {  	v6 =	vld.idx.msk [tilespmem:v7+s11+$0x0], $0xffff;
	_ =	sdelay $0x2  }
0xc6: {  	v8 =	vor.u32 $0x10, v2;
	_ =	sdelay $0x1  }
0xc7: {  	v4 =	vmul.f32 v6, v4;
	_ =	sdelay $0x1  }
0xc8: {  	[tilespmem:v7+s11+$0x0] =	vst.idx.msk $0xffff, v4  }
0xc9: {  	v4 =	vld.idx.msk [tilespmem:v8+s11+$0x0], $0xffff;
	_ =	sdelay $0x2  }
0xca: {  	v3 =	vmul.f32 v5, v3;
	v5 =	vor.u32 $0x11, v2;
	_ =	sdelay $0x1  }
0xcb: {  	v4 =	vmul.f32 v4, v3;
	_ =	sdelay $0x1  }
0xcc: {  	[tilespmem:v8+s11+$0x0] =	vst.idx.msk $0xffff, v4  }
0xcd: {  	v4 =	vld.idx.msk [tilespmem:v5+s11+$0x0], $0xffff;
	_ =	sdelay $0x2  }
0xce: {  	v6 =	vor.u32 $0x12, v2;
	_ =	sdelay $0x1  }
0xcf: {  	v4 =	vmul.f32 v4, v3;
	_ =	sdelay $0x1  }
0xd0: {  	[tilespmem:v5+s11+$0x0] =	vst.idx.msk $0xffff, v4  }
0xd1: {  	v4 =	vld.idx.msk [tilespmem:v6+s11+$0x0], $0xffff;
	_ =	sdelay $0x2  }
0xd2: {  	v5 =	vor.u32 $0x13, v2;
	_ =	sdelay $0x1  }
0xd3: {  	v4 =	vmul.f32 v4, v3;
	_ =	sdelay $0x1  }
0xd4: {  	[tilespmem:v6+s11+$0x0] =	vst.idx.msk $0xffff, v4  }
0xd5: {  	v4 =	vld.idx.msk [tilespmem:v5+s11+$0x0], $0xffff;
	_ =	sdelay $0x2  }
0xd6: {  	v6 =	vor.u32 $0x14, v2;
	_ =	sdelay $0x1  }
0xd7: {  	v4 =	vmul.f32 v4, v3;
	_ =	sdelay $0x1  }
0xd8: {  	[tilespmem:v5+s11+$0x0] =	vst.idx.msk $0xffff, v4  }
0xd9: {  	v4 =	vld.idx.msk [tilespmem:v6+s11+$0x0], $0xffff;
	_ =	sdelay $0x2  }
0xda: {  	v5 =	vor.u32 $0x15, v2;
	_ =	sdelay $0x1  }
0xdb: {  	v4 =	vmul.f32 v4, v3;
	_ =	sdelay $0x1  }
0xdc: {  	[tilespmem:v6+s11+$0x0] =	vst.idx.msk $0xffff, v4  }
0xdd: {  	v4 =	vld.idx.msk [tilespmem:v5+s11+$0x0], $0xffff;
	_ =	sdelay $0x2  }
0xde: {  	v6 =	vor.u32 $0x16, v2;
	_ =	sdelay $0x1  }
0xdf: {  	v4 =	vmul.f32 v4, v3;
	_ =	sdelay $0x1  }
0xe0: {  	[tilespmem:v5+s11+$0x0] =	vst.idx.msk $0xffff, v4  }
0xe1: {  	v4 =	vld.idx.msk [tilespmem:v6+s11+$0x0], $0xffff;
	_ =	sdelay $0x2  }
0xe2: {  	v5 =	vor.u32 $0x17, v2;
	_ =	sdelay $0x1  }
0xe3: {  	v4 =	vmul.f32 v4, v3;
	_ =	sdelay $0x1  }
0xe4: {  	[tilespmem:v6+s11+$0x0] =	vst.idx.msk $0xffff, v4  }
0xe5: {  	v4 =	vld.idx.msk [tilespmem:v5+s11+$0x0], $0xffff;
	_ =	sdelay $0x2  }
0xe6: {  	v6 =	vor.u32 $0x18, v2;
	_ =	sdelay $0x1  }
0xe7: {  	v4 =	vmul.f32 v4, v3;
	_ =	sdelay $0x1  }
0xe8: {  	[tilespmem:v5+s11+$0x0] =	vst.idx.msk $0xffff, v4  }
0xe9: {  	v4 =	vld.idx.msk [tilespmem:v6+s11+$0x0], $0xffff;
	_ =	sdelay $0x2  }
0xea: {  	v5 =	vor.u32 $0x19, v2;
	_ =	sdelay $0x1  }
0xeb: {  	v4 =	vmul.f32 v4, v3;
	_ =	sdelay $0x1  }
0xec: {  	[tilespmem:v6+s11+$0x0] =	vst.idx.msk $0xffff, v4  }
0xed: {  	v4 =	vld.idx.msk [tilespmem:v5+s11+$0x0], $0xffff;
	_ =	sdelay $0x2  }
0xee: {  	v6 =	vor.u32 $0x1A, v2;
	_ =	sdelay $0x1  }
0xef: {  	v4 =	vmul.f32 v4, v3;
	_ =	sdelay $0x1  }
0xf0: {  	[tilespmem:v5+s11+$0x0] =	vst.idx.msk $0xffff, v4  }
0xf1: {  	v4 =	vld.idx.msk [tilespmem:v6+s11+$0x0], $0xffff;
	_ =	sdelay $0x2  }
0xf2: {  	v5 =	vor.u32 $0x1B, v2;
	_ =	sdelay $0x1  }
0xf3: {  	v4 =	vmul.f32 v4, v3;
	_ =	sdelay $0x1  }
0xf4: {  	[tilespmem:v6+s11+$0x0] =	vst.idx.msk $0xffff, v4  }
0xf5: {  	v4 =	vld.idx.msk [tilespmem:v5+s11+$0x0], $0xffff;
	_ =	sdelay $0x2  }
0xf6: {  	v6 =	vor.u32 $0x1C, v2;
	_ =	sdelay $0x1  }
0xf7: {  	v4 =	vmul.f32 v4, v3;
	_ =	sdelay $0x1  }
0xf8: {  	[tilespmem:v5+s11+$0x0] =	vst.idx.msk $0xffff, v4  }
0xf9: {  	v4 =	vld.idx.msk [tilespmem:v6+s11+$0x0], $0xffff;
	_ =	sdelay $0x2  }
0xfa: {  	v5 =	vor.u32 $0x1D, v2;
	_ =	sdelay $0x1  }
0xfb: {  	v4 =	vmul.f32 v4, v3;
	_ =	sdelay $0x1  }
0xfc: {  	[tilespmem:v6+s11+$0x0] =	vst.idx.msk $0xffff, v4  }
0xfd: {  	v4 =	vld.idx.msk [tilespmem:v5+s11+$0x0], $0xffff;
	_ =	sdelay $0x2  }
0xfe: {  	v6 =	vor.u32 $0x1E, v2;
	_ =	sdelay $0x1  }
0xff: {  	v4 =	vmul.f32 v4, v3;
	_ =	sdelay $0x1  }
0x100: {  	[tilespmem:v5+s11+$0x0] =	vst.idx.msk $0xffff, v4  }
0x101: {  	v5 =	vld.idx.msk [tilespmem:v6+s11+$0x0], $0xffff;
	_ =	sdelay $0x2  }
0x102: {  	v4 =	vor.u32 $0x1F, v2;
	_ =	sdelay $0x1  }
0x103: {  	v2 =	vmul.f32 v5, v3;
	_ =	sdelay $0x1  }
0x104: {  	[tilespmem:v6+s11+$0x0] =	vst.idx.msk $0xffff, v2  }
0x105: {  	s31 =	simm.s32 $0x10;
	v7 =	vld.idx.msk [tilespmem:v4+s11+$0x0], $0xffff  }
0x106: {  	v2 =	vor.u32 s31, v0  }
0x107: {  	v6 =	vshll.u32 v2, $0x3  }
0x108: {  	v5 =	vor.u32 $0x2, v6;
	_ =	sdelay $0x1  }
0x109: {  	s23 =	simm.s32 $0x20;
	v2 =	vshll.u32 v2, $0x5;
	v6 =	vor.u32 $0x3, v6;
	v3 =	vmul.f32 v7, v3  }
.LBB2_26:
0x10a: {  	p2 =	sne.s32 s23, $0x90;
	s31 =	smov.u32 s23;
	s23 =	sadd.s32 $0x10, s23  }
0x10b: {  	[tilespmem:v4+s11+$0x0] =	vst.idx.msk $0xffff, v3  }
0x10c: {  	v3 =	vld.idx.msk [tilespmem:v5+s13+$0x0], $0xffff  }
0x10d: {  	v4 =	vld.idx.msk [tilespmem:v5+s12+$0x0], $0xffff  }
0x10e: {  	v7 =	vld.idx.msk [tilespmem:v2+s11+$0x0], $0xffff;
	_ =	sdelay $0x3  }
0x10f: {  	v8 =	vor.u32 $0x1, v2  }
0x110: {  	v5 =	vmul.f32 v4, v3  }
0x111: {  	v3 =	vld.idx.msk [tilespmem:v6+s12+$0x0], $0xffff  }
0x112: {  	v4 =	vld.idx.msk [tilespmem:v6+s13+$0x0], $0xffff;
	v6 =	vmul.f32 v7, v5;
	_ =	sdelay $0x1  }
0x113: {  	[tilespmem:v2+s11+$0x0] =	vst.idx.msk $0xffff, v6  }
0x114: {  	v6 =	vld.idx.msk [tilespmem:v8+s11+$0x0], $0xffff;
	_ =	sdelay $0x2  }
0x115: {  	v7 =	vor.u32 $0x2, v2;
	_ =	sdelay $0x2  }
0x116: {  	v6 =	vmul.f32 v6, v5;
	_ =	sdelay $0x1  }
0x117: {  	[tilespmem:v8+s11+$0x0] =	vst.idx.msk $0xffff, v6  }
0x118: {  	v6 =	vld.idx.msk [tilespmem:v7+s11+$0x0], $0xffff;
	_ =	sdelay $0x2  }
0x119: {  	v8 =	vor.u32 $0x3, v2;
	_ =	sdelay $0x2  }
0x11a: {  	v6 =	vmul.f32 v6, v5;
	_ =	sdelay $0x1  }
0x11b: {  	[tilespmem:v7+s11+$0x0] =	vst.idx.msk $0xffff, v6  }
0x11c: {  	v6 =	vld.idx.msk [tilespmem:v8+s11+$0x0], $0xffff;
	_ =	sdelay $0x2  }
0x11d: {  	v7 =	vor.u32 $0x4, v2;
	_ =	sdelay $0x2  }
0x11e: {  	v6 =	vmul.f32 v6, v5;
	_ =	sdelay $0x1  }
0x11f: {  	[tilespmem:v8+s11+$0x0] =	vst.idx.msk $0xffff, v6  }
0x120: {  	v6 =	vld.idx.msk [tilespmem:v7+s11+$0x0], $0xffff;
	_ =	sdelay $0x2  }
0x121: {  	v8 =	vor.u32 $0x5, v2;
	_ =	sdelay $0x2  }
0x122: {  	v6 =	vmul.f32 v6, v5;
	_ =	sdelay $0x1  }
0x123: {  	[tilespmem:v7+s11+$0x0] =	vst.idx.msk $0xffff, v6  }
0x124: {  	v6 =	vld.idx.msk [tilespmem:v8+s11+$0x0], $0xffff;
	_ =	sdelay $0x2  }
0x125: {  	v7 =	vor.u32 $0x6, v2;
	_ =	sdelay $0x2  }
0x126: {  	v6 =	vmul.f32 v6, v5;
	_ =	sdelay $0x1  }
0x127: {  	[tilespmem:v8+s11+$0x0] =	vst.idx.msk $0xffff, v6  }
0x128: {  	v6 =	vld.idx.msk [tilespmem:v7+s11+$0x0], $0xffff;
	_ =	sdelay $0x2  }
0x129: {  	v8 =	vor.u32 $0x7, v2;
	_ =	sdelay $0x2  }
0x12a: {  	v6 =	vmul.f32 v6, v5;
	_ =	sdelay $0x1  }
0x12b: {  	[tilespmem:v7+s11+$0x0] =	vst.idx.msk $0xffff, v6  }
0x12c: {  	v6 =	vld.idx.msk [tilespmem:v8+s11+$0x0], $0xffff;
	_ =	sdelay $0x2  }
0x12d: {  	v7 =	vor.u32 $0x8, v2;
	_ =	sdelay $0x2  }
0x12e: {  	v6 =	vmul.f32 v6, v5;
	_ =	sdelay $0x1  }
0x12f: {  	[tilespmem:v8+s11+$0x0] =	vst.idx.msk $0xffff, v6  }
0x130: {  	v6 =	vld.idx.msk [tilespmem:v7+s11+$0x0], $0xffff;
	_ =	sdelay $0x2  }
0x131: {  	v8 =	vor.u32 $0x9, v2;
	_ =	sdelay $0x2  }
0x132: {  	v6 =	vmul.f32 v6, v5;
	_ =	sdelay $0x1  }
0x133: {  	[tilespmem:v7+s11+$0x0] =	vst.idx.msk $0xffff, v6  }
0x134: {  	v6 =	vld.idx.msk [tilespmem:v8+s11+$0x0], $0xffff;
	_ =	sdelay $0x2  }
0x135: {  	v7 =	vor.u32 $0xA, v2;
	_ =	sdelay $0x2  }
0x136: {  	v6 =	vmul.f32 v6, v5;
	_ =	sdelay $0x1  }
0x137: {  	[tilespmem:v8+s11+$0x0] =	vst.idx.msk $0xffff, v6  }
0x138: {  	v6 =	vld.idx.msk [tilespmem:v7+s11+$0x0], $0xffff;
	_ =	sdelay $0x2  }
0x139: {  	v8 =	vor.u32 $0xB, v2;
	_ =	sdelay $0x2  }
0x13a: {  	v6 =	vmul.f32 v6, v5;
	_ =	sdelay $0x1  }
0x13b: {  	[tilespmem:v7+s11+$0x0] =	vst.idx.msk $0xffff, v6  }
0x13c: {  	v6 =	vld.idx.msk [tilespmem:v8+s11+$0x0], $0xffff;
	_ =	sdelay $0x2  }
0x13d: {  	v7 =	vor.u32 $0xC, v2;
	_ =	sdelay $0x2  }
0x13e: {  	v6 =	vmul.f32 v6, v5;
	_ =	sdelay $0x1  }
0x13f: {  	[tilespmem:v8+s11+$0x0] =	vst.idx.msk $0xffff, v6  }
0x140: {  	v6 =	vld.idx.msk [tilespmem:v7+s11+$0x0], $0xffff;
	_ =	sdelay $0x2  }
0x141: {  	v8 =	vor.u32 $0xD, v2;
	_ =	sdelay $0x2  }
0x142: {  	v6 =	vmul.f32 v6, v5;
	_ =	sdelay $0x1  }
0x143: {  	[tilespmem:v7+s11+$0x0] =	vst.idx.msk $0xffff, v6  }
0x144: {  	v6 =	vld.idx.msk [tilespmem:v8+s11+$0x0], $0xffff;
	_ =	sdelay $0x2  }
0x145: {  	v7 =	vor.u32 $0xE, v2;
	_ =	sdelay $0x2  }
0x146: {  	v6 =	vmul.f32 v6, v5;
	_ =	sdelay $0x1  }
0x147: {  	[tilespmem:v8+s11+$0x0] =	vst.idx.msk $0xffff, v6  }
0x148: {  	v6 =	vld.idx.msk [tilespmem:v7+s11+$0x0], $0xffff;
	_ =	sdelay $0x2  }
0x149: {  	v8 =	vor.u32 $0xF, v2;
	_ =	sdelay $0x2  }
0x14a: {  	v6 =	vmul.f32 v6, v5;
	_ =	sdelay $0x1  }
0x14b: {  	[tilespmem:v7+s11+$0x0] =	vst.idx.msk $0xffff, v6  }
0x14c: {  	v6 =	vld.idx.msk [tilespmem:v8+s11+$0x0], $0xffff;
	_ =	sdelay $0x2  }
0x14d: {  	v7 =	vor.u32 $0x10, v2;
	_ =	sdelay $0x2  }
0x14e: {  	v5 =	vmul.f32 v6, v5;
	_ =	sdelay $0x1  }
0x14f: {  	[tilespmem:v8+s11+$0x0] =	vst.idx.msk $0xffff, v5  }
0x150: {  	v5 =	vld.idx.msk [tilespmem:v7+s11+$0x0], $0xffff;
	_ =	sdelay $0x2  }
0x151: {  	v3 =	vmul.f32 v3, v4;
	v4 =	vor.u32 $0x11, v2;
	_ =	sdelay $0x2  }
0x152: {  	v5 =	vmul.f32 v5, v3;
	_ =	sdelay $0x1  }
0x153: {  	[tilespmem:v7+s11+$0x0] =	vst.idx.msk $0xffff, v5  }
0x154: {  	v5 =	vld.idx.msk [tilespmem:v4+s11+$0x0], $0xffff;
	_ =	sdelay $0x2  }
0x155: {  	v6 =	vor.u32 $0x12, v2;
	_ =	sdelay $0x2  }
0x156: {  	v5 =	vmul.f32 v5, v3;
	_ =	sdelay $0x1  }
0x157: {  	[tilespmem:v4+s11+$0x0] =	vst.idx.msk $0xffff, v5  }
0x158: {  	v4 =	vld.idx.msk [tilespmem:v6+s11+$0x0], $0xffff;
	_ =	sdelay $0x2  }
0x159: {  	v5 =	vor.u32 $0x13, v2;
	_ =	sdelay $0x2  }
0x15a: {  	v4 =	vmul.f32 v4, v3;
	_ =	sdelay $0x1  }
0x15b: {  	[tilespmem:v6+s11+$0x0] =	vst.idx.msk $0xffff, v4  }
0x15c: {  	v4 =	vld.idx.msk [tilespmem:v5+s11+$0x0], $0xffff;
	_ =	sdelay $0x2  }
0x15d: {  	v6 =	vor.u32 $0x14, v2;
	_ =	sdelay $0x2  }
0x15e: {  	v4 =	vmul.f32 v4, v3;
	_ =	sdelay $0x1  }
0x15f: {  	[tilespmem:v5+s11+$0x0] =	vst.idx.msk $0xffff, v4  }
0x160: {  	v4 =	vld.idx.msk [tilespmem:v6+s11+$0x0], $0xffff;
	_ =	sdelay $0x2  }
0x161: {  	v5 =	vor.u32 $0x15, v2;
	_ =	sdelay $0x2  }
0x162: {  	v4 =	vmul.f32 v4, v3;
	_ =	sdelay $0x1  }
0x163: {  	[tilespmem:v6+s11+$0x0] =	vst.idx.msk $0xffff, v4  }
0x164: {  	v4 =	vld.idx.msk [tilespmem:v5+s11+$0x0], $0xffff;
	_ =	sdelay $0x2  }
0x165: {  	v6 =	vor.u32 $0x16, v2;
	_ =	sdelay $0x2  }
0x166: {  	v4 =	vmul.f32 v4, v3;
	_ =	sdelay $0x1  }
0x167: {  	[tilespmem:v5+s11+$0x0] =	vst.idx.msk $0xffff, v4  }
0x168: {  	v4 =	vld.idx.msk [tilespmem:v6+s11+$0x0], $0xffff;
	_ =	sdelay $0x2  }
0x169: {  	v5 =	vor.u32 $0x17, v2;
	_ =	sdelay $0x2  }
0x16a: {  	v4 =	vmul.f32 v4, v3;
	_ =	sdelay $0x1  }
0x16b: {  	[tilespmem:v6+s11+$0x0] =	vst.idx.msk $0xffff, v4  }
0x16c: {  	v4 =	vld.idx.msk [tilespmem:v5+s11+$0x0], $0xffff;
	_ =	sdelay $0x2  }
0x16d: {  	v6 =	vor.u32 $0x18, v2;
	_ =	sdelay $0x2  }
0x16e: {  	v4 =	vmul.f32 v4, v3;
	_ =	sdelay $0x1  }
0x16f: {  	[tilespmem:v5+s11+$0x0] =	vst.idx.msk $0xffff, v4  }
0x170: {  	v4 =	vld.idx.msk [tilespmem:v6+s11+$0x0], $0xffff;
	_ =	sdelay $0x2  }
0x171: {  	v5 =	vor.u32 $0x19, v2;
	_ =	sdelay $0x2  }
0x172: {  	v4 =	vmul.f32 v4, v3;
	_ =	sdelay $0x1  }
0x173: {  	[tilespmem:v6+s11+$0x0] =	vst.idx.msk $0xffff, v4  }
0x174: {  	v4 =	vld.idx.msk [tilespmem:v5+s11+$0x0], $0xffff;
	_ =	sdelay $0x2  }
0x175: {  	v6 =	vor.u32 $0x1A, v2;
	_ =	sdelay $0x2  }
0x176: {  	v4 =	vmul.f32 v4, v3;
	_ =	sdelay $0x1  }
0x177: {  	[tilespmem:v5+s11+$0x0] =	vst.idx.msk $0xffff, v4  }
0x178: {  	v4 =	vld.idx.msk [tilespmem:v6+s11+$0x0], $0xffff;
	_ =	sdelay $0x2  }
0x179: {  	v5 =	vor.u32 $0x1B, v2;
	_ =	sdelay $0x2  }
0x17a: {  	v4 =	vmul.f32 v4, v3;
	_ =	sdelay $0x1  }
0x17b: {  	[tilespmem:v6+s11+$0x0] =	vst.idx.msk $0xffff, v4  }
0x17c: {  	v4 =	vld.idx.msk [tilespmem:v5+s11+$0x0], $0xffff;
	_ =	sdelay $0x2  }
0x17d: {  	v6 =	vor.u32 $0x1C, v2;
	_ =	sdelay $0x2  }
0x17e: {  	v4 =	vmul.f32 v4, v3;
	_ =	sdelay $0x1  }
0x17f: {  	[tilespmem:v5+s11+$0x0] =	vst.idx.msk $0xffff, v4  }
0x180: {  	v4 =	vld.idx.msk [tilespmem:v6+s11+$0x0], $0xffff;
	_ =	sdelay $0x2  }
0x181: {  	v5 =	vor.u32 $0x1D, v2;
	_ =	sdelay $0x2  }
0x182: {  	v4 =	vmul.f32 v4, v3;
	_ =	sdelay $0x1  }
0x183: {  	[tilespmem:v6+s11+$0x0] =	vst.idx.msk $0xffff, v4  }
0x184: {  	v4 =	vld.idx.msk [tilespmem:v5+s11+$0x0], $0xffff;
	_ =	sdelay $0x2  }
0x185: {  	v6 =	vor.u32 $0x1E, v2;
	_ =	sdelay $0x2  }
0x186: {  	v4 =	vmul.f32 v4, v3;
	_ =	sdelay $0x1  }
0x187: {  	[tilespmem:v5+s11+$0x0] =	vst.idx.msk $0xffff, v4  }
0x188: {  	v5 =	vld.idx.msk [tilespmem:v6+s11+$0x0], $0xffff;
	_ =	sdelay $0x2  }
0x189: {  	v4 =	vor.u32 $0x1F, v2;
	_ =	sdelay $0x2  }
0x18a: {  	v2 =	vmul.f32 v5, v3;
	_ =	sdelay $0x1  }
0x18b: {  	[tilespmem:v6+s11+$0x0] =	vst.idx.msk $0xffff, v2  }
0x18c: {  	v7 =	vld.idx.msk [tilespmem:v4+s11+$0x0], $0xffff;
	_ =	sdelay $0x1  }
.Ltmp8:
0x18d: {  	v2 =	vor.u32 s31, v0;
	(pc) =	sbr.rel @p2 .LBB2_26-.Ltmp8, $3  }
0x18e: {  	v6 =	vshll.u32 v2, $0x3  }
0x18f: {  	v5 =	vor.u32 $0x2, v6;
	v6 =	vor.u32 $0x3, v6;
	_ =	sdelay $0x1  }
0x190: {  	v2 =	vshll.u32 v2, $0x5;
	v3 =	vmul.f32 v7, v3  }
0x191: {  	_ =	sdelay $0x3  }
0x192: {  	[tilespmem:v4+s11+$0x0] =	vst.idx.msk $0xffff, v3  }
0x193: {  	v3 =	vld.idx.msk [tilespmem:v5+s13+$0x0], $0xffff  }
0x194: {  	v4 =	vld.idx.msk [tilespmem:v5+s12+$0x0], $0xffff;
	_ =	sdelay $0x1  }
0x195: {  	v33 =	vld.idx.msk [tilespmem:v2+s11+$0x0], $0xffff;
	_ =	sdelay $0x2  }
0x196: {  	v7 =	vor.u32 $0x1, v2;
	v3 =	vmul.f32 v4, v3;
	_ =	sdelay $0x1  }
0x197: {  	v5 =	vmul.f32 v33, v3  }
0x198: {  	v34 =	vld.idx.msk [tilespmem:v6+s12+$0x0], $0xffff  }
0x199: {  	v35 =	vld.idx.msk [tilespmem:v6+s13+$0x0], $0xffff;
	[tilespmem:v2+s11+$0x0] =	vst.idx.msk $0xffff, v5  }
0x19a: {  	v5 =	vld.idx.msk [tilespmem:v7+s11+$0x0], $0xffff;
	_ =	sdelay $0x2  }
0x19b: {  	v8 =	vor.u32 $0x2, v2;
	_ =	sdelay $0x1  }
0x19c: {  	v5 =	vmul.f32 v5, v3;
	_ =	sdelay $0x1  }
0x19d: {  	[tilespmem:v7+s11+$0x0] =	vst.idx.msk $0xffff, v5  }
0x19e: {  	v5 =	vld.idx.msk [tilespmem:v8+s11+$0x0], $0xffff;
	_ =	sdelay $0x2  }
0x19f: {  	v36 =	vor.u32 $0x3, v2;
	_ =	sdelay $0x1  }
0x1a0: {  	v5 =	vmul.f32 v5, v3;
	_ =	sdelay $0x1  }
0x1a1: {  	[tilespmem:v8+s11+$0x0] =	vst.idx.msk $0xffff, v5  }
0x1a2: {  	v5 =	vld.idx.msk [tilespmem:v36+s11+$0x0], $0xffff;
	_ =	sdelay $0x2  }
0x1a3: {  	v37 =	vor.u32 $0x4, v2;
	_ =	sdelay $0x1  }
0x1a4: {  	v5 =	vmul.f32 v5, v3;
	_ =	sdelay $0x1  }
0x1a5: {  	[tilespmem:v36+s11+$0x0] =	vst.idx.msk $0xffff, v5  }
0x1a6: {  	v5 =	vld.idx.msk [tilespmem:v37+s11+$0x0], $0xffff;
	_ =	sdelay $0x2  }
0x1a7: {  	v38 =	vor.u32 $0x5, v2;
	_ =	sdelay $0x1  }
0x1a8: {  	v5 =	vmul.f32 v5, v3;
	_ =	sdelay $0x1  }
0x1a9: {  	[tilespmem:v37+s11+$0x0] =	vst.idx.msk $0xffff, v5  }
0x1aa: {  	v5 =	vld.idx.msk [tilespmem:v38+s11+$0x0], $0xffff;
	_ =	sdelay $0x2  }
0x1ab: {  	v39 =	vor.u32 $0x6, v2;
	_ =	sdelay $0x1  }
0x1ac: {  	v5 =	vmul.f32 v5, v3;
	_ =	sdelay $0x1  }
0x1ad: {  	[tilespmem:v38+s11+$0x0] =	vst.idx.msk $0xffff, v5  }
0x1ae: {  	v5 =	vld.idx.msk [tilespmem:v39+s11+$0x0], $0xffff;
	_ =	sdelay $0x2  }
0x1af: {  	v40 =	vor.u32 $0x7, v2;
	_ =	sdelay $0x1  }
0x1b0: {  	v5 =	vmul.f32 v5, v3;
	_ =	sdelay $0x1  }
0x1b1: {  	[tilespmem:v39+s11+$0x0] =	vst.idx.msk $0xffff, v5  }
0x1b2: {  	v5 =	vld.idx.msk [tilespmem:v40+s11+$0x0], $0xffff;
	_ =	sdelay $0x2  }
0x1b3: {  	v41 =	vor.u32 $0x8, v2;
	_ =	sdelay $0x1  }
0x1b4: {  	v5 =	vmul.f32 v5, v3;
	_ =	sdelay $0x1  }
0x1b5: {  	[tilespmem:v40+s11+$0x0] =	vst.idx.msk $0xffff, v5  }
0x1b6: {  	v5 =	vld.idx.msk [tilespmem:v41+s11+$0x0], $0xffff;
	_ =	sdelay $0x2  }
0x1b7: {  	v42 =	vor.u32 $0x9, v2;
	_ =	sdelay $0x1  }
0x1b8: {  	v5 =	vmul.f32 v5, v3;
	_ =	sdelay $0x1  }
0x1b9: {  	[tilespmem:v41+s11+$0x0] =	vst.idx.msk $0xffff, v5  }
0x1ba: {  	v5 =	vld.idx.msk [tilespmem:v42+s11+$0x0], $0xffff;
	_ =	sdelay $0x2  }
0x1bb: {  	v43 =	vor.u32 $0xA, v2;
	_ =	sdelay $0x1  }
0x1bc: {  	v5 =	vmul.f32 v5, v3;
	_ =	sdelay $0x1  }
0x1bd: {  	[tilespmem:v42+s11+$0x0] =	vst.idx.msk $0xffff, v5  }
0x1be: {  	v5 =	vld.idx.msk [tilespmem:v43+s11+$0x0], $0xffff;
	_ =	sdelay $0x2  }
0x1bf: {  	v44 =	vor.u32 $0xB, v2;
	_ =	sdelay $0x1  }
0x1c0: {  	v5 =	vmul.f32 v5, v3;
	_ =	sdelay $0x1  }
0x1c1: {  	[tilespmem:v43+s11+$0x0] =	vst.idx.msk $0xffff, v5  }
0x1c2: {  	v5 =	vld.idx.msk [tilespmem:v44+s11+$0x0], $0xffff;
	_ =	sdelay $0x2  }
0x1c3: {  	v45 =	vor.u32 $0xC, v2;
	_ =	sdelay $0x1  }
0x1c4: {  	v5 =	vmul.f32 v5, v3;
	_ =	sdelay $0x1  }
0x1c5: {  	[tilespmem:v44+s11+$0x0] =	vst.idx.msk $0xffff, v5  }
0x1c6: {  	v5 =	vld.idx.msk [tilespmem:v45+s11+$0x0], $0xffff;
	_ =	sdelay $0x2  }
0x1c7: {  	v46 =	vor.u32 $0xD, v2;
	_ =	sdelay $0x1  }
0x1c8: {  	v5 =	vmul.f32 v5, v3;
	_ =	sdelay $0x1  }
0x1c9: {  	[tilespmem:v45+s11+$0x0] =	vst.idx.msk $0xffff, v5  }
0x1ca: {  	v5 =	vld.idx.msk [tilespmem:v46+s11+$0x0], $0xffff;
	_ =	sdelay $0x2  }
0x1cb: {  	v47 =	vor.u32 $0xE, v2;
	_ =	sdelay $0x1  }
0x1cc: {  	v5 =	vmul.f32 v5, v3;
	_ =	sdelay $0x1  }
0x1cd: {  	[tilespmem:v46+s11+$0x0] =	vst.idx.msk $0xffff, v5  }
0x1ce: {  	v5 =	vld.idx.msk [tilespmem:v47+s11+$0x0], $0xffff;
	_ =	sdelay $0x2  }
0x1cf: {  	v48 =	vor.u32 $0xF, v2;
	_ =	sdelay $0x1  }
0x1d0: {  	v5 =	vmul.f32 v5, v3;
	_ =	sdelay $0x1  }
0x1d1: {  	[tilespmem:v47+s11+$0x0] =	vst.idx.msk $0xffff, v5  }
0x1d2: {  	v5 =	vld.idx.msk [tilespmem:v48+s11+$0x0], $0xffff;
	_ =	sdelay $0x2  }
0x1d3: {  	v49 =	vor.u32 $0x10, v2;
	_ =	sdelay $0x1  }
0x1d4: {  	v3 =	vmul.f32 v5, v3;
	_ =	sdelay $0x1  }
0x1d5: {  	[tilespmem:v48+s11+$0x0] =	vst.idx.msk $0xffff, v3  }
0x1d6: {  	v3 =	vld.idx.msk [tilespmem:v49+s11+$0x0], $0xffff;
	_ =	sdelay $0x2  }
0x1d7: {  	v50 =	vor.u32 $0x11, v2;
	v4 =	vmul.f32 v34, v35;
	_ =	sdelay $0x1  }
0x1d8: {  	v3 =	vmul.f32 v3, v4;
	_ =	sdelay $0x1  }
0x1d9: {  	[tilespmem:v49+s11+$0x0] =	vst.idx.msk $0xffff, v3  }
0x1da: {  	v3 =	vld.idx.msk [tilespmem:v50+s11+$0x0], $0xffff;
	_ =	sdelay $0x2  }
0x1db: {  	v51 =	vor.u32 $0x12, v2;
	_ =	sdelay $0x1  }
0x1dc: {  	v3 =	vmul.f32 v3, v4;
	_ =	sdelay $0x1  }
0x1dd: {  	[tilespmem:v50+s11+$0x0] =	vst.idx.msk $0xffff, v3  }
0x1de: {  	v3 =	vld.idx.msk [tilespmem:v51+s11+$0x0], $0xffff;
	_ =	sdelay $0x2  }
0x1df: {  	v52 =	vor.u32 $0x13, v2;
	_ =	sdelay $0x1  }
0x1e0: {  	v3 =	vmul.f32 v3, v4;
	_ =	sdelay $0x1  }
0x1e1: {  	[tilespmem:v51+s11+$0x0] =	vst.idx.msk $0xffff, v3  }
0x1e2: {  	v3 =	vld.idx.msk [tilespmem:v52+s11+$0x0], $0xffff;
	_ =	sdelay $0x2  }
0x1e3: {  	v53 =	vor.u32 $0x14, v2;
	_ =	sdelay $0x1  }
0x1e4: {  	v3 =	vmul.f32 v3, v4;
	_ =	sdelay $0x1  }
0x1e5: {  	[tilespmem:v52+s11+$0x0] =	vst.idx.msk $0xffff, v3  }
0x1e6: {  	v3 =	vld.idx.msk [tilespmem:v53+s11+$0x0], $0xffff;
	_ =	sdelay $0x2  }
0x1e7: {  	v54 =	vor.u32 $0x15, v2;
	_ =	sdelay $0x1  }
0x1e8: {  	v3 =	vmul.f32 v3, v4;
	_ =	sdelay $0x1  }
0x1e9: {  	[tilespmem:v53+s11+$0x0] =	vst.idx.msk $0xffff, v3  }
0x1ea: {  	v3 =	vld.idx.msk [tilespmem:v54+s11+$0x0], $0xffff;
	_ =	sdelay $0x2  }
0x1eb: {  	v55 =	vor.u32 $0x16, v2;
	_ =	sdelay $0x1  }
0x1ec: {  	v3 =	vmul.f32 v3, v4;
	_ =	sdelay $0x1  }
0x1ed: {  	[tilespmem:v54+s11+$0x0] =	vst.idx.msk $0xffff, v3  }
0x1ee: {  	v3 =	vld.idx.msk [tilespmem:v55+s11+$0x0], $0xffff;
	_ =	sdelay $0x2  }
0x1ef: {  	v56 =	vor.u32 $0x17, v2;
	_ =	sdelay $0x1  }
0x1f0: {  	v3 =	vmul.f32 v3, v4;
	_ =	sdelay $0x1  }
0x1f1: {  	[tilespmem:v55+s11+$0x0] =	vst.idx.msk $0xffff, v3  }
0x1f2: {  	v3 =	vld.idx.msk [tilespmem:v56+s11+$0x0], $0xffff;
	_ =	sdelay $0x2  }
0x1f3: {  	v57 =	vor.u32 $0x18, v2;
	_ =	sdelay $0x1  }
0x1f4: {  	v3 =	vmul.f32 v3, v4;
	_ =	sdelay $0x1  }
0x1f5: {  	[tilespmem:v56+s11+$0x0] =	vst.idx.msk $0xffff, v3  }
0x1f6: {  	v3 =	vld.idx.msk [tilespmem:v57+s11+$0x0], $0xffff;
	_ =	sdelay $0x2  }
0x1f7: {  	v58 =	vor.u32 $0x19, v2;
	_ =	sdelay $0x1  }
0x1f8: {  	v3 =	vmul.f32 v3, v4;
	_ =	sdelay $0x1  }
0x1f9: {  	[tilespmem:v57+s11+$0x0] =	vst.idx.msk $0xffff, v3  }
0x1fa: {  	v3 =	vld.idx.msk [tilespmem:v58+s11+$0x0], $0xffff;
	_ =	sdelay $0x2  }
0x1fb: {  	v59 =	vor.u32 $0x1A, v2;
	_ =	sdelay $0x1  }
0x1fc: {  	v3 =	vmul.f32 v3, v4;
	_ =	sdelay $0x1  }
0x1fd: {  	[tilespmem:v58+s11+$0x0] =	vst.idx.msk $0xffff, v3  }
0x1fe: {  	v3 =	vld.idx.msk [tilespmem:v59+s11+$0x0], $0xffff;
	_ =	sdelay $0x2  }
0x1ff: {  	v60 =	vor.u32 $0x1B, v2;
	_ =	sdelay $0x1  }
0x200: {  	v3 =	vmul.f32 v3, v4;
	_ =	sdelay $0x1  }
0x201: {  	[tilespmem:v59+s11+$0x0] =	vst.idx.msk $0xffff, v3  }
0x202: {  	v3 =	vld.idx.msk [tilespmem:v60+s11+$0x0], $0xffff;
	_ =	sdelay $0x2  }
0x203: {  	v61 =	vor.u32 $0x1C, v2;
	_ =	sdelay $0x1  }
0x204: {  	v3 =	vmul.f32 v3, v4;
	_ =	sdelay $0x1  }
0x205: {  	[tilespmem:v60+s11+$0x0] =	vst.idx.msk $0xffff, v3  }
0x206: {  	v3 =	vld.idx.msk [tilespmem:v61+s11+$0x0], $0xffff;
	_ =	sdelay $0x2  }
0x207: {  	v62 =	vor.u32 $0x1D, v2;
	_ =	sdelay $0x1  }
0x208: {  	v3 =	vmul.f32 v3, v4;
	_ =	sdelay $0x1  }
0x209: {  	[tilespmem:v61+s11+$0x0] =	vst.idx.msk $0xffff, v3  }
0x20a: {  	v3 =	vld.idx.msk [tilespmem:v62+s11+$0x0], $0xffff;
	_ =	sdelay $0x2  }
0x20b: {  	v63 =	vor.u32 $0x1E, v2;
	_ =	sdelay $0x1  }
0x20c: {  	v3 =	vmul.f32 v3, v4;
	_ =	sdelay $0x1  }
0x20d: {  	[tilespmem:v62+s11+$0x0] =	vst.idx.msk $0xffff, v3  }
0x20e: {  	v3 =	vld.idx.msk [tilespmem:v63+s11+$0x0], $0xffff;
	_ =	sdelay $0x2  }
0x20f: {  	v2 =	vor.u32 $0x1F, v2;
	_ =	sdelay $0x1  }
0x210: {  	v3 =	vmul.f32 v3, v4;
	_ =	sdelay $0x1  }
0x211: {  	[tilespmem:v63+s11+$0x0] =	vst.idx.msk $0xffff, v3  }
0x212: {  	v3 =	vld.idx.msk [tilespmem:v2+s11+$0x0], $0xffff;
	_ =	sdelay $0x4  }
0x213: {  	v3 =	vmul.f32 v3, v4;
	_ =	sdelay $0x1  }
0x214: {  	s0 =	simm.s32 $0x280;
	[tilespmem:v2+s11+$0x0] =	vst.idx.msk $0xffff, v3  }
0x215: {  	[spmem:s2] =	stream.indirect.scatter.add.f32 [tilespmem:s11], [sflag:$0x5], $0x20, s0, s28, $0xb8;
	[tilespmem:$0x1DFA0] =	vst v63  }
0x216: {  	_ =	swait.ge [sflag:s29], $0x1400  }
0x217: {  	[sflag:s29] =	ssyncset.done $0x0  }
0x218: {  	[sflag:s29] =	ssyncadd.s32 $0xFFFFEC00  }
.LBB2_28:
0x219: {  	s0 =	sadd.s32 s20, s25  }
0x21a: {  	p2 =	sgt.u32 s0, $0x1387  }
0x21b: {  	s3 =	smul.u32 @!p2 $0x14, s0;
	_ =	sdelay $0x1  }
0x21c: {  	s23 =	simm.s32 @!p2 $0x0;
	s22 =	sadd.s32 @!p2 s8, s3  }
0x21d: {  	[tilespmem:s23], [sflag:$0x1] =	stream.linear.gather @!p2 [hbm4b:s22+s23], $0xA0, $0x38;
	[tilespmem:$0x1DFA0] =	vst v63  }
0x21e: {  	s31 =	simm.s32 @!p2 $0x140;
	s22 =	sadd.s32 @!p2 s9, s3  }
0x21f: {  	[tilespmem:s31], [sflag:$0x1] =	stream.linear.gather @!p2 [hbm4b:s22+s23], $0xA0, $0x38;
	[tilespmem:$0x1DFA0] =	vst v63  }
0x220: {  	s3 =	sadd.s32 @!p2 s10, s3;
	s22 =	simm.s32 @!p2 $0x280  }
0x221: {  	[tilespmem:s22], [sflag:$0x1] =	stream.linear.gather @!p2 [hbm4b:s3+s23], $0xA0, $0x38;
	[tilespmem:$0x1DFA0] =	vst v63  }
0x222: {  	s3 =	simm.s32 @!p2 $0x1  }
0x223: {  	_ =	swait.ge @!p2 [sflag:s3], $0xA0  }
0x224: {  	[sflag:s3] =	ssyncset.done @!p2 $0x0  }
0x225: {  	[sflag:s3] =	ssyncadd.s32 @!p2 $0xFFFFFF60  }
0x226: {  	_ =	swait.ge @!p2 [sflag:s3], $0xA0  }
0x227: {  	[sflag:s3] =	ssyncset.done @!p2 $0x0  }
0x228: {  	[sflag:s3] =	ssyncadd.s32 @!p2 $0xFFFFFF60  }
0x229: {  	_ =	swait.ge @!p2 [sflag:s3], $0xA0  }
0x22a: {  	[sflag:s3] =	ssyncset.done @!p2 $0x0  }
0x22b: {  	s22 =	simm.s32 @!p2 $0x3C0;
	[sflag:s3] =	ssyncadd.s32 @!p2 $0xFFFFFF60;
	s3 =	simm.s32 @!p2 $0xA0  }
0x22c: {  	[tilespmem:s22], [sflag:$0x3] =	stream.indirect.gather @!p2 [hbm4b:s4+s3], $0x20, s23, s3, $0xb8;
	[tilespmem:$0x1DFA0] =	vst v63  }
.Ltmp9:
0x22d: {  	_ = 	snop;
	(pc) =	sbr.rel @p1 .LBB2_32-.Ltmp9, $4  }
0x22e: {  	s0 =	smul.u32 @!p2 $0xA0, s0;
	s22 =	simm.s32 @!p2 $0x35C0  }
0x22f: {  	[tilespmem:s22], [sflag:$0x3] =	stream.indirect.gather @!p2 [hbm4b:s7+s3], $0x8, s31, s3, $0xb8;
	[tilespmem:$0x1DFA0] =	vst v63  }
0x230: {  	s0 =	sadd.s32 @!p2 s6, s0;
	s3 =	simm.s32 @!p2 $0x2BC0  }
0x231: {  	[tilespmem:s3], [sflag:$0x3] =	stream.linear.gather @!p2 [hbm4b:s0+s23], $0x500, $0x38;
	[tilespmem:$0x1DFA0] =	vst v63  }
0x232: {  	_ =	swait.ge [sflag:s15], $0x1400  }
0x233: {  	s0 =	simm.s32 $0x0;
	[sflag:s15] =	ssyncset.done $0x0  }
0x234: {  	v2 =	vor.u32 s0, v0;
	[sflag:s15] =	ssyncadd.s32 $0xFFFFEC00  }
0x235: {  	v3 =	vshll.u32 v2, $0x3;
	_ =	swait.ge [sflag:s15], $0x500  }
0x236: {  	v4 =	vor.u32 $0x2, v3;
	[sflag:s15] =	ssyncset.done $0x0  }
0x237: {  	[sflag:s15] =	ssyncadd.s32 $0xFFFFFB00  }
0x238: {  	_ =	swait.ge [sflag:s15], $0x500  }
0x239: {  	v2 =	vshll.u32 v2, $0x5;
	[sflag:s15] =	ssyncset.done $0x0  }
0x23a: {  	[sflag:s15] =	ssyncadd.s32 $0xFFFFFB00  }
0x23b: {  	v5 =	vld.idx.msk [tilespmem:v4+s16+$0x0], $0xffff  }
0x23c: {  	v4 =	vld.idx.msk [tilespmem:v4+s17+$0x0], $0xffff;
	_ =	sdelay $0x1  }
0x23d: {  	v6 =	vld.idx.msk [tilespmem:v2+s18+$0x0], $0xffff  }
0x23e: {  	v3 =	vor.u32 $0x3, v3;
	_ =	sdelay $0x1  }
0x23f: {  	v7 =	vor.u32 $0x1, v2;
	v4 =	vmul.f32 v4, v5;
	_ =	sdelay $0x1  }
0x240: {  	v6 =	vmul.f32 v6, v4  }
0x241: {  	v5 =	vld.idx.msk [tilespmem:v3+s17+$0x0], $0xffff  }
0x242: {  	v3 =	vld.idx.msk [tilespmem:v3+s16+$0x0], $0xffff;
	[tilespmem:v2+s18+$0x0] =	vst.idx.msk $0xffff, v6  }
0x243: {  	v6 =	vld.idx.msk [tilespmem:v7+s18+$0x0], $0xffff;
	_ =	sdelay $0x2  }
0x244: {  	v8 =	vor.u32 $0x2, v2;
	_ =	sdelay $0x1  }
0x245: {  	v6 =	vmul.f32 v6, v4;
	_ =	sdelay $0x1  }
0x246: {  	[tilespmem:v7+s18+$0x0] =	vst.idx.msk $0xffff, v6  }
0x247: {  	v6 =	vld.idx.msk [tilespmem:v8+s18+$0x0], $0xffff;
	_ =	sdelay $0x2  }
0x248: {  	v7 =	vor.u32 $0x3, v2;
	_ =	sdelay $0x1  }
0x249: {  	v6 =	vmul.f32 v6, v4;
	_ =	sdelay $0x1  }
0x24a: {  	[tilespmem:v8+s18+$0x0] =	vst.idx.msk $0xffff, v6  }
0x24b: {  	v6 =	vld.idx.msk [tilespmem:v7+s18+$0x0], $0xffff;
	_ =	sdelay $0x2  }
0x24c: {  	v8 =	vor.u32 $0x4, v2;
	_ =	sdelay $0x1  }
0x24d: {  	v6 =	vmul.f32 v6, v4;
	_ =	sdelay $0x1  }
0x24e: {  	[tilespmem:v7+s18+$0x0] =	vst.idx.msk $0xffff, v6  }
0x24f: {  	v6 =	vld.idx.msk [tilespmem:v8+s18+$0x0], $0xffff;
	_ =	sdelay $0x2  }
0x250: {  	v7 =	vor.u32 $0x5, v2;
	_ =	sdelay $0x1  }
0x251: {  	v6 =	vmul.f32 v6, v4;
	_ =	sdelay $0x1  }
0x252: {  	[tilespmem:v8+s18+$0x0] =	vst.idx.msk $0xffff, v6  }
0x253: {  	v6 =	vld.idx.msk [tilespmem:v7+s18+$0x0], $0xffff;
	_ =	sdelay $0x2  }
0x254: {  	v8 =	vor.u32 $0x6, v2;
	_ =	sdelay $0x1  }
0x255: {  	v6 =	vmul.f32 v6, v4;
	_ =	sdelay $0x1  }
0x256: {  	[tilespmem:v7+s18+$0x0] =	vst.idx.msk $0xffff, v6  }
0x257: {  	v6 =	vld.idx.msk [tilespmem:v8+s18+$0x0], $0xffff;
	_ =	sdelay $0x2  }
0x258: {  	v7 =	vor.u32 $0x7, v2;
	_ =	sdelay $0x1  }
0x259: {  	v6 =	vmul.f32 v6, v4;
	_ =	sdelay $0x1  }
0x25a: {  	[tilespmem:v8+s18+$0x0] =	vst.idx.msk $0xffff, v6  }
0x25b: {  	v6 =	vld.idx.msk [tilespmem:v7+s18+$0x0], $0xffff;
	_ =	sdelay $0x2  }
0x25c: {  	v8 =	vor.u32 $0x8, v2;
	_ =	sdelay $0x1  }
0x25d: {  	v6 =	vmul.f32 v6, v4;
	_ =	sdelay $0x1  }
0x25e: {  	[tilespmem:v7+s18+$0x0] =	vst.idx.msk $0xffff, v6  }
0x25f: {  	v6 =	vld.idx.msk [tilespmem:v8+s18+$0x0], $0xffff;
	_ =	sdelay $0x2  }
0x260: {  	v7 =	vor.u32 $0x9, v2;
	_ =	sdelay $0x1  }
0x261: {  	v6 =	vmul.f32 v6, v4;
	_ =	sdelay $0x1  }
0x262: {  	[tilespmem:v8+s18+$0x0] =	vst.idx.msk $0xffff, v6  }
0x263: {  	v6 =	vld.idx.msk [tilespmem:v7+s18+$0x0], $0xffff;
	_ =	sdelay $0x2  }
0x264: {  	v8 =	vor.u32 $0xA, v2;
	_ =	sdelay $0x1  }
0x265: {  	v6 =	vmul.f32 v6, v4;
	_ =	sdelay $0x1  }
0x266: {  	[tilespmem:v7+s18+$0x0] =	vst.idx.msk $0xffff, v6  }
0x267: {  	v6 =	vld.idx.msk [tilespmem:v8+s18+$0x0], $0xffff;
	_ =	sdelay $0x2  }
0x268: {  	v7 =	vor.u32 $0xB, v2;
	_ =	sdelay $0x1  }
0x269: {  	v6 =	vmul.f32 v6, v4;
	_ =	sdelay $0x1  }
0x26a: {  	[tilespmem:v8+s18+$0x0] =	vst.idx.msk $0xffff, v6  }
0x26b: {  	v6 =	vld.idx.msk [tilespmem:v7+s18+$0x0], $0xffff;
	_ =	sdelay $0x2  }
0x26c: {  	v8 =	vor.u32 $0xC, v2;
	_ =	sdelay $0x1  }
0x26d: {  	v6 =	vmul.f32 v6, v4;
	_ =	sdelay $0x1  }
0x26e: {  	[tilespmem:v7+s18+$0x0] =	vst.idx.msk $0xffff, v6  }
0x26f: {  	v6 =	vld.idx.msk [tilespmem:v8+s18+$0x0], $0xffff;
	_ =	sdelay $0x2  }
0x270: {  	v7 =	vor.u32 $0xD, v2;
	_ =	sdelay $0x1  }
0x271: {  	v6 =	vmul.f32 v6, v4;
	_ =	sdelay $0x1  }
0x272: {  	[tilespmem:v8+s18+$0x0] =	vst.idx.msk $0xffff, v6  }
0x273: {  	v6 =	vld.idx.msk [tilespmem:v7+s18+$0x0], $0xffff;
	_ =	sdelay $0x2  }
0x274: {  	v8 =	vor.u32 $0xE, v2;
	_ =	sdelay $0x1  }
0x275: {  	v6 =	vmul.f32 v6, v4;
	_ =	sdelay $0x1  }
0x276: {  	[tilespmem:v7+s18+$0x0] =	vst.idx.msk $0xffff, v6  }
0x277: {  	v6 =	vld.idx.msk [tilespmem:v8+s18+$0x0], $0xffff;
	_ =	sdelay $0x2  }
0x278: {  	v7 =	vor.u32 $0xF, v2;
	_ =	sdelay $0x1  }
0x279: {  	v6 =	vmul.f32 v6, v4;
	_ =	sdelay $0x1  }
0x27a: {  	[tilespmem:v8+s18+$0x0] =	vst.idx.msk $0xffff, v6  }
0x27b: {  	v6 =	vld.idx.msk [tilespmem:v7+s18+$0x0], $0xffff;
	_ =	sdelay $0x2  }
0x27c: {  	v8 =	vor.u32 $0x10, v2;
	_ =	sdelay $0x1  }
0x27d: {  	v4 =	vmul.f32 v6, v4;
	_ =	sdelay $0x1  }
0x27e: {  	[tilespmem:v7+s18+$0x0] =	vst.idx.msk $0xffff, v4  }
0x27f: {  	v4 =	vld.idx.msk [tilespmem:v8+s18+$0x0], $0xffff;
	_ =	sdelay $0x2  }
0x280: {  	v3 =	vmul.f32 v5, v3;
	v5 =	vor.u32 $0x11, v2;
	_ =	sdelay $0x1  }
0x281: {  	v4 =	vmul.f32 v4, v3;
	_ =	sdelay $0x1  }
0x282: {  	[tilespmem:v8+s18+$0x0] =	vst.idx.msk $0xffff, v4  }
0x283: {  	v4 =	vld.idx.msk [tilespmem:v5+s18+$0x0], $0xffff;
	_ =	sdelay $0x2  }
0x284: {  	v6 =	vor.u32 $0x12, v2;
	_ =	sdelay $0x1  }
0x285: {  	v4 =	vmul.f32 v4, v3;
	_ =	sdelay $0x1  }
0x286: {  	[tilespmem:v5+s18+$0x0] =	vst.idx.msk $0xffff, v4  }
0x287: {  	v4 =	vld.idx.msk [tilespmem:v6+s18+$0x0], $0xffff;
	_ =	sdelay $0x2  }
0x288: {  	v5 =	vor.u32 $0x13, v2;
	_ =	sdelay $0x1  }
0x289: {  	v4 =	vmul.f32 v4, v3;
	_ =	sdelay $0x1  }
0x28a: {  	[tilespmem:v6+s18+$0x0] =	vst.idx.msk $0xffff, v4  }
0x28b: {  	v4 =	vld.idx.msk [tilespmem:v5+s18+$0x0], $0xffff;
	_ =	sdelay $0x2  }
0x28c: {  	v6 =	vor.u32 $0x14, v2;
	_ =	sdelay $0x1  }
0x28d: {  	v4 =	vmul.f32 v4, v3;
	_ =	sdelay $0x1  }
0x28e: {  	[tilespmem:v5+s18+$0x0] =	vst.idx.msk $0xffff, v4  }
0x28f: {  	v4 =	vld.idx.msk [tilespmem:v6+s18+$0x0], $0xffff;
	_ =	sdelay $0x2  }
0x290: {  	v5 =	vor.u32 $0x15, v2;
	_ =	sdelay $0x1  }
0x291: {  	v4 =	vmul.f32 v4, v3;
	_ =	sdelay $0x1  }
0x292: {  	[tilespmem:v6+s18+$0x0] =	vst.idx.msk $0xffff, v4  }
0x293: {  	v4 =	vld.idx.msk [tilespmem:v5+s18+$0x0], $0xffff;
	_ =	sdelay $0x2  }
0x294: {  	v6 =	vor.u32 $0x16, v2;
	_ =	sdelay $0x1  }
0x295: {  	v4 =	vmul.f32 v4, v3;
	_ =	sdelay $0x1  }
0x296: {  	[tilespmem:v5+s18+$0x0] =	vst.idx.msk $0xffff, v4  }
0x297: {  	v4 =	vld.idx.msk [tilespmem:v6+s18+$0x0], $0xffff;
	_ =	sdelay $0x2  }
0x298: {  	v5 =	vor.u32 $0x17, v2;
	_ =	sdelay $0x1  }
0x299: {  	v4 =	vmul.f32 v4, v3;
	_ =	sdelay $0x1  }
0x29a: {  	[tilespmem:v6+s18+$0x0] =	vst.idx.msk $0xffff, v4  }
0x29b: {  	v4 =	vld.idx.msk [tilespmem:v5+s18+$0x0], $0xffff;
	_ =	sdelay $0x2  }
0x29c: {  	v6 =	vor.u32 $0x18, v2;
	_ =	sdelay $0x1  }
0x29d: {  	v4 =	vmul.f32 v4, v3;
	_ =	sdelay $0x1  }
0x29e: {  	[tilespmem:v5+s18+$0x0] =	vst.idx.msk $0xffff, v4  }
0x29f: {  	v4 =	vld.idx.msk [tilespmem:v6+s18+$0x0], $0xffff;
	_ =	sdelay $0x2  }
0x2a0: {  	v5 =	vor.u32 $0x19, v2;
	_ =	sdelay $0x1  }
0x2a1: {  	v4 =	vmul.f32 v4, v3;
	_ =	sdelay $0x1  }
0x2a2: {  	[tilespmem:v6+s18+$0x0] =	vst.idx.msk $0xffff, v4  }
0x2a3: {  	v4 =	vld.idx.msk [tilespmem:v5+s18+$0x0], $0xffff;
	_ =	sdelay $0x2  }
0x2a4: {  	v6 =	vor.u32 $0x1A, v2;
	_ =	sdelay $0x1  }
0x2a5: {  	v4 =	vmul.f32 v4, v3;
	_ =	sdelay $0x1  }
0x2a6: {  	[tilespmem:v5+s18+$0x0] =	vst.idx.msk $0xffff, v4  }
0x2a7: {  	v4 =	vld.idx.msk [tilespmem:v6+s18+$0x0], $0xffff;
	_ =	sdelay $0x2  }
0x2a8: {  	v5 =	vor.u32 $0x1B, v2;
	_ =	sdelay $0x1  }
0x2a9: {  	v4 =	vmul.f32 v4, v3;
	_ =	sdelay $0x1  }
0x2aa: {  	[tilespmem:v6+s18+$0x0] =	vst.idx.msk $0xffff, v4  }
0x2ab: {  	v4 =	vld.idx.msk [tilespmem:v5+s18+$0x0], $0xffff;
	_ =	sdelay $0x2  }
0x2ac: {  	v6 =	vor.u32 $0x1C, v2;
	_ =	sdelay $0x1  }
0x2ad: {  	v4 =	vmul.f32 v4, v3;
	_ =	sdelay $0x1  }
0x2ae: {  	[tilespmem:v5+s18+$0x0] =	vst.idx.msk $0xffff, v4  }
0x2af: {  	v4 =	vld.idx.msk [tilespmem:v6+s18+$0x0], $0xffff;
	_ =	sdelay $0x2  }
0x2b0: {  	v5 =	vor.u32 $0x1D, v2;
	_ =	sdelay $0x1  }
0x2b1: {  	v4 =	vmul.f32 v4, v3;
	_ =	sdelay $0x1  }
0x2b2: {  	[tilespmem:v6+s18+$0x0] =	vst.idx.msk $0xffff, v4  }
0x2b3: {  	v4 =	vld.idx.msk [tilespmem:v5+s18+$0x0], $0xffff;
	_ =	sdelay $0x2  }
0x2b4: {  	v6 =	vor.u32 $0x1E, v2;
	_ =	sdelay $0x1  }
0x2b5: {  	v4 =	vmul.f32 v4, v3;
	_ =	sdelay $0x1  }
0x2b6: {  	[tilespmem:v5+s18+$0x0] =	vst.idx.msk $0xffff, v4  }
0x2b7: {  	v5 =	vld.idx.msk [tilespmem:v6+s18+$0x0], $0xffff;
	_ =	sdelay $0x2  }
0x2b8: {  	v4 =	vor.u32 $0x1F, v2;
	_ =	sdelay $0x1  }
0x2b9: {  	v2 =	vmul.f32 v5, v3;
	_ =	sdelay $0x1  }
0x2ba: {  	[tilespmem:v6+s18+$0x0] =	vst.idx.msk $0xffff, v2  }
0x2bb: {  	s31 =	simm.s32 $0x10;
	v7 =	vld.idx.msk [tilespmem:v4+s18+$0x0], $0xffff  }
0x2bc: {  	v2 =	vor.u32 s31, v0  }
0x2bd: {  	v6 =	vshll.u32 v2, $0x3  }
0x2be: {  	v5 =	vor.u32 $0x2, v6;
	_ =	sdelay $0x1  }
0x2bf: {  	s23 =	simm.s32 $0x20;
	v2 =	vshll.u32 v2, $0x5;
	v6 =	vor.u32 $0x3, v6;
	v3 =	vmul.f32 v7, v3  }
.LBB2_30:
0x2c0: {  	p1 =	sne.s32 s23, $0x90;
	s31 =	smov.u32 s23;
	s23 =	sadd.s32 $0x10, s23  }
0x2c1: {  	[tilespmem:v4+s18+$0x0] =	vst.idx.msk $0xffff, v3  }
0x2c2: {  	v3 =	vld.idx.msk [tilespmem:v5+s16+$0x0], $0xffff  }
0x2c3: {  	v4 =	vld.idx.msk [tilespmem:v5+s17+$0x0], $0xffff  }
0x2c4: {  	v7 =	vld.idx.msk [tilespmem:v2+s18+$0x0], $0xffff;
	_ =	sdelay $0x3  }
0x2c5: {  	v8 =	vor.u32 $0x1, v2  }
0x2c6: {  	v5 =	vmul.f32 v4, v3  }
0x2c7: {  	v3 =	vld.idx.msk [tilespmem:v6+s17+$0x0], $0xffff  }
0x2c8: {  	v4 =	vld.idx.msk [tilespmem:v6+s16+$0x0], $0xffff;
	v6 =	vmul.f32 v7, v5;
	_ =	sdelay $0x1  }
0x2c9: {  	[tilespmem:v2+s18+$0x0] =	vst.idx.msk $0xffff, v6  }
0x2ca: {  	v6 =	vld.idx.msk [tilespmem:v8+s18+$0x0], $0xffff;
	_ =	sdelay $0x2  }
0x2cb: {  	v7 =	vor.u32 $0x2, v2;
	_ =	sdelay $0x2  }
0x2cc: {  	v6 =	vmul.f32 v6, v5;
	_ =	sdelay $0x1  }
0x2cd: {  	[tilespmem:v8+s18+$0x0] =	vst.idx.msk $0xffff, v6  }
0x2ce: {  	v6 =	vld.idx.msk [tilespmem:v7+s18+$0x0], $0xffff;
	_ =	sdelay $0x2  }
0x2cf: {  	v8 =	vor.u32 $0x3, v2;
	_ =	sdelay $0x2  }
0x2d0: {  	v6 =	vmul.f32 v6, v5;
	_ =	sdelay $0x1  }
0x2d1: {  	[tilespmem:v7+s18+$0x0] =	vst.idx.msk $0xffff, v6  }
0x2d2: {  	v6 =	vld.idx.msk [tilespmem:v8+s18+$0x0], $0xffff;
	_ =	sdelay $0x2  }
0x2d3: {  	v7 =	vor.u32 $0x4, v2;
	_ =	sdelay $0x2  }
0x2d4: {  	v6 =	vmul.f32 v6, v5;
	_ =	sdelay $0x1  }
0x2d5: {  	[tilespmem:v8+s18+$0x0] =	vst.idx.msk $0xffff, v6  }
0x2d6: {  	v6 =	vld.idx.msk [tilespmem:v7+s18+$0x0], $0xffff;
	_ =	sdelay $0x2  }
0x2d7: {  	v8 =	vor.u32 $0x5, v2;
	_ =	sdelay $0x2  }
0x2d8: {  	v6 =	vmul.f32 v6, v5;
	_ =	sdelay $0x1  }
0x2d9: {  	[tilespmem:v7+s18+$0x0] =	vst.idx.msk $0xffff, v6  }
0x2da: {  	v6 =	vld.idx.msk [tilespmem:v8+s18+$0x0], $0xffff;
	_ =	sdelay $0x2  }
0x2db: {  	v7 =	vor.u32 $0x6, v2;
	_ =	sdelay $0x2  }
0x2dc: {  	v6 =	vmul.f32 v6, v5;
	_ =	sdelay $0x1  }
0x2dd: {  	[tilespmem:v8+s18+$0x0] =	vst.idx.msk $0xffff, v6  }
0x2de: {  	v6 =	vld.idx.msk [tilespmem:v7+s18+$0x0], $0xffff;
	_ =	sdelay $0x2  }
0x2df: {  	v8 =	vor.u32 $0x7, v2;
	_ =	sdelay $0x2  }
0x2e0: {  	v6 =	vmul.f32 v6, v5;
	_ =	sdelay $0x1  }
0x2e1: {  	[tilespmem:v7+s18+$0x0] =	vst.idx.msk $0xffff, v6  }
0x2e2: {  	v6 =	vld.idx.msk [tilespmem:v8+s18+$0x0], $0xffff;
	_ =	sdelay $0x2  }
0x2e3: {  	v7 =	vor.u32 $0x8, v2;
	_ =	sdelay $0x2  }
0x2e4: {  	v6 =	vmul.f32 v6, v5;
	_ =	sdelay $0x1  }
0x2e5: {  	[tilespmem:v8+s18+$0x0] =	vst.idx.msk $0xffff, v6  }
0x2e6: {  	v6 =	vld.idx.msk [tilespmem:v7+s18+$0x0], $0xffff;
	_ =	sdelay $0x2  }
0x2e7: {  	v8 =	vor.u32 $0x9, v2;
	_ =	sdelay $0x2  }
0x2e8: {  	v6 =	vmul.f32 v6, v5;
	_ =	sdelay $0x1  }
0x2e9: {  	[tilespmem:v7+s18+$0x0] =	vst.idx.msk $0xffff, v6  }
0x2ea: {  	v6 =	vld.idx.msk [tilespmem:v8+s18+$0x0], $0xffff;
	_ =	sdelay $0x2  }
0x2eb: {  	v7 =	vor.u32 $0xA, v2;
	_ =	sdelay $0x2  }
0x2ec: {  	v6 =	vmul.f32 v6, v5;
	_ =	sdelay $0x1  }
0x2ed: {  	[tilespmem:v8+s18+$0x0] =	vst.idx.msk $0xffff, v6  }
0x2ee: {  	v6 =	vld.idx.msk [tilespmem:v7+s18+$0x0], $0xffff;
	_ =	sdelay $0x2  }
0x2ef: {  	v8 =	vor.u32 $0xB, v2;
	_ =	sdelay $0x2  }
0x2f0: {  	v6 =	vmul.f32 v6, v5;
	_ =	sdelay $0x1  }
0x2f1: {  	[tilespmem:v7+s18+$0x0] =	vst.idx.msk $0xffff, v6  }
0x2f2: {  	v6 =	vld.idx.msk [tilespmem:v8+s18+$0x0], $0xffff;
	_ =	sdelay $0x2  }
0x2f3: {  	v7 =	vor.u32 $0xC, v2;
	_ =	sdelay $0x2  }
0x2f4: {  	v6 =	vmul.f32 v6, v5;
	_ =	sdelay $0x1  }
0x2f5: {  	[tilespmem:v8+s18+$0x0] =	vst.idx.msk $0xffff, v6  }
0x2f6: {  	v6 =	vld.idx.msk [tilespmem:v7+s18+$0x0], $0xffff;
	_ =	sdelay $0x2  }
0x2f7: {  	v8 =	vor.u32 $0xD, v2;
	_ =	sdelay $0x2  }
0x2f8: {  	v6 =	vmul.f32 v6, v5;
	_ =	sdelay $0x1  }
0x2f9: {  	[tilespmem:v7+s18+$0x0] =	vst.idx.msk $0xffff, v6  }
0x2fa: {  	v6 =	vld.idx.msk [tilespmem:v8+s18+$0x0], $0xffff;
	_ =	sdelay $0x2  }
0x2fb: {  	v7 =	vor.u32 $0xE, v2;
	_ =	sdelay $0x2  }
0x2fc: {  	v6 =	vmul.f32 v6, v5;
	_ =	sdelay $0x1  }
0x2fd: {  	[tilespmem:v8+s18+$0x0] =	vst.idx.msk $0xffff, v6  }
0x2fe: {  	v6 =	vld.idx.msk [tilespmem:v7+s18+$0x0], $0xffff;
	_ =	sdelay $0x2  }
0x2ff: {  	v8 =	vor.u32 $0xF, v2;
	_ =	sdelay $0x2  }
0x300: {  	v6 =	vmul.f32 v6, v5;
	_ =	sdelay $0x1  }
0x301: {  	[tilespmem:v7+s18+$0x0] =	vst.idx.msk $0xffff, v6  }
0x302: {  	v6 =	vld.idx.msk [tilespmem:v8+s18+$0x0], $0xffff;
	_ =	sdelay $0x2  }
0x303: {  	v7 =	vor.u32 $0x10, v2;
	_ =	sdelay $0x2  }
0x304: {  	v5 =	vmul.f32 v6, v5;
	_ =	sdelay $0x1  }
0x305: {  	[tilespmem:v8+s18+$0x0] =	vst.idx.msk $0xffff, v5  }
0x306: {  	v5 =	vld.idx.msk [tilespmem:v7+s18+$0x0], $0xffff;
	_ =	sdelay $0x2  }
0x307: {  	v3 =	vmul.f32 v3, v4;
	v4 =	vor.u32 $0x11, v2;
	_ =	sdelay $0x2  }
0x308: {  	v5 =	vmul.f32 v5, v3;
	_ =	sdelay $0x1  }
0x309: {  	[tilespmem:v7+s18+$0x0] =	vst.idx.msk $0xffff, v5  }
0x30a: {  	v5 =	vld.idx.msk [tilespmem:v4+s18+$0x0], $0xffff;
	_ =	sdelay $0x2  }
0x30b: {  	v6 =	vor.u32 $0x12, v2;
	_ =	sdelay $0x2  }
0x30c: {  	v5 =	vmul.f32 v5, v3;
	_ =	sdelay $0x1  }
0x30d: {  	[tilespmem:v4+s18+$0x0] =	vst.idx.msk $0xffff, v5  }
0x30e: {  	v4 =	vld.idx.msk [tilespmem:v6+s18+$0x0], $0xffff;
	_ =	sdelay $0x2  }
0x30f: {  	v5 =	vor.u32 $0x13, v2;
	_ =	sdelay $0x2  }
0x310: {  	v4 =	vmul.f32 v4, v3;
	_ =	sdelay $0x1  }
0x311: {  	[tilespmem:v6+s18+$0x0] =	vst.idx.msk $0xffff, v4  }
0x312: {  	v4 =	vld.idx.msk [tilespmem:v5+s18+$0x0], $0xffff;
	_ =	sdelay $0x2  }
0x313: {  	v6 =	vor.u32 $0x14, v2;
	_ =	sdelay $0x2  }
0x314: {  	v4 =	vmul.f32 v4, v3;
	_ =	sdelay $0x1  }
0x315: {  	[tilespmem:v5+s18+$0x0] =	vst.idx.msk $0xffff, v4  }
0x316: {  	v4 =	vld.idx.msk [tilespmem:v6+s18+$0x0], $0xffff;
	_ =	sdelay $0x2  }
0x317: {  	v5 =	vor.u32 $0x15, v2;
	_ =	sdelay $0x2  }
0x318: {  	v4 =	vmul.f32 v4, v3;
	_ =	sdelay $0x1  }
0x319: {  	[tilespmem:v6+s18+$0x0] =	vst.idx.msk $0xffff, v4  }
0x31a: {  	v4 =	vld.idx.msk [tilespmem:v5+s18+$0x0], $0xffff;
	_ =	sdelay $0x2  }
0x31b: {  	v6 =	vor.u32 $0x16, v2;
	_ =	sdelay $0x2  }
0x31c: {  	v4 =	vmul.f32 v4, v3;
	_ =	sdelay $0x1  }
0x31d: {  	[tilespmem:v5+s18+$0x0] =	vst.idx.msk $0xffff, v4  }
0x31e: {  	v4 =	vld.idx.msk [tilespmem:v6+s18+$0x0], $0xffff;
	_ =	sdelay $0x2  }
0x31f: {  	v5 =	vor.u32 $0x17, v2;
	_ =	sdelay $0x2  }
0x320: {  	v4 =	vmul.f32 v4, v3;
	_ =	sdelay $0x1  }
0x321: {  	[tilespmem:v6+s18+$0x0] =	vst.idx.msk $0xffff, v4  }
0x322: {  	v4 =	vld.idx.msk [tilespmem:v5+s18+$0x0], $0xffff;
	_ =	sdelay $0x2  }
0x323: {  	v6 =	vor.u32 $0x18, v2;
	_ =	sdelay $0x2  }
0x324: {  	v4 =	vmul.f32 v4, v3;
	_ =	sdelay $0x1  }
0x325: {  	[tilespmem:v5+s18+$0x0] =	vst.idx.msk $0xffff, v4  }
0x326: {  	v4 =	vld.idx.msk [tilespmem:v6+s18+$0x0], $0xffff;
	_ =	sdelay $0x2  }
0x327: {  	v5 =	vor.u32 $0x19, v2;
	_ =	sdelay $0x2  }
0x328: {  	v4 =	vmul.f32 v4, v3;
	_ =	sdelay $0x1  }
0x329: {  	[tilespmem:v6+s18+$0x0] =	vst.idx.msk $0xffff, v4  }
0x32a: {  	v4 =	vld.idx.msk [tilespmem:v5+s18+$0x0], $0xffff;
	_ =	sdelay $0x2  }
0x32b: {  	v6 =	vor.u32 $0x1A, v2;
	_ =	sdelay $0x2  }
0x32c: {  	v4 =	vmul.f32 v4, v3;
	_ =	sdelay $0x1  }
0x32d: {  	[tilespmem:v5+s18+$0x0] =	vst.idx.msk $0xffff, v4  }
0x32e: {  	v4 =	vld.idx.msk [tilespmem:v6+s18+$0x0], $0xffff;
	_ =	sdelay $0x2  }
0x32f: {  	v5 =	vor.u32 $0x1B, v2;
	_ =	sdelay $0x2  }
0x330: {  	v4 =	vmul.f32 v4, v3;
	_ =	sdelay $0x1  }
0x331: {  	[tilespmem:v6+s18+$0x0] =	vst.idx.msk $0xffff, v4  }
0x332: {  	v4 =	vld.idx.msk [tilespmem:v5+s18+$0x0], $0xffff;
	_ =	sdelay $0x2  }
0x333: {  	v6 =	vor.u32 $0x1C, v2;
	_ =	sdelay $0x2  }
0x334: {  	v4 =	vmul.f32 v4, v3;
	_ =	sdelay $0x1  }
0x335: {  	[tilespmem:v5+s18+$0x0] =	vst.idx.msk $0xffff, v4  }
0x336: {  	v4 =	vld.idx.msk [tilespmem:v6+s18+$0x0], $0xffff;
	_ =	sdelay $0x2  }
0x337: {  	v5 =	vor.u32 $0x1D, v2;
	_ =	sdelay $0x2  }
0x338: {  	v4 =	vmul.f32 v4, v3;
	_ =	sdelay $0x1  }
0x339: {  	[tilespmem:v6+s18+$0x0] =	vst.idx.msk $0xffff, v4  }
0x33a: {  	v4 =	vld.idx.msk [tilespmem:v5+s18+$0x0], $0xffff;
	_ =	sdelay $0x2  }
0x33b: {  	v6 =	vor.u32 $0x1E, v2;
	_ =	sdelay $0x2  }
0x33c: {  	v4 =	vmul.f32 v4, v3;
	_ =	sdelay $0x1  }
0x33d: {  	[tilespmem:v5+s18+$0x0] =	vst.idx.msk $0xffff, v4  }
0x33e: {  	v5 =	vld.idx.msk [tilespmem:v6+s18+$0x0], $0xffff;
	_ =	sdelay $0x2  }
0x33f: {  	v4 =	vor.u32 $0x1F, v2;
	_ =	sdelay $0x2  }
0x340: {  	v2 =	vmul.f32 v5, v3;
	_ =	sdelay $0x1  }
0x341: {  	[tilespmem:v6+s18+$0x0] =	vst.idx.msk $0xffff, v2  }
0x342: {  	v7 =	vld.idx.msk [tilespmem:v4+s18+$0x0], $0xffff;
	_ =	sdelay $0x1  }
.Ltmp10:
0x343: {  	v2 =	vor.u32 s31, v0;
	(pc) =	sbr.rel @p1 .LBB2_30-.Ltmp10, $3  }
0x344: {  	v6 =	vshll.u32 v2, $0x3  }
0x345: {  	v5 =	vor.u32 $0x2, v6;
	v6 =	vor.u32 $0x3, v6;
	_ =	sdelay $0x1  }
0x346: {  	v2 =	vshll.u32 v2, $0x5;
	v3 =	vmul.f32 v7, v3  }
0x347: {  	_ =	sdelay $0x3  }
0x348: {  	[tilespmem:v4+s18+$0x0] =	vst.idx.msk $0xffff, v3  }
0x349: {  	v3 =	vld.idx.msk [tilespmem:v5+s16+$0x0], $0xffff  }
0x34a: {  	v4 =	vld.idx.msk [tilespmem:v5+s17+$0x0], $0xffff;
	_ =	sdelay $0x1  }
0x34b: {  	v33 =	vld.idx.msk [tilespmem:v2+s18+$0x0], $0xffff;
	_ =	sdelay $0x2  }
0x34c: {  	v7 =	vor.u32 $0x1, v2;
	v3 =	vmul.f32 v4, v3;
	_ =	sdelay $0x1  }
0x34d: {  	v5 =	vmul.f32 v33, v3  }
0x34e: {  	v34 =	vld.idx.msk [tilespmem:v6+s17+$0x0], $0xffff  }
0x34f: {  	v35 =	vld.idx.msk [tilespmem:v6+s16+$0x0], $0xffff;
	[tilespmem:v2+s18+$0x0] =	vst.idx.msk $0xffff, v5  }
0x350: {  	v5 =	vld.idx.msk [tilespmem:v7+s18+$0x0], $0xffff;
	_ =	sdelay $0x2  }
0x351: {  	v8 =	vor.u32 $0x2, v2;
	_ =	sdelay $0x1  }
0x352: {  	v5 =	vmul.f32 v5, v3;
	_ =	sdelay $0x1  }
0x353: {  	[tilespmem:v7+s18+$0x0] =	vst.idx.msk $0xffff, v5  }
0x354: {  	v5 =	vld.idx.msk [tilespmem:v8+s18+$0x0], $0xffff;
	_ =	sdelay $0x2  }
0x355: {  	v36 =	vor.u32 $0x3, v2;
	_ =	sdelay $0x1  }
0x356: {  	v5 =	vmul.f32 v5, v3;
	_ =	sdelay $0x1  }
0x357: {  	[tilespmem:v8+s18+$0x0] =	vst.idx.msk $0xffff, v5  }
0x358: {  	v5 =	vld.idx.msk [tilespmem:v36+s18+$0x0], $0xffff;
	_ =	sdelay $0x2  }
0x359: {  	v37 =	vor.u32 $0x4, v2;
	_ =	sdelay $0x1  }
0x35a: {  	v5 =	vmul.f32 v5, v3;
	_ =	sdelay $0x1  }
0x35b: {  	[tilespmem:v36+s18+$0x0] =	vst.idx.msk $0xffff, v5  }
0x35c: {  	v5 =	vld.idx.msk [tilespmem:v37+s18+$0x0], $0xffff;
	_ =	sdelay $0x2  }
0x35d: {  	v38 =	vor.u32 $0x5, v2;
	_ =	sdelay $0x1  }
0x35e: {  	v5 =	vmul.f32 v5, v3;
	_ =	sdelay $0x1  }
0x35f: {  	[tilespmem:v37+s18+$0x0] =	vst.idx.msk $0xffff, v5  }
0x360: {  	v5 =	vld.idx.msk [tilespmem:v38+s18+$0x0], $0xffff;
	_ =	sdelay $0x2  }
0x361: {  	v39 =	vor.u32 $0x6, v2;
	_ =	sdelay $0x1  }
0x362: {  	v5 =	vmul.f32 v5, v3;
	_ =	sdelay $0x1  }
0x363: {  	[tilespmem:v38+s18+$0x0] =	vst.idx.msk $0xffff, v5  }
0x364: {  	v5 =	vld.idx.msk [tilespmem:v39+s18+$0x0], $0xffff;
	_ =	sdelay $0x2  }
0x365: {  	v40 =	vor.u32 $0x7, v2;
	_ =	sdelay $0x1  }
0x366: {  	v5 =	vmul.f32 v5, v3;
	_ =	sdelay $0x1  }
0x367: {  	[tilespmem:v39+s18+$0x0] =	vst.idx.msk $0xffff, v5  }
0x368: {  	v5 =	vld.idx.msk [tilespmem:v40+s18+$0x0], $0xffff;
	_ =	sdelay $0x2  }
0x369: {  	v41 =	vor.u32 $0x8, v2;
	_ =	sdelay $0x1  }
0x36a: {  	v5 =	vmul.f32 v5, v3;
	_ =	sdelay $0x1  }
0x36b: {  	[tilespmem:v40+s18+$0x0] =	vst.idx.msk $0xffff, v5  }
0x36c: {  	v5 =	vld.idx.msk [tilespmem:v41+s18+$0x0], $0xffff;
	_ =	sdelay $0x2  }
0x36d: {  	v42 =	vor.u32 $0x9, v2;
	_ =	sdelay $0x1  }
0x36e: {  	v5 =	vmul.f32 v5, v3;
	_ =	sdelay $0x1  }
0x36f: {  	[tilespmem:v41+s18+$0x0] =	vst.idx.msk $0xffff, v5  }
0x370: {  	v5 =	vld.idx.msk [tilespmem:v42+s18+$0x0], $0xffff;
	_ =	sdelay $0x2  }
0x371: {  	v43 =	vor.u32 $0xA, v2;
	_ =	sdelay $0x1  }
0x372: {  	v5 =	vmul.f32 v5, v3;
	_ =	sdelay $0x1  }
0x373: {  	[tilespmem:v42+s18+$0x0] =	vst.idx.msk $0xffff, v5  }
0x374: {  	v5 =	vld.idx.msk [tilespmem:v43+s18+$0x0], $0xffff;
	_ =	sdelay $0x2  }
0x375: {  	v44 =	vor.u32 $0xB, v2;
	_ =	sdelay $0x1  }
0x376: {  	v5 =	vmul.f32 v5, v3;
	_ =	sdelay $0x1  }
0x377: {  	[tilespmem:v43+s18+$0x0] =	vst.idx.msk $0xffff, v5  }
0x378: {  	v5 =	vld.idx.msk [tilespmem:v44+s18+$0x0], $0xffff;
	_ =	sdelay $0x2  }
0x379: {  	v45 =	vor.u32 $0xC, v2;
	_ =	sdelay $0x1  }
0x37a: {  	v5 =	vmul.f32 v5, v3;
	_ =	sdelay $0x1  }
0x37b: {  	[tilespmem:v44+s18+$0x0] =	vst.idx.msk $0xffff, v5  }
0x37c: {  	v5 =	vld.idx.msk [tilespmem:v45+s18+$0x0], $0xffff;
	_ =	sdelay $0x2  }
0x37d: {  	v46 =	vor.u32 $0xD, v2;
	_ =	sdelay $0x1  }
0x37e: {  	v5 =	vmul.f32 v5, v3;
	_ =	sdelay $0x1  }
0x37f: {  	[tilespmem:v45+s18+$0x0] =	vst.idx.msk $0xffff, v5  }
0x380: {  	v5 =	vld.idx.msk [tilespmem:v46+s18+$0x0], $0xffff;
	_ =	sdelay $0x2  }
0x381: {  	v47 =	vor.u32 $0xE, v2;
	_ =	sdelay $0x1  }
0x382: {  	v5 =	vmul.f32 v5, v3;
	_ =	sdelay $0x1  }
0x383: {  	[tilespmem:v46+s18+$0x0] =	vst.idx.msk $0xffff, v5  }
0x384: {  	v5 =	vld.idx.msk [tilespmem:v47+s18+$0x0], $0xffff;
	_ =	sdelay $0x2  }
0x385: {  	v48 =	vor.u32 $0xF, v2;
	_ =	sdelay $0x1  }
0x386: {  	v5 =	vmul.f32 v5, v3;
	_ =	sdelay $0x1  }
0x387: {  	[tilespmem:v47+s18+$0x0] =	vst.idx.msk $0xffff, v5  }
0x388: {  	v5 =	vld.idx.msk [tilespmem:v48+s18+$0x0], $0xffff;
	_ =	sdelay $0x2  }
0x389: {  	v49 =	vor.u32 $0x10, v2;
	_ =	sdelay $0x1  }
0x38a: {  	v3 =	vmul.f32 v5, v3;
	_ =	sdelay $0x1  }
0x38b: {  	[tilespmem:v48+s18+$0x0] =	vst.idx.msk $0xffff, v3  }
0x38c: {  	v3 =	vld.idx.msk [tilespmem:v49+s18+$0x0], $0xffff;
	_ =	sdelay $0x2  }
0x38d: {  	v50 =	vor.u32 $0x11, v2;
	v4 =	vmul.f32 v34, v35;
	_ =	sdelay $0x1  }
0x38e: {  	v3 =	vmul.f32 v3, v4;
	_ =	sdelay $0x1  }
0x38f: {  	[tilespmem:v49+s18+$0x0] =	vst.idx.msk $0xffff, v3  }
0x390: {  	v3 =	vld.idx.msk [tilespmem:v50+s18+$0x0], $0xffff;
	_ =	sdelay $0x2  }
0x391: {  	v51 =	vor.u32 $0x12, v2;
	_ =	sdelay $0x1  }
0x392: {  	v3 =	vmul.f32 v3, v4;
	_ =	sdelay $0x1  }
0x393: {  	[tilespmem:v50+s18+$0x0] =	vst.idx.msk $0xffff, v3  }
0x394: {  	v3 =	vld.idx.msk [tilespmem:v51+s18+$0x0], $0xffff;
	_ =	sdelay $0x2  }
0x395: {  	v52 =	vor.u32 $0x13, v2;
	_ =	sdelay $0x1  }
0x396: {  	v3 =	vmul.f32 v3, v4;
	_ =	sdelay $0x1  }
0x397: {  	[tilespmem:v51+s18+$0x0] =	vst.idx.msk $0xffff, v3  }
0x398: {  	v3 =	vld.idx.msk [tilespmem:v52+s18+$0x0], $0xffff;
	_ =	sdelay $0x2  }
0x399: {  	v53 =	vor.u32 $0x14, v2;
	_ =	sdelay $0x1  }
0x39a: {  	v3 =	vmul.f32 v3, v4;
	_ =	sdelay $0x1  }
0x39b: {  	[tilespmem:v52+s18+$0x0] =	vst.idx.msk $0xffff, v3  }
0x39c: {  	v3 =	vld.idx.msk [tilespmem:v53+s18+$0x0], $0xffff;
	_ =	sdelay $0x2  }
0x39d: {  	v54 =	vor.u32 $0x15, v2;
	_ =	sdelay $0x1  }
0x39e: {  	v3 =	vmul.f32 v3, v4;
	_ =	sdelay $0x1  }
0x39f: {  	[tilespmem:v53+s18+$0x0] =	vst.idx.msk $0xffff, v3  }
0x3a0: {  	v3 =	vld.idx.msk [tilespmem:v54+s18+$0x0], $0xffff;
	_ =	sdelay $0x2  }
0x3a1: {  	v55 =	vor.u32 $0x16, v2;
	_ =	sdelay $0x1  }
0x3a2: {  	v3 =	vmul.f32 v3, v4;
	_ =	sdelay $0x1  }
0x3a3: {  	[tilespmem:v54+s18+$0x0] =	vst.idx.msk $0xffff, v3  }
0x3a4: {  	v3 =	vld.idx.msk [tilespmem:v55+s18+$0x0], $0xffff;
	_ =	sdelay $0x2  }
0x3a5: {  	v56 =	vor.u32 $0x17, v2;
	_ =	sdelay $0x1  }
0x3a6: {  	v3 =	vmul.f32 v3, v4;
	_ =	sdelay $0x1  }
0x3a7: {  	[tilespmem:v55+s18+$0x0] =	vst.idx.msk $0xffff, v3  }
0x3a8: {  	v3 =	vld.idx.msk [tilespmem:v56+s18+$0x0], $0xffff;
	_ =	sdelay $0x2  }
0x3a9: {  	v57 =	vor.u32 $0x18, v2;
	_ =	sdelay $0x1  }
0x3aa: {  	v3 =	vmul.f32 v3, v4;
	_ =	sdelay $0x1  }
0x3ab: {  	[tilespmem:v56+s18+$0x0] =	vst.idx.msk $0xffff, v3  }
0x3ac: {  	v3 =	vld.idx.msk [tilespmem:v57+s18+$0x0], $0xffff;
	_ =	sdelay $0x2  }
0x3ad: {  	v58 =	vor.u32 $0x19, v2;
	_ =	sdelay $0x1  }
0x3ae: {  	v3 =	vmul.f32 v3, v4;
	_ =	sdelay $0x1  }
0x3af: {  	[tilespmem:v57+s18+$0x0] =	vst.idx.msk $0xffff, v3  }
0x3b0: {  	v3 =	vld.idx.msk [tilespmem:v58+s18+$0x0], $0xffff;
	_ =	sdelay $0x2  }
0x3b1: {  	v59 =	vor.u32 $0x1A, v2;
	_ =	sdelay $0x1  }
0x3b2: {  	v3 =	vmul.f32 v3, v4;
	_ =	sdelay $0x1  }
0x3b3: {  	[tilespmem:v58+s18+$0x0] =	vst.idx.msk $0xffff, v3  }
0x3b4: {  	v3 =	vld.idx.msk [tilespmem:v59+s18+$0x0], $0xffff;
	_ =	sdelay $0x2  }
0x3b5: {  	v60 =	vor.u32 $0x1B, v2;
	_ =	sdelay $0x1  }
0x3b6: {  	v3 =	vmul.f32 v3, v4;
	_ =	sdelay $0x1  }
0x3b7: {  	[tilespmem:v59+s18+$0x0] =	vst.idx.msk $0xffff, v3  }
0x3b8: {  	v3 =	vld.idx.msk [tilespmem:v60+s18+$0x0], $0xffff;
	_ =	sdelay $0x2  }
0x3b9: {  	v61 =	vor.u32 $0x1C, v2;
	_ =	sdelay $0x1  }
0x3ba: {  	v3 =	vmul.f32 v3, v4;
	_ =	sdelay $0x1  }
0x3bb: {  	[tilespmem:v60+s18+$0x0] =	vst.idx.msk $0xffff, v3  }
0x3bc: {  	v3 =	vld.idx.msk [tilespmem:v61+s18+$0x0], $0xffff;
	_ =	sdelay $0x2  }
0x3bd: {  	v62 =	vor.u32 $0x1D, v2;
	_ =	sdelay $0x1  }
0x3be: {  	v3 =	vmul.f32 v3, v4;
	_ =	sdelay $0x1  }
0x3bf: {  	[tilespmem:v61+s18+$0x0] =	vst.idx.msk $0xffff, v3  }
0x3c0: {  	v3 =	vld.idx.msk [tilespmem:v62+s18+$0x0], $0xffff;
	_ =	sdelay $0x2  }
0x3c1: {  	v63 =	vor.u32 $0x1E, v2;
	_ =	sdelay $0x1  }
0x3c2: {  	v3 =	vmul.f32 v3, v4;
	_ =	sdelay $0x1  }
0x3c3: {  	[tilespmem:v62+s18+$0x0] =	vst.idx.msk $0xffff, v3  }
0x3c4: {  	v3 =	vld.idx.msk [tilespmem:v63+s18+$0x0], $0xffff;
	_ =	sdelay $0x2  }
0x3c5: {  	v2 =	vor.u32 $0x1F, v2;
	_ =	sdelay $0x1  }
0x3c6: {  	v3 =	vmul.f32 v3, v4;
	_ =	sdelay $0x1  }
0x3c7: {  	[tilespmem:v63+s18+$0x0] =	vst.idx.msk $0xffff, v3  }
0x3c8: {  	v3 =	vld.idx.msk [tilespmem:v2+s18+$0x0], $0xffff;
	_ =	sdelay $0x4  }
0x3c9: {  	v3 =	vmul.f32 v3, v4;
	_ =	sdelay $0x1  }
.Ltmp11:
0x3ca: {  	s0 =	simm.s32 $0x320;
	[tilespmem:v2+s18+$0x0] =	vst.idx.msk $0xffff, v3;
	(pc) =	sbr.rel .LBB2_32-.Ltmp11, $4  }
0x3cb: {  	[spmem:s2] =	stream.indirect.scatter.add.f32 [tilespmem:s18], [sflag:$0x5], $0x20, s0, s28, $0xb8;
	[tilespmem:$0x1DFA0] =	vst v63  }
0x3cc: {  	_ =	swait.ge [sflag:s29], $0x1400  }
0x3cd: {  	[sflag:s29] =	ssyncset.done $0x0  }
0x3ce: {  	[sflag:s29] =	ssyncadd.s32 $0xFFFFEC00  }
.LBB2_2:
0x3cf: {  	s24 =	simm.s32 $0x0  }
0x3d0: {  	v2 =	vld [tilespmem:$0x58C0];
	v4 =	vor.u32 s24, v0  }
0x3d1: {  	v3 =	vld [tilespmem:$0x58D0];
	s23 =	simm.s32 $0x1;
	v5 =	vor.u32 s24, v1  }
.LBB2_3:
0x3d2: {  	p1 =	sne.s32 s23, $0xC7  }
.Ltmp12:
0x3d3: {  	_ = 	snop;
	(pc) =	sbr.rel @p1 .LBB2_3-.Ltmp12, $4  }
0x3d4: {  	_ = 	snop  }
0x3d5: {  	s24 =	sshll.u32 s23, $0x5;
	[tilespmem:v4+s30+$0x0] =	vst.idx.msk $0xffff, v2  }
0x3d6: {  	s23 =	sadd.s32 $0x1, s23;
	v4 =	vor.u32 s24, v0;
	[tilespmem:v5+s30+$0x0] =	vst.idx.msk $0xffff, v3  }
0x3d7: {  	v5 =	vor.u32 s24, v1  }
0x3d8: {  	_ =	sdelay $0x2  }
0x3d9: {  	s23 =	sadd.s32 $0x0, s5  }
0x3da: {  	[tilespmem:v4+s30+$0x0] =	vst.idx.msk $0xffff, v2;
	p1 =	sgt.u32 s23, $0xF9  }
0x3db: {  	s0 =	rddreg [dreg:$0xd];
	[tilespmem:v5+s30+$0x0] =	vst.idx.msk $0xffff, v3;
	s23 =	simm.s32 @!p1 $0x3FC0;
	s31 =	simm.s32 @!p1 $0x5  }
0x3dc: {  	[spmem:s0] =	stream.linear.scatter @!p1 [tilespmem:s23], [sflag:$0x5], $0x1900, $0x38;
	[tilespmem:$0x1DFA0] =	vst v63  }
0x3dd: {  	s24 =	simm.s32 $0x10;
	_ =	swait.ge @!p1 [sflag:s31], $0x1900  }
0x3de: {  	s25 =	simm.s32 $0x20;
	s23 =	sadd.s32 $0x19000, s0;
	[sflag:s31] =	ssyncset.done @!p1 $0x0  }
.LBB2_5:
0x3df: {  	s22 =	sadd.s32 s24, s5;
	s24 =	smov.u32 s25;
	s25 =	sadd.s32 $0x10, s25  }
0x3e0: {  	[sflag:s31] =	ssyncadd.s32 @!p1 $0xFFFFE700;
	p2 =	sne.s32 s25, $0x100  }
.Ltmp13:
0x3e1: {  	p1 =	sgt.u32 s22, $0xF9;
	(pc) =	sbr.rel @p2 .LBB2_5-.Ltmp13, $4  }
0x3e2: {  	s22 =	simm.s32 @!p1 $0x3FC0;
	s31 =	simm.s32 @!p1 $0x5  }
0x3e3: {  	[spmem:s23] =	stream.linear.scatter @!p1 [tilespmem:s22], [sflag:$0x5], $0x1900, $0x38;
	[tilespmem:$0x1DFA0] =	vst v63  }
0x3e4: {  	_ =	swait.ge @!p1 [sflag:s31], $0x1900  }
0x3e5: {  	s23 =	sadd.s32 $0x19000, s23;
	[sflag:s31] =	ssyncset.done @!p1 $0x0  }
0x3e6: {  	s22 =	sadd.s32 s24, s5  }
0x3e7: {  	p2 =	sgt.u32 s22, $0xF9  }
0x3e8: {  	[sflag:s31] =	ssyncadd.s32 @!p1 $0xFFFFE700;
	s22 =	simm.s32 @!p2 $0x3FC0;
	s24 =	simm.s32 @!p2 $0x5  }
0x3e9: {  	[spmem:s23] =	stream.linear.scatter @!p2 [tilespmem:s22], [sflag:$0x5], $0x1900, $0x38;
	[tilespmem:$0x1DFA0] =	vst v63  }
0x3ea: {  	_ =	swait.ge @!p2 [sflag:s24], $0x1900  }
0x3eb: {  	[sflag:s24] =	ssyncset.done @!p2 $0x0  }
0x3ec: {  	[sflag:s24] =	ssyncadd.s32 @!p2 $0xFFFFE700  }
0x3ed: {  	[bflag:$0x0] =	sbarrier.arrive $0xFFFF  }
0x3ee: {  	s24 =	simm.s32 $0x0;
	s0 =	rddreg [dreg:$0x5]  }
0x3ef: {  	[tilespmem:s24], [sflag:$0x1] =	stream.linear.gather [hbm4b:s0+s24], $0xA0, $0x38;
	[tilespmem:$0x1DFA0] =	vst v63  }
0x3f0: {  	s3 =	simm.s32 $0x140;
	s23 =	rddreg [dreg:$0x6]  }
0x3f1: {  	[tilespmem:s3], [sflag:$0x1] =	stream.linear.gather [hbm4b:s23+s24], $0xA0, $0x38;
	[tilespmem:$0x1DFA0] =	vst v63  }
0x3f2: {  	s31 =	simm.s32 $0x280;
	s25 =	rddreg [dreg:$0x7]  }
0x3f3: {  	[tilespmem:s31], [sflag:$0x1] =	stream.linear.gather [hbm4b:s25+s24], $0xA0, $0x38;
	[tilespmem:$0x1DFA0] =	vst v63  }
0x3f4: {  	s23 =	rddreg [dreg:$0x8]  }
0x3f5: {  	[tilespmem:s28], [sflag:$0x2] =	stream.linear.gather [hbm4b:s23+s24], $0xA0, $0x38;
	[tilespmem:$0x1DFA0] =	vst v63  }
0x3f6: {  	s25 =	rddreg [dreg:$0x9];
	s31 =	simm.s32 $0x1E0  }
0x3f7: {  	[tilespmem:s31], [sflag:$0x2] =	stream.linear.gather [hbm4b:s25+s24], $0xA0, $0x38;
	[tilespmem:$0x1DFA0] =	vst v63  }
0x3f8: {  	s22 =	rddreg [dreg:$0xa];
	s23 =	simm.s32 $0x320;
	s25 =	simm.s32 $0x1  }
0x3f9: {  	[tilespmem:s23], [sflag:$0x2] =	stream.linear.gather [hbm4b:s22+s24], $0xA0, $0x38;
	[tilespmem:$0x1DFA0] =	vst v63  }
0x3fa: {  	_ =	swait.ge [sflag:s25], $0xA0  }
0x3fb: {  	[sflag:s25] =	ssyncset.done $0x0  }
0x3fc: {  	[sflag:s25] =	ssyncadd.s32 $0xFFFFFF60  }
0x3fd: {  	_ =	swait.ge [sflag:s25], $0xA0  }
0x3fe: {  	[sflag:s25] =	ssyncset.done $0x0  }
0x3ff: {  	[sflag:s25] =	ssyncadd.s32 $0xFFFFFF60  }
0x400: {  	_ =	swait.ge [sflag:s25], $0xA0  }
0x401: {  	[sflag:s25] =	ssyncset.done $0x0  }
0x402: {  	[sflag:s25] =	ssyncadd.s32 $0xFFFFFF60  }
0x403: {  	[tilespmem:s11], [sflag:$0x3] =	stream.indirect.gather [hbm4b:s1+s28], $0x20, s24, s28, $0xb8;
	[tilespmem:$0x1DFA0] =	vst v63  }
.Ltmp14:
0x404: {  	_ = 	snop;
	(pc) =	sbr.rel .LBB2_7-.Ltmp14, $4  }
0x405: {  	_ = 	snop  }
0x406: {  	[tilespmem:s12], [sflag:$0x3] =	stream.indirect.gather [hbm4b:s7+s28], $0x8, s3, s28, $0xb8;
	[tilespmem:$0x1DFA0] =	vst v63  }
0x407: {  	s31 =	rddreg [dreg:$0xb]  }
0x408: {  	[tilespmem:s13], [sflag:$0x3] =	stream.linear.gather [hbm4b:s31+s24], $0x500, $0x38;
	[tilespmem:$0x1DFA0] =	vst v63  }
.LBB2_14:
0x409: {  	_ =	sdelay $0x3  }
0x40a: {  	[tilespmem:v4+s18+$0x0] =	vst.idx.msk $0xffff, v3  }
0x40b: {  	v3 =	vld.idx.msk [tilespmem:v5+s16+$0x0], $0xffff  }
0x40c: {  	v4 =	vld.idx.msk [tilespmem:v5+s17+$0x0], $0xffff;
	_ =	sdelay $0x1  }
0x40d: {  	v33 =	vld.idx.msk [tilespmem:v2+s18+$0x0], $0xffff;
	_ =	sdelay $0x2  }
0x40e: {  	v7 =	vor.u32 $0x1, v2;
	v3 =	vmul.f32 v4, v3;
	_ =	sdelay $0x1  }
0x40f: {  	v5 =	vmul.f32 v33, v3  }
0x410: {  	v34 =	vld.idx.msk [tilespmem:v6+s17+$0x0], $0xffff  }
0x411: {  	v35 =	vld.idx.msk [tilespmem:v6+s16+$0x0], $0xffff;
	[tilespmem:v2+s18+$0x0] =	vst.idx.msk $0xffff, v5  }
0x412: {  	v5 =	vld.idx.msk [tilespmem:v7+s18+$0x0], $0xffff;
	_ =	sdelay $0x2  }
0x413: {  	v8 =	vor.u32 $0x2, v2;
	_ =	sdelay $0x1  }
0x414: {  	v5 =	vmul.f32 v5, v3;
	_ =	sdelay $0x1  }
0x415: {  	[tilespmem:v7+s18+$0x0] =	vst.idx.msk $0xffff, v5  }
0x416: {  	v5 =	vld.idx.msk [tilespmem:v8+s18+$0x0], $0xffff;
	_ =	sdelay $0x2  }
0x417: {  	v36 =	vor.u32 $0x3, v2;
	_ =	sdelay $0x1  }
0x418: {  	v5 =	vmul.f32 v5, v3;
	_ =	sdelay $0x1  }
0x419: {  	[tilespmem:v8+s18+$0x0] =	vst.idx.msk $0xffff, v5  }
0x41a: {  	v5 =	vld.idx.msk [tilespmem:v36+s18+$0x0], $0xffff;
	_ =	sdelay $0x2  }
0x41b: {  	v37 =	vor.u32 $0x4, v2;
	_ =	sdelay $0x1  }
0x41c: {  	v5 =	vmul.f32 v5, v3;
	_ =	sdelay $0x1  }
0x41d: {  	[tilespmem:v36+s18+$0x0] =	vst.idx.msk $0xffff, v5  }
0x41e: {  	v5 =	vld.idx.msk [tilespmem:v37+s18+$0x0], $0xffff;
	_ =	sdelay $0x2  }
0x41f: {  	v38 =	vor.u32 $0x5, v2;
	_ =	sdelay $0x1  }
0x420: {  	v5 =	vmul.f32 v5, v3;
	_ =	sdelay $0x1  }
0x421: {  	[tilespmem:v37+s18+$0x0] =	vst.idx.msk $0xffff, v5  }
0x422: {  	v5 =	vld.idx.msk [tilespmem:v38+s18+$0x0], $0xffff;
	_ =	sdelay $0x2  }
0x423: {  	v39 =	vor.u32 $0x6, v2;
	_ =	sdelay $0x1  }
0x424: {  	v5 =	vmul.f32 v5, v3;
	_ =	sdelay $0x1  }
0x425: {  	[tilespmem:v38+s18+$0x0] =	vst.idx.msk $0xffff, v5  }
0x426: {  	v5 =	vld.idx.msk [tilespmem:v39+s18+$0x0], $0xffff;
	_ =	sdelay $0x2  }
0x427: {  	v40 =	vor.u32 $0x7, v2;
	_ =	sdelay $0x1  }
0x428: {  	v5 =	vmul.f32 v5, v3;
	_ =	sdelay $0x1  }
0x429: {  	[tilespmem:v39+s18+$0x0] =	vst.idx.msk $0xffff, v5  }
0x42a: {  	v5 =	vld.idx.msk [tilespmem:v40+s18+$0x0], $0xffff;
	_ =	sdelay $0x2  }
0x42b: {  	v41 =	vor.u32 $0x8, v2;
	_ =	sdelay $0x1  }
0x42c: {  	v5 =	vmul.f32 v5, v3;
	_ =	sdelay $0x1  }
0x42d: {  	[tilespmem:v40+s18+$0x0] =	vst.idx.msk $0xffff, v5  }
0x42e: {  	v5 =	vld.idx.msk [tilespmem:v41+s18+$0x0], $0xffff;
	_ =	sdelay $0x2  }
0x42f: {  	v42 =	vor.u32 $0x9, v2;
	_ =	sdelay $0x1  }
0x430: {  	v5 =	vmul.f32 v5, v3;
	_ =	sdelay $0x1  }
0x431: {  	[tilespmem:v41+s18+$0x0] =	vst.idx.msk $0xffff, v5  }
0x432: {  	v5 =	vld.idx.msk [tilespmem:v42+s18+$0x0], $0xffff;
	_ =	sdelay $0x2  }
0x433: {  	v43 =	vor.u32 $0xA, v2;
	_ =	sdelay $0x1  }
0x434: {  	v5 =	vmul.f32 v5, v3;
	_ =	sdelay $0x1  }
0x435: {  	[tilespmem:v42+s18+$0x0] =	vst.idx.msk $0xffff, v5  }
0x436: {  	v5 =	vld.idx.msk [tilespmem:v43+s18+$0x0], $0xffff;
	_ =	sdelay $0x2  }
0x437: {  	v44 =	vor.u32 $0xB, v2;
	_ =	sdelay $0x1  }
0x438: {  	v5 =	vmul.f32 v5, v3;
	_ =	sdelay $0x1  }
0x439: {  	[tilespmem:v43+s18+$0x0] =	vst.idx.msk $0xffff, v5  }
0x43a: {  	v5 =	vld.idx.msk [tilespmem:v44+s18+$0x0], $0xffff;
	_ =	sdelay $0x2  }
0x43b: {  	v45 =	vor.u32 $0xC, v2;
	_ =	sdelay $0x1  }
0x43c: {  	v5 =	vmul.f32 v5, v3;
	_ =	sdelay $0x1  }
0x43d: {  	[tilespmem:v44+s18+$0x0] =	vst.idx.msk $0xffff, v5  }
0x43e: {  	v5 =	vld.idx.msk [tilespmem:v45+s18+$0x0], $0xffff;
	_ =	sdelay $0x2  }
0x43f: {  	v46 =	vor.u32 $0xD, v2;
	_ =	sdelay $0x1  }
0x440: {  	v5 =	vmul.f32 v5, v3;
	_ =	sdelay $0x1  }
0x441: {  	[tilespmem:v45+s18+$0x0] =	vst.idx.msk $0xffff, v5  }
0x442: {  	v5 =	vld.idx.msk [tilespmem:v46+s18+$0x0], $0xffff;
	_ =	sdelay $0x2  }
0x443: {  	v47 =	vor.u32 $0xE, v2;
	_ =	sdelay $0x1  }
0x444: {  	v5 =	vmul.f32 v5, v3;
	_ =	sdelay $0x1  }
0x445: {  	[tilespmem:v46+s18+$0x0] =	vst.idx.msk $0xffff, v5  }
0x446: {  	v5 =	vld.idx.msk [tilespmem:v47+s18+$0x0], $0xffff;
	_ =	sdelay $0x2  }
0x447: {  	v48 =	vor.u32 $0xF, v2;
	_ =	sdelay $0x1  }
0x448: {  	v5 =	vmul.f32 v5, v3;
	_ =	sdelay $0x1  }
0x449: {  	[tilespmem:v47+s18+$0x0] =	vst.idx.msk $0xffff, v5  }
0x44a: {  	v5 =	vld.idx.msk [tilespmem:v48+s18+$0x0], $0xffff;
	_ =	sdelay $0x2  }
0x44b: {  	v49 =	vor.u32 $0x10, v2;
	_ =	sdelay $0x1  }
0x44c: {  	v3 =	vmul.f32 v5, v3;
	_ =	sdelay $0x1  }
0x44d: {  	[tilespmem:v48+s18+$0x0] =	vst.idx.msk $0xffff, v3  }
0x44e: {  	v3 =	vld.idx.msk [tilespmem:v49+s18+$0x0], $0xffff;
	_ =	sdelay $0x2  }
0x44f: {  	v50 =	vor.u32 $0x11, v2;
	v4 =	vmul.f32 v34, v35;
	_ =	sdelay $0x1  }
0x450: {  	v3 =	vmul.f32 v3, v4;
	_ =	sdelay $0x1  }
0x451: {  	[tilespmem:v49+s18+$0x0] =	vst.idx.msk $0xffff, v3  }
0x452: {  	v3 =	vld.idx.msk [tilespmem:v50+s18+$0x0], $0xffff;
	_ =	sdelay $0x2  }
0x453: {  	v51 =	vor.u32 $0x12, v2;
	_ =	sdelay $0x1  }
0x454: {  	v3 =	vmul.f32 v3, v4;
	_ =	sdelay $0x1  }
0x455: {  	[tilespmem:v50+s18+$0x0] =	vst.idx.msk $0xffff, v3  }
0x456: {  	v3 =	vld.idx.msk [tilespmem:v51+s18+$0x0], $0xffff;
	_ =	sdelay $0x2  }
0x457: {  	v52 =	vor.u32 $0x13, v2;
	_ =	sdelay $0x1  }
0x458: {  	v3 =	vmul.f32 v3, v4;
	_ =	sdelay $0x1  }
0x459: {  	[tilespmem:v51+s18+$0x0] =	vst.idx.msk $0xffff, v3  }
0x45a: {  	v3 =	vld.idx.msk [tilespmem:v52+s18+$0x0], $0xffff;
	_ =	sdelay $0x2  }
0x45b: {  	v53 =	vor.u32 $0x14, v2;
	_ =	sdelay $0x1  }
0x45c: {  	v3 =	vmul.f32 v3, v4;
	_ =	sdelay $0x1  }
0x45d: {  	[tilespmem:v52+s18+$0x0] =	vst.idx.msk $0xffff, v3  }
0x45e: {  	v3 =	vld.idx.msk [tilespmem:v53+s18+$0x0], $0xffff;
	_ =	sdelay $0x2  }
0x45f: {  	v54 =	vor.u32 $0x15, v2;
	_ =	sdelay $0x1  }
0x460: {  	v3 =	vmul.f32 v3, v4;
	_ =	sdelay $0x1  }
0x461: {  	[tilespmem:v53+s18+$0x0] =	vst.idx.msk $0xffff, v3  }
0x462: {  	v3 =	vld.idx.msk [tilespmem:v54+s18+$0x0], $0xffff;
	_ =	sdelay $0x2  }
0x463: {  	v55 =	vor.u32 $0x16, v2;
	_ =	sdelay $0x1  }
0x464: {  	v3 =	vmul.f32 v3, v4;
	_ =	sdelay $0x1  }
0x465: {  	[tilespmem:v54+s18+$0x0] =	vst.idx.msk $0xffff, v3  }
0x466: {  	v3 =	vld.idx.msk [tilespmem:v55+s18+$0x0], $0xffff;
	_ =	sdelay $0x2  }
0x467: {  	v56 =	vor.u32 $0x17, v2;
	_ =	sdelay $0x1  }
0x468: {  	v3 =	vmul.f32 v3, v4;
	_ =	sdelay $0x1  }
0x469: {  	[tilespmem:v55+s18+$0x0] =	vst.idx.msk $0xffff, v3  }
0x46a: {  	v3 =	vld.idx.msk [tilespmem:v56+s18+$0x0], $0xffff;
	_ =	sdelay $0x2  }
0x46b: {  	v57 =	vor.u32 $0x18, v2;
	_ =	sdelay $0x1  }
0x46c: {  	v3 =	vmul.f32 v3, v4;
	_ =	sdelay $0x1  }
0x46d: {  	[tilespmem:v56+s18+$0x0] =	vst.idx.msk $0xffff, v3  }
0x46e: {  	v3 =	vld.idx.msk [tilespmem:v57+s18+$0x0], $0xffff;
	_ =	sdelay $0x2  }
0x46f: {  	v58 =	vor.u32 $0x19, v2;
	_ =	sdelay $0x1  }
0x470: {  	v3 =	vmul.f32 v3, v4;
	_ =	sdelay $0x1  }
0x471: {  	[tilespmem:v57+s18+$0x0] =	vst.idx.msk $0xffff, v3  }
0x472: {  	v3 =	vld.idx.msk [tilespmem:v58+s18+$0x0], $0xffff;
	_ =	sdelay $0x2  }
0x473: {  	v59 =	vor.u32 $0x1A, v2;
	_ =	sdelay $0x1  }
0x474: {  	v3 =	vmul.f32 v3, v4;
	_ =	sdelay $0x1  }
0x475: {  	[tilespmem:v58+s18+$0x0] =	vst.idx.msk $0xffff, v3  }
0x476: {  	v3 =	vld.idx.msk [tilespmem:v59+s18+$0x0], $0xffff;
	_ =	sdelay $0x2  }
0x477: {  	v60 =	vor.u32 $0x1B, v2;
	_ =	sdelay $0x1  }
0x478: {  	v3 =	vmul.f32 v3, v4;
	_ =	sdelay $0x1  }
0x479: {  	[tilespmem:v59+s18+$0x0] =	vst.idx.msk $0xffff, v3  }
0x47a: {  	v3 =	vld.idx.msk [tilespmem:v60+s18+$0x0], $0xffff;
	_ =	sdelay $0x2  }
0x47b: {  	v61 =	vor.u32 $0x1C, v2;
	_ =	sdelay $0x1  }
0x47c: {  	v3 =	vmul.f32 v3, v4;
	_ =	sdelay $0x1  }
0x47d: {  	[tilespmem:v60+s18+$0x0] =	vst.idx.msk $0xffff, v3  }
0x47e: {  	v3 =	vld.idx.msk [tilespmem:v61+s18+$0x0], $0xffff;
	_ =	sdelay $0x2  }
0x47f: {  	v62 =	vor.u32 $0x1D, v2;
	_ =	sdelay $0x1  }
0x480: {  	v3 =	vmul.f32 v3, v4;
	_ =	sdelay $0x1  }
0x481: {  	[tilespmem:v61+s18+$0x0] =	vst.idx.msk $0xffff, v3  }
0x482: {  	v3 =	vld.idx.msk [tilespmem:v62+s18+$0x0], $0xffff;
	_ =	sdelay $0x2  }
0x483: {  	v63 =	vor.u32 $0x1E, v2;
	_ =	sdelay $0x1  }
0x484: {  	v3 =	vmul.f32 v3, v4;
	_ =	sdelay $0x1  }
0x485: {  	[tilespmem:v62+s18+$0x0] =	vst.idx.msk $0xffff, v3  }
0x486: {  	v3 =	vld.idx.msk [tilespmem:v63+s18+$0x0], $0xffff;
	_ =	sdelay $0x2  }
0x487: {  	v2 =	vor.u32 $0x1F, v2;
	_ =	sdelay $0x1  }
0x488: {  	v3 =	vmul.f32 v3, v4;
	_ =	sdelay $0x1  }
0x489: {  	[tilespmem:v63+s18+$0x0] =	vst.idx.msk $0xffff, v3  }
0x48a: {  	v3 =	vld.idx.msk [tilespmem:v2+s18+$0x0], $0xffff;
	_ =	sdelay $0x4  }
0x48b: {  	v3 =	vmul.f32 v3, v4;
	_ =	sdelay $0x1  }
0x48c: {  	s0 =	simm.s32 $0x320;
	[tilespmem:v2+s18+$0x0] =	vst.idx.msk $0xffff, v3  }
0x48d: {  	[spmem:s2] =	stream.indirect.scatter.add.f32 [tilespmem:s18], [sflag:$0x5], $0x20, s0, s28, $0xb8;
	[tilespmem:$0x1DFA0] =	vst v63  }
0x48e: {  	_ =	swait.ge [sflag:s29], $0x1400  }
0x48f: {  	[sflag:s29] =	ssyncset.done $0x0  }
0x490: {  	[sflag:s29] =	ssyncadd.s32 $0xFFFFEC00  }
.LBB2_15:
0x491: {  	s0 =	sadd.s32 s21, s25  }
0x492: {  	p1 =	sgt.u32 s0, $0x1387  }
0x493: {  	s0 =	smul.u32 @!p1 $0x14, s0;
	_ =	sdelay $0x1  }
0x494: {  	s22 =	simm.s32 @!p1 $0x0;
	s23 =	simm.s32 @!p1 $0xA0;
	s3 =	sadd.s32 @!p1 s8, s0  }
0x495: {  	[tilespmem:s23], [sflag:$0x2] =	stream.linear.gather @!p1 [hbm4b:s3+s22], $0xA0, $0x38;
	[tilespmem:$0x1DFA0] =	vst v63  }
0x496: {  	s3 =	sadd.s32 @!p1 s9, s0;
	s23 =	simm.s32 @!p1 $0x1E0  }
0x497: {  	[tilespmem:s23], [sflag:$0x2] =	stream.linear.gather @!p1 [hbm4b:s3+s22], $0xA0, $0x38;
	[tilespmem:$0x1DFA0] =	vst v63  }
0x498: {  	s24 =	sadd.s32 $0x1, s24;
	s0 =	sadd.s32 @!p1 s10, s0;
	s3 =	simm.s32 @!p1 $0x320  }
0x499: {  	[tilespmem:s3], [sflag:$0x2] =	stream.linear.gather @!p1 [hbm4b:s0+s22], $0xA0, $0x38;
	[tilespmem:$0x1DFA0] =	vst v63  }
0x49a: {  	p1 =	sne.s32 s24, $0x9E  }
.Ltmp15:
0x49b: {  	_ = 	snop;
	(pc) =	sbr.rel @!p1 .LBB2_16-.Ltmp15, $1  }
0x49c: {  	_ =	sdelay $0x3  }
.LBB2_7:
0x49d: {  	s25 =	sshll.u32 s24, $0x5  }
0x49e: {  	s22 =	sor.u32 s26, s25  }
0x49f: {  	p1 =	sgt.u32 s22, $0x1387  }
0x4a0: {  	s23 =	simm.s32 @!p1 $0x2  }
0x4a1: {  	_ =	swait.ge @!p1 [sflag:s23], $0xA0  }
0x4a2: {  	[sflag:s23] =	ssyncset.done @!p1 $0x0  }
0x4a3: {  	[sflag:s23] =	ssyncadd.s32 @!p1 $0xFFFFFF60  }
0x4a4: {  	_ =	swait.ge @!p1 [sflag:s23], $0xA0  }
0x4a5: {  	[sflag:s23] =	ssyncset.done @!p1 $0x0  }
0x4a6: {  	[sflag:s23] =	ssyncadd.s32 @!p1 $0xFFFFFF60  }
0x4a7: {  	_ =	swait.ge @!p1 [sflag:s23], $0xA0  }
0x4a8: {  	p2 =	sge.u32 s25, s19;
	[sflag:s23] =	ssyncset.done @!p1 $0x0  }
0x4a9: {  	s31 =	simm.s32 @!p1 $0x17C0;
	[sflag:s23] =	ssyncadd.s32 @!p1 $0xFFFFFF60;
	s23 =	simm.s32 @!p1 $0xA0  }
0x4aa: {  	[tilespmem:s31], [sflag:$0x4] =	stream.indirect.gather @!p1 [hbm4b:s1+s23], $0x20, s23, s23, $0xb8;
	[tilespmem:$0x1DFA0] =	vst v63  }
.Ltmp16:
0x4ab: {  	_ = 	snop;
	(pc) =	sbr.rel @p2 .LBB2_11-.Ltmp16, $4  }
0x4ac: {  	s0 =	simm.s32 @!p1 $0x3AC0;
	s22 =	smul.u32 @!p1 $0xA0, s22;
	s31 =	simm.s32 @!p1 $0x1E0  }
0x4ad: {  	[tilespmem:s0], [sflag:$0x4] =	stream.indirect.gather @!p1 [hbm4b:s7+s23], $0x8, s31, s23, $0xb8;
	[tilespmem:$0x1DFA0] =	vst v63  }
0x4ae: {  	s0 =	sadd.s32 @!p1 s6, s22;
	s22 =	simm.s32 @!p1 $0x0;
	s23 =	simm.s32 @!p1 $0x30C0  }
0x4af: {  	[tilespmem:s23], [sflag:$0x4] =	stream.linear.gather @!p1 [hbm4b:s0+s22], $0x500, $0x38;
	[tilespmem:$0x1DFA0] =	vst v63  }
0x4b0: {  	_ =	swait.ge [sflag:s14], $0x1400  }
0x4b1: {  	[sflag:s14] =	ssyncset.done $0x0  }
0x4b2: {  	s0 =	simm.s32 $0x0;
	[sflag:s14] =	ssyncadd.s32 $0xFFFFEC00  }
0x4b3: {  	v2 =	vor.u32 s0, v0;
	_ =	swait.ge [sflag:s14], $0x500  }
0x4b4: {  	v3 =	vshll.u32 v2, $0x3;
	[sflag:s14] =	ssyncset.done $0x0  }
0x4b5: {  	[sflag:s14] =	ssyncadd.s32 $0xFFFFFB00  }
0x4b6: {  	_ =	swait.ge [sflag:s14], $0x500  }
0x4b7: {  	v2 =	vshll.u32 v2, $0x5;
	[sflag:s14] =	ssyncset.done $0x0  }
0x4b8: {  	[sflag:s14] =	ssyncadd.s32 $0xFFFFFB00  }
0x4b9: {  	v4 =	vld.idx.msk [tilespmem:v3+s13+$0x0], $0xffff  }
0x4ba: {  	v5 =	vld.idx.msk [tilespmem:v3+s12+$0x0], $0xffff;
	_ =	sdelay $0x1  }
0x4bb: {  	v6 =	vld.idx.msk [tilespmem:v2+s11+$0x0], $0xffff  }
0x4bc: {  	v3 =	vor.u32 $0x1, v3;
	_ =	sdelay $0x1  }
0x4bd: {  	v7 =	vor.u32 $0x1, v2;
	v4 =	vmul.f32 v5, v4;
	_ =	sdelay $0x1  }
0x4be: {  	v6 =	vmul.f32 v6, v4  }
0x4bf: {  	v5 =	vld.idx.msk [tilespmem:v3+s12+$0x0], $0xffff  }
0x4c0: {  	v3 =	vld.idx.msk [tilespmem:v3+s13+$0x0], $0xffff;
	[tilespmem:v2+s11+$0x0] =	vst.idx.msk $0xffff, v6  }
0x4c1: {  	v6 =	vld.idx.msk [tilespmem:v7+s11+$0x0], $0xffff;
	_ =	sdelay $0x2  }
0x4c2: {  	v8 =	vor.u32 $0x2, v2;
	_ =	sdelay $0x1  }
0x4c3: {  	v6 =	vmul.f32 v6, v4;
	_ =	sdelay $0x1  }
0x4c4: {  	[tilespmem:v7+s11+$0x0] =	vst.idx.msk $0xffff, v6  }
0x4c5: {  	v6 =	vld.idx.msk [tilespmem:v8+s11+$0x0], $0xffff;
	_ =	sdelay $0x2  }
0x4c6: {  	v7 =	vor.u32 $0x3, v2;
	_ =	sdelay $0x1  }
0x4c7: {  	v6 =	vmul.f32 v6, v4;
	_ =	sdelay $0x1  }
0x4c8: {  	[tilespmem:v8+s11+$0x0] =	vst.idx.msk $0xffff, v6  }
0x4c9: {  	v6 =	vld.idx.msk [tilespmem:v7+s11+$0x0], $0xffff;
	_ =	sdelay $0x2  }
0x4ca: {  	v8 =	vor.u32 $0x4, v2;
	_ =	sdelay $0x1  }
0x4cb: {  	v6 =	vmul.f32 v6, v4;
	_ =	sdelay $0x1  }
0x4cc: {  	[tilespmem:v7+s11+$0x0] =	vst.idx.msk $0xffff, v6  }
0x4cd: {  	v6 =	vld.idx.msk [tilespmem:v8+s11+$0x0], $0xffff;
	_ =	sdelay $0x2  }
0x4ce: {  	v7 =	vor.u32 $0x5, v2;
	_ =	sdelay $0x1  }
0x4cf: {  	v6 =	vmul.f32 v6, v4;
	_ =	sdelay $0x1  }
0x4d0: {  	[tilespmem:v8+s11+$0x0] =	vst.idx.msk $0xffff, v6  }
0x4d1: {  	v6 =	vld.idx.msk [tilespmem:v7+s11+$0x0], $0xffff;
	_ =	sdelay $0x2  }
0x4d2: {  	v8 =	vor.u32 $0x6, v2;
	_ =	sdelay $0x1  }
0x4d3: {  	v6 =	vmul.f32 v6, v4;
	_ =	sdelay $0x1  }
0x4d4: {  	[tilespmem:v7+s11+$0x0] =	vst.idx.msk $0xffff, v6  }
0x4d5: {  	v6 =	vld.idx.msk [tilespmem:v8+s11+$0x0], $0xffff;
	_ =	sdelay $0x2  }
0x4d6: {  	v7 =	vor.u32 $0x7, v2;
	_ =	sdelay $0x1  }
0x4d7: {  	v6 =	vmul.f32 v6, v4;
	_ =	sdelay $0x1  }
0x4d8: {  	[tilespmem:v8+s11+$0x0] =	vst.idx.msk $0xffff, v6  }
0x4d9: {  	v6 =	vld.idx.msk [tilespmem:v7+s11+$0x0], $0xffff;
	_ =	sdelay $0x2  }
0x4da: {  	v8 =	vor.u32 $0x8, v2;
	_ =	sdelay $0x1  }
0x4db: {  	v6 =	vmul.f32 v6, v4;
	_ =	sdelay $0x1  }
0x4dc: {  	[tilespmem:v7+s11+$0x0] =	vst.idx.msk $0xffff, v6  }
0x4dd: {  	v6 =	vld.idx.msk [tilespmem:v8+s11+$0x0], $0xffff;
	_ =	sdelay $0x2  }
0x4de: {  	v7 =	vor.u32 $0x9, v2;
	_ =	sdelay $0x1  }
0x4df: {  	v6 =	vmul.f32 v6, v4;
	_ =	sdelay $0x1  }
0x4e0: {  	[tilespmem:v8+s11+$0x0] =	vst.idx.msk $0xffff, v6  }
0x4e1: {  	v6 =	vld.idx.msk [tilespmem:v7+s11+$0x0], $0xffff;
	_ =	sdelay $0x2  }
0x4e2: {  	v8 =	vor.u32 $0xA, v2;
	_ =	sdelay $0x1  }
0x4e3: {  	v6 =	vmul.f32 v6, v4;
	_ =	sdelay $0x1  }
0x4e4: {  	[tilespmem:v7+s11+$0x0] =	vst.idx.msk $0xffff, v6  }
0x4e5: {  	v6 =	vld.idx.msk [tilespmem:v8+s11+$0x0], $0xffff;
	_ =	sdelay $0x2  }
0x4e6: {  	v7 =	vor.u32 $0xB, v2;
	_ =	sdelay $0x1  }
0x4e7: {  	v6 =	vmul.f32 v6, v4;
	_ =	sdelay $0x1  }
0x4e8: {  	[tilespmem:v8+s11+$0x0] =	vst.idx.msk $0xffff, v6  }
0x4e9: {  	v6 =	vld.idx.msk [tilespmem:v7+s11+$0x0], $0xffff;
	_ =	sdelay $0x2  }
0x4ea: {  	v8 =	vor.u32 $0xC, v2;
	_ =	sdelay $0x1  }
0x4eb: {  	v6 =	vmul.f32 v6, v4;
	_ =	sdelay $0x1  }
0x4ec: {  	[tilespmem:v7+s11+$0x0] =	vst.idx.msk $0xffff, v6  }
0x4ed: {  	v6 =	vld.idx.msk [tilespmem:v8+s11+$0x0], $0xffff;
	_ =	sdelay $0x2  }
0x4ee: {  	v7 =	vor.u32 $0xD, v2;
	_ =	sdelay $0x1  }
0x4ef: {  	v6 =	vmul.f32 v6, v4;
	_ =	sdelay $0x1  }
0x4f0: {  	[tilespmem:v8+s11+$0x0] =	vst.idx.msk $0xffff, v6  }
0x4f1: {  	v6 =	vld.idx.msk [tilespmem:v7+s11+$0x0], $0xffff;
	_ =	sdelay $0x2  }
0x4f2: {  	v8 =	vor.u32 $0xE, v2;
	_ =	sdelay $0x1  }
0x4f3: {  	v6 =	vmul.f32 v6, v4;
	_ =	sdelay $0x1  }
0x4f4: {  	[tilespmem:v7+s11+$0x0] =	vst.idx.msk $0xffff, v6  }
0x4f5: {  	v6 =	vld.idx.msk [tilespmem:v8+s11+$0x0], $0xffff;
	_ =	sdelay $0x2  }
0x4f6: {  	v7 =	vor.u32 $0xF, v2;
	_ =	sdelay $0x1  }
0x4f7: {  	v6 =	vmul.f32 v6, v4;
	_ =	sdelay $0x1  }
0x4f8: {  	[tilespmem:v8+s11+$0x0] =	vst.idx.msk $0xffff, v6  }
0x4f9: {  	v6 =	vld.idx.msk [tilespmem:v7+s11+$0x0], $0xffff;
	_ =	sdelay $0x2  }
0x4fa: {  	v8 =	vor.u32 $0x10, v2;
	_ =	sdelay $0x1  }
0x4fb: {  	v4 =	vmul.f32 v6, v4;
	_ =	sdelay $0x1  }
0x4fc: {  	[tilespmem:v7+s11+$0x0] =	vst.idx.msk $0xffff, v4  }
0x4fd: {  	v4 =	vld.idx.msk [tilespmem:v8+s11+$0x0], $0xffff;
	_ =	sdelay $0x2  }
0x4fe: {  	v3 =	vmul.f32 v5, v3;
	v5 =	vor.u32 $0x11, v2;
	_ =	sdelay $0x1  }
0x4ff: {  	v4 =	vmul.f32 v4, v3;
	_ =	sdelay $0x1  }
0x500: {  	[tilespmem:v8+s11+$0x0] =	vst.idx.msk $0xffff, v4  }
0x501: {  	v4 =	vld.idx.msk [tilespmem:v5+s11+$0x0], $0xffff;
	_ =	sdelay $0x2  }
0x502: {  	v6 =	vor.u32 $0x12, v2;
	_ =	sdelay $0x1  }
0x503: {  	v4 =	vmul.f32 v4, v3;
	_ =	sdelay $0x1  }
0x504: {  	[tilespmem:v5+s11+$0x0] =	vst.idx.msk $0xffff, v4  }
0x505: {  	v4 =	vld.idx.msk [tilespmem:v6+s11+$0x0], $0xffff;
	_ =	sdelay $0x2  }
0x506: {  	v5 =	vor.u32 $0x13, v2;
	_ =	sdelay $0x1  }
0x507: {  	v4 =	vmul.f32 v4, v3;
	_ =	sdelay $0x1  }
0x508: {  	[tilespmem:v6+s11+$0x0] =	vst.idx.msk $0xffff, v4  }
0x509: {  	v4 =	vld.idx.msk [tilespmem:v5+s11+$0x0], $0xffff;
	_ =	sdelay $0x2  }
0x50a: {  	v6 =	vor.u32 $0x14, v2;
	_ =	sdelay $0x1  }
0x50b: {  	v4 =	vmul.f32 v4, v3;
	_ =	sdelay $0x1  }
0x50c: {  	[tilespmem:v5+s11+$0x0] =	vst.idx.msk $0xffff, v4  }
0x50d: {  	v4 =	vld.idx.msk [tilespmem:v6+s11+$0x0], $0xffff;
	_ =	sdelay $0x2  }
0x50e: {  	v5 =	vor.u32 $0x15, v2;
	_ =	sdelay $0x1  }
0x50f: {  	v4 =	vmul.f32 v4, v3;
	_ =	sdelay $0x1  }
0x510: {  	[tilespmem:v6+s11+$0x0] =	vst.idx.msk $0xffff, v4  }
0x511: {  	v4 =	vld.idx.msk [tilespmem:v5+s11+$0x0], $0xffff;
	_ =	sdelay $0x2  }
0x512: {  	v6 =	vor.u32 $0x16, v2;
	_ =	sdelay $0x1  }
0x513: {  	v4 =	vmul.f32 v4, v3;
	_ =	sdelay $0x1  }
0x514: {  	[tilespmem:v5+s11+$0x0] =	vst.idx.msk $0xffff, v4  }
0x515: {  	v4 =	vld.idx.msk [tilespmem:v6+s11+$0x0], $0xffff;
	_ =	sdelay $0x2  }
0x516: {  	v5 =	vor.u32 $0x17, v2;
	_ =	sdelay $0x1  }
0x517: {  	v4 =	vmul.f32 v4, v3;
	_ =	sdelay $0x1  }
0x518: {  	[tilespmem:v6+s11+$0x0] =	vst.idx.msk $0xffff, v4  }
0x519: {  	v4 =	vld.idx.msk [tilespmem:v5+s11+$0x0], $0xffff;
	_ =	sdelay $0x2  }
0x51a: {  	v6 =	vor.u32 $0x18, v2;
	_ =	sdelay $0x1  }
0x51b: {  	v4 =	vmul.f32 v4, v3;
	_ =	sdelay $0x1  }
0x51c: {  	[tilespmem:v5+s11+$0x0] =	vst.idx.msk $0xffff, v4  }
0x51d: {  	v4 =	vld.idx.msk [tilespmem:v6+s11+$0x0], $0xffff;
	_ =	sdelay $0x2  }
0x51e: {  	v5 =	vor.u32 $0x19, v2;
	_ =	sdelay $0x1  }
0x51f: {  	v4 =	vmul.f32 v4, v3;
	_ =	sdelay $0x1  }
0x520: {  	[tilespmem:v6+s11+$0x0] =	vst.idx.msk $0xffff, v4  }
0x521: {  	v4 =	vld.idx.msk [tilespmem:v5+s11+$0x0], $0xffff;
	_ =	sdelay $0x2  }
0x522: {  	v6 =	vor.u32 $0x1A, v2;
	_ =	sdelay $0x1  }
0x523: {  	v4 =	vmul.f32 v4, v3;
	_ =	sdelay $0x1  }
0x524: {  	[tilespmem:v5+s11+$0x0] =	vst.idx.msk $0xffff, v4  }
0x525: {  	v4 =	vld.idx.msk [tilespmem:v6+s11+$0x0], $0xffff;
	_ =	sdelay $0x2  }
0x526: {  	v5 =	vor.u32 $0x1B, v2;
	_ =	sdelay $0x1  }
0x527: {  	v4 =	vmul.f32 v4, v3;
	_ =	sdelay $0x1  }
0x528: {  	[tilespmem:v6+s11+$0x0] =	vst.idx.msk $0xffff, v4  }
0x529: {  	v4 =	vld.idx.msk [tilespmem:v5+s11+$0x0], $0xffff;
	_ =	sdelay $0x2  }
0x52a: {  	v6 =	vor.u32 $0x1C, v2;
	_ =	sdelay $0x1  }
0x52b: {  	v4 =	vmul.f32 v4, v3;
	_ =	sdelay $0x1  }
0x52c: {  	[tilespmem:v5+s11+$0x0] =	vst.idx.msk $0xffff, v4  }
0x52d: {  	v4 =	vld.idx.msk [tilespmem:v6+s11+$0x0], $0xffff;
	_ =	sdelay $0x2  }
0x52e: {  	v5 =	vor.u32 $0x1D, v2;
	_ =	sdelay $0x1  }
0x52f: {  	v4 =	vmul.f32 v4, v3;
	_ =	sdelay $0x1  }
0x530: {  	[tilespmem:v6+s11+$0x0] =	vst.idx.msk $0xffff, v4  }
0x531: {  	v4 =	vld.idx.msk [tilespmem:v5+s11+$0x0], $0xffff;
	_ =	sdelay $0x2  }
0x532: {  	v6 =	vor.u32 $0x1E, v2;
	_ =	sdelay $0x1  }
0x533: {  	v4 =	vmul.f32 v4, v3;
	_ =	sdelay $0x1  }
0x534: {  	[tilespmem:v5+s11+$0x0] =	vst.idx.msk $0xffff, v4  }
0x535: {  	v5 =	vld.idx.msk [tilespmem:v6+s11+$0x0], $0xffff;
	_ =	sdelay $0x2  }
0x536: {  	v4 =	vor.u32 $0x1F, v2;
	_ =	sdelay $0x1  }
0x537: {  	v2 =	vmul.f32 v5, v3;
	_ =	sdelay $0x1  }
0x538: {  	[tilespmem:v6+s11+$0x0] =	vst.idx.msk $0xffff, v2  }
0x539: {  	v7 =	vld.idx.msk [tilespmem:v4+s11+$0x0], $0xffff  }
0x53a: {  	s31 =	simm.s32 $0x10  }
0x53b: {  	v2 =	vor.u32 s31, v0  }
0x53c: {  	v5 =	vshll.u32 v2, $0x3;
	_ =	sdelay $0x1  }
0x53d: {  	s23 =	simm.s32 $0x20;
	v2 =	vshll.u32 v2, $0x5;
	v6 =	vor.u32 $0x1, v5;
	v3 =	vmul.f32 v7, v3  }
.LBB2_9:
0x53e: {  	p2 =	sne.s32 s23, $0x90;
	s31 =	smov.u32 s23;
	s23 =	sadd.s32 $0x10, s23  }
0x53f: {  	[tilespmem:v4+s11+$0x0] =	vst.idx.msk $0xffff, v3  }
0x540: {  	v3 =	vld.idx.msk [tilespmem:v5+s13+$0x0], $0xffff  }
0x541: {  	v4 =	vld.idx.msk [tilespmem:v5+s12+$0x0], $0xffff  }
0x542: {  	v7 =	vld.idx.msk [tilespmem:v2+s11+$0x0], $0xffff;
	_ =	sdelay $0x3  }
0x543: {  	v8 =	vor.u32 $0x1, v2  }
0x544: {  	v5 =	vmul.f32 v4, v3  }
0x545: {  	v3 =	vld.idx.msk [tilespmem:v6+s12+$0x0], $0xffff  }
0x546: {  	v4 =	vld.idx.msk [tilespmem:v6+s13+$0x0], $0xffff;
	v6 =	vmul.f32 v7, v5;
	_ =	sdelay $0x1  }
0x547: {  	[tilespmem:v2+s11+$0x0] =	vst.idx.msk $0xffff, v6  }
0x548: {  	v6 =	vld.idx.msk [tilespmem:v8+s11+$0x0], $0xffff;
	_ =	sdelay $0x2  }
0x549: {  	v7 =	vor.u32 $0x2, v2;
	_ =	sdelay $0x2  }
0x54a: {  	v6 =	vmul.f32 v6, v5;
	_ =	sdelay $0x1  }
0x54b: {  	[tilespmem:v8+s11+$0x0] =	vst.idx.msk $0xffff, v6  }
0x54c: {  	v6 =	vld.idx.msk [tilespmem:v7+s11+$0x0], $0xffff;
	_ =	sdelay $0x2  }
0x54d: {  	v8 =	vor.u32 $0x3, v2;
	_ =	sdelay $0x2  }
0x54e: {  	v6 =	vmul.f32 v6, v5;
	_ =	sdelay $0x1  }
0x54f: {  	[tilespmem:v7+s11+$0x0] =	vst.idx.msk $0xffff, v6  }
0x550: {  	v6 =	vld.idx.msk [tilespmem:v8+s11+$0x0], $0xffff;
	_ =	sdelay $0x2  }
0x551: {  	v7 =	vor.u32 $0x4, v2;
	_ =	sdelay $0x2  }
0x552: {  	v6 =	vmul.f32 v6, v5;
	_ =	sdelay $0x1  }
0x553: {  	[tilespmem:v8+s11+$0x0] =	vst.idx.msk $0xffff, v6  }
0x554: {  	v6 =	vld.idx.msk [tilespmem:v7+s11+$0x0], $0xffff;
	_ =	sdelay $0x2  }
0x555: {  	v8 =	vor.u32 $0x5, v2;
	_ =	sdelay $0x2  }
0x556: {  	v6 =	vmul.f32 v6, v5;
	_ =	sdelay $0x1  }
0x557: {  	[tilespmem:v7+s11+$0x0] =	vst.idx.msk $0xffff, v6  }
0x558: {  	v6 =	vld.idx.msk [tilespmem:v8+s11+$0x0], $0xffff;
	_ =	sdelay $0x2  }
0x559: {  	v7 =	vor.u32 $0x6, v2;
	_ =	sdelay $0x2  }
0x55a: {  	v6 =	vmul.f32 v6, v5;
	_ =	sdelay $0x1  }
0x55b: {  	[tilespmem:v8+s11+$0x0] =	vst.idx.msk $0xffff, v6  }
0x55c: {  	v6 =	vld.idx.msk [tilespmem:v7+s11+$0x0], $0xffff;
	_ =	sdelay $0x2  }
0x55d: {  	v8 =	vor.u32 $0x7, v2;
	_ =	sdelay $0x2  }
0x55e: {  	v6 =	vmul.f32 v6, v5;
	_ =	sdelay $0x1  }
0x55f: {  	[tilespmem:v7+s11+$0x0] =	vst.idx.msk $0xffff, v6  }
0x560: {  	v6 =	vld.idx.msk [tilespmem:v8+s11+$0x0], $0xffff;
	_ =	sdelay $0x2  }
0x561: {  	v7 =	vor.u32 $0x8, v2;
	_ =	sdelay $0x2  }
0x562: {  	v6 =	vmul.f32 v6, v5;
	_ =	sdelay $0x1  }
0x563: {  	[tilespmem:v8+s11+$0x0] =	vst.idx.msk $0xffff, v6  }
0x564: {  	v6 =	vld.idx.msk [tilespmem:v7+s11+$0x0], $0xffff;
	_ =	sdelay $0x2  }
0x565: {  	v8 =	vor.u32 $0x9, v2;
	_ =	sdelay $0x2  }
0x566: {  	v6 =	vmul.f32 v6, v5;
	_ =	sdelay $0x1  }
0x567: {  	[tilespmem:v7+s11+$0x0] =	vst.idx.msk $0xffff, v6  }
0x568: {  	v6 =	vld.idx.msk [tilespmem:v8+s11+$0x0], $0xffff;
	_ =	sdelay $0x2  }
0x569: {  	v7 =	vor.u32 $0xA, v2;
	_ =	sdelay $0x2  }
0x56a: {  	v6 =	vmul.f32 v6, v5;
	_ =	sdelay $0x1  }
0x56b: {  	[tilespmem:v8+s11+$0x0] =	vst.idx.msk $0xffff, v6  }
0x56c: {  	v6 =	vld.idx.msk [tilespmem:v7+s11+$0x0], $0xffff;
	_ =	sdelay $0x2  }
0x56d: {  	v8 =	vor.u32 $0xB, v2;
	_ =	sdelay $0x2  }
0x56e: {  	v6 =	vmul.f32 v6, v5;
	_ =	sdelay $0x1  }
0x56f: {  	[tilespmem:v7+s11+$0x0] =	vst.idx.msk $0xffff, v6  }
0x570: {  	v6 =	vld.idx.msk [tilespmem:v8+s11+$0x0], $0xffff;
	_ =	sdelay $0x2  }
0x571: {  	v7 =	vor.u32 $0xC, v2;
	_ =	sdelay $0x2  }
0x572: {  	v6 =	vmul.f32 v6, v5;
	_ =	sdelay $0x1  }
0x573: {  	[tilespmem:v8+s11+$0x0] =	vst.idx.msk $0xffff, v6  }
0x574: {  	v6 =	vld.idx.msk [tilespmem:v7+s11+$0x0], $0xffff;
	_ =	sdelay $0x2  }
0x575: {  	v8 =	vor.u32 $0xD, v2;
	_ =	sdelay $0x2  }
0x576: {  	v6 =	vmul.f32 v6, v5;
	_ =	sdelay $0x1  }
0x577: {  	[tilespmem:v7+s11+$0x0] =	vst.idx.msk $0xffff, v6  }
0x578: {  	v6 =	vld.idx.msk [tilespmem:v8+s11+$0x0], $0xffff;
	_ =	sdelay $0x2  }
0x579: {  	v7 =	vor.u32 $0xE, v2;
	_ =	sdelay $0x2  }
0x57a: {  	v6 =	vmul.f32 v6, v5;
	_ =	sdelay $0x1  }
0x57b: {  	[tilespmem:v8+s11+$0x0] =	vst.idx.msk $0xffff, v6  }
0x57c: {  	v6 =	vld.idx.msk [tilespmem:v7+s11+$0x0], $0xffff;
	_ =	sdelay $0x2  }
0x57d: {  	v8 =	vor.u32 $0xF, v2;
	_ =	sdelay $0x2  }
0x57e: {  	v6 =	vmul.f32 v6, v5;
	_ =	sdelay $0x1  }
0x57f: {  	[tilespmem:v7+s11+$0x0] =	vst.idx.msk $0xffff, v6  }
0x580: {  	v6 =	vld.idx.msk [tilespmem:v8+s11+$0x0], $0xffff;
	_ =	sdelay $0x2  }
0x581: {  	v7 =	vor.u32 $0x10, v2;
	_ =	sdelay $0x2  }
0x582: {  	v5 =	vmul.f32 v6, v5;
	_ =	sdelay $0x1  }
0x583: {  	[tilespmem:v8+s11+$0x0] =	vst.idx.msk $0xffff, v5  }
0x584: {  	v5 =	vld.idx.msk [tilespmem:v7+s11+$0x0], $0xffff;
	_ =	sdelay $0x2  }
0x585: {  	v3 =	vmul.f32 v3, v4;
	v4 =	vor.u32 $0x11, v2;
	_ =	sdelay $0x2  }
0x586: {  	v5 =	vmul.f32 v5, v3;
	_ =	sdelay $0x1  }
0x587: {  	[tilespmem:v7+s11+$0x0] =	vst.idx.msk $0xffff, v5  }
0x588: {  	v5 =	vld.idx.msk [tilespmem:v4+s11+$0x0], $0xffff;
	_ =	sdelay $0x2  }
0x589: {  	v6 =	vor.u32 $0x12, v2;
	_ =	sdelay $0x2  }
0x58a: {  	v5 =	vmul.f32 v5, v3;
	_ =	sdelay $0x1  }
0x58b: {  	[tilespmem:v4+s11+$0x0] =	vst.idx.msk $0xffff, v5  }
0x58c: {  	v4 =	vld.idx.msk [tilespmem:v6+s11+$0x0], $0xffff;
	_ =	sdelay $0x2  }
0x58d: {  	v5 =	vor.u32 $0x13, v2;
	_ =	sdelay $0x2  }
0x58e: {  	v4 =	vmul.f32 v4, v3;
	_ =	sdelay $0x1  }
0x58f: {  	[tilespmem:v6+s11+$0x0] =	vst.idx.msk $0xffff, v4  }
0x590: {  	v4 =	vld.idx.msk [tilespmem:v5+s11+$0x0], $0xffff;
	_ =	sdelay $0x2  }
0x591: {  	v6 =	vor.u32 $0x14, v2;
	_ =	sdelay $0x2  }
0x592: {  	v4 =	vmul.f32 v4, v3;
	_ =	sdelay $0x1  }
0x593: {  	[tilespmem:v5+s11+$0x0] =	vst.idx.msk $0xffff, v4  }
0x594: {  	v4 =	vld.idx.msk [tilespmem:v6+s11+$0x0], $0xffff;
	_ =	sdelay $0x2  }
0x595: {  	v5 =	vor.u32 $0x15, v2;
	_ =	sdelay $0x2  }
0x596: {  	v4 =	vmul.f32 v4, v3;
	_ =	sdelay $0x1  }
0x597: {  	[tilespmem:v6+s11+$0x0] =	vst.idx.msk $0xffff, v4  }
0x598: {  	v4 =	vld.idx.msk [tilespmem:v5+s11+$0x0], $0xffff;
	_ =	sdelay $0x2  }
0x599: {  	v6 =	vor.u32 $0x16, v2;
	_ =	sdelay $0x2  }
0x59a: {  	v4 =	vmul.f32 v4, v3;
	_ =	sdelay $0x1  }
0x59b: {  	[tilespmem:v5+s11+$0x0] =	vst.idx.msk $0xffff, v4  }
0x59c: {  	v4 =	vld.idx.msk [tilespmem:v6+s11+$0x0], $0xffff;
	_ =	sdelay $0x2  }
0x59d: {  	v5 =	vor.u32 $0x17, v2;
	_ =	sdelay $0x2  }
0x59e: {  	v4 =	vmul.f32 v4, v3;
	_ =	sdelay $0x1  }
0x59f: {  	[tilespmem:v6+s11+$0x0] =	vst.idx.msk $0xffff, v4  }
0x5a0: {  	v4 =	vld.idx.msk [tilespmem:v5+s11+$0x0], $0xffff;
	_ =	sdelay $0x2  }
0x5a1: {  	v6 =	vor.u32 $0x18, v2;
	_ =	sdelay $0x2  }
0x5a2: {  	v4 =	vmul.f32 v4, v3;
	_ =	sdelay $0x1  }
0x5a3: {  	[tilespmem:v5+s11+$0x0] =	vst.idx.msk $0xffff, v4  }
0x5a4: {  	v4 =	vld.idx.msk [tilespmem:v6+s11+$0x0], $0xffff;
	_ =	sdelay $0x2  }
0x5a5: {  	v5 =	vor.u32 $0x19, v2;
	_ =	sdelay $0x2  }
0x5a6: {  	v4 =	vmul.f32 v4, v3;
	_ =	sdelay $0x1  }
0x5a7: {  	[tilespmem:v6+s11+$0x0] =	vst.idx.msk $0xffff, v4  }
0x5a8: {  	v4 =	vld.idx.msk [tilespmem:v5+s11+$0x0], $0xffff;
	_ =	sdelay $0x2  }
0x5a9: {  	v6 =	vor.u32 $0x1A, v2;
	_ =	sdelay $0x2  }
0x5aa: {  	v4 =	vmul.f32 v4, v3;
	_ =	sdelay $0x1  }
0x5ab: {  	[tilespmem:v5+s11+$0x0] =	vst.idx.msk $0xffff, v4  }
0x5ac: {  	v4 =	vld.idx.msk [tilespmem:v6+s11+$0x0], $0xffff;
	_ =	sdelay $0x2  }
0x5ad: {  	v5 =	vor.u32 $0x1B, v2;
	_ =	sdelay $0x2  }
0x5ae: {  	v4 =	vmul.f32 v4, v3;
	_ =	sdelay $0x1  }
0x5af: {  	[tilespmem:v6+s11+$0x0] =	vst.idx.msk $0xffff, v4  }
0x5b0: {  	v4 =	vld.idx.msk [tilespmem:v5+s11+$0x0], $0xffff;
	_ =	sdelay $0x2  }
0x5b1: {  	v6 =	vor.u32 $0x1C, v2;
	_ =	sdelay $0x2  }
0x5b2: {  	v4 =	vmul.f32 v4, v3;
	_ =	sdelay $0x1  }
0x5b3: {  	[tilespmem:v5+s11+$0x0] =	vst.idx.msk $0xffff, v4  }
0x5b4: {  	v4 =	vld.idx.msk [tilespmem:v6+s11+$0x0], $0xffff;
	_ =	sdelay $0x2  }
0x5b5: {  	v5 =	vor.u32 $0x1D, v2;
	_ =	sdelay $0x2  }
0x5b6: {  	v4 =	vmul.f32 v4, v3;
	_ =	sdelay $0x1  }
0x5b7: {  	[tilespmem:v6+s11+$0x0] =	vst.idx.msk $0xffff, v4  }
0x5b8: {  	v4 =	vld.idx.msk [tilespmem:v5+s11+$0x0], $0xffff;
	_ =	sdelay $0x2  }
0x5b9: {  	v6 =	vor.u32 $0x1E, v2;
	_ =	sdelay $0x2  }
0x5ba: {  	v4 =	vmul.f32 v4, v3;
	_ =	sdelay $0x1  }
0x5bb: {  	[tilespmem:v5+s11+$0x0] =	vst.idx.msk $0xffff, v4  }
0x5bc: {  	v5 =	vld.idx.msk [tilespmem:v6+s11+$0x0], $0xffff;
	_ =	sdelay $0x2  }
0x5bd: {  	v4 =	vor.u32 $0x1F, v2;
	_ =	sdelay $0x2  }
0x5be: {  	v2 =	vmul.f32 v5, v3;
	_ =	sdelay $0x1  }
0x5bf: {  	[tilespmem:v6+s11+$0x0] =	vst.idx.msk $0xffff, v2  }
0x5c0: {  	v7 =	vld.idx.msk [tilespmem:v4+s11+$0x0], $0xffff;
	_ =	sdelay $0x1  }
.Ltmp17:
0x5c1: {  	(pc) =	sbr.rel @p2 .LBB2_9-.Ltmp17, $4  }
0x5c2: {  	v2 =	vor.u32 s31, v0  }
0x5c3: {  	v5 =	vshll.u32 v2, $0x3  }
0x5c4: {  	v6 =	vor.u32 $0x1, v5  }
0x5c5: {  	v2 =	vshll.u32 v2, $0x5;
	v3 =	vmul.f32 v7, v3  }
0x5c6: {  	_ =	sdelay $0x3  }
0x5c7: {  	[tilespmem:v4+s11+$0x0] =	vst.idx.msk $0xffff, v3  }
0x5c8: {  	v3 =	vld.idx.msk [tilespmem:v5+s13+$0x0], $0xffff  }
0x5c9: {  	v4 =	vld.idx.msk [tilespmem:v5+s12+$0x0], $0xffff;
	_ =	sdelay $0x1  }
0x5ca: {  	v33 =	vld.idx.msk [tilespmem:v2+s11+$0x0], $0xffff;
	_ =	sdelay $0x2  }
0x5cb: {  	v7 =	vor.u32 $0x1, v2;
	v3 =	vmul.f32 v4, v3;
	_ =	sdelay $0x1  }
0x5cc: {  	v5 =	vmul.f32 v33, v3  }
0x5cd: {  	v34 =	vld.idx.msk [tilespmem:v6+s12+$0x0], $0xffff  }
0x5ce: {  	v35 =	vld.idx.msk [tilespmem:v6+s13+$0x0], $0xffff;
	[tilespmem:v2+s11+$0x0] =	vst.idx.msk $0xffff, v5  }
0x5cf: {  	v5 =	vld.idx.msk [tilespmem:v7+s11+$0x0], $0xffff;
	_ =	sdelay $0x2  }
0x5d0: {  	v8 =	vor.u32 $0x2, v2;
	_ =	sdelay $0x1  }
0x5d1: {  	v5 =	vmul.f32 v5, v3;
	_ =	sdelay $0x1  }
0x5d2: {  	[tilespmem:v7+s11+$0x0] =	vst.idx.msk $0xffff, v5  }
0x5d3: {  	v5 =	vld.idx.msk [tilespmem:v8+s11+$0x0], $0xffff;
	_ =	sdelay $0x2  }
0x5d4: {  	v36 =	vor.u32 $0x3, v2;
	_ =	sdelay $0x1  }
0x5d5: {  	v5 =	vmul.f32 v5, v3;
	_ =	sdelay $0x1  }
0x5d6: {  	[tilespmem:v8+s11+$0x0] =	vst.idx.msk $0xffff, v5  }
0x5d7: {  	v5 =	vld.idx.msk [tilespmem:v36+s11+$0x0], $0xffff;
	_ =	sdelay $0x2  }
0x5d8: {  	v37 =	vor.u32 $0x4, v2;
	_ =	sdelay $0x1  }
0x5d9: {  	v5 =	vmul.f32 v5, v3;
	_ =	sdelay $0x1  }
0x5da: {  	[tilespmem:v36+s11+$0x0] =	vst.idx.msk $0xffff, v5  }
0x5db: {  	v5 =	vld.idx.msk [tilespmem:v37+s11+$0x0], $0xffff;
	_ =	sdelay $0x2  }
0x5dc: {  	v38 =	vor.u32 $0x5, v2;
	_ =	sdelay $0x1  }
0x5dd: {  	v5 =	vmul.f32 v5, v3;
	_ =	sdelay $0x1  }
0x5de: {  	[tilespmem:v37+s11+$0x0] =	vst.idx.msk $0xffff, v5  }
0x5df: {  	v5 =	vld.idx.msk [tilespmem:v38+s11+$0x0], $0xffff;
	_ =	sdelay $0x2  }
0x5e0: {  	v39 =	vor.u32 $0x6, v2;
	_ =	sdelay $0x1  }
0x5e1: {  	v5 =	vmul.f32 v5, v3;
	_ =	sdelay $0x1  }
0x5e2: {  	[tilespmem:v38+s11+$0x0] =	vst.idx.msk $0xffff, v5  }
0x5e3: {  	v5 =	vld.idx.msk [tilespmem:v39+s11+$0x0], $0xffff;
	_ =	sdelay $0x2  }
0x5e4: {  	v40 =	vor.u32 $0x7, v2;
	_ =	sdelay $0x1  }
0x5e5: {  	v5 =	vmul.f32 v5, v3;
	_ =	sdelay $0x1  }
0x5e6: {  	[tilespmem:v39+s11+$0x0] =	vst.idx.msk $0xffff, v5  }
0x5e7: {  	v5 =	vld.idx.msk [tilespmem:v40+s11+$0x0], $0xffff;
	_ =	sdelay $0x2  }
0x5e8: {  	v41 =	vor.u32 $0x8, v2;
	_ =	sdelay $0x1  }
0x5e9: {  	v5 =	vmul.f32 v5, v3;
	_ =	sdelay $0x1  }
0x5ea: {  	[tilespmem:v40+s11+$0x0] =	vst.idx.msk $0xffff, v5  }
0x5eb: {  	v5 =	vld.idx.msk [tilespmem:v41+s11+$0x0], $0xffff;
	_ =	sdelay $0x2  }
0x5ec: {  	v42 =	vor.u32 $0x9, v2;
	_ =	sdelay $0x1  }
0x5ed: {  	v5 =	vmul.f32 v5, v3;
	_ =	sdelay $0x1  }
0x5ee: {  	[tilespmem:v41+s11+$0x0] =	vst.idx.msk $0xffff, v5  }
0x5ef: {  	v5 =	vld.idx.msk [tilespmem:v42+s11+$0x0], $0xffff;
	_ =	sdelay $0x2  }
0x5f0: {  	v43 =	vor.u32 $0xA, v2;
	_ =	sdelay $0x1  }
0x5f1: {  	v5 =	vmul.f32 v5, v3;
	_ =	sdelay $0x1  }
0x5f2: {  	[tilespmem:v42+s11+$0x0] =	vst.idx.msk $0xffff, v5  }
0x5f3: {  	v5 =	vld.idx.msk [tilespmem:v43+s11+$0x0], $0xffff;
	_ =	sdelay $0x2  }
0x5f4: {  	v44 =	vor.u32 $0xB, v2;
	_ =	sdelay $0x1  }
0x5f5: {  	v5 =	vmul.f32 v5, v3;
	_ =	sdelay $0x1  }
0x5f6: {  	[tilespmem:v43+s11+$0x0] =	vst.idx.msk $0xffff, v5  }
0x5f7: {  	v5 =	vld.idx.msk [tilespmem:v44+s11+$0x0], $0xffff;
	_ =	sdelay $0x2  }
0x5f8: {  	v45 =	vor.u32 $0xC, v2;
	_ =	sdelay $0x1  }
0x5f9: {  	v5 =	vmul.f32 v5, v3;
	_ =	sdelay $0x1  }
0x5fa: {  	[tilespmem:v44+s11+$0x0] =	vst.idx.msk $0xffff, v5  }
0x5fb: {  	v5 =	vld.idx.msk [tilespmem:v45+s11+$0x0], $0xffff;
	_ =	sdelay $0x2  }
0x5fc: {  	v46 =	vor.u32 $0xD, v2;
	_ =	sdelay $0x1  }
0x5fd: {  	v5 =	vmul.f32 v5, v3;
	_ =	sdelay $0x1  }
0x5fe: {  	[tilespmem:v45+s11+$0x0] =	vst.idx.msk $0xffff, v5  }
0x5ff: {  	v5 =	vld.idx.msk [tilespmem:v46+s11+$0x0], $0xffff;
	_ =	sdelay $0x2  }
0x600: {  	v47 =	vor.u32 $0xE, v2;
	_ =	sdelay $0x1  }
0x601: {  	v5 =	vmul.f32 v5, v3;
	_ =	sdelay $0x1  }
0x602: {  	[tilespmem:v46+s11+$0x0] =	vst.idx.msk $0xffff, v5  }
0x603: {  	v5 =	vld.idx.msk [tilespmem:v47+s11+$0x0], $0xffff;
	_ =	sdelay $0x2  }
0x604: {  	v48 =	vor.u32 $0xF, v2;
	_ =	sdelay $0x1  }
0x605: {  	v5 =	vmul.f32 v5, v3;
	_ =	sdelay $0x1  }
0x606: {  	[tilespmem:v47+s11+$0x0] =	vst.idx.msk $0xffff, v5  }
0x607: {  	v5 =	vld.idx.msk [tilespmem:v48+s11+$0x0], $0xffff;
	_ =	sdelay $0x2  }
0x608: {  	v49 =	vor.u32 $0x10, v2;
	_ =	sdelay $0x1  }
0x609: {  	v3 =	vmul.f32 v5, v3;
	_ =	sdelay $0x1  }
0x60a: {  	[tilespmem:v48+s11+$0x0] =	vst.idx.msk $0xffff, v3  }
0x60b: {  	v3 =	vld.idx.msk [tilespmem:v49+s11+$0x0], $0xffff;
	_ =	sdelay $0x2  }
0x60c: {  	v50 =	vor.u32 $0x11, v2;
	v4 =	vmul.f32 v34, v35;
	_ =	sdelay $0x1  }
0x60d: {  	v3 =	vmul.f32 v3, v4;
	_ =	sdelay $0x1  }
0x60e: {  	[tilespmem:v49+s11+$0x0] =	vst.idx.msk $0xffff, v3  }
0x60f: {  	v3 =	vld.idx.msk [tilespmem:v50+s11+$0x0], $0xffff;
	_ =	sdelay $0x2  }
0x610: {  	v51 =	vor.u32 $0x12, v2;
	_ =	sdelay $0x1  }
0x611: {  	v3 =	vmul.f32 v3, v4;
	_ =	sdelay $0x1  }
0x612: {  	[tilespmem:v50+s11+$0x0] =	vst.idx.msk $0xffff, v3  }
0x613: {  	v3 =	vld.idx.msk [tilespmem:v51+s11+$0x0], $0xffff;
	_ =	sdelay $0x2  }
0x614: {  	v52 =	vor.u32 $0x13, v2;
	_ =	sdelay $0x1  }
0x615: {  	v3 =	vmul.f32 v3, v4;
	_ =	sdelay $0x1  }
0x616: {  	[tilespmem:v51+s11+$0x0] =	vst.idx.msk $0xffff, v3  }
0x617: {  	v3 =	vld.idx.msk [tilespmem:v52+s11+$0x0], $0xffff;
	_ =	sdelay $0x2  }
0x618: {  	v53 =	vor.u32 $0x14, v2;
	_ =	sdelay $0x1  }
0x619: {  	v3 =	vmul.f32 v3, v4;
	_ =	sdelay $0x1  }
0x61a: {  	[tilespmem:v52+s11+$0x0] =	vst.idx.msk $0xffff, v3  }
0x61b: {  	v3 =	vld.idx.msk [tilespmem:v53+s11+$0x0], $0xffff;
	_ =	sdelay $0x2  }
0x61c: {  	v54 =	vor.u32 $0x15, v2;
	_ =	sdelay $0x1  }
0x61d: {  	v3 =	vmul.f32 v3, v4;
	_ =	sdelay $0x1  }
0x61e: {  	[tilespmem:v53+s11+$0x0] =	vst.idx.msk $0xffff, v3  }
0x61f: {  	v3 =	vld.idx.msk [tilespmem:v54+s11+$0x0], $0xffff;
	_ =	sdelay $0x2  }
0x620: {  	v55 =	vor.u32 $0x16, v2;
	_ =	sdelay $0x1  }
0x621: {  	v3 =	vmul.f32 v3, v4;
	_ =	sdelay $0x1  }
0x622: {  	[tilespmem:v54+s11+$0x0] =	vst.idx.msk $0xffff, v3  }
0x623: {  	v3 =	vld.idx.msk [tilespmem:v55+s11+$0x0], $0xffff;
	_ =	sdelay $0x2  }
0x624: {  	v56 =	vor.u32 $0x17, v2;
	_ =	sdelay $0x1  }
0x625: {  	v3 =	vmul.f32 v3, v4;
	_ =	sdelay $0x1  }
0x626: {  	[tilespmem:v55+s11+$0x0] =	vst.idx.msk $0xffff, v3  }
0x627: {  	v3 =	vld.idx.msk [tilespmem:v56+s11+$0x0], $0xffff;
	_ =	sdelay $0x2  }
0x628: {  	v57 =	vor.u32 $0x18, v2;
	_ =	sdelay $0x1  }
0x629: {  	v3 =	vmul.f32 v3, v4;
	_ =	sdelay $0x1  }
0x62a: {  	[tilespmem:v56+s11+$0x0] =	vst.idx.msk $0xffff, v3  }
0x62b: {  	v3 =	vld.idx.msk [tilespmem:v57+s11+$0x0], $0xffff;
	_ =	sdelay $0x2  }
0x62c: {  	v58 =	vor.u32 $0x19, v2;
	_ =	sdelay $0x1  }
0x62d: {  	v3 =	vmul.f32 v3, v4;
	_ =	sdelay $0x1  }
0x62e: {  	[tilespmem:v57+s11+$0x0] =	vst.idx.msk $0xffff, v3  }
0x62f: {  	v3 =	vld.idx.msk [tilespmem:v58+s11+$0x0], $0xffff;
	_ =	sdelay $0x2  }
0x630: {  	v59 =	vor.u32 $0x1A, v2;
	_ =	sdelay $0x1  }
0x631: {  	v3 =	vmul.f32 v3, v4;
	_ =	sdelay $0x1  }
0x632: {  	[tilespmem:v58+s11+$0x0] =	vst.idx.msk $0xffff, v3  }
0x633: {  	v3 =	vld.idx.msk [tilespmem:v59+s11+$0x0], $0xffff;
	_ =	sdelay $0x2  }
0x634: {  	v60 =	vor.u32 $0x1B, v2;
	_ =	sdelay $0x1  }
0x635: {  	v3 =	vmul.f32 v3, v4;
	_ =	sdelay $0x1  }
0x636: {  	[tilespmem:v59+s11+$0x0] =	vst.idx.msk $0xffff, v3  }
0x637: {  	v3 =	vld.idx.msk [tilespmem:v60+s11+$0x0], $0xffff;
	_ =	sdelay $0x2  }
0x638: {  	v61 =	vor.u32 $0x1C, v2;
	_ =	sdelay $0x1  }
0x639: {  	v3 =	vmul.f32 v3, v4;
	_ =	sdelay $0x1  }
0x63a: {  	[tilespmem:v60+s11+$0x0] =	vst.idx.msk $0xffff, v3  }
0x63b: {  	v3 =	vld.idx.msk [tilespmem:v61+s11+$0x0], $0xffff;
	_ =	sdelay $0x2  }
0x63c: {  	v62 =	vor.u32 $0x1D, v2;
	_ =	sdelay $0x1  }
0x63d: {  	v3 =	vmul.f32 v3, v4;
	_ =	sdelay $0x1  }
0x63e: {  	[tilespmem:v61+s11+$0x0] =	vst.idx.msk $0xffff, v3  }
0x63f: {  	v3 =	vld.idx.msk [tilespmem:v62+s11+$0x0], $0xffff;
	_ =	sdelay $0x2  }
0x640: {  	v63 =	vor.u32 $0x1E, v2;
	_ =	sdelay $0x1  }
0x641: {  	v3 =	vmul.f32 v3, v4;
	_ =	sdelay $0x1  }
0x642: {  	[tilespmem:v62+s11+$0x0] =	vst.idx.msk $0xffff, v3  }
0x643: {  	v3 =	vld.idx.msk [tilespmem:v63+s11+$0x0], $0xffff;
	_ =	sdelay $0x2  }
0x644: {  	v2 =	vor.u32 $0x1F, v2;
	_ =	sdelay $0x1  }
0x645: {  	v3 =	vmul.f32 v3, v4;
	_ =	sdelay $0x1  }
0x646: {  	[tilespmem:v63+s11+$0x0] =	vst.idx.msk $0xffff, v3  }
0x647: {  	v3 =	vld.idx.msk [tilespmem:v2+s11+$0x0], $0xffff;
	_ =	sdelay $0x4  }
0x648: {  	v3 =	vmul.f32 v3, v4;
	_ =	sdelay $0x1  }
0x649: {  	s0 =	simm.s32 $0x280;
	[tilespmem:v2+s11+$0x0] =	vst.idx.msk $0xffff, v3  }
0x64a: {  	[spmem:s2] =	stream.indirect.scatter.add.f32 [tilespmem:s11], [sflag:$0x5], $0x20, s0, s28, $0xb8;
	[tilespmem:$0x1DFA0] =	vst v63  }
0x64b: {  	_ =	swait.ge [sflag:s29], $0x1400  }
0x64c: {  	[sflag:s29] =	ssyncset.done $0x0  }
0x64d: {  	[sflag:s29] =	ssyncadd.s32 $0xFFFFEC00  }
.LBB2_11:
0x64e: {  	s0 =	sadd.s32 s20, s25  }
0x64f: {  	p2 =	sgt.u32 s0, $0x1387  }
0x650: {  	s22 =	smul.u32 @!p2 $0x14, s0;
	_ =	sdelay $0x1  }
0x651: {  	s31 =	simm.s32 @!p2 $0x0;
	s23 =	sadd.s32 @!p2 s8, s22  }
0x652: {  	[tilespmem:s31], [sflag:$0x1] =	stream.linear.gather @!p2 [hbm4b:s23+s31], $0xA0, $0x38;
	[tilespmem:$0x1DFA0] =	vst v63  }
0x653: {  	s3 =	simm.s32 @!p2 $0x140;
	s23 =	sadd.s32 @!p2 s9, s22  }
0x654: {  	[tilespmem:s3], [sflag:$0x1] =	stream.linear.gather @!p2 [hbm4b:s23+s31], $0xA0, $0x38;
	[tilespmem:$0x1DFA0] =	vst v63  }
0x655: {  	s22 =	sadd.s32 @!p2 s10, s22;
	s23 =	simm.s32 @!p2 $0x280  }
0x656: {  	[tilespmem:s23], [sflag:$0x1] =	stream.linear.gather @!p2 [hbm4b:s22+s31], $0xA0, $0x38;
	[tilespmem:$0x1DFA0] =	vst v63  }
0x657: {  	s22 =	simm.s32 @!p2 $0x1  }
0x658: {  	_ =	swait.ge @!p2 [sflag:s22], $0xA0  }
0x659: {  	[sflag:s22] =	ssyncset.done @!p2 $0x0  }
0x65a: {  	[sflag:s22] =	ssyncadd.s32 @!p2 $0xFFFFFF60  }
0x65b: {  	_ =	swait.ge @!p2 [sflag:s22], $0xA0  }
0x65c: {  	[sflag:s22] =	ssyncset.done @!p2 $0x0  }
0x65d: {  	[sflag:s22] =	ssyncadd.s32 @!p2 $0xFFFFFF60  }
0x65e: {  	_ =	swait.ge @!p2 [sflag:s22], $0xA0  }
0x65f: {  	[sflag:s22] =	ssyncset.done @!p2 $0x0  }
0x660: {  	s23 =	simm.s32 @!p2 $0x3C0;
	[sflag:s22] =	ssyncadd.s32 @!p2 $0xFFFFFF60;
	s22 =	simm.s32 @!p2 $0xA0  }
0x661: {  	[tilespmem:s23], [sflag:$0x3] =	stream.indirect.gather @!p2 [hbm4b:s1+s22], $0x20, s31, s22, $0xb8;
	[tilespmem:$0x1DFA0] =	vst v63  }
.Ltmp18:
0x662: {  	_ = 	snop;
	(pc) =	sbr.rel @p1 .LBB2_15-.Ltmp18, $4  }
0x663: {  	s0 =	smul.u32 @!p2 $0xA0, s0;
	s23 =	simm.s32 @!p2 $0x35C0  }
0x664: {  	[tilespmem:s23], [sflag:$0x3] =	stream.indirect.gather @!p2 [hbm4b:s7+s22], $0x8, s3, s22, $0xb8;
	[tilespmem:$0x1DFA0] =	vst v63  }
0x665: {  	s0 =	sadd.s32 @!p2 s6, s0;
	s3 =	simm.s32 @!p2 $0x2BC0  }
0x666: {  	[tilespmem:s3], [sflag:$0x3] =	stream.linear.gather @!p2 [hbm4b:s0+s31], $0x500, $0x38;
	[tilespmem:$0x1DFA0] =	vst v63  }
0x667: {  	_ =	swait.ge [sflag:s15], $0x1400  }
0x668: {  	[sflag:s15] =	ssyncset.done $0x0  }
0x669: {  	s0 =	simm.s32 $0x0;
	[sflag:s15] =	ssyncadd.s32 $0xFFFFEC00  }
0x66a: {  	v2 =	vor.u32 s0, v0;
	_ =	swait.ge [sflag:s15], $0x500  }
0x66b: {  	v3 =	vshll.u32 v2, $0x3;
	[sflag:s15] =	ssyncset.done $0x0  }
0x66c: {  	[sflag:s15] =	ssyncadd.s32 $0xFFFFFB00  }
0x66d: {  	_ =	swait.ge [sflag:s15], $0x500  }
0x66e: {  	v2 =	vshll.u32 v2, $0x5;
	[sflag:s15] =	ssyncset.done $0x0  }
0x66f: {  	[sflag:s15] =	ssyncadd.s32 $0xFFFFFB00  }
0x670: {  	v4 =	vld.idx.msk [tilespmem:v3+s16+$0x0], $0xffff  }
0x671: {  	v5 =	vld.idx.msk [tilespmem:v3+s17+$0x0], $0xffff;
	_ =	sdelay $0x1  }
0x672: {  	v6 =	vld.idx.msk [tilespmem:v2+s18+$0x0], $0xffff  }
0x673: {  	v3 =	vor.u32 $0x1, v3;
	_ =	sdelay $0x1  }
0x674: {  	v7 =	vor.u32 $0x1, v2;
	v4 =	vmul.f32 v5, v4;
	_ =	sdelay $0x1  }
0x675: {  	v6 =	vmul.f32 v6, v4  }
0x676: {  	v5 =	vld.idx.msk [tilespmem:v3+s17+$0x0], $0xffff  }
0x677: {  	v3 =	vld.idx.msk [tilespmem:v3+s16+$0x0], $0xffff;
	[tilespmem:v2+s18+$0x0] =	vst.idx.msk $0xffff, v6  }
0x678: {  	v6 =	vld.idx.msk [tilespmem:v7+s18+$0x0], $0xffff;
	_ =	sdelay $0x2  }
0x679: {  	v8 =	vor.u32 $0x2, v2;
	_ =	sdelay $0x1  }
0x67a: {  	v6 =	vmul.f32 v6, v4;
	_ =	sdelay $0x1  }
0x67b: {  	[tilespmem:v7+s18+$0x0] =	vst.idx.msk $0xffff, v6  }
0x67c: {  	v6 =	vld.idx.msk [tilespmem:v8+s18+$0x0], $0xffff;
	_ =	sdelay $0x2  }
0x67d: {  	v7 =	vor.u32 $0x3, v2;
	_ =	sdelay $0x1  }
0x67e: {  	v6 =	vmul.f32 v6, v4;
	_ =	sdelay $0x1  }
0x67f: {  	[tilespmem:v8+s18+$0x0] =	vst.idx.msk $0xffff, v6  }
0x680: {  	v6 =	vld.idx.msk [tilespmem:v7+s18+$0x0], $0xffff;
	_ =	sdelay $0x2  }
0x681: {  	v8 =	vor.u32 $0x4, v2;
	_ =	sdelay $0x1  }
0x682: {  	v6 =	vmul.f32 v6, v4;
	_ =	sdelay $0x1  }
0x683: {  	[tilespmem:v7+s18+$0x0] =	vst.idx.msk $0xffff, v6  }
0x684: {  	v6 =	vld.idx.msk [tilespmem:v8+s18+$0x0], $0xffff;
	_ =	sdelay $0x2  }
0x685: {  	v7 =	vor.u32 $0x5, v2;
	_ =	sdelay $0x1  }
0x686: {  	v6 =	vmul.f32 v6, v4;
	_ =	sdelay $0x1  }
0x687: {  	[tilespmem:v8+s18+$0x0] =	vst.idx.msk $0xffff, v6  }
0x688: {  	v6 =	vld.idx.msk [tilespmem:v7+s18+$0x0], $0xffff;
	_ =	sdelay $0x2  }
0x689: {  	v8 =	vor.u32 $0x6, v2;
	_ =	sdelay $0x1  }
0x68a: {  	v6 =	vmul.f32 v6, v4;
	_ =	sdelay $0x1  }
0x68b: {  	[tilespmem:v7+s18+$0x0] =	vst.idx.msk $0xffff, v6  }
0x68c: {  	v6 =	vld.idx.msk [tilespmem:v8+s18+$0x0], $0xffff;
	_ =	sdelay $0x2  }
0x68d: {  	v7 =	vor.u32 $0x7, v2;
	_ =	sdelay $0x1  }
0x68e: {  	v6 =	vmul.f32 v6, v4;
	_ =	sdelay $0x1  }
0x68f: {  	[tilespmem:v8+s18+$0x0] =	vst.idx.msk $0xffff, v6  }
0x690: {  	v6 =	vld.idx.msk [tilespmem:v7+s18+$0x0], $0xffff;
	_ =	sdelay $0x2  }
0x691: {  	v8 =	vor.u32 $0x8, v2;
	_ =	sdelay $0x1  }
0x692: {  	v6 =	vmul.f32 v6, v4;
	_ =	sdelay $0x1  }
0x693: {  	[tilespmem:v7+s18+$0x0] =	vst.idx.msk $0xffff, v6  }
0x694: {  	v6 =	vld.idx.msk [tilespmem:v8+s18+$0x0], $0xffff;
	_ =	sdelay $0x2  }
0x695: {  	v7 =	vor.u32 $0x9, v2;
	_ =	sdelay $0x1  }
0x696: {  	v6 =	vmul.f32 v6, v4;
	_ =	sdelay $0x1  }
0x697: {  	[tilespmem:v8+s18+$0x0] =	vst.idx.msk $0xffff, v6  }
0x698: {  	v6 =	vld.idx.msk [tilespmem:v7+s18+$0x0], $0xffff;
	_ =	sdelay $0x2  }
0x699: {  	v8 =	vor.u32 $0xA, v2;
	_ =	sdelay $0x1  }
0x69a: {  	v6 =	vmul.f32 v6, v4;
	_ =	sdelay $0x1  }
0x69b: {  	[tilespmem:v7+s18+$0x0] =	vst.idx.msk $0xffff, v6  }
0x69c: {  	v6 =	vld.idx.msk [tilespmem:v8+s18+$0x0], $0xffff;
	_ =	sdelay $0x2  }
0x69d: {  	v7 =	vor.u32 $0xB, v2;
	_ =	sdelay $0x1  }
0x69e: {  	v6 =	vmul.f32 v6, v4;
	_ =	sdelay $0x1  }
0x69f: {  	[tilespmem:v8+s18+$0x0] =	vst.idx.msk $0xffff, v6  }
0x6a0: {  	v6 =	vld.idx.msk [tilespmem:v7+s18+$0x0], $0xffff;
	_ =	sdelay $0x2  }
0x6a1: {  	v8 =	vor.u32 $0xC, v2;
	_ =	sdelay $0x1  }
0x6a2: {  	v6 =	vmul.f32 v6, v4;
	_ =	sdelay $0x1  }
0x6a3: {  	[tilespmem:v7+s18+$0x0] =	vst.idx.msk $0xffff, v6  }
0x6a4: {  	v6 =	vld.idx.msk [tilespmem:v8+s18+$0x0], $0xffff;
	_ =	sdelay $0x2  }
0x6a5: {  	v7 =	vor.u32 $0xD, v2;
	_ =	sdelay $0x1  }
0x6a6: {  	v6 =	vmul.f32 v6, v4;
	_ =	sdelay $0x1  }
0x6a7: {  	[tilespmem:v8+s18+$0x0] =	vst.idx.msk $0xffff, v6  }
0x6a8: {  	v6 =	vld.idx.msk [tilespmem:v7+s18+$0x0], $0xffff;
	_ =	sdelay $0x2  }
0x6a9: {  	v8 =	vor.u32 $0xE, v2;
	_ =	sdelay $0x1  }
0x6aa: {  	v6 =	vmul.f32 v6, v4;
	_ =	sdelay $0x1  }
0x6ab: {  	[tilespmem:v7+s18+$0x0] =	vst.idx.msk $0xffff, v6  }
0x6ac: {  	v6 =	vld.idx.msk [tilespmem:v8+s18+$0x0], $0xffff;
	_ =	sdelay $0x2  }
0x6ad: {  	v7 =	vor.u32 $0xF, v2;
	_ =	sdelay $0x1  }
0x6ae: {  	v6 =	vmul.f32 v6, v4;
	_ =	sdelay $0x1  }
0x6af: {  	[tilespmem:v8+s18+$0x0] =	vst.idx.msk $0xffff, v6  }
0x6b0: {  	v6 =	vld.idx.msk [tilespmem:v7+s18+$0x0], $0xffff;
	_ =	sdelay $0x2  }
0x6b1: {  	v8 =	vor.u32 $0x10, v2;
	_ =	sdelay $0x1  }
0x6b2: {  	v4 =	vmul.f32 v6, v4;
	_ =	sdelay $0x1  }
0x6b3: {  	[tilespmem:v7+s18+$0x0] =	vst.idx.msk $0xffff, v4  }
0x6b4: {  	v4 =	vld.idx.msk [tilespmem:v8+s18+$0x0], $0xffff;
	_ =	sdelay $0x2  }
0x6b5: {  	v3 =	vmul.f32 v5, v3;
	v5 =	vor.u32 $0x11, v2;
	_ =	sdelay $0x1  }
0x6b6: {  	v4 =	vmul.f32 v4, v3;
	_ =	sdelay $0x1  }
0x6b7: {  	[tilespmem:v8+s18+$0x0] =	vst.idx.msk $0xffff, v4  }
0x6b8: {  	v4 =	vld.idx.msk [tilespmem:v5+s18+$0x0], $0xffff;
	_ =	sdelay $0x2  }
0x6b9: {  	v6 =	vor.u32 $0x12, v2;
	_ =	sdelay $0x1  }
0x6ba: {  	v4 =	vmul.f32 v4, v3;
	_ =	sdelay $0x1  }
0x6bb: {  	[tilespmem:v5+s18+$0x0] =	vst.idx.msk $0xffff, v4  }
0x6bc: {  	v4 =	vld.idx.msk [tilespmem:v6+s18+$0x0], $0xffff;
	_ =	sdelay $0x2  }
0x6bd: {  	v5 =	vor.u32 $0x13, v2;
	_ =	sdelay $0x1  }
0x6be: {  	v4 =	vmul.f32 v4, v3;
	_ =	sdelay $0x1  }
0x6bf: {  	[tilespmem:v6+s18+$0x0] =	vst.idx.msk $0xffff, v4  }
0x6c0: {  	v4 =	vld.idx.msk [tilespmem:v5+s18+$0x0], $0xffff;
	_ =	sdelay $0x2  }
0x6c1: {  	v6 =	vor.u32 $0x14, v2;
	_ =	sdelay $0x1  }
0x6c2: {  	v4 =	vmul.f32 v4, v3;
	_ =	sdelay $0x1  }
0x6c3: {  	[tilespmem:v5+s18+$0x0] =	vst.idx.msk $0xffff, v4  }
0x6c4: {  	v4 =	vld.idx.msk [tilespmem:v6+s18+$0x0], $0xffff;
	_ =	sdelay $0x2  }
0x6c5: {  	v5 =	vor.u32 $0x15, v2;
	_ =	sdelay $0x1  }
0x6c6: {  	v4 =	vmul.f32 v4, v3;
	_ =	sdelay $0x1  }
0x6c7: {  	[tilespmem:v6+s18+$0x0] =	vst.idx.msk $0xffff, v4  }
0x6c8: {  	v4 =	vld.idx.msk [tilespmem:v5+s18+$0x0], $0xffff;
	_ =	sdelay $0x2  }
0x6c9: {  	v6 =	vor.u32 $0x16, v2;
	_ =	sdelay $0x1  }
0x6ca: {  	v4 =	vmul.f32 v4, v3;
	_ =	sdelay $0x1  }
0x6cb: {  	[tilespmem:v5+s18+$0x0] =	vst.idx.msk $0xffff, v4  }
0x6cc: {  	v4 =	vld.idx.msk [tilespmem:v6+s18+$0x0], $0xffff;
	_ =	sdelay $0x2  }
0x6cd: {  	v5 =	vor.u32 $0x17, v2;
	_ =	sdelay $0x1  }
0x6ce: {  	v4 =	vmul.f32 v4, v3;
	_ =	sdelay $0x1  }
0x6cf: {  	[tilespmem:v6+s18+$0x0] =	vst.idx.msk $0xffff, v4  }
0x6d0: {  	v4 =	vld.idx.msk [tilespmem:v5+s18+$0x0], $0xffff;
	_ =	sdelay $0x2  }
0x6d1: {  	v6 =	vor.u32 $0x18, v2;
	_ =	sdelay $0x1  }
0x6d2: {  	v4 =	vmul.f32 v4, v3;
	_ =	sdelay $0x1  }
0x6d3: {  	[tilespmem:v5+s18+$0x0] =	vst.idx.msk $0xffff, v4  }
0x6d4: {  	v4 =	vld.idx.msk [tilespmem:v6+s18+$0x0], $0xffff;
	_ =	sdelay $0x2  }
0x6d5: {  	v5 =	vor.u32 $0x19, v2;
	_ =	sdelay $0x1  }
0x6d6: {  	v4 =	vmul.f32 v4, v3;
	_ =	sdelay $0x1  }
0x6d7: {  	[tilespmem:v6+s18+$0x0] =	vst.idx.msk $0xffff, v4  }
0x6d8: {  	v4 =	vld.idx.msk [tilespmem:v5+s18+$0x0], $0xffff;
	_ =	sdelay $0x2  }
0x6d9: {  	v6 =	vor.u32 $0x1A, v2;
	_ =	sdelay $0x1  }
0x6da: {  	v4 =	vmul.f32 v4, v3;
	_ =	sdelay $0x1  }
0x6db: {  	[tilespmem:v5+s18+$0x0] =	vst.idx.msk $0xffff, v4  }
0x6dc: {  	v4 =	vld.idx.msk [tilespmem:v6+s18+$0x0], $0xffff;
	_ =	sdelay $0x2  }
0x6dd: {  	v5 =	vor.u32 $0x1B, v2;
	_ =	sdelay $0x1  }
0x6de: {  	v4 =	vmul.f32 v4, v3;
	_ =	sdelay $0x1  }
0x6df: {  	[tilespmem:v6+s18+$0x0] =	vst.idx.msk $0xffff, v4  }
0x6e0: {  	v4 =	vld.idx.msk [tilespmem:v5+s18+$0x0], $0xffff;
	_ =	sdelay $0x2  }
0x6e1: {  	v6 =	vor.u32 $0x1C, v2;
	_ =	sdelay $0x1  }
0x6e2: {  	v4 =	vmul.f32 v4, v3;
	_ =	sdelay $0x1  }
0x6e3: {  	[tilespmem:v5+s18+$0x0] =	vst.idx.msk $0xffff, v4  }
0x6e4: {  	v4 =	vld.idx.msk [tilespmem:v6+s18+$0x0], $0xffff;
	_ =	sdelay $0x2  }
0x6e5: {  	v5 =	vor.u32 $0x1D, v2;
	_ =	sdelay $0x1  }
0x6e6: {  	v4 =	vmul.f32 v4, v3;
	_ =	sdelay $0x1  }
0x6e7: {  	[tilespmem:v6+s18+$0x0] =	vst.idx.msk $0xffff, v4  }
0x6e8: {  	v4 =	vld.idx.msk [tilespmem:v5+s18+$0x0], $0xffff;
	_ =	sdelay $0x2  }
0x6e9: {  	v6 =	vor.u32 $0x1E, v2;
	_ =	sdelay $0x1  }
0x6ea: {  	v4 =	vmul.f32 v4, v3;
	_ =	sdelay $0x1  }
0x6eb: {  	[tilespmem:v5+s18+$0x0] =	vst.idx.msk $0xffff, v4  }
0x6ec: {  	v5 =	vld.idx.msk [tilespmem:v6+s18+$0x0], $0xffff;
	_ =	sdelay $0x2  }
0x6ed: {  	v4 =	vor.u32 $0x1F, v2;
	_ =	sdelay $0x1  }
0x6ee: {  	v2 =	vmul.f32 v5, v3;
	_ =	sdelay $0x1  }
0x6ef: {  	[tilespmem:v6+s18+$0x0] =	vst.idx.msk $0xffff, v2  }
0x6f0: {  	v7 =	vld.idx.msk [tilespmem:v4+s18+$0x0], $0xffff  }
0x6f1: {  	s31 =	simm.s32 $0x10  }
0x6f2: {  	v2 =	vor.u32 s31, v0  }
0x6f3: {  	v5 =	vshll.u32 v2, $0x3;
	_ =	sdelay $0x1  }
0x6f4: {  	s23 =	simm.s32 $0x20;
	v2 =	vshll.u32 v2, $0x5;
	v6 =	vor.u32 $0x1, v5;
	v3 =	vmul.f32 v7, v3  }
.LBB2_13:
0x6f5: {  	p1 =	sne.s32 s23, $0x90;
	s31 =	smov.u32 s23;
	s23 =	sadd.s32 $0x10, s23  }
0x6f6: {  	[tilespmem:v4+s18+$0x0] =	vst.idx.msk $0xffff, v3  }
0x6f7: {  	v3 =	vld.idx.msk [tilespmem:v5+s16+$0x0], $0xffff  }
0x6f8: {  	v4 =	vld.idx.msk [tilespmem:v5+s17+$0x0], $0xffff  }
0x6f9: {  	v7 =	vld.idx.msk [tilespmem:v2+s18+$0x0], $0xffff;
	_ =	sdelay $0x3  }
0x6fa: {  	v8 =	vor.u32 $0x1, v2  }
0x6fb: {  	v5 =	vmul.f32 v4, v3  }
0x6fc: {  	v3 =	vld.idx.msk [tilespmem:v6+s17+$0x0], $0xffff  }
0x6fd: {  	v4 =	vld.idx.msk [tilespmem:v6+s16+$0x0], $0xffff;
	v6 =	vmul.f32 v7, v5;
	_ =	sdelay $0x1  }
0x6fe: {  	[tilespmem:v2+s18+$0x0] =	vst.idx.msk $0xffff, v6  }
0x6ff: {  	v6 =	vld.idx.msk [tilespmem:v8+s18+$0x0], $0xffff;
	_ =	sdelay $0x2  }
0x700: {  	v7 =	vor.u32 $0x2, v2;
	_ =	sdelay $0x2  }
0x701: {  	v6 =	vmul.f32 v6, v5;
	_ =	sdelay $0x1  }
0x702: {  	[tilespmem:v8+s18+$0x0] =	vst.idx.msk $0xffff, v6  }
0x703: {  	v6 =	vld.idx.msk [tilespmem:v7+s18+$0x0], $0xffff;
	_ =	sdelay $0x2  }
0x704: {  	v8 =	vor.u32 $0x3, v2;
	_ =	sdelay $0x2  }
0x705: {  	v6 =	vmul.f32 v6, v5;
	_ =	sdelay $0x1  }
0x706: {  	[tilespmem:v7+s18+$0x0] =	vst.idx.msk $0xffff, v6  }
0x707: {  	v6 =	vld.idx.msk [tilespmem:v8+s18+$0x0], $0xffff;
	_ =	sdelay $0x2  }
0x708: {  	v7 =	vor.u32 $0x4, v2;
	_ =	sdelay $0x2  }
0x709: {  	v6 =	vmul.f32 v6, v5;
	_ =	sdelay $0x1  }
0x70a: {  	[tilespmem:v8+s18+$0x0] =	vst.idx.msk $0xffff, v6  }
0x70b: {  	v6 =	vld.idx.msk [tilespmem:v7+s18+$0x0], $0xffff;
	_ =	sdelay $0x2  }
0x70c: {  	v8 =	vor.u32 $0x5, v2;
	_ =	sdelay $0x2  }
0x70d: {  	v6 =	vmul.f32 v6, v5;
	_ =	sdelay $0x1  }
0x70e: {  	[tilespmem:v7+s18+$0x0] =	vst.idx.msk $0xffff, v6  }
0x70f: {  	v6 =	vld.idx.msk [tilespmem:v8+s18+$0x0], $0xffff;
	_ =	sdelay $0x2  }
0x710: {  	v7 =	vor.u32 $0x6, v2;
	_ =	sdelay $0x2  }
0x711: {  	v6 =	vmul.f32 v6, v5;
	_ =	sdelay $0x1  }
0x712: {  	[tilespmem:v8+s18+$0x0] =	vst.idx.msk $0xffff, v6  }
0x713: {  	v6 =	vld.idx.msk [tilespmem:v7+s18+$0x0], $0xffff;
	_ =	sdelay $0x2  }
0x714: {  	v8 =	vor.u32 $0x7, v2;
	_ =	sdelay $0x2  }
0x715: {  	v6 =	vmul.f32 v6, v5;
	_ =	sdelay $0x1  }
0x716: {  	[tilespmem:v7+s18+$0x0] =	vst.idx.msk $0xffff, v6  }
0x717: {  	v6 =	vld.idx.msk [tilespmem:v8+s18+$0x0], $0xffff;
	_ =	sdelay $0x2  }
0x718: {  	v7 =	vor.u32 $0x8, v2;
	_ =	sdelay $0x2  }
0x719: {  	v6 =	vmul.f32 v6, v5;
	_ =	sdelay $0x1  }
0x71a: {  	[tilespmem:v8+s18+$0x0] =	vst.idx.msk $0xffff, v6  }
0x71b: {  	v6 =	vld.idx.msk [tilespmem:v7+s18+$0x0], $0xffff;
	_ =	sdelay $0x2  }
0x71c: {  	v8 =	vor.u32 $0x9, v2;
	_ =	sdelay $0x2  }
0x71d: {  	v6 =	vmul.f32 v6, v5;
	_ =	sdelay $0x1  }
0x71e: {  	[tilespmem:v7+s18+$0x0] =	vst.idx.msk $0xffff, v6  }
0x71f: {  	v6 =	vld.idx.msk [tilespmem:v8+s18+$0x0], $0xffff;
	_ =	sdelay $0x2  }
0x720: {  	v7 =	vor.u32 $0xA, v2;
	_ =	sdelay $0x2  }
0x721: {  	v6 =	vmul.f32 v6, v5;
	_ =	sdelay $0x1  }
0x722: {  	[tilespmem:v8+s18+$0x0] =	vst.idx.msk $0xffff, v6  }
0x723: {  	v6 =	vld.idx.msk [tilespmem:v7+s18+$0x0], $0xffff;
	_ =	sdelay $0x2  }
0x724: {  	v8 =	vor.u32 $0xB, v2;
	_ =	sdelay $0x2  }
0x725: {  	v6 =	vmul.f32 v6, v5;
	_ =	sdelay $0x1  }
0x726: {  	[tilespmem:v7+s18+$0x0] =	vst.idx.msk $0xffff, v6  }
0x727: {  	v6 =	vld.idx.msk [tilespmem:v8+s18+$0x0], $0xffff;
	_ =	sdelay $0x2  }
0x728: {  	v7 =	vor.u32 $0xC, v2;
	_ =	sdelay $0x2  }
0x729: {  	v6 =	vmul.f32 v6, v5;
	_ =	sdelay $0x1  }
0x72a: {  	[tilespmem:v8+s18+$0x0] =	vst.idx.msk $0xffff, v6  }
0x72b: {  	v6 =	vld.idx.msk [tilespmem:v7+s18+$0x0], $0xffff;
	_ =	sdelay $0x2  }
0x72c: {  	v8 =	vor.u32 $0xD, v2;
	_ =	sdelay $0x2  }
0x72d: {  	v6 =	vmul.f32 v6, v5;
	_ =	sdelay $0x1  }
0x72e: {  	[tilespmem:v7+s18+$0x0] =	vst.idx.msk $0xffff, v6  }
0x72f: {  	v6 =	vld.idx.msk [tilespmem:v8+s18+$0x0], $0xffff;
	_ =	sdelay $0x2  }
0x730: {  	v7 =	vor.u32 $0xE, v2;
	_ =	sdelay $0x2  }
0x731: {  	v6 =	vmul.f32 v6, v5;
	_ =	sdelay $0x1  }
0x732: {  	[tilespmem:v8+s18+$0x0] =	vst.idx.msk $0xffff, v6  }
0x733: {  	v6 =	vld.idx.msk [tilespmem:v7+s18+$0x0], $0xffff;
	_ =	sdelay $0x2  }
0x734: {  	v8 =	vor.u32 $0xF, v2;
	_ =	sdelay $0x2  }
0x735: {  	v6 =	vmul.f32 v6, v5;
	_ =	sdelay $0x1  }
0x736: {  	[tilespmem:v7+s18+$0x0] =	vst.idx.msk $0xffff, v6  }
0x737: {  	v6 =	vld.idx.msk [tilespmem:v8+s18+$0x0], $0xffff;
	_ =	sdelay $0x2  }
0x738: {  	v7 =	vor.u32 $0x10, v2;
	_ =	sdelay $0x2  }
0x739: {  	v5 =	vmul.f32 v6, v5;
	_ =	sdelay $0x1  }
0x73a: {  	[tilespmem:v8+s18+$0x0] =	vst.idx.msk $0xffff, v5  }
0x73b: {  	v5 =	vld.idx.msk [tilespmem:v7+s18+$0x0], $0xffff;
	_ =	sdelay $0x2  }
0x73c: {  	v3 =	vmul.f32 v3, v4;
	v4 =	vor.u32 $0x11, v2;
	_ =	sdelay $0x2  }
0x73d: {  	v5 =	vmul.f32 v5, v3;
	_ =	sdelay $0x1  }
0x73e: {  	[tilespmem:v7+s18+$0x0] =	vst.idx.msk $0xffff, v5  }
0x73f: {  	v5 =	vld.idx.msk [tilespmem:v4+s18+$0x0], $0xffff;
	_ =	sdelay $0x2  }
0x740: {  	v6 =	vor.u32 $0x12, v2;
	_ =	sdelay $0x2  }
0x741: {  	v5 =	vmul.f32 v5, v3;
	_ =	sdelay $0x1  }
0x742: {  	[tilespmem:v4+s18+$0x0] =	vst.idx.msk $0xffff, v5  }
0x743: {  	v4 =	vld.idx.msk [tilespmem:v6+s18+$0x0], $0xffff;
	_ =	sdelay $0x2  }
0x744: {  	v5 =	vor.u32 $0x13, v2;
	_ =	sdelay $0x2  }
0x745: {  	v4 =	vmul.f32 v4, v3;
	_ =	sdelay $0x1  }
0x746: {  	[tilespmem:v6+s18+$0x0] =	vst.idx.msk $0xffff, v4  }
0x747: {  	v4 =	vld.idx.msk [tilespmem:v5+s18+$0x0], $0xffff;
	_ =	sdelay $0x2  }
0x748: {  	v6 =	vor.u32 $0x14, v2;
	_ =	sdelay $0x2  }
0x749: {  	v4 =	vmul.f32 v4, v3;
	_ =	sdelay $0x1  }
0x74a: {  	[tilespmem:v5+s18+$0x0] =	vst.idx.msk $0xffff, v4  }
0x74b: {  	v4 =	vld.idx.msk [tilespmem:v6+s18+$0x0], $0xffff;
	_ =	sdelay $0x2  }
0x74c: {  	v5 =	vor.u32 $0x15, v2;
	_ =	sdelay $0x2  }
0x74d: {  	v4 =	vmul.f32 v4, v3;
	_ =	sdelay $0x1  }
0x74e: {  	[tilespmem:v6+s18+$0x0] =	vst.idx.msk $0xffff, v4  }
0x74f: {  	v4 =	vld.idx.msk [tilespmem:v5+s18+$0x0], $0xffff;
	_ =	sdelay $0x2  }
0x750: {  	v6 =	vor.u32 $0x16, v2;
	_ =	sdelay $0x2  }
0x751: {  	v4 =	vmul.f32 v4, v3;
	_ =	sdelay $0x1  }
0x752: {  	[tilespmem:v5+s18+$0x0] =	vst.idx.msk $0xffff, v4  }
0x753: {  	v4 =	vld.idx.msk [tilespmem:v6+s18+$0x0], $0xffff;
	_ =	sdelay $0x2  }
0x754: {  	v5 =	vor.u32 $0x17, v2;
	_ =	sdelay $0x2  }
0x755: {  	v4 =	vmul.f32 v4, v3;
	_ =	sdelay $0x1  }
0x756: {  	[tilespmem:v6+s18+$0x0] =	vst.idx.msk $0xffff, v4  }
0x757: {  	v4 =	vld.idx.msk [tilespmem:v5+s18+$0x0], $0xffff;
	_ =	sdelay $0x2  }
0x758: {  	v6 =	vor.u32 $0x18, v2;
	_ =	sdelay $0x2  }
0x759: {  	v4 =	vmul.f32 v4, v3;
	_ =	sdelay $0x1  }
0x75a: {  	[tilespmem:v5+s18+$0x0] =	vst.idx.msk $0xffff, v4  }
0x75b: {  	v4 =	vld.idx.msk [tilespmem:v6+s18+$0x0], $0xffff;
	_ =	sdelay $0x2  }
0x75c: {  	v5 =	vor.u32 $0x19, v2;
	_ =	sdelay $0x2  }
0x75d: {  	v4 =	vmul.f32 v4, v3;
	_ =	sdelay $0x1  }
0x75e: {  	[tilespmem:v6+s18+$0x0] =	vst.idx.msk $0xffff, v4  }
0x75f: {  	v4 =	vld.idx.msk [tilespmem:v5+s18+$0x0], $0xffff;
	_ =	sdelay $0x2  }
0x760: {  	v6 =	vor.u32 $0x1A, v2;
	_ =	sdelay $0x2  }
0x761: {  	v4 =	vmul.f32 v4, v3;
	_ =	sdelay $0x1  }
0x762: {  	[tilespmem:v5+s18+$0x0] =	vst.idx.msk $0xffff, v4  }
0x763: {  	v4 =	vld.idx.msk [tilespmem:v6+s18+$0x0], $0xffff;
	_ =	sdelay $0x2  }
0x764: {  	v5 =	vor.u32 $0x1B, v2;
	_ =	sdelay $0x2  }
0x765: {  	v4 =	vmul.f32 v4, v3;
	_ =	sdelay $0x1  }
0x766: {  	[tilespmem:v6+s18+$0x0] =	vst.idx.msk $0xffff, v4  }
0x767: {  	v4 =	vld.idx.msk [tilespmem:v5+s18+$0x0], $0xffff;
	_ =	sdelay $0x2  }
0x768: {  	v6 =	vor.u32 $0x1C, v2;
	_ =	sdelay $0x2  }
0x769: {  	v4 =	vmul.f32 v4, v3;
	_ =	sdelay $0x1  }
0x76a: {  	[tilespmem:v5+s18+$0x0] =	vst.idx.msk $0xffff, v4  }
0x76b: {  	v4 =	vld.idx.msk [tilespmem:v6+s18+$0x0], $0xffff;
	_ =	sdelay $0x2  }
0x76c: {  	v5 =	vor.u32 $0x1D, v2;
	_ =	sdelay $0x2  }
0x76d: {  	v4 =	vmul.f32 v4, v3;
	_ =	sdelay $0x1  }
0x76e: {  	[tilespmem:v6+s18+$0x0] =	vst.idx.msk $0xffff, v4  }
0x76f: {  	v4 =	vld.idx.msk [tilespmem:v5+s18+$0x0], $0xffff;
	_ =	sdelay $0x2  }
0x770: {  	v6 =	vor.u32 $0x1E, v2;
	_ =	sdelay $0x2  }
0x771: {  	v4 =	vmul.f32 v4, v3;
	_ =	sdelay $0x1  }
0x772: {  	[tilespmem:v5+s18+$0x0] =	vst.idx.msk $0xffff, v4  }
0x773: {  	v5 =	vld.idx.msk [tilespmem:v6+s18+$0x0], $0xffff;
	_ =	sdelay $0x2  }
0x774: {  	v4 =	vor.u32 $0x1F, v2;
	_ =	sdelay $0x2  }
0x775: {  	v2 =	vmul.f32 v5, v3;
	_ =	sdelay $0x1  }
0x776: {  	[tilespmem:v6+s18+$0x0] =	vst.idx.msk $0xffff, v2  }
0x777: {  	v7 =	vld.idx.msk [tilespmem:v4+s18+$0x0], $0xffff;
	_ =	sdelay $0x1  }
.Ltmp19:
0x778: {  	(pc) =	sbr.rel @p1 .LBB2_13-.Ltmp19, $4  }
0x779: {  	v2 =	vor.u32 s31, v0  }
0x77a: {  	v5 =	vshll.u32 v2, $0x3  }
0x77b: {  	v6 =	vor.u32 $0x1, v5  }
0x77c: {  	v2 =	vshll.u32 v2, $0x5;
	v3 =	vmul.f32 v7, v3  }
.Ltmp20:
0x77d: {  	_ = 	snop;
	(pc) =	sbr.rel .LBB2_14-.Ltmp20, $1  }
0x77e: {  	_ =	sdelay $0x3  }
.LBB2_33:
0x77f: {  	s0 =	sadd.s32 $0x0, s5;
	[bflag:$0x0] =	sbarrier.arrive $0xFFFF  }
0x780: {  	p1 =	sgt.u32 s0, $0xF9;
	s22 =	rddreg [dreg:$0xd]  }
0x781: {  	s0 =	simm.s32 @!p1 $0x3FC0;
	s3 =	simm.s32 @!p1 $0x6;
	p1 =	por p1, p1  }
0x782: {  	[tilespmem:s0], [sflag:$0x6] =	stream.linear.gather @!p1 [spmem:s22], $0x1900, $0x38;
	[tilespmem:$0x1DFA0] =	vst v63  }
0x783: {  	_ =	swait.ge @!p1 [sflag:s3], $0x1900  }
0x784: {  	s24 =	simm.s32 $0x20;
	s31 =	simm.s32 @!p1 $0x5;
	[sflag:s3] =	ssyncset.done @!p1 $0x0  }
0x785: {  	s23 =	rddreg [dreg:$0xf];
	[sflag:s3] =	ssyncadd.s32 @!p1 $0xFFFFE700;
	s3 =	simm.s32 @!p1 $0x0  }
0x786: {  	[hbm4b:s23+s3] =	stream.linear.scatter @!p1 [tilespmem:s0], [sflag:$0x5], $0x1900, $0x38;
	[tilespmem:$0x1DFA0] =	vst v63  }
0x787: {  	s25 =	sadd.s32 $0x19000, s22;
	s3 =	sadd.s32 $0x10, s5;
	_ =	swait.ge @!p1 [sflag:s31], $0x1900  }
0x788: {  	s23 =	sadd.s32 $0x3200, s23;
	p2 =	sgt.u32 s3, $0xF9;
	[sflag:s31] =	ssyncset.done @!p1 $0x0  }
.LBB2_34:
0x789: {  	s0 =	simm.s32 @!p2 $0x3FC0;
	s3 =	simm.s32 @!p2 $0x6;
	[sflag:s31] =	ssyncadd.s32 @!p1 $0xFFFFE700  }
0x78a: {  	s22 =	smov.u32 s24;
	p1 =	por p2, p2;
	s24 =	sadd.s32 $0x10, s24  }
0x78b: {  	[tilespmem:s0], [sflag:$0x6] =	stream.linear.gather @!p1 [spmem:s25], $0x1900, $0x38;
	[tilespmem:$0x1DFA0] =	vst v63  }
0x78c: {  	p3 =	sne.s32 s24, $0x100;
	_ =	swait.ge @!p1 [sflag:s3], $0x1900  }
.Ltmp21:
0x78d: {  	[sflag:s3] =	ssyncset.done @!p1 $0x0;
	(pc) =	sbr.rel @p3 .LBB2_34-.Ltmp21, $4  }
0x78e: {  	s31 =	simm.s32 @!p1 $0x5;
	[sflag:s3] =	ssyncadd.s32 @!p1 $0xFFFFE700;
	s3 =	simm.s32 @!p1 $0x0  }
0x78f: {  	[hbm4b:s23+s3] =	stream.linear.scatter @!p1 [tilespmem:s0], [sflag:$0x5], $0x1900, $0x38;
	[tilespmem:$0x1DFA0] =	vst v63  }
0x790: {  	s25 =	sadd.s32 $0x19000, s25;
	s0 =	sadd.s32 s22, s5;
	_ =	swait.ge @!p1 [sflag:s31], $0x1900  }
0x791: {  	s23 =	sadd.s32 $0x3200, s23;
	p2 =	sgt.u32 s0, $0xF9;
	[sflag:s31] =	ssyncset.done @!p1 $0x0  }
0x792: {  	s0 =	simm.s32 @!p2 $0x3FC0  }
0x793: {  	s3 =	simm.s32 @!p2 $0x6;
	[sflag:s31] =	ssyncadd.s32 @!p1 $0xFFFFE700;
	p1 =	por p2, p2  }
0x794: {  	[tilespmem:s0], [sflag:$0x6] =	stream.linear.gather @!p1 [spmem:s25], $0x1900, $0x38;
	[tilespmem:$0x1DFA0] =	vst v63  }
0x795: {  	_ =	swait.ge @!p1 [sflag:s3], $0x1900  }
0x796: {  	s22 =	simm.s32 @!p1 $0x5;
	[sflag:s3] =	ssyncset.done @!p1 $0x0  }
.Ltmp22:
0x797: {  	[sflag:s3] =	ssyncadd.s32 @!p1 $0xFFFFE700;
	s3 =	simm.s32 @!p1 $0x0;
	(pc) =	sbr.rel .LBB2_36-.Ltmp22, $4  }
0x798: {  	[hbm4b:s23+s3] =	stream.linear.scatter @!p1 [tilespmem:s0], [sflag:$0x5], $0x1900, $0x38;
	[tilespmem:$0x1DFA0] =	vst v63  }
0x799: {  	_ =	swait.ge @!p1 [sflag:s22], $0x1900  }
0x79a: {  	[sflag:s22] =	ssyncset.done @!p1 $0x0  }
0x79b: {  	s3 =	rddreg [dreg:$0x10];
	[sflag:s22] =	ssyncadd.s32 @!p1 $0xFFFFE700  }
.LBB2_16:
0x79c: {  	s0 =	sadd.s32 $0x0, s5;
	[bflag:$0x0] =	sbarrier.arrive $0xFFFF  }
0x79d: {  	p1 =	sgt.u32 s0, $0xF9;
	s22 =	rddreg [dreg:$0xd]  }
0x79e: {  	s0 =	simm.s32 @!p1 $0x3FC0;
	s3 =	simm.s32 @!p1 $0x6;
	p1 =	por p1, p1  }
0x79f: {  	[tilespmem:s0], [sflag:$0x6] =	stream.linear.gather @!p1 [spmem:s22], $0x1900, $0x38;
	[tilespmem:$0x1DFA0] =	vst v63  }
0x7a0: {  	_ =	swait.ge @!p1 [sflag:s3], $0x1900  }
0x7a1: {  	s24 =	simm.s32 $0x20;
	s31 =	simm.s32 @!p1 $0x5;
	[sflag:s3] =	ssyncset.done @!p1 $0x0  }
0x7a2: {  	s23 =	rddreg [dreg:$0xe];
	[sflag:s3] =	ssyncadd.s32 @!p1 $0xFFFFE700;
	s3 =	simm.s32 @!p1 $0x0  }
0x7a3: {  	[hbm4b:s23+s3] =	stream.linear.scatter @!p1 [tilespmem:s0], [sflag:$0x5], $0x1900, $0x38;
	[tilespmem:$0x1DFA0] =	vst v63  }
0x7a4: {  	s25 =	sadd.s32 $0x19000, s22;
	s3 =	sadd.s32 $0x10, s5;
	_ =	swait.ge @!p1 [sflag:s31], $0x1900  }
0x7a5: {  	s23 =	sadd.s32 $0x3200, s23;
	p2 =	sgt.u32 s3, $0xF9;
	[sflag:s31] =	ssyncset.done @!p1 $0x0  }
.LBB2_17:
0x7a6: {  	s0 =	simm.s32 @!p2 $0x3FC0;
	s3 =	simm.s32 @!p2 $0x6;
	[sflag:s31] =	ssyncadd.s32 @!p1 $0xFFFFE700  }
0x7a7: {  	s22 =	smov.u32 s24;
	p1 =	por p2, p2;
	s24 =	sadd.s32 $0x10, s24  }
0x7a8: {  	[tilespmem:s0], [sflag:$0x6] =	stream.linear.gather @!p1 [spmem:s25], $0x1900, $0x38;
	[tilespmem:$0x1DFA0] =	vst v63  }
0x7a9: {  	p3 =	seq.s32 s24, $0x100;
	_ =	swait.ge @!p1 [sflag:s3], $0x1900  }
.Ltmp23:
0x7aa: {  	[sflag:s3] =	ssyncset.done @!p1 $0x0;
	(pc) =	sbr.rel @!p3 .LBB2_17-.Ltmp23, $4  }
0x7ab: {  	s31 =	simm.s32 @!p1 $0x5;
	[sflag:s3] =	ssyncadd.s32 @!p1 $0xFFFFE700;
	s3 =	simm.s32 @!p1 $0x0  }
0x7ac: {  	[hbm4b:s23+s3] =	stream.linear.scatter @!p1 [tilespmem:s0], [sflag:$0x5], $0x1900, $0x38;
	[tilespmem:$0x1DFA0] =	vst v63  }
0x7ad: {  	s25 =	sadd.s32 $0x19000, s25;
	s0 =	sadd.s32 s22, s5;
	_ =	swait.ge @!p1 [sflag:s31], $0x1900  }
0x7ae: {  	s23 =	sadd.s32 $0x3200, s23;
	p2 =	sgt.u32 s0, $0xF9;
	[sflag:s31] =	ssyncset.done @!p1 $0x0  }
0x7af: {  	s0 =	simm.s32 @!p2 $0x3FC0  }
0x7b0: {  	s3 =	simm.s32 @!p2 $0x6;
	[sflag:s31] =	ssyncadd.s32 @!p1 $0xFFFFE700;
	p1 =	por p2, p2  }
0x7b1: {  	[tilespmem:s0], [sflag:$0x6] =	stream.linear.gather @!p1 [spmem:s25], $0x1900, $0x38;
	[tilespmem:$0x1DFA0] =	vst v63  }
0x7b2: {  	_ =	swait.ge @!p1 [sflag:s3], $0x1900  }
0x7b3: {  	s22 =	simm.s32 @!p1 $0x5;
	[sflag:s3] =	ssyncset.done @!p1 $0x0  }
.Ltmp24:
0x7b4: {  	[sflag:s3] =	ssyncadd.s32 @!p1 $0xFFFFE700;
	s3 =	simm.s32 @!p1 $0x0;
	(pc) =	sbr.rel .LBB2_36-.Ltmp24, $4  }
0x7b5: {  	[hbm4b:s23+s3] =	stream.linear.scatter @!p1 [tilespmem:s0], [sflag:$0x5], $0x1900, $0x38;
	[tilespmem:$0x1DFA0] =	vst v63  }
0x7b6: {  	_ =	swait.ge @!p1 [sflag:s22], $0x1900  }
0x7b7: {  	[sflag:s22] =	ssyncset.done @!p1 $0x0  }
0x7b8: {  	s3 =	rddreg [dreg:$0x10];
	[sflag:s22] =	ssyncadd.s32 @!p1 $0xFFFFE700  }
.LBB2_37:
0x7b9: {  	_ =	sfence.sel $0x180000  }
0x7ba: {  	[bflag:$0x0] =	sbarrier.arrive $0xFFFF  }
0x7bb: {  	_ =	strace $0x9000004A  }
0x7bc: {  	[bflag:$0x2] =	sbarrier.arrive $0xFFFF  }
0x7bd: {  	p0 =	sne.s32 s5, $0x0;
	s0 =	rddreg [dreg:$0x3]  }
0x7be: {  	s0 =	sadd.s32 @!p0 $0x100000, s0  }
0x7bf: {  	[sflag:s0] =	ssyncadd.tile.s32 @!p0 $0x1;
	_ =	shalt  }
.Lfunc_end2:
_tile_overlayer_lowered:
.L_overlay_start_2:
0x7c0: {  	(tag) =	ssettag $0x2  }
0x7c1: {  	s0 =	rddreg [dreg:$0x0];
	s2 =	stileid.u32  }
0x7c2: {  	s1 =	rddreg [dreg:$0x1];
	p0 =	sne.s32 s2, $0x0  }
0x7c3: {  	s3 =	rddreg [dreg:$0x2];
	[bflag:$0x3] =	sbarrier.arrive $0xFFFF;
	s2 =	simm.s32 @!p0 $0x1C05  }
0x7c4: {  	[timem:s3], [sflag:s2] =	dma.local @!p0 [hbm:s0], s1  }
0x7c5: {  	s0 =	simm.s32 @!p0 $0x5  }
0x7c6: {  	_ =	swait.ge @!p0 [sflag:s0], s1  }
0x7c7: {  	s1 =	ssub.s32 @!p0 $0x0, s1;
	[sflag:s0] =	ssyncset.done @!p0 $0x0  }
0x7c8: {  	[sflag:s0] =	ssyncadd.s32 @!p0 s1  }
0x7c9: {  	[bflag:$0x3] =	sbarrier.arrive $0xFFFF  }
0x7ca: {  	_ =	shalt  }

</sc_bundles>
